<compile_context>
chip_gen: v7x
topology: tpu7x:2x2x1
jax: 0.10.2.dev20260603
libtpu: 0.0.44.dev20260713+nightly
codegen_flags: <defaults>
</compile_context>

<pallas_src>
import functools
import jax
import jax.numpy as jnp
from jax import lax
from jax.experimental import pallas as pl
from jax.experimental.pallas import tpu as pltpu
from jax.experimental.pallas import tpu_sc as plsc

_MAX_VALUE = 1000
_N_CHANNELS = 3
_EMBED_DIM = 32

_LANES = 16
_NUM_WORKERS = 32
_BCHUNK = 256
_PITCH = _BCHUNK + 8
_NBUF = 2
_BANDS = _EMBED_DIM // 8
_BTILES = _BCHUNK // 128
_TILES = _BANDS * _BTILES


def _sc_body(n_units, n_batch, idx_hbm, table_hbm, out_hbm,
             table_v, idx_v, buf0, buf1, sem0, sem1):
    wid = lax.axis_index("s") * 2 + lax.axis_index("c")

    per = n_units // _NUM_WORKERS
    rem = n_units - per * _NUM_WORKERS
    u_start = wid * per + jnp.minimum(wid, rem)
    u_end = u_start + per + jnp.where(wid < rem, 1, 0)

    pltpu.sync_copy(table_hbm, table_v)

    n_chunks = n_batch // _BCHUNK
    n_btiles = n_batch // 128
    bufs = (buf0, buf1)
    sems = (sem0, sem1)
    row0 = lax.iota(jnp.int32, _LANES)
    row1 = row0 + _LANES

    def _emit_tiles(buf, tile_row0, bt0, sem):
        for band in range(_BANDS):
            for btl in range(_BTILES):
                pltpu.async_copy(
                    buf.at[pl.ds(band * 8, 8), pl.ds(btl * 128, 128)],
                    out_hbm.at[tile_row0 + band * n_btiles + bt0 + btl],
                    sem,
                )

    def _drain_tiles(buf, tile_row0, sem):
        for _ in range(_TILES):
            pltpu.make_async_copy(
                buf.at[pl.ds(0, 8), pl.ds(0, 128)],
                out_hbm.at[tile_row0],
                sem,
            ).wait()

    def unit_body(u, carry):
        coff = (u % _N_CHANNELS) * _MAX_VALUE
        tile_row0 = u * _BANDS * n_btiles
        pltpu.sync_copy(idx_hbm.at[pl.ds(u * n_batch, n_batch)], idx_v)

        def chunk_body(t2, carry2):
            for par in range(_NBUF):
                t = t2 * _NBUF + par
                b0 = t * _BCHUNK
                buf = bufs[par]
                @pl.when(t2 > 0)
                def _():
                    _drain_tiles(buf, tile_row0, sems[par])

                def g_body(gi, carry3):
                    base = gi * _LANES
                    ivs = (idx_v[pl.ds(b0 + base, _LANES)] + coff) * _EMBED_DIM
                    basev = jnp.full((_LANES,), base, jnp.int32)
                    for k in range(0, _LANES, 8):
                        vals = []
                        for j in range(8):
                            pos = ivs[k + j]
                            vals.append(table_v[pl.ds(pos, _LANES)])
                            vals.append(table_v[pl.ds(pos + _LANES, _LANES)])
                        for j in range(8):
                            cv = basev + (k + j)
                            plsc.store_scatter(buf, [row0, cv], vals[2 * j])
                            plsc.store_scatter(buf, [row1, cv], vals[2 * j + 1])
                    return carry3

                lax.fori_loop(0, _BCHUNK // _LANES, g_body, 0, unroll=2)

                _emit_tiles(buf, tile_row0, t * _BTILES, sems[par])
            return carry2

        lax.fori_loop(0, n_chunks // _NBUF, chunk_body, 0)
        for par in range(_NBUF):
            _drain_tiles(bufs[par], tile_row0, sems[par])
        return carry

    lax.fori_loop(u_start, u_end, unit_body, 0)


def kernel(inputs, table):
    b, h, w, ch = inputs.shape
    assert ch == _N_CHANNELS and table.shape == (_N_CHANNELS * _MAX_VALUE, _EMBED_DIM)
    n_units = h * w * ch
    idx_lin = jnp.transpose(inputs, (1, 2, 3, 0)).reshape(-1)
    table_flat = table.reshape(-1)
    n_btiles = b // 128
    n_tile_rows = n_units * _BANDS

    mesh = plsc.VectorSubcoreMesh(core_axis_name="c", subcore_axis_name="s")
    sc_call = pl.kernel(
        functools.partial(_sc_body, n_units, b),
        out_type=jax.ShapeDtypeStruct((n_tile_rows * n_btiles, 8, 128),
                                      jnp.float32),
        mesh=mesh,
        scratch_types=[
            pltpu.VMEM((table.size,), jnp.float32),
            pltpu.VMEM((b,), jnp.int32),
            pltpu.VMEM((_EMBED_DIM, _PITCH), jnp.float32),
            pltpu.VMEM((_EMBED_DIM, _PITCH), jnp.float32),
            pltpu.SemaphoreType.DMA,
            pltpu.SemaphoreType.DMA,
        ],
        compiler_params=pltpu.CompilerParams(
            use_tc_tiling_on_sc=False,
            needs_layout_passes=False,
        ),
    )
    out = sc_call(idx_lin, table_flat)
    t = out.reshape(h, w, ch * _BANDS, n_btiles, 8, 128)
    t = t.transpose(3, 5, 0, 1, 2, 4)
    return t.reshape(b, h, w, ch * _EMBED_DIM)

# --- scband reference (transcript-rebuilt; emitter-appended) ---
"""Pipeline reference for scband-image-bowembedding-22505628631455 (READ-ONLY COPY).

The authoritative reference and input builder live on the scoring server;
editing this copy changes nothing except your own understanding.
"""

import jax, jax.numpy as jnp
import numpy as np

MAX_VALUE = 1000
N_CHANNELS = 3
EMBED_DIM = 32

def setup_inputs(seed: int = 0) -> dict:
    key = jax.random.key(seed)
    k1, k2 = jax.random.split(key)
    inputs = jax.random.randint(k1, (4096, 14, 14, N_CHANNELS), 0, MAX_VALUE, dtype=jnp.int32)
    table = jax.random.normal(k2, (N_CHANNELS * MAX_VALUE, EMBED_DIM), dtype=jnp.float32)
    return {"inputs": inputs, "table": table}

def reference(inputs, table):
    in_shape = inputs.shape
    # flatten(0, -4): collapse all leading dims before the last three (H, W, C)
    flat_inputs = inputs.reshape((-1,) + in_shape[-3:])
    offsets = jnp.arange(N_CHANNELS, dtype=jnp.int32) * MAX_VALUE
    offsetted = (flat_inputs + offsets[None, None, None, :]).astype(jnp.int32)
    each_embedding = jnp.take(table, offsetted, axis=0)  # [B, H, W, C, D]
    each_embedding_flat = each_embedding.reshape(each_embedding.shape[:-2] + (-1,))  # [B, H, W, C*D]
    out = each_embedding_flat.reshape(in_shape[:-3] + each_embedding_flat.shape[1:])
    return out

if __name__ == "__main__":
    import jax
    _d = setup_inputs()
    print(jax.jit(kernel)(*tuple(_d.values())))

</pallas_src>

<mosaic_0001>
#map = affine_map<(d0, d1) -> (0)>
#map1 = affine_map<(d0, d1) -> (0, 0, 0)>
module attributes {stable_mosaic.version = 14 : i64} {
  func.func @_sc_body(%arg0: i32, %arg1: i32, %arg2: memref<2408448xi32, #tpu.memory_space<hbm>>, %arg3: memref<96000xf32, #tpu.memory_space<hbm>>, %arg4: memref<75264x8x128xf32, #tpu.memory_space<hbm>>, %arg5: memref<96000xf32, #tpu.memory_space<vmem>>, %arg6: memref<4096xi32, #tpu.memory_space<vmem>>, %arg7: memref<32x264xf32, #tpu.memory_space<vmem>>, %arg8: memref<32x264xf32, #tpu.memory_space<vmem>>, %arg9: memref<!tpu.dma_semaphore, #tpu.memory_space<semaphore_mem>>, %arg10: memref<!tpu.dma_semaphore, #tpu.memory_space<semaphore_mem>>) attributes {dimension_semantics = [#tpu.dimension_semantics<core_parallel>, #tpu.dimension_semantics<subcore_parallel>], iteration_bounds = array<i64: 2, 16>, scalar_prefetch = 0 : i64, scratch_operands = 6 : i64, tpu.core_type = #tpu.core_type<sc_vector_subcore>, window_params = [{transform_indices = #map}, {transform_indices = #map}, {transform_indices = #map1}]} {
    %mul3A = arith.constant 2 : i32
    %mul3A_0 = arith.muli %arg1, %mul3A : i32
    %add3A = arith.addi %mul3A_0, %arg0 : i32
    %mul3A_1 = arith.constant 18 : i32
    %mul3A_2 = arith.muli %add3A, %mul3A_1 : i32
    %min3A = arith.constant 12 : i32
    %min3A_3 = arith.minsi %add3A, %min3A : i32
    %add3A_4 = arith.addi %mul3A_2, %min3A_3 : i32
    %add3A_5 = arith.constant 18 : i32
    %add3A_6 = arith.addi %add3A_4, %add3A_5 : i32
    %lt3A = arith.constant 12 : i32
    %lt3A_7 = arith.cmpi slt, %add3A, %lt3A : i32
    %jit3A = arith.constant 1 : i32
    %jit3A_8 = arith.constant 0 : i32
    %select_n3A = arith.select %lt3A_7, %jit3A, %jit3A_8 : i32
    %add3A_9 = arith.addi %add3A_6, %select_n3A : i32
    "tpu.region"() ({
      %run_scoped3A = tpu.sem_alloc : memref<!tpu.dma_semaphore, #tpu.memory_space<semaphore_mem>>
      tpu.enqueue_dma source(%arg3 : memref<96000xf32, #tpu.memory_space<hbm>>) target(%arg5 : memref<96000xf32, #tpu.memory_space<vmem>>) target_semaphore(%run_scoped3A : memref<!tpu.dma_semaphore, #tpu.memory_space<semaphore_mem>>)
      tpu.wait_dma2 semaphore(%run_scoped3A : memref<!tpu.dma_semaphore, #tpu.memory_space<semaphore_mem>>) src(%arg3 : memref<96000xf32, #tpu.memory_space<hbm>>) dst(%arg5 : memref<96000xf32, #tpu.memory_space<vmem>>)
      tpu.yield
    }) : () -> ()
    %iota3A = tpu.iota {dimensions = array<i32: 0>} : vector<16xi32>
    %add3A_10 = arith.constant 16 : i32
    %add3A_11 = vector.broadcast %add3A_10 : i32 to vector<16xi32>
    %add3A_12 = arith.addi %iota3A, %add3A_11 : vector<16xi32>
    %while3A = arith.constant 0 : i32
    %while3A_13 = arith.subi %add3A_9, %add3A_4 : i32
    %while3A_14 = arith.addi %add3A_4, %while3A_13 : i32
    %while3A_15 = arith.constant 1 : i32
    %while3A_16 = arith.divsi %while3A_13, %while3A_15 : i32
    %while3A_17 = arith.muli %while3A_16, %while3A_15 : i32
    %while3A_18 = arith.addi %add3A_4, %while3A_17 : i32
    %while3A_19 = arith.constant 1 : i32
    scf.for %while3A_21 = %add3A_4 to %while3A_18 step %while3A_19  : i32 {
      %jit3A_22 = arith.constant 3 : i32
      %eq3A = arith.constant 0 : i32
      %eq3A_23 = arith.cmpi eq, %jit3A_22, %eq3A : i32
      %jit3A_24 = arith.constant 1 : i32
      %select_n3A_25 = arith.select %eq3A_23, %jit3A_24, %jit3A_22 : i32
      %rem3A = arith.remsi %while3A_21, %select_n3A_25 : i32
      %ne3A = arith.constant 0 : i32
      %ne3A_26 = arith.cmpi ne, %rem3A, %ne3A : i32
      %lt3A_27 = arith.constant 0 : i32
      %lt3A_28 = arith.cmpi slt, %rem3A, %lt3A_27 : i32
      %lt3A_29 = arith.constant 0 : i32
      %lt3A_30 = arith.cmpi slt, %select_n3A_25, %lt3A_29 : i32
      %ne3A_31 = arith.xori %lt3A_28, %lt3A_30 : i1
      %and3A = arith.andi %ne3A_31, %ne3A_26 : i1
      %add3A_32 = arith.addi %rem3A, %select_n3A_25 : i32
      %select_n3A_33 = arith.select %and3A, %add3A_32, %rem3A : i32
      %mul3A_34 = arith.constant 1000 : i32
      %mul3A_35 = arith.muli %select_n3A_33, %mul3A_34 : i32
      %mul3A_36 = arith.constant 4 : i32
      %mul3A_37 = arith.muli %while3A_21, %mul3A_36 : i32
      %mul3A_38 = arith.constant 32 : i32
      %mul3A_39 = arith.muli %mul3A_37, %mul3A_38 : i32
      %mul3A_40 = arith.constant 4096 : i32
      %mul3A_41 = arith.muli %while3A_21, %mul3A_40 : i32
      "tpu.region"() ({
        %run_scoped3A = tpu.sem_alloc : memref<!tpu.dma_semaphore, #tpu.memory_space<semaphore_mem>>
        %dma_start3A = tpu.memref_slice %arg2[%mul3A_41] : memref<2408448xi32, #tpu.memory_space<hbm>> -> memref<4096xi32, #tpu.memory_space<hbm>>
        %dma_start3A_270 = tpu.memref_slice %arg2[%mul3A_41] : memref<2408448xi32, #tpu.memory_space<hbm>> -> memref<4096xi32, #tpu.memory_space<hbm>>
        tpu.enqueue_dma source(%dma_start3A_270 : memref<4096xi32, #tpu.memory_space<hbm>>) target(%arg6 : memref<4096xi32, #tpu.memory_space<vmem>>) target_semaphore(%run_scoped3A : memref<!tpu.dma_semaphore, #tpu.memory_space<semaphore_mem>>)
        %dma_wait3A_271 = tpu.memref_slice %arg2[%mul3A_41] : memref<2408448xi32, #tpu.memory_space<hbm>> -> memref<4096xi32, #tpu.memory_space<hbm>>
        %dma_wait3A_272 = tpu.memref_slice %arg2[%mul3A_41] : memref<2408448xi32, #tpu.memory_space<hbm>> -> memref<4096xi32, #tpu.memory_space<hbm>>
        tpu.wait_dma2 semaphore(%run_scoped3A : memref<!tpu.dma_semaphore, #tpu.memory_space<semaphore_mem>>) src(%dma_wait3A_272 : memref<4096xi32, #tpu.memory_space<hbm>>) dst(%arg6 : memref<4096xi32, #tpu.memory_space<vmem>>)
        tpu.yield
      }) : () -> ()
      %scan3A = arith.constant 0 : i32
      %scan3A_42 = arith.constant 0 : i32
      %scan3A_43 = arith.constant 8 : i32
      %scan3A_44 = arith.addi %scan3A_42, %scan3A_43 : i32
      %scan3A_45 = arith.constant 1 : i32
      scf.for %scan3A_270 = %scan3A_42 to %scan3A_44 step %scan3A_45  : i32 {
        %mul3A_271 = arith.constant 2 : i32
        %mul3A_272 = arith.muli %scan3A_270, %mul3A_271 : i32
        %add3A_273 = arith.constant 0 : i32
        %add3A_274 = arith.addi %mul3A_272, %add3A_273 : i32
        %mul3A_275 = arith.constant 256 : i32
        %mul3A_276 = arith.muli %add3A_274, %mul3A_275 : i32
        %gt3A = arith.constant 0 : i32
        %gt3A_277 = arith.cmpi sgt, %scan3A_270, %gt3A : i32
        %convert_element_type3A = arith.extui %gt3A_277 : i1 to i32
        %cond3A = arith.constant 0 : i32
        %cond3A_278 = arith.cmpi ne, %convert_element_type3A, %cond3A : i32
        scf.if %cond3A_278 {
          %dma_wait3A_609 = arith.constant 0 : i32
          %dma_wait3A_610 = arith.constant 0 : i32
          %dma_wait3A_611 = tpu.memref_slice %arg7[%dma_wait3A_609, %dma_wait3A_610] : memref<32x264xf32, #tpu.memory_space<vmem>> -> memref<8x128xf32, #tpu.memory_space<vmem>>
          %dma_wait3A_612 = arith.constant 0 : i32
          %dma_wait3A_613 = arith.constant 0 : i32
          %dma_wait3A_614 = tpu.memref_slice %arg4[%mul3A_39, %dma_wait3A_612, %dma_wait3A_613] : memref<75264x8x128xf32, #tpu.memory_space<hbm>> -> memref<1x8x128xf32, #tpu.memory_space<hbm>>
          %dma_wait3A_615 = tpu.memref_squeeze %dma_wait3A_614 : memref<1x8x128xf32, #tpu.memory_space<hbm>> -> memref<8x128xf32, #tpu.memory_space<hbm>>
          %dma_wait3A_616 = arith.constant 0 : i32
          %dma_wait3A_617 = arith.constant 0 : i32
          %dma_wait3A_618 = tpu.memref_slice %arg4[%mul3A_39, %dma_wait3A_616, %dma_wait3A_617] : memref<75264x8x128xf32, #tpu.memory_space<hbm>> -> memref<1x8x128xf32, #tpu.memory_space<hbm>>
          %dma_wait3A_619 = tpu.memref_squeeze %dma_wait3A_618 : memref<1x8x128xf32, #tpu.memory_space<hbm>> -> memref<8x128xf32, #tpu.memory_space<hbm>>
          %dma_wait3A_620 = arith.constant 0 : i32
          %dma_wait3A_621 = arith.constant 0 : i32
          %dma_wait3A_622 = tpu.memref_slice %arg7[%dma_wait3A_620, %dma_wait3A_621] : memref<32x264xf32, #tpu.memory_space<vmem>> -> memref<8x128xf32, #tpu.memory_space<vmem>>
          tpu.wait_dma2 semaphore(%arg9 : memref<!tpu.dma_semaphore, #tpu.memory_space<semaphore_mem>>) src(%dma_wait3A_622 : memref<8x128xf32, #tpu.memory_space<vmem>>) dst(%dma_wait3A_619 : memref<8x128xf32, #tpu.memory_space<hbm>>)
          %dma_wait3A_623 = arith.constant 0 : i32
          %dma_wait3A_624 = arith.constant 0 : i32
          %dma_wait3A_625 = tpu.memref_slice %arg7[%dma_wait3A_623, %dma_wait3A_624] : memref<32x264xf32, #tpu.memory_space<vmem>> -> memref<8x128xf32, #tpu.memory_space<vmem>>
          %dma_wait3A_626 = arith.constant 0 : i32
          %dma_wait3A_627 = arith.constant 0 : i32
          %dma_wait3A_628 = tpu.memref_slice %arg4[%mul3A_39, %dma_wait3A_626, %dma_wait3A_627] : memref<75264x8x128xf32, #tpu.memory_space<hbm>> -> memref<1x8x128xf32, #tpu.memory_space<hbm>>
          %dma_wait3A_629 = tpu.memref_squeeze %dma_wait3A_628 : memref<1x8x128xf32, #tpu.memory_space<hbm>> -> memref<8x128xf32, #tpu.memory_space<hbm>>
          %dma_wait3A_630 = arith.constant 0 : i32
          %dma_wait3A_631 = arith.constant 0 : i32
          %dma_wait3A_632 = tpu.memref_slice %arg4[%mul3A_39, %dma_wait3A_630, %dma_wait3A_631] : memref<75264x8x128xf32, #tpu.memory_space<hbm>> -> memref<1x8x128xf32, #tpu.memory_space<hbm>>
          %dma_wait3A_633 = tpu.memref_squeeze %dma_wait3A_632 : memref<1x8x128xf32, #tpu.memory_space<hbm>> -> memref<8x128xf32, #tpu.memory_space<hbm>>
          %dma_wait3A_634 = arith.constant 0 : i32
          %dma_wait3A_635 = arith.constant 0 : i32
          %dma_wait3A_636 = tpu.memref_slice %arg7[%dma_wait3A_634, %dma_wait3A_635] : memref<32x264xf32, #tpu.memory_space<vmem>> -> memref<8x128xf32, #tpu.memory_space<vmem>>
          tpu.wait_dma2 semaphore(%arg9 : memref<!tpu.dma_semaphore, #tpu.memory_space<semaphore_mem>>) src(%dma_wait3A_636 : memref<8x128xf32, #tpu.memory_space<vmem>>) dst(%dma_wait3A_633 : memref<8x128xf32, #tpu.memory_space<hbm>>)
          %dma_wait3A_637 = arith.constant 0 : i32
          %dma_wait3A_638 = arith.constant 0 : i32
          %dma_wait3A_639 = tpu.memref_slice %arg7[%dma_wait3A_637, %dma_wait3A_638] : memref<32x264xf32, #tpu.memory_space<vmem>> -> memref<8x128xf32, #tpu.memory_space<vmem>>
          %dma_wait3A_640 = arith.constant 0 : i32
          %dma_wait3A_641 = arith.constant 0 : i32
          %dma_wait3A_642 = tpu.memref_slice %arg4[%mul3A_39, %dma_wait3A_640, %dma_wait3A_641] : memref<75264x8x128xf32, #tpu.memory_space<hbm>> -> memref<1x8x128xf32, #tpu.memory_space<hbm>>
          %dma_wait3A_643 = tpu.memref_squeeze %dma_wait3A_642 : memref<1x8x128xf32, #tpu.memory_space<hbm>> -> memref<8x128xf32, #tpu.memory_space<hbm>>
          %dma_wait3A_644 = arith.constant 0 : i32
          %dma_wait3A_645 = arith.constant 0 : i32
          %dma_wait3A_646 = tpu.memref_slice %arg4[%mul3A_39, %dma_wait3A_644, %dma_wait3A_645] : memref<75264x8x128xf32, #tpu.memory_space<hbm>> -> memref<1x8x128xf32, #tpu.memory_space<hbm>>
          %dma_wait3A_647 = tpu.memref_squeeze %dma_wait3A_646 : memref<1x8x128xf32, #tpu.memory_space<hbm>> -> memref<8x128xf32, #tpu.memory_space<hbm>>
          %dma_wait3A_648 = arith.constant 0 : i32
          %dma_wait3A_649 = arith.constant 0 : i32
          %dma_wait3A_650 = tpu.memref_slice %arg7[%dma_wait3A_648, %dma_wait3A_649] : memref<32x264xf32, #tpu.memory_space<vmem>> -> memref<8x128xf32, #tpu.memory_space<vmem>>
          tpu.wait_dma2 semaphore(%arg9 : memref<!tpu.dma_semaphore, #tpu.memory_space<semaphore_mem>>) src(%dma_wait3A_650 : memref<8x128xf32, #tpu.memory_space<vmem>>) dst(%dma_wait3A_647 : memref<8x128xf32, #tpu.memory_space<hbm>>)
          %dma_wait3A_651 = arith.constant 0 : i32
          %dma_wait3A_652 = arith.constant 0 : i32
          %dma_wait3A_653 = tpu.memref_slice %arg7[%dma_wait3A_651, %dma_wait3A_652] : memref<32x264xf32, #tpu.memory_space<vmem>> -> memref<8x128xf32, #tpu.memory_space<vmem>>
          %dma_wait3A_654 = arith.constant 0 : i32
          %dma_wait3A_655 = arith.constant 0 : i32
          %dma_wait3A_656 = tpu.memref_slice %arg4[%mul3A_39, %dma_wait3A_654, %dma_wait3A_655] : memref<75264x8x128xf32, #tpu.memory_space<hbm>> -> memref<1x8x128xf32, #tpu.memory_space<hbm>>
          %dma_wait3A_657 = tpu.memref_squeeze %dma_wait3A_656 : memref<1x8x128xf32, #tpu.memory_space<hbm>> -> memref<8x128xf32, #tpu.memory_space<hbm>>
          %dma_wait3A_658 = arith.constant 0 : i32
          %dma_wait3A_659 = arith.constant 0 : i32
          %dma_wait3A_660 = tpu.memref_slice %arg4[%mul3A_39, %dma_wait3A_658, %dma_wait3A_659] : memref<75264x8x128xf32, #tpu.memory_space<hbm>> -> memref<1x8x128xf32, #tpu.memory_space<hbm>>
          %dma_wait3A_661 = tpu.memref_squeeze %dma_wait3A_660 : memref<1x8x128xf32, #tpu.memory_space<hbm>> -> memref<8x128xf32, #tpu.memory_space<hbm>>
          %dma_wait3A_662 = arith.constant 0 : i32
          %dma_wait3A_663 = arith.constant 0 : i32
          %dma_wait3A_664 = tpu.memref_slice %arg7[%dma_wait3A_662, %dma_wait3A_663] : memref<32x264xf32, #tpu.memory_space<vmem>> -> memref<8x128xf32, #tpu.memory_space<vmem>>
          tpu.wait_dma2 semaphore(%arg9 : memref<!tpu.dma_semaphore, #tpu.memory_space<semaphore_mem>>) src(%dma_wait3A_664 : memref<8x128xf32, #tpu.memory_space<vmem>>) dst(%dma_wait3A_661 : memref<8x128xf32, #tpu.memory_space<hbm>>)
          %dma_wait3A_665 = arith.constant 0 : i32
          %dma_wait3A_666 = arith.constant 0 : i32
          %dma_wait3A_667 = tpu.memref_slice %arg7[%dma_wait3A_665, %dma_wait3A_666] : memref<32x264xf32, #tpu.memory_space<vmem>> -> memref<8x128xf32, #tpu.memory_space<vmem>>
          %dma_wait3A_668 = arith.constant 0 : i32
          %dma_wait3A_669 = arith.constant 0 : i32
          %dma_wait3A_670 = tpu.memref_slice %arg4[%mul3A_39, %dma_wait3A_668, %dma_wait3A_669] : memref<75264x8x128xf32, #tpu.memory_space<hbm>> -> memref<1x8x128xf32, #tpu.memory_space<hbm>>
          %dma_wait3A_671 = tpu.memref_squeeze %dma_wait3A_670 : memref<1x8x128xf32, #tpu.memory_space<hbm>> -> memref<8x128xf32, #tpu.memory_space<hbm>>
          %dma_wait3A_672 = arith.constant 0 : i32
          %dma_wait3A_673 = arith.constant 0 : i32
          %dma_wait3A_674 = tpu.memref_slice %arg4[%mul3A_39, %dma_wait3A_672, %dma_wait3A_673] : memref<75264x8x128xf32, #tpu.memory_space<hbm>> -> memref<1x8x128xf32, #tpu.memory_space<hbm>>
          %dma_wait3A_675 = tpu.memref_squeeze %dma_wait3A_674 : memref<1x8x128xf32, #tpu.memory_space<hbm>> -> memref<8x128xf32, #tpu.memory_space<hbm>>
          %dma_wait3A_676 = arith.constant 0 : i32
          %dma_wait3A_677 = arith.constant 0 : i32
          %dma_wait3A_678 = tpu.memref_slice %arg7[%dma_wait3A_676, %dma_wait3A_677] : memref<32x264xf32, #tpu.memory_space<vmem>> -> memref<8x128xf32, #tpu.memory_space<vmem>>
          tpu.wait_dma2 semaphore(%arg9 : memref<!tpu.dma_semaphore, #tpu.memory_space<semaphore_mem>>) src(%dma_wait3A_678 : memref<8x128xf32, #tpu.memory_space<vmem>>) dst(%dma_wait3A_675 : memref<8x128xf32, #tpu.memory_space<hbm>>)
          %dma_wait3A_679 = arith.constant 0 : i32
          %dma_wait3A_680 = arith.constant 0 : i32
          %dma_wait3A_681 = tpu.memref_slice %arg7[%dma_wait3A_679, %dma_wait3A_680] : memref<32x264xf32, #tpu.memory_space<vmem>> -> memref<8x128xf32, #tpu.memory_space<vmem>>
          %dma_wait3A_682 = arith.constant 0 : i32
          %dma_wait3A_683 = arith.constant 0 : i32
          %dma_wait3A_684 = tpu.memref_slice %arg4[%mul3A_39, %dma_wait3A_682, %dma_wait3A_683] : memref<75264x8x128xf32, #tpu.memory_space<hbm>> -> memref<1x8x128xf32, #tpu.memory_space<hbm>>
          %dma_wait3A_685 = tpu.memref_squeeze %dma_wait3A_684 : memref<1x8x128xf32, #tpu.memory_space<hbm>> -> memref<8x128xf32, #tpu.memory_space<hbm>>
          %dma_wait3A_686 = arith.constant 0 : i32
          %dma_wait3A_687 = arith.constant 0 : i32
          %dma_wait3A_688 = tpu.memref_slice %arg4[%mul3A_39, %dma_wait3A_686, %dma_wait3A_687] : memref<75264x8x128xf32, #tpu.memory_space<hbm>> -> memref<1x8x128xf32, #tpu.memory_space<hbm>>
          %dma_wait3A_689 = tpu.memref_squeeze %dma_wait3A_688 : memref<1x8x128xf32, #tpu.memory_space<hbm>> -> memref<8x128xf32, #tpu.memory_space<hbm>>
          %dma_wait3A_690 = arith.constant 0 : i32
          %dma_wait3A_691 = arith.constant 0 : i32
          %dma_wait3A_692 = tpu.memref_slice %arg7[%dma_wait3A_690, %dma_wait3A_691] : memref<32x264xf32, #tpu.memory_space<vmem>> -> memref<8x128xf32, #tpu.memory_space<vmem>>
          tpu.wait_dma2 semaphore(%arg9 : memref<!tpu.dma_semaphore, #tpu.memory_space<semaphore_mem>>) src(%dma_wait3A_692 : memref<8x128xf32, #tpu.memory_space<vmem>>) dst(%dma_wait3A_689 : memref<8x128xf32, #tpu.memory_space<hbm>>)
          %dma_wait3A_693 = arith.constant 0 : i32
          %dma_wait3A_694 = arith.constant 0 : i32
          %dma_wait3A_695 = tpu.memref_slice %arg7[%dma_wait3A_693, %dma_wait3A_694] : memref<32x264xf32, #tpu.memory_space<vmem>> -> memref<8x128xf32, #tpu.memory_space<vmem>>
          %dma_wait3A_696 = arith.constant 0 : i32
          %dma_wait3A_697 = arith.constant 0 : i32
          %dma_wait3A_698 = tpu.memref_slice %arg4[%mul3A_39, %dma_wait3A_696, %dma_wait3A_697] : memref<75264x8x128xf32, #tpu.memory_space<hbm>> -> memref<1x8x128xf32, #tpu.memory_space<hbm>>
          %dma_wait3A_699 = tpu.memref_squeeze %dma_wait3A_698 : memref<1x8x128xf32, #tpu.memory_space<hbm>> -> memref<8x128xf32, #tpu.memory_space<hbm>>
          %dma_wait3A_700 = arith.constant 0 : i32
          %dma_wait3A_701 = arith.constant 0 : i32
          %dma_wait3A_702 = tpu.memref_slice %arg4[%mul3A_39, %dma_wait3A_700, %dma_wait3A_701] : memref<75264x8x128xf32, #tpu.memory_space<hbm>> -> memref<1x8x128xf32, #tpu.memory_space<hbm>>
          %dma_wait3A_703 = tpu.memref_squeeze %dma_wait3A_702 : memref<1x8x128xf32, #tpu.memory_space<hbm>> -> memref<8x128xf32, #tpu.memory_space<hbm>>
          %dma_wait3A_704 = arith.constant 0 : i32
          %dma_wait3A_705 = arith.constant 0 : i32
          %dma_wait3A_706 = tpu.memref_slice %arg7[%dma_wait3A_704, %dma_wait3A_705] : memref<32x264xf32, #tpu.memory_space<vmem>> -> memref<8x128xf32, #tpu.memory_space<vmem>>
          tpu.wait_dma2 semaphore(%arg9 : memref<!tpu.dma_semaphore, #tpu.memory_space<semaphore_mem>>) src(%dma_wait3A_706 : memref<8x128xf32, #tpu.memory_space<vmem>>) dst(%dma_wait3A_703 : memref<8x128xf32, #tpu.memory_space<hbm>>)
          %dma_wait3A_707 = arith.constant 0 : i32
          %dma_wait3A_708 = arith.constant 0 : i32
          %dma_wait3A_709 = tpu.memref_slice %arg7[%dma_wait3A_707, %dma_wait3A_708] : memref<32x264xf32, #tpu.memory_space<vmem>> -> memref<8x128xf32, #tpu.memory_space<vmem>>
          %dma_wait3A_710 = arith.constant 0 : i32
          %dma_wait3A_711 = arith.constant 0 : i32
          %dma_wait3A_712 = tpu.memref_slice %arg4[%mul3A_39, %dma_wait3A_710, %dma_wait3A_711] : memref<75264x8x128xf32, #tpu.memory_space<hbm>> -> memref<1x8x128xf32, #tpu.memory_space<hbm>>
          %dma_wait3A_713 = tpu.memref_squeeze %dma_wait3A_712 : memref<1x8x128xf32, #tpu.memory_space<hbm>> -> memref<8x128xf32, #tpu.memory_space<hbm>>
          %dma_wait3A_714 = arith.constant 0 : i32
          %dma_wait3A_715 = arith.constant 0 : i32
          %dma_wait3A_716 = tpu.memref_slice %arg4[%mul3A_39, %dma_wait3A_714, %dma_wait3A_715] : memref<75264x8x128xf32, #tpu.memory_space<hbm>> -> memref<1x8x128xf32, #tpu.memory_space<hbm>>
          %dma_wait3A_717 = tpu.memref_squeeze %dma_wait3A_716 : memref<1x8x128xf32, #tpu.memory_space<hbm>> -> memref<8x128xf32, #tpu.memory_space<hbm>>
          %dma_wait3A_718 = arith.constant 0 : i32
          %dma_wait3A_719 = arith.constant 0 : i32
          %dma_wait3A_720 = tpu.memref_slice %arg7[%dma_wait3A_718, %dma_wait3A_719] : memref<32x264xf32, #tpu.memory_space<vmem>> -> memref<8x128xf32, #tpu.memory_space<vmem>>
          tpu.wait_dma2 semaphore(%arg9 : memref<!tpu.dma_semaphore, #tpu.memory_space<semaphore_mem>>) src(%dma_wait3A_720 : memref<8x128xf32, #tpu.memory_space<vmem>>) dst(%dma_wait3A_717 : memref<8x128xf32, #tpu.memory_space<hbm>>)
        } else {
        }
        %scan3A_279 = arith.constant 0 : i32
        %scan3A_280 = arith.constant 0 : i32
        %scan3A_281 = arith.constant 16 : i32
        %scan3A_282 = arith.addi %scan3A_280, %scan3A_281 : i32
        %scan3A_283 = arith.constant 2 : i32
        scf.for %scan3A_609 = %scan3A_280 to %scan3A_282 step %scan3A_283  : i32 {
          %mul3A_610 = arith.constant 16 : i32
          %mul3A_611 = arith.muli %scan3A_609, %mul3A_610 : i32
          %add3A_612 = arith.addi %mul3A_276, %mul3A_611 : i32
          %get3A = arith.index_cast %add3A_612 : i32 to index
          %get3A_613 = tpu.vector_load %arg6[%get3A] {strides = array<i32>} : memref<4096xi32, #tpu.memory_space<vmem>>, vector<16xi32>,
          %add3A_614 = vector.broadcast %mul3A_35 : i32 to vector<16xi32>
          %add3A_615 = arith.addi %get3A_613, %add3A_614 : vector<16xi32>
          %mul3A_616 = arith.constant 32 : i32
          %mul3A_617 = vector.broadcast %mul3A_616 : i32 to vector<16xi32>
          %mul3A_618 = arith.muli %add3A_615, %mul3A_617 : vector<16xi32>
          %broadcast_in_dim3A = vector.broadcast %mul3A_611 : i32 to vector<16xi32>
          %slice3A = vector.extract_strided_slice %mul3A_618 {offsets = [0], sizes = [1], strides = [1]} : vector<16xi32> to vector<1xi32>
          %squeeze3A = vector.extract %slice3A[0] : i32 from vector<1xi32>
          %get3A_619 = arith.index_cast %squeeze3A : i32 to index
          %get3A_620 = tpu.vector_load %arg5[%get3A_619] {strides = array<i32>} : memref<96000xf32, #tpu.memory_space<vmem>>, vector<16xf32>,
          %add3A_621 = arith.constant 16 : i32
          %add3A_622 = arith.addi %squeeze3A, %add3A_621 : i32
          %get3A_623 = arith.index_cast %add3A_622 : i32 to index
          %get3A_624 = tpu.vector_load %arg5[%get3A_623] {strides = array<i32>} : memref<96000xf32, #tpu.memory_space<vmem>>, vector<16xf32>,
          %slice3A_625 = vector.extract_strided_slice %mul3A_618 {offsets = [1], sizes = [1], strides = [1]} : vector<16xi32> to vector<1xi32>
          %squeeze3A_626 = vector.extract %slice3A_625[0] : i32 from vector<1xi32>
          %get3A_627 = arith.index_cast %squeeze3A_626 : i32 to index
          %get3A_628 = tpu.vector_load %arg5[%get3A_627] {strides = array<i32>} : memref<96000xf32, #tpu.memory_space<vmem>>, vector<16xf32>,
          %add3A_629 = arith.constant 16 : i32
          %add3A_630 = arith.addi %squeeze3A_626, %add3A_629 : i32
          %get3A_631 = arith.index_cast %add3A_630 : i32 to index
          %get3A_632 = tpu.vector_load %arg5[%get3A_631] {strides = array<i32>} : memref<96000xf32, #tpu.memory_space<vmem>>, vector<16xf32>,
          %slice3A_633 = vector.extract_strided_slice %mul3A_618 {offsets = [2], sizes = [1], strides = [1]} : vector<16xi32> to vector<1xi32>
          %squeeze3A_634 = vector.extract %slice3A_633[0] : i32 from vector<1xi32>
          %get3A_635 = arith.index_cast %squeeze3A_634 : i32 to index
          %get3A_636 = tpu.vector_load %arg5[%get3A_635] {strides = array<i32>} : memref<96000xf32, #tpu.memory_space<vmem>>, vector<16xf32>,
          %add3A_637 = arith.constant 16 : i32
          %add3A_638 = arith.addi %squeeze3A_634, %add3A_637 : i32
          %get3A_639 = arith.index_cast %add3A_638 : i32 to index
          %get3A_640 = tpu.vector_load %arg5[%get3A_639] {strides = array<i32>} : memref<96000xf32, #tpu.memory_space<vmem>>, vector<16xf32>,
          %slice3A_641 = vector.extract_strided_slice %mul3A_618 {offsets = [3], sizes = [1], strides = [1]} : vector<16xi32> to vector<1xi32>
          %squeeze3A_642 = vector.extract %slice3A_641[0] : i32 from vector<1xi32>
          %get3A_643 = arith.index_cast %squeeze3A_642 : i32 to index
          %get3A_644 = tpu.vector_load %arg5[%get3A_643] {strides = array<i32>} : memref<96000xf32, #tpu.memory_space<vmem>>, vector<16xf32>,
          %add3A_645 = arith.constant 16 : i32
          %add3A_646 = arith.addi %squeeze3A_642, %add3A_645 : i32
          %get3A_647 = arith.index_cast %add3A_646 : i32 to index
          %get3A_648 = tpu.vector_load %arg5[%get3A_647] {strides = array<i32>} : memref<96000xf32, #tpu.memory_space<vmem>>, vector<16xf32>,
          %slice3A_649 = vector.extract_strided_slice %mul3A_618 {offsets = [4], sizes = [1], strides = [1]} : vector<16xi32> to vector<1xi32>
          %squeeze3A_650 = vector.extract %slice3A_649[0] : i32 from vector<1xi32>
          %get3A_651 = arith.index_cast %squeeze3A_650 : i32 to index
          %get3A_652 = tpu.vector_load %arg5[%get3A_651] {strides = array<i32>} : memref<96000xf32, #tpu.memory_space<vmem>>, vector<16xf32>,
          %add3A_653 = arith.constant 16 : i32
          %add3A_654 = arith.addi %squeeze3A_650, %add3A_653 : i32
          %get3A_655 = arith.index_cast %add3A_654 : i32 to index
          %get3A_656 = tpu.vector_load %arg5[%get3A_655] {strides = array<i32>} : memref<96000xf32, #tpu.memory_space<vmem>>, vector<16xf32>,
          %slice3A_657 = vector.extract_strided_slice %mul3A_618 {offsets = [5], sizes = [1], strides = [1]} : vector<16xi32> to vector<1xi32>
          %squeeze3A_658 = vector.extract %slice3A_657[0] : i32 from vector<1xi32>
          %get3A_659 = arith.index_cast %squeeze3A_658 : i32 to index
          %get3A_660 = tpu.vector_load %arg5[%get3A_659] {strides = array<i32>} : memref<96000xf32, #tpu.memory_space<vmem>>, vector<16xf32>,
          %add3A_661 = arith.constant 16 : i32
          %add3A_662 = arith.addi %squeeze3A_658, %add3A_661 : i32
          %get3A_663 = arith.index_cast %add3A_662 : i32 to index
          %get3A_664 = tpu.vector_load %arg5[%get3A_663] {strides = array<i32>} : memref<96000xf32, #tpu.memory_space<vmem>>, vector<16xf32>,
          %slice3A_665 = vector.extract_strided_slice %mul3A_618 {offsets = [6], sizes = [1], strides = [1]} : vector<16xi32> to vector<1xi32>
          %squeeze3A_666 = vector.extract %slice3A_665[0] : i32 from vector<1xi32>
          %get3A_667 = arith.index_cast %squeeze3A_666 : i32 to index
          %get3A_668 = tpu.vector_load %arg5[%get3A_667] {strides = array<i32>} : memref<96000xf32, #tpu.memory_space<vmem>>, vector<16xf32>,
          %add3A_669 = arith.constant 16 : i32
          %add3A_670 = arith.addi %squeeze3A_666, %add3A_669 : i32
          %get3A_671 = arith.index_cast %add3A_670 : i32 to index
          %get3A_672 = tpu.vector_load %arg5[%get3A_671] {strides = array<i32>} : memref<96000xf32, #tpu.memory_space<vmem>>, vector<16xf32>,
          %slice3A_673 = vector.extract_strided_slice %mul3A_618 {offsets = [7], sizes = [1], strides = [1]} : vector<16xi32> to vector<1xi32>
          %squeeze3A_674 = vector.extract %slice3A_673[0] : i32 from vector<1xi32>
          %get3A_675 = arith.index_cast %squeeze3A_674 : i32 to index
          %get3A_676 = tpu.vector_load %arg5[%get3A_675] {strides = array<i32>} : memref<96000xf32, #tpu.memory_space<vmem>>, vector<16xf32>,
          %add3A_677 = arith.constant 16 : i32
          %add3A_678 = arith.addi %squeeze3A_674, %add3A_677 : i32
          %get3A_679 = arith.index_cast %add3A_678 : i32 to index
          %get3A_680 = tpu.vector_load %arg5[%get3A_679] {strides = array<i32>} : memref<96000xf32, #tpu.memory_space<vmem>>, vector<16xf32>,
          %add3A_681 = arith.constant 0 : i32
          %add3A_682 = vector.broadcast %add3A_681 : i32 to vector<16xi32>
          %add3A_683 = arith.addi %broadcast_in_dim3A, %add3A_682 : vector<16xi32>
          tpu.vector_store_idx %arg7[%iota3A, %add3A_683], %get3A_620 : memref<32x264xf32, #tpu.memory_space<vmem>>[vector<16xi32>, vector<16xi32>], vector<16xf32>,
          tpu.vector_store_idx %arg7[%add3A_12, %add3A_683], %get3A_624 : memref<32x264xf32, #tpu.memory_space<vmem>>[vector<16xi32>, vector<16xi32>], vector<16xf32>,
          %add3A_684 = arith.constant 1 : i32
          %add3A_685 = vector.broadcast %add3A_684 : i32 to vector<16xi32>
          %add3A_686 = arith.addi %broadcast_in_dim3A, %add3A_685 : vector<16xi32>
          tpu.vector_store_idx %arg7[%iota3A, %add3A_686], %get3A_628 : memref<32x264xf32, #tpu.memory_space<vmem>>[vector<16xi32>, vector<16xi32>], vector<16xf32>,
          tpu.vector_store_idx %arg7[%add3A_12, %add3A_686], %get3A_632 : memref<32x264xf32, #tpu.memory_space<vmem>>[vector<16xi32>, vector<16xi32>], vector<16xf32>,
          %add3A_687 = arith.constant 2 : i32
          %add3A_688 = vector.broadcast %add3A_687 : i32 to vector<16xi32>
          %add3A_689 = arith.addi %broadcast_in_dim3A, %add3A_688 : vector<16xi32>
          tpu.vector_store_idx %arg7[%iota3A, %add3A_689], %get3A_636 : memref<32x264xf32, #tpu.memory_space<vmem>>[vector<16xi32>, vector<16xi32>], vector<16xf32>,
          tpu.vector_store_idx %arg7[%add3A_12, %add3A_689], %get3A_640 : memref<32x264xf32, #tpu.memory_space<vmem>>[vector<16xi32>, vector<16xi32>], vector<16xf32>,
          %add3A_690 = arith.constant 3 : i32
          %add3A_691 = vector.broadcast %add3A_690 : i32 to vector<16xi32>
          %add3A_692 = arith.addi %broadcast_in_dim3A, %add3A_691 : vector<16xi32>
          tpu.vector_store_idx %arg7[%iota3A, %add3A_692], %get3A_644 : memref<32x264xf32, #tpu.memory_space<vmem>>[vector<16xi32>, vector<16xi32>], vector<16xf32>,
          tpu.vector_store_idx %arg7[%add3A_12, %add3A_692], %get3A_648 : memref<32x264xf32, #tpu.memory_space<vmem>>[vector<16xi32>, vector<16xi32>], vector<16xf32>,
          %add3A_693 = arith.constant 4 : i32
          %add3A_694 = vector.broadcast %add3A_693 : i32 to vector<16xi32>
          %add3A_695 = arith.addi %broadcast_in_dim3A, %add3A_694 : vector<16xi32>
          tpu.vector_store_idx %arg7[%iota3A, %add3A_695], %get3A_652 : memref<32x264xf32, #tpu.memory_space<vmem>>[vector<16xi32>, vector<16xi32>], vector<16xf32>,
          tpu.vector_store_idx %arg7[%add3A_12, %add3A_695], %get3A_656 : memref<32x264xf32, #tpu.memory_space<vmem>>[vector<16xi32>, vector<16xi32>], vector<16xf32>,
          %add3A_696 = arith.constant 5 : i32
          %add3A_697 = vector.broadcast %add3A_696 : i32 to vector<16xi32>
          %add3A_698 = arith.addi %broadcast_in_dim3A, %add3A_697 : vector<16xi32>
          tpu.vector_store_idx %arg7[%iota3A, %add3A_698], %get3A_660 : memref<32x264xf32, #tpu.memory_space<vmem>>[vector<16xi32>, vector<16xi32>], vector<16xf32>,
          tpu.vector_store_idx %arg7[%add3A_12, %add3A_698], %get3A_664 : memref<32x264xf32, #tpu.memory_space<vmem>>[vector<16xi32>, vector<16xi32>], vector<16xf32>,
          %add3A_699 = arith.constant 6 : i32
          %add3A_700 = vector.broadcast %add3A_699 : i32 to vector<16xi32>
          %add3A_701 = arith.addi %broadcast_in_dim3A, %add3A_700 : vector<16xi32>
          tpu.vector_store_idx %arg7[%iota3A, %add3A_701], %get3A_668 : memref<32x264xf32, #tpu.memory_space<vmem>>[vector<16xi32>, vector<16xi32>], vector<16xf32>,
          tpu.vector_store_idx %arg7[%add3A_12, %add3A_701], %get3A_672 : memref<32x264xf32, #tpu.memory_space<vmem>>[vector<16xi32>, vector<16xi32>], vector<16xf32>,
          %add3A_702 = arith.constant 7 : i32
          %add3A_703 = vector.broadcast %add3A_702 : i32 to vector<16xi32>
          %add3A_704 = arith.addi %broadcast_in_dim3A, %add3A_703 : vector<16xi32>
          tpu.vector_store_idx %arg7[%iota3A, %add3A_704], %get3A_676 : memref<32x264xf32, #tpu.memory_space<vmem>>[vector<16xi32>, vector<16xi32>], vector<16xf32>,
          tpu.vector_store_idx %arg7[%add3A_12, %add3A_704], %get3A_680 : memref<32x264xf32, #tpu.memory_space<vmem>>[vector<16xi32>, vector<16xi32>], vector<16xf32>,
          %slice3A_705 = vector.extract_strided_slice %mul3A_618 {offsets = [8], sizes = [1], strides = [1]} : vector<16xi32> to vector<1xi32>
          %squeeze3A_706 = vector.extract %slice3A_705[0] : i32 from vector<1xi32>
          %get3A_707 = arith.index_cast %squeeze3A_706 : i32 to index
          %get3A_708 = tpu.vector_load %arg5[%get3A_707] {strides = array<i32>} : memref<96000xf32, #tpu.memory_space<vmem>>, vector<16xf32>,
          %add3A_709 = arith.constant 16 : i32
          %add3A_710 = arith.addi %squeeze3A_706, %add3A_709 : i32
          %get3A_711 = arith.index_cast %add3A_710 : i32 to index
          %get3A_712 = tpu.vector_load %arg5[%get3A_711] {strides = array<i32>} : memref<96000xf32, #tpu.memory_space<vmem>>, vector<16xf32>,
          %slice3A_713 = vector.extract_strided_slice %mul3A_618 {offsets = [9], sizes = [1], strides = [1]} : vector<16xi32> to vector<1xi32>
          %squeeze3A_714 = vector.extract %slice3A_713[0] : i32 from vector<1xi32>
          %get3A_715 = arith.index_cast %squeeze3A_714 : i32 to index
          %get3A_716 = tpu.vector_load %arg5[%get3A_715] {strides = array<i32>} : memref<96000xf32, #tpu.memory_space<vmem>>, vector<16xf32>,
          %add3A_717 = arith.constant 16 : i32
          %add3A_718 = arith.addi %squeeze3A_714, %add3A_717 : i32
          %get3A_719 = arith.index_cast %add3A_718 : i32 to index
          %get3A_720 = tpu.vector_load %arg5[%get3A_719] {strides = array<i32>} : memref<96000xf32, #tpu.memory_space<vmem>>, vector<16xf32>,
          %slice3A_721 = vector.extract_strided_slice %mul3A_618 {offsets = [10], sizes = [1], strides = [1]} : vector<16xi32> to vector<1xi32>
          %squeeze3A_722 = vector.extract %slice3A_721[0] : i32 from vector<1xi32>
          %get3A_723 = arith.index_cast %squeeze3A_722 : i32 to index
          %get3A_724 = tpu.vector_load %arg5[%get3A_723] {strides = array<i32>} : memref<96000xf32, #tpu.memory_space<vmem>>, vector<16xf32>,
          %add3A_725 = arith.constant 16 : i32
          %add3A_726 = arith.addi %squeeze3A_722, %add3A_725 : i32
          %get3A_727 = arith.index_cast %add3A_726 : i32 to index
          %get3A_728 = tpu.vector_load %arg5[%get3A_727] {strides = array<i32>} : memref<96000xf32, #tpu.memory_space<vmem>>, vector<16xf32>,
          %slice3A_729 = vector.extract_strided_slice %mul3A_618 {offsets = [11], sizes = [1], strides = [1]} : vector<16xi32> to vector<1xi32>
          %squeeze3A_730 = vector.extract %slice3A_729[0] : i32 from vector<1xi32>
          %get3A_731 = arith.index_cast %squeeze3A_730 : i32 to index
          %get3A_732 = tpu.vector_load %arg5[%get3A_731] {strides = array<i32>} : memref<96000xf32, #tpu.memory_space<vmem>>, vector<16xf32>,
          %add3A_733 = arith.constant 16 : i32
          %add3A_734 = arith.addi %squeeze3A_730, %add3A_733 : i32
          %get3A_735 = arith.index_cast %add3A_734 : i32 to index
          %get3A_736 = tpu.vector_load %arg5[%get3A_735] {strides = array<i32>} : memref<96000xf32, #tpu.memory_space<vmem>>, vector<16xf32>,
          %slice3A_737 = vector.extract_strided_slice %mul3A_618 {offsets = [12], sizes = [1], strides = [1]} : vector<16xi32> to vector<1xi32>
          %squeeze3A_738 = vector.extract %slice3A_737[0] : i32 from vector<1xi32>
          %get3A_739 = arith.index_cast %squeeze3A_738 : i32 to index
          %get3A_740 = tpu.vector_load %arg5[%get3A_739] {strides = array<i32>} : memref<96000xf32, #tpu.memory_space<vmem>>, vector<16xf32>,
          %add3A_741 = arith.constant 16 : i32
          %add3A_742 = arith.addi %squeeze3A_738, %add3A_741 : i32
          %get3A_743 = arith.index_cast %add3A_742 : i32 to index
          %get3A_744 = tpu.vector_load %arg5[%get3A_743] {strides = array<i32>} : memref<96000xf32, #tpu.memory_space<vmem>>, vector<16xf32>,
          %slice3A_745 = vector.extract_strided_slice %mul3A_618 {offsets = [13], sizes = [1], strides = [1]} : vector<16xi32> to vector<1xi32>
          %squeeze3A_746 = vector.extract %slice3A_745[0] : i32 from vector<1xi32>
          %get3A_747 = arith.index_cast %squeeze3A_746 : i32 to index
          %get3A_748 = tpu.vector_load %arg5[%get3A_747] {strides = array<i32>} : memref<96000xf32, #tpu.memory_space<vmem>>, vector<16xf32>,
          %add3A_749 = arith.constant 16 : i32
          %add3A_750 = arith.addi %squeeze3A_746, %add3A_749 : i32
          %get3A_751 = arith.index_cast %add3A_750 : i32 to index
          %get3A_752 = tpu.vector_load %arg5[%get3A_751] {strides = array<i32>} : memref<96000xf32, #tpu.memory_space<vmem>>, vector<16xf32>,
          %slice3A_753 = vector.extract_strided_slice %mul3A_618 {offsets = [14], sizes = [1], strides = [1]} : vector<16xi32> to vector<1xi32>
          %squeeze3A_754 = vector.extract %slice3A_753[0] : i32 from vector<1xi32>
          %get3A_755 = arith.index_cast %squeeze3A_754 : i32 to index
          %get3A_756 = tpu.vector_load %arg5[%get3A_755] {strides = array<i32>} : memref<96000xf32, #tpu.memory_space<vmem>>, vector<16xf32>,
          %add3A_757 = arith.constant 16 : i32
          %add3A_758 = arith.addi %squeeze3A_754, %add3A_757 : i32
          %get3A_759 = arith.index_cast %add3A_758 : i32 to index
          %get3A_760 = tpu.vector_load %arg5[%get3A_759] {strides = array<i32>} : memref<96000xf32, #tpu.memory_space<vmem>>, vector<16xf32>,
          %slice3A_761 = vector.extract_strided_slice %mul3A_618 {offsets = [15], sizes = [1], strides = [1]} : vector<16xi32> to vector<1xi32>
          %squeeze3A_762 = vector.extract %slice3A_761[0] : i32 from vector<1xi32>
          %get3A_763 = arith.index_cast %squeeze3A_762 : i32 to index
          %get3A_764 = tpu.vector_load %arg5[%get3A_763] {strides = array<i32>} : memref<96000xf32, #tpu.memory_space<vmem>>, vector<16xf32>,
          %add3A_765 = arith.constant 16 : i32
          %add3A_766 = arith.addi %squeeze3A_762, %add3A_765 : i32
          %get3A_767 = arith.index_cast %add3A_766 : i32 to index
          %get3A_768 = tpu.vector_load %arg5[%get3A_767] {strides = array<i32>} : memref<96000xf32, #tpu.memory_space<vmem>>, vector<16xf32>,
          %add3A_769 = arith.constant 8 : i32
          %add3A_770 = vector.broadcast %add3A_769 : i32 to vector<16xi32>
          %add3A_771 = arith.addi %broadcast_in_dim3A, %add3A_770 : vector<16xi32>
          tpu.vector_store_idx %arg7[%iota3A, %add3A_771], %get3A_708 : memref<32x264xf32, #tpu.memory_space<vmem>>[vector<16xi32>, vector<16xi32>], vector<16xf32>,
          tpu.vector_store_idx %arg7[%add3A_12, %add3A_771], %get3A_712 : memref<32x264xf32, #tpu.memory_space<vmem>>[vector<16xi32>, vector<16xi32>], vector<16xf32>,
          %add3A_772 = arith.constant 9 : i32
          %add3A_773 = vector.broadcast %add3A_772 : i32 to vector<16xi32>
          %add3A_774 = arith.addi %broadcast_in_dim3A, %add3A_773 : vector<16xi32>
          tpu.vector_store_idx %arg7[%iota3A, %add3A_774], %get3A_716 : memref<32x264xf32, #tpu.memory_space<vmem>>[vector<16xi32>, vector<16xi32>], vector<16xf32>,
          tpu.vector_store_idx %arg7[%add3A_12, %add3A_774], %get3A_720 : memref<32x264xf32, #tpu.memory_space<vmem>>[vector<16xi32>, vector<16xi32>], vector<16xf32>,
          %add3A_775 = arith.constant 10 : i32
          %add3A_776 = vector.broadcast %add3A_775 : i32 to vector<16xi32>
          %add3A_777 = arith.addi %broadcast_in_dim3A, %add3A_776 : vector<16xi32>
          tpu.vector_store_idx %arg7[%iota3A, %add3A_777], %get3A_724 : memref<32x264xf32, #tpu.memory_space<vmem>>[vector<16xi32>, vector<16xi32>], vector<16xf32>,
          tpu.vector_store_idx %arg7[%add3A_12, %add3A_777], %get3A_728 : memref<32x264xf32, #tpu.memory_space<vmem>>[vector<16xi32>, vector<16xi32>], vector<16xf32>,
          %add3A_778 = arith.constant 11 : i32
          %add3A_779 = vector.broadcast %add3A_778 : i32 to vector<16xi32>
          %add3A_780 = arith.addi %broadcast_in_dim3A, %add3A_779 : vector<16xi32>
          tpu.vector_store_idx %arg7[%iota3A, %add3A_780], %get3A_732 : memref<32x264xf32, #tpu.memory_space<vmem>>[vector<16xi32>, vector<16xi32>], vector<16xf32>,
          tpu.vector_store_idx %arg7[%add3A_12, %add3A_780], %get3A_736 : memref<32x264xf32, #tpu.memory_space<vmem>>[vector<16xi32>, vector<16xi32>], vector<16xf32>,
          %add3A_781 = arith.constant 12 : i32
          %add3A_782 = vector.broadcast %add3A_781 : i32 to vector<16xi32>
          %add3A_783 = arith.addi %broadcast_in_dim3A, %add3A_782 : vector<16xi32>
          tpu.vector_store_idx %arg7[%iota3A, %add3A_783], %get3A_740 : memref<32x264xf32, #tpu.memory_space<vmem>>[vector<16xi32>, vector<16xi32>], vector<16xf32>,
          tpu.vector_store_idx %arg7[%add3A_12, %add3A_783], %get3A_744 : memref<32x264xf32, #tpu.memory_space<vmem>>[vector<16xi32>, vector<16xi32>], vector<16xf32>,
          %add3A_784 = arith.constant 13 : i32
          %add3A_785 = vector.broadcast %add3A_784 : i32 to vector<16xi32>
          %add3A_786 = arith.addi %broadcast_in_dim3A, %add3A_785 : vector<16xi32>
          tpu.vector_store_idx %arg7[%iota3A, %add3A_786], %get3A_748 : memref<32x264xf32, #tpu.memory_space<vmem>>[vector<16xi32>, vector<16xi32>], vector<16xf32>,
          tpu.vector_store_idx %arg7[%add3A_12, %add3A_786], %get3A_752 : memref<32x264xf32, #tpu.memory_space<vmem>>[vector<16xi32>, vector<16xi32>], vector<16xf32>,
          %add3A_787 = arith.constant 14 : i32
          %add3A_788 = vector.broadcast %add3A_787 : i32 to vector<16xi32>
          %add3A_789 = arith.addi %broadcast_in_dim3A, %add3A_788 : vector<16xi32>
          tpu.vector_store_idx %arg7[%iota3A, %add3A_789], %get3A_756 : memref<32x264xf32, #tpu.memory_space<vmem>>[vector<16xi32>, vector<16xi32>], vector<16xf32>,
          tpu.vector_store_idx %arg7[%add3A_12, %add3A_789], %get3A_760 : memref<32x264xf32, #tpu.memory_space<vmem>>[vector<16xi32>, vector<16xi32>], vector<16xf32>,
          %add3A_790 = arith.constant 15 : i32
          %add3A_791 = vector.broadcast %add3A_790 : i32 to vector<16xi32>
          %add3A_792 = arith.addi %broadcast_in_dim3A, %add3A_791 : vector<16xi32>
          tpu.vector_store_idx %arg7[%iota3A, %add3A_792], %get3A_764 : memref<32x264xf32, #tpu.memory_space<vmem>>[vector<16xi32>, vector<16xi32>], vector<16xf32>,
          tpu.vector_store_idx %arg7[%add3A_12, %add3A_792], %get3A_768 : memref<32x264xf32, #tpu.memory_space<vmem>>[vector<16xi32>, vector<16xi32>], vector<16xf32>,
          %scan3A_793 = arith.constant 1 : i32
          %scan3A_794 = arith.addi %scan3A_609, %scan3A_793 : i32
          %mul3A_795 = arith.constant 16 : i32
          %mul3A_796 = arith.muli %scan3A_794, %mul3A_795 : i32
          %add3A_797 = arith.addi %mul3A_276, %mul3A_796 : i32
          %get3A_798 = arith.index_cast %add3A_797 : i32 to index
          %get3A_799 = tpu.vector_load %arg6[%get3A_798] {strides = array<i32>} : memref<4096xi32, #tpu.memory_space<vmem>>, vector<16xi32>,
          %add3A_800 = vector.broadcast %mul3A_35 : i32 to vector<16xi32>
          %add3A_801 = arith.addi %get3A_799, %add3A_800 : vector<16xi32>
          %mul3A_802 = arith.constant 32 : i32
          %mul3A_803 = vector.broadcast %mul3A_802 : i32 to vector<16xi32>
          %mul3A_804 = arith.muli %add3A_801, %mul3A_803 : vector<16xi32>
          %broadcast_in_dim3A_805 = vector.broadcast %mul3A_796 : i32 to vector<16xi32>
          %slice3A_806 = vector.extract_strided_slice %mul3A_804 {offsets = [0], sizes = [1], strides = [1]} : vector<16xi32> to vector<1xi32>
          %squeeze3A_807 = vector.extract %slice3A_806[0] : i32 from vector<1xi32>
          %get3A_808 = arith.index_cast %squeeze3A_807 : i32 to index
          %get3A_809 = tpu.vector_load %arg5[%get3A_808] {strides = array<i32>} : memref<96000xf32, #tpu.memory_space<vmem>>, vector<16xf32>,
          %add3A_810 = arith.constant 16 : i32
          %add3A_811 = arith.addi %squeeze3A_807, %add3A_810 : i32
          %get3A_812 = arith.index_cast %add3A_811 : i32 to index
          %get3A_813 = tpu.vector_load %arg5[%get3A_812] {strides = array<i32>} : memref<96000xf32, #tpu.memory_space<vmem>>, vector<16xf32>,
          %slice3A_814 = vector.extract_strided_slice %mul3A_804 {offsets = [1], sizes = [1], strides = [1]} : vector<16xi32> to vector<1xi32>
          %squeeze3A_815 = vector.extract %slice3A_814[0] : i32 from vector<1xi32>
          %get3A_816 = arith.index_cast %squeeze3A_815 : i32 to index
          %get3A_817 = tpu.vector_load %arg5[%get3A_816] {strides = array<i32>} : memref<96000xf32, #tpu.memory_space<vmem>>, vector<16xf32>,
          %add3A_818 = arith.constant 16 : i32
          %add3A_819 = arith.addi %squeeze3A_815, %add3A_818 : i32
          %get3A_820 = arith.index_cast %add3A_819 : i32 to index
          %get3A_821 = tpu.vector_load %arg5[%get3A_820] {strides = array<i32>} : memref<96000xf32, #tpu.memory_space<vmem>>, vector<16xf32>,
          %slice3A_822 = vector.extract_strided_slice %mul3A_804 {offsets = [2], sizes = [1], strides = [1]} : vector<16xi32> to vector<1xi32>
          %squeeze3A_823 = vector.extract %slice3A_822[0] : i32 from vector<1xi32>
          %get3A_824 = arith.index_cast %squeeze3A_823 : i32 to index
          %get3A_825 = tpu.vector_load %arg5[%get3A_824] {strides = array<i32>} : memref<96000xf32, #tpu.memory_space<vmem>>, vector<16xf32>,
          %add3A_826 = arith.constant 16 : i32
          %add3A_827 = arith.addi %squeeze3A_823, %add3A_826 : i32
          %get3A_828 = arith.index_cast %add3A_827 : i32 to index
          %get3A_829 = tpu.vector_load %arg5[%get3A_828] {strides = array<i32>} : memref<96000xf32, #tpu.memory_space<vmem>>, vector<16xf32>,
          %slice3A_830 = vector.extract_strided_slice %mul3A_804 {offsets = [3], sizes = [1], strides = [1]} : vector<16xi32> to vector<1xi32>
          %squeeze3A_831 = vector.extract %slice3A_830[0] : i32 from vector<1xi32>
          %get3A_832 = arith.index_cast %squeeze3A_831 : i32 to index
          %get3A_833 = tpu.vector_load %arg5[%get3A_832] {strides = array<i32>} : memref<96000xf32, #tpu.memory_space<vmem>>, vector<16xf32>,
          %add3A_834 = arith.constant 16 : i32
          %add3A_835 = arith.addi %squeeze3A_831, %add3A_834 : i32
          %get3A_836 = arith.index_cast %add3A_835 : i32 to index
          %get3A_837 = tpu.vector_load %arg5[%get3A_836] {strides = array<i32>} : memref<96000xf32, #tpu.memory_space<vmem>>, vector<16xf32>,
          %slice3A_838 = vector.extract_strided_slice %mul3A_804 {offsets = [4], sizes = [1], strides = [1]} : vector<16xi32> to vector<1xi32>
          %squeeze3A_839 = vector.extract %slice3A_838[0] : i32 from vector<1xi32>
          %get3A_840 = arith.index_cast %squeeze3A_839 : i32 to index
          %get3A_841 = tpu.vector_load %arg5[%get3A_840] {strides = array<i32>} : memref<96000xf32, #tpu.memory_space<vmem>>, vector<16xf32>,
          %add3A_842 = arith.constant 16 : i32
          %add3A_843 = arith.addi %squeeze3A_839, %add3A_842 : i32
          %get3A_844 = arith.index_cast %add3A_843 : i32 to index
          %get3A_845 = tpu.vector_load %arg5[%get3A_844] {strides = array<i32>} : memref<96000xf32, #tpu.memory_space<vmem>>, vector<16xf32>,
          %slice3A_846 = vector.extract_strided_slice %mul3A_804 {offsets = [5], sizes = [1], strides = [1]} : vector<16xi32> to vector<1xi32>
          %squeeze3A_847 = vector.extract %slice3A_846[0] : i32 from vector<1xi32>
          %get3A_848 = arith.index_cast %squeeze3A_847 : i32 to index
          %get3A_849 = tpu.vector_load %arg5[%get3A_848] {strides = array<i32>} : memref<96000xf32, #tpu.memory_space<vmem>>, vector<16xf32>,
          %add3A_850 = arith.constant 16 : i32
          %add3A_851 = arith.addi %squeeze3A_847, %add3A_850 : i32
          %get3A_852 = arith.index_cast %add3A_851 : i32 to index
          %get3A_853 = tpu.vector_load %arg5[%get3A_852] {strides = array<i32>} : memref<96000xf32, #tpu.memory_space<vmem>>, vector<16xf32>,
          %slice3A_854 = vector.extract_strided_slice %mul3A_804 {offsets = [6], sizes = [1], strides = [1]} : vector<16xi32> to vector<1xi32>
          %squeeze3A_855 = vector.extract %slice3A_854[0] : i32 from vector<1xi32>
          %get3A_856 = arith.index_cast %squeeze3A_855 : i32 to index
          %get3A_857 = tpu.vector_load %arg5[%get3A_856] {strides = array<i32>} : memref<96000xf32, #tpu.memory_space<vmem>>, vector<16xf32>,
          %add3A_858 = arith.constant 16 : i32
          %add3A_859 = arith.addi %squeeze3A_855, %add3A_858 : i32
          %get3A_860 = arith.index_cast %add3A_859 : i32 to index
          %get3A_861 = tpu.vector_load %arg5[%get3A_860] {strides = array<i32>} : memref<96000xf32, #tpu.memory_space<vmem>>, vector<16xf32>,
          %slice3A_862 = vector.extract_strided_slice %mul3A_804 {offsets = [7], sizes = [1], strides = [1]} : vector<16xi32> to vector<1xi32>
          %squeeze3A_863 = vector.extract %slice3A_862[0] : i32 from vector<1xi32>
          %get3A_864 = arith.index_cast %squeeze3A_863 : i32 to index
          %get3A_865 = tpu.vector_load %arg5[%get3A_864] {strides = array<i32>} : memref<96000xf32, #tpu.memory_space<vmem>>, vector<16xf32>,
          %add3A_866 = arith.constant 16 : i32
          %add3A_867 = arith.addi %squeeze3A_863, %add3A_866 : i32
          %get3A_868 = arith.index_cast %add3A_867 : i32 to index
          %get3A_869 = tpu.vector_load %arg5[%get3A_868] {strides = array<i32>} : memref<96000xf32, #tpu.memory_space<vmem>>, vector<16xf32>,
          %add3A_870 = arith.constant 0 : i32
          %add3A_871 = vector.broadcast %add3A_870 : i32 to vector<16xi32>
          %add3A_872 = arith.addi %broadcast_in_dim3A_805, %add3A_871 : vector<16xi32>
          tpu.vector_store_idx %arg7[%iota3A, %add3A_872], %get3A_809 : memref<32x264xf32, #tpu.memory_space<vmem>>[vector<16xi32>, vector<16xi32>], vector<16xf32>,
          tpu.vector_store_idx %arg7[%add3A_12, %add3A_872], %get3A_813 : memref<32x264xf32, #tpu.memory_space<vmem>>[vector<16xi32>, vector<16xi32>], vector<16xf32>,
          %add3A_873 = arith.constant 1 : i32
          %add3A_874 = vector.broadcast %add3A_873 : i32 to vector<16xi32>
          %add3A_875 = arith.addi %broadcast_in_dim3A_805, %add3A_874 : vector<16xi32>
          tpu.vector_store_idx %arg7[%iota3A, %add3A_875], %get3A_817 : memref<32x264xf32, #tpu.memory_space<vmem>>[vector<16xi32>, vector<16xi32>], vector<16xf32>,
          tpu.vector_store_idx %arg7[%add3A_12, %add3A_875], %get3A_821 : memref<32x264xf32, #tpu.memory_space<vmem>>[vector<16xi32>, vector<16xi32>], vector<16xf32>,
          %add3A_876 = arith.constant 2 : i32
          %add3A_877 = vector.broadcast %add3A_876 : i32 to vector<16xi32>
          %add3A_878 = arith.addi %broadcast_in_dim3A_805, %add3A_877 : vector<16xi32>
          tpu.vector_store_idx %arg7[%iota3A, %add3A_878], %get3A_825 : memref<32x264xf32, #tpu.memory_space<vmem>>[vector<16xi32>, vector<16xi32>], vector<16xf32>,
          tpu.vector_store_idx %arg7[%add3A_12, %add3A_878], %get3A_829 : memref<32x264xf32, #tpu.memory_space<vmem>>[vector<16xi32>, vector<16xi32>], vector<16xf32>,
          %add3A_879 = arith.constant 3 : i32
          %add3A_880 = vector.broadcast %add3A_879 : i32 to vector<16xi32>
          %add3A_881 = arith.addi %broadcast_in_dim3A_805, %add3A_880 : vector<16xi32>
          tpu.vector_store_idx %arg7[%iota3A, %add3A_881], %get3A_833 : memref<32x264xf32, #tpu.memory_space<vmem>>[vector<16xi32>, vector<16xi32>], vector<16xf32>,
          tpu.vector_store_idx %arg7[%add3A_12, %add3A_881], %get3A_837 : memref<32x264xf32, #tpu.memory_space<vmem>>[vector<16xi32>, vector<16xi32>], vector<16xf32>,
          %add3A_882 = arith.constant 4 : i32
          %add3A_883 = vector.broadcast %add3A_882 : i32 to vector<16xi32>
          %add3A_884 = arith.addi %broadcast_in_dim3A_805, %add3A_883 : vector<16xi32>
          tpu.vector_store_idx %arg7[%iota3A, %add3A_884], %get3A_841 : memref<32x264xf32, #tpu.memory_space<vmem>>[vector<16xi32>, vector<16xi32>], vector<16xf32>,
          tpu.vector_store_idx %arg7[%add3A_12, %add3A_884], %get3A_845 : memref<32x264xf32, #tpu.memory_space<vmem>>[vector<16xi32>, vector<16xi32>], vector<16xf32>,
          %add3A_885 = arith.constant 5 : i32
          %add3A_886 = vector.broadcast %add3A_885 : i32 to vector<16xi32>
          %add3A_887 = arith.addi %broadcast_in_dim3A_805, %add3A_886 : vector<16xi32>
          tpu.vector_store_idx %arg7[%iota3A, %add3A_887], %get3A_849 : memref<32x264xf32, #tpu.memory_space<vmem>>[vector<16xi32>, vector<16xi32>], vector<16xf32>,
          tpu.vector_store_idx %arg7[%add3A_12, %add3A_887], %get3A_853 : memref<32x264xf32, #tpu.memory_space<vmem>>[vector<16xi32>, vector<16xi32>], vector<16xf32>,
          %add3A_888 = arith.constant 6 : i32
          %add3A_889 = vector.broadcast %add3A_888 : i32 to vector<16xi32>
          %add3A_890 = arith.addi %broadcast_in_dim3A_805, %add3A_889 : vector<16xi32>
          tpu.vector_store_idx %arg7[%iota3A, %add3A_890], %get3A_857 : memref<32x264xf32, #tpu.memory_space<vmem>>[vector<16xi32>, vector<16xi32>], vector<16xf32>,
          tpu.vector_store_idx %arg7[%add3A_12, %add3A_890], %get3A_861 : memref<32x264xf32, #tpu.memory_space<vmem>>[vector<16xi32>, vector<16xi32>], vector<16xf32>,
          %add3A_891 = arith.constant 7 : i32
          %add3A_892 = vector.broadcast %add3A_891 : i32 to vector<16xi32>
          %add3A_893 = arith.addi %broadcast_in_dim3A_805, %add3A_892 : vector<16xi32>
          tpu.vector_store_idx %arg7[%iota3A, %add3A_893], %get3A_865 : memref<32x264xf32, #tpu.memory_space<vmem>>[vector<16xi32>, vector<16xi32>], vector<16xf32>,
          tpu.vector_store_idx %arg7[%add3A_12, %add3A_893], %get3A_869 : memref<32x264xf32, #tpu.memory_space<vmem>>[vector<16xi32>, vector<16xi32>], vector<16xf32>,
          %slice3A_894 = vector.extract_strided_slice %mul3A_804 {offsets = [8], sizes = [1], strides = [1]} : vector<16xi32> to vector<1xi32>
          %squeeze3A_895 = vector.extract %slice3A_894[0] : i32 from vector<1xi32>
          %get3A_896 = arith.index_cast %squeeze3A_895 : i32 to index
          %get3A_897 = tpu.vector_load %arg5[%get3A_896] {strides = array<i32>} : memref<96000xf32, #tpu.memory_space<vmem>>, vector<16xf32>,
          %add3A_898 = arith.constant 16 : i32
          %add3A_899 = arith.addi %squeeze3A_895, %add3A_898 : i32
          %get3A_900 = arith.index_cast %add3A_899 : i32 to index
          %get3A_901 = tpu.vector_load %arg5[%get3A_900] {strides = array<i32>} : memref<96000xf32, #tpu.memory_space<vmem>>, vector<16xf32>,
          %slice3A_902 = vector.extract_strided_slice %mul3A_804 {offsets = [9], sizes = [1], strides = [1]} : vector<16xi32> to vector<1xi32>
          %squeeze3A_903 = vector.extract %slice3A_902[0] : i32 from vector<1xi32>
          %get3A_904 = arith.index_cast %squeeze3A_903 : i32 to index
          %get3A_905 = tpu.vector_load %arg5[%get3A_904] {strides = array<i32>} : memref<96000xf32, #tpu.memory_space<vmem>>, vector<16xf32>,
          %add3A_906 = arith.constant 16 : i32
          %add3A_907 = arith.addi %squeeze3A_903, %add3A_906 : i32
          %get3A_908 = arith.index_cast %add3A_907 : i32 to index
          %get3A_909 = tpu.vector_load %arg5[%get3A_908] {strides = array<i32>} : memref<96000xf32, #tpu.memory_space<vmem>>, vector<16xf32>,
          %slice3A_910 = vector.extract_strided_slice %mul3A_804 {offsets = [10], sizes = [1], strides = [1]} : vector<16xi32> to vector<1xi32>
          %squeeze3A_911 = vector.extract %slice3A_910[0] : i32 from vector<1xi32>
          %get3A_912 = arith.index_cast %squeeze3A_911 : i32 to index
          %get3A_913 = tpu.vector_load %arg5[%get3A_912] {strides = array<i32>} : memref<96000xf32, #tpu.memory_space<vmem>>, vector<16xf32>,
          %add3A_914 = arith.constant 16 : i32
          %add3A_915 = arith.addi %squeeze3A_911, %add3A_914 : i32
          %get3A_916 = arith.index_cast %add3A_915 : i32 to index
          %get3A_917 = tpu.vector_load %arg5[%get3A_916] {strides = array<i32>} : memref<96000xf32, #tpu.memory_space<vmem>>, vector<16xf32>,
          %slice3A_918 = vector.extract_strided_slice %mul3A_804 {offsets = [11], sizes = [1], strides = [1]} : vector<16xi32> to vector<1xi32>
          %squeeze3A_919 = vector.extract %slice3A_918[0] : i32 from vector<1xi32>
          %get3A_920 = arith.index_cast %squeeze3A_919 : i32 to index
          %get3A_921 = tpu.vector_load %arg5[%get3A_920] {strides = array<i32>} : memref<96000xf32, #tpu.memory_space<vmem>>, vector<16xf32>,
          %add3A_922 = arith.constant 16 : i32
          %add3A_923 = arith.addi %squeeze3A_919, %add3A_922 : i32
          %get3A_924 = arith.index_cast %add3A_923 : i32 to index
          %get3A_925 = tpu.vector_load %arg5[%get3A_924] {strides = array<i32>} : memref<96000xf32, #tpu.memory_space<vmem>>, vector<16xf32>,
          %slice3A_926 = vector.extract_strided_slice %mul3A_804 {offsets = [12], sizes = [1], strides = [1]} : vector<16xi32> to vector<1xi32>
          %squeeze3A_927 = vector.extract %slice3A_926[0] : i32 from vector<1xi32>
          %get3A_928 = arith.index_cast %squeeze3A_927 : i32 to index
          %get3A_929 = tpu.vector_load %arg5[%get3A_928] {strides = array<i32>} : memref<96000xf32, #tpu.memory_space<vmem>>, vector<16xf32>,
          %add3A_930 = arith.constant 16 : i32
          %add3A_931 = arith.addi %squeeze3A_927, %add3A_930 : i32
          %get3A_932 = arith.index_cast %add3A_931 : i32 to index
          %get3A_933 = tpu.vector_load %arg5[%get3A_932] {strides = array<i32>} : memref<96000xf32, #tpu.memory_space<vmem>>, vector<16xf32>,
          %slice3A_934 = vector.extract_strided_slice %mul3A_804 {offsets = [13], sizes = [1], strides = [1]} : vector<16xi32> to vector<1xi32>
          %squeeze3A_935 = vector.extract %slice3A_934[0] : i32 from vector<1xi32>
          %get3A_936 = arith.index_cast %squeeze3A_935 : i32 to index
          %get3A_937 = tpu.vector_load %arg5[%get3A_936] {strides = array<i32>} : memref<96000xf32, #tpu.memory_space<vmem>>, vector<16xf32>,
          %add3A_938 = arith.constant 16 : i32
          %add3A_939 = arith.addi %squeeze3A_935, %add3A_938 : i32
          %get3A_940 = arith.index_cast %add3A_939 : i32 to index
          %get3A_941 = tpu.vector_load %arg5[%get3A_940] {strides = array<i32>} : memref<96000xf32, #tpu.memory_space<vmem>>, vector<16xf32>,
          %slice3A_942 = vector.extract_strided_slice %mul3A_804 {offsets = [14], sizes = [1], strides = [1]} : vector<16xi32> to vector<1xi32>
          %squeeze3A_943 = vector.extract %slice3A_942[0] : i32 from vector<1xi32>
          %get3A_944 = arith.index_cast %squeeze3A_943 : i32 to index
          %get3A_945 = tpu.vector_load %arg5[%get3A_944] {strides = array<i32>} : memref<96000xf32, #tpu.memory_space<vmem>>, vector<16xf32>,
          %add3A_946 = arith.constant 16 : i32
          %add3A_947 = arith.addi %squeeze3A_943, %add3A_946 : i32
          %get3A_948 = arith.index_cast %add3A_947 : i32 to index
          %get3A_949 = tpu.vector_load %arg5[%get3A_948] {strides = array<i32>} : memref<96000xf32, #tpu.memory_space<vmem>>, vector<16xf32>,
          %slice3A_950 = vector.extract_strided_slice %mul3A_804 {offsets = [15], sizes = [1], strides = [1]} : vector<16xi32> to vector<1xi32>
          %squeeze3A_951 = vector.extract %slice3A_950[0] : i32 from vector<1xi32>
          %get3A_952 = arith.index_cast %squeeze3A_951 : i32 to index
          %get3A_953 = tpu.vector_load %arg5[%get3A_952] {strides = array<i32>} : memref<96000xf32, #tpu.memory_space<vmem>>, vector<16xf32>,
          %add3A_954 = arith.constant 16 : i32
          %add3A_955 = arith.addi %squeeze3A_951, %add3A_954 : i32
          %get3A_956 = arith.index_cast %add3A_955 : i32 to index
          %get3A_957 = tpu.vector_load %arg5[%get3A_956] {strides = array<i32>} : memref<96000xf32, #tpu.memory_space<vmem>>, vector<16xf32>,
          %add3A_958 = arith.constant 8 : i32
          %add3A_959 = vector.broadcast %add3A_958 : i32 to vector<16xi32>
          %add3A_960 = arith.addi %broadcast_in_dim3A_805, %add3A_959 : vector<16xi32>
          tpu.vector_store_idx %arg7[%iota3A, %add3A_960], %get3A_897 : memref<32x264xf32, #tpu.memory_space<vmem>>[vector<16xi32>, vector<16xi32>], vector<16xf32>,
          tpu.vector_store_idx %arg7[%add3A_12, %add3A_960], %get3A_901 : memref<32x264xf32, #tpu.memory_space<vmem>>[vector<16xi32>, vector<16xi32>], vector<16xf32>,
          %add3A_961 = arith.constant 9 : i32
          %add3A_962 = vector.broadcast %add3A_961 : i32 to vector<16xi32>
          %add3A_963 = arith.addi %broadcast_in_dim3A_805, %add3A_962 : vector<16xi32>
          tpu.vector_store_idx %arg7[%iota3A, %add3A_963], %get3A_905 : memref<32x264xf32, #tpu.memory_space<vmem>>[vector<16xi32>, vector<16xi32>], vector<16xf32>,
          tpu.vector_store_idx %arg7[%add3A_12, %add3A_963], %get3A_909 : memref<32x264xf32, #tpu.memory_space<vmem>>[vector<16xi32>, vector<16xi32>], vector<16xf32>,
          %add3A_964 = arith.constant 10 : i32
          %add3A_965 = vector.broadcast %add3A_964 : i32 to vector<16xi32>
          %add3A_966 = arith.addi %broadcast_in_dim3A_805, %add3A_965 : vector<16xi32>
          tpu.vector_store_idx %arg7[%iota3A, %add3A_966], %get3A_913 : memref<32x264xf32, #tpu.memory_space<vmem>>[vector<16xi32>, vector<16xi32>], vector<16xf32>,
          tpu.vector_store_idx %arg7[%add3A_12, %add3A_966], %get3A_917 : memref<32x264xf32, #tpu.memory_space<vmem>>[vector<16xi32>, vector<16xi32>], vector<16xf32>,
          %add3A_967 = arith.constant 11 : i32
          %add3A_968 = vector.broadcast %add3A_967 : i32 to vector<16xi32>
          %add3A_969 = arith.addi %broadcast_in_dim3A_805, %add3A_968 : vector<16xi32>
          tpu.vector_store_idx %arg7[%iota3A, %add3A_969], %get3A_921 : memref<32x264xf32, #tpu.memory_space<vmem>>[vector<16xi32>, vector<16xi32>], vector<16xf32>,
          tpu.vector_store_idx %arg7[%add3A_12, %add3A_969], %get3A_925 : memref<32x264xf32, #tpu.memory_space<vmem>>[vector<16xi32>, vector<16xi32>], vector<16xf32>,
          %add3A_970 = arith.constant 12 : i32
          %add3A_971 = vector.broadcast %add3A_970 : i32 to vector<16xi32>
          %add3A_972 = arith.addi %broadcast_in_dim3A_805, %add3A_971 : vector<16xi32>
          tpu.vector_store_idx %arg7[%iota3A, %add3A_972], %get3A_929 : memref<32x264xf32, #tpu.memory_space<vmem>>[vector<16xi32>, vector<16xi32>], vector<16xf32>,
          tpu.vector_store_idx %arg7[%add3A_12, %add3A_972], %get3A_933 : memref<32x264xf32, #tpu.memory_space<vmem>>[vector<16xi32>, vector<16xi32>], vector<16xf32>,
          %add3A_973 = arith.constant 13 : i32
          %add3A_974 = vector.broadcast %add3A_973 : i32 to vector<16xi32>
          %add3A_975 = arith.addi %broadcast_in_dim3A_805, %add3A_974 : vector<16xi32>
          tpu.vector_store_idx %arg7[%iota3A, %add3A_975], %get3A_937 : memref<32x264xf32, #tpu.memory_space<vmem>>[vector<16xi32>, vector<16xi32>], vector<16xf32>,
          tpu.vector_store_idx %arg7[%add3A_12, %add3A_975], %get3A_941 : memref<32x264xf32, #tpu.memory_space<vmem>>[vector<16xi32>, vector<16xi32>], vector<16xf32>,
          %add3A_976 = arith.constant 14 : i32
          %add3A_977 = vector.broadcast %add3A_976 : i32 to vector<16xi32>
          %add3A_978 = arith.addi %broadcast_in_dim3A_805, %add3A_977 : vector<16xi32>
          tpu.vector_store_idx %arg7[%iota3A, %add3A_978], %get3A_945 : memref<32x264xf32, #tpu.memory_space<vmem>>[vector<16xi32>, vector<16xi32>], vector<16xf32>,
          tpu.vector_store_idx %arg7[%add3A_12, %add3A_978], %get3A_949 : memref<32x264xf32, #tpu.memory_space<vmem>>[vector<16xi32>, vector<16xi32>], vector<16xf32>,
          %add3A_979 = arith.constant 15 : i32
          %add3A_980 = vector.broadcast %add3A_979 : i32 to vector<16xi32>
          %add3A_981 = arith.addi %broadcast_in_dim3A_805, %add3A_980 : vector<16xi32>
          tpu.vector_store_idx %arg7[%iota3A, %add3A_981], %get3A_953 : memref<32x264xf32, #tpu.memory_space<vmem>>[vector<16xi32>, vector<16xi32>], vector<16xf32>,
          tpu.vector_store_idx %arg7[%add3A_12, %add3A_981], %get3A_957 : memref<32x264xf32, #tpu.memory_space<vmem>>[vector<16xi32>, vector<16xi32>], vector<16xf32>,
        }
        %scan3A_284 = arith.constant 16 : i32
        %mul3A_285 = arith.constant 2 : i32
        %mul3A_286 = arith.muli %add3A_274, %mul3A_285 : i32
        %add3A_287 = arith.constant 0 : i32
        %add3A_288 = arith.addi %mul3A_39, %add3A_287 : i32
        %add3A_289 = arith.addi %add3A_288, %mul3A_286 : i32
        %add3A_290 = arith.constant 0 : i32
        %add3A_291 = arith.addi %add3A_289, %add3A_290 : i32
        %dma_start3A = arith.constant 0 : i32
        %dma_start3A_292 = arith.constant 0 : i32
        %dma_start3A_293 = tpu.memref_slice %arg7[%dma_start3A, %dma_start3A_292] : memref<32x264xf32, #tpu.memory_space<vmem>> -> memref<8x128xf32, #tpu.memory_space<vmem>>
        %dma_start3A_294 = arith.constant 0 : i32
        %dma_start3A_295 = arith.constant 0 : i32
        %dma_start3A_296 = tpu.memref_slice %arg4[%add3A_291, %dma_start3A_294, %dma_start3A_295] : memref<75264x8x128xf32, #tpu.memory_space<hbm>> -> memref<1x8x128xf32, #tpu.memory_space<hbm>>
        %dma_start3A_297 = tpu.memref_squeeze %dma_start3A_296 : memref<1x8x128xf32, #tpu.memory_space<hbm>> -> memref<8x128xf32, #tpu.memory_space<hbm>>
        %dma_start3A_298 = arith.constant 0 : i32
        %dma_start3A_299 = arith.constant 0 : i32
        %dma_start3A_300 = tpu.memref_slice %arg4[%add3A_291, %dma_start3A_298, %dma_start3A_299] : memref<75264x8x128xf32, #tpu.memory_space<hbm>> -> memref<1x8x128xf32, #tpu.memory_space<hbm>>
        %dma_start3A_301 = tpu.memref_squeeze %dma_start3A_300 : memref<1x8x128xf32, #tpu.memory_space<hbm>> -> memref<8x128xf32, #tpu.memory_space<hbm>>
        %dma_start3A_302 = arith.constant 0 : i32
        %dma_start3A_303 = arith.constant 0 : i32
        %dma_start3A_304 = tpu.memref_slice %arg7[%dma_start3A_302, %dma_start3A_303] : memref<32x264xf32, #tpu.memory_space<vmem>> -> memref<8x128xf32, #tpu.memory_space<vmem>>
        tpu.enqueue_dma source(%dma_start3A_304 : memref<8x128xf32, #tpu.memory_space<vmem>>) target(%dma_start3A_301 : memref<8x128xf32, #tpu.memory_space<hbm>>) target_semaphore(%arg9 : memref<!tpu.dma_semaphore, #tpu.memory_space<semaphore_mem>>)
        %add3A_305 = arith.constant 0 : i32
        %add3A_306 = arith.addi %mul3A_39, %add3A_305 : i32
        %add3A_307 = arith.addi %add3A_306, %mul3A_286 : i32
        %add3A_308 = arith.constant 1 : i32
        %add3A_309 = arith.addi %add3A_307, %add3A_308 : i32
        %dma_start3A_310 = arith.constant 0 : i32
        %dma_start3A_311 = arith.constant 128 : i32
        %dma_start3A_312 = tpu.memref_slice %arg7[%dma_start3A_310, %dma_start3A_311] : memref<32x264xf32, #tpu.memory_space<vmem>> -> memref<8x128xf32, #tpu.memory_space<vmem>>
        %dma_start3A_313 = arith.constant 0 : i32
        %dma_start3A_314 = arith.constant 0 : i32
        %dma_start3A_315 = tpu.memref_slice %arg4[%add3A_309, %dma_start3A_313, %dma_start3A_314] : memref<75264x8x128xf32, #tpu.memory_space<hbm>> -> memref<1x8x128xf32, #tpu.memory_space<hbm>>
        %dma_start3A_316 = tpu.memref_squeeze %dma_start3A_315 : memref<1x8x128xf32, #tpu.memory_space<hbm>> -> memref<8x128xf32, #tpu.memory_space<hbm>>
        %dma_start3A_317 = arith.constant 0 : i32
        %dma_start3A_318 = arith.constant 0 : i32
        %dma_start3A_319 = tpu.memref_slice %arg4[%add3A_309, %dma_start3A_317, %dma_start3A_318] : memref<75264x8x128xf32, #tpu.memory_space<hbm>> -> memref<1x8x128xf32, #tpu.memory_space<hbm>>
        %dma_start3A_320 = tpu.memref_squeeze %dma_start3A_319 : memref<1x8x128xf32, #tpu.memory_space<hbm>> -> memref<8x128xf32, #tpu.memory_space<hbm>>
        %dma_start3A_321 = arith.constant 0 : i32
        %dma_start3A_322 = arith.constant 128 : i32
        %dma_start3A_323 = tpu.memref_slice %arg7[%dma_start3A_321, %dma_start3A_322] : memref<32x264xf32, #tpu.memory_space<vmem>> -> memref<8x128xf32, #tpu.memory_space<vmem>>
        tpu.enqueue_dma source(%dma_start3A_323 : memref<8x128xf32, #tpu.memory_space<vmem>>) target(%dma_start3A_320 : memref<8x128xf32, #tpu.memory_space<hbm>>) target_semaphore(%arg9 : memref<!tpu.dma_semaphore, #tpu.memory_space<semaphore_mem>>)
        %add3A_324 = arith.constant 32 : i32
        %add3A_325 = arith.addi %mul3A_39, %add3A_324 : i32
        %add3A_326 = arith.addi %add3A_325, %mul3A_286 : i32
        %add3A_327 = arith.constant 0 : i32
        %add3A_328 = arith.addi %add3A_326, %add3A_327 : i32
        %dma_start3A_329 = arith.constant 8 : i32
        %dma_start3A_330 = arith.constant 0 : i32
        %dma_start3A_331 = tpu.memref_slice %arg7[%dma_start3A_329, %dma_start3A_330] : memref<32x264xf32, #tpu.memory_space<vmem>> -> memref<8x128xf32, #tpu.memory_space<vmem>>
        %dma_start3A_332 = arith.constant 0 : i32
        %dma_start3A_333 = arith.constant 0 : i32
        %dma_start3A_334 = tpu.memref_slice %arg4[%add3A_328, %dma_start3A_332, %dma_start3A_333] : memref<75264x8x128xf32, #tpu.memory_space<hbm>> -> memref<1x8x128xf32, #tpu.memory_space<hbm>>
        %dma_start3A_335 = tpu.memref_squeeze %dma_start3A_334 : memref<1x8x128xf32, #tpu.memory_space<hbm>> -> memref<8x128xf32, #tpu.memory_space<hbm>>
        %dma_start3A_336 = arith.constant 0 : i32
        %dma_start3A_337 = arith.constant 0 : i32
        %dma_start3A_338 = tpu.memref_slice %arg4[%add3A_328, %dma_start3A_336, %dma_start3A_337] : memref<75264x8x128xf32, #tpu.memory_space<hbm>> -> memref<1x8x128xf32, #tpu.memory_space<hbm>>
        %dma_start3A_339 = tpu.memref_squeeze %dma_start3A_338 : memref<1x8x128xf32, #tpu.memory_space<hbm>> -> memref<8x128xf32, #tpu.memory_space<hbm>>
        %dma_start3A_340 = arith.constant 8 : i32
        %dma_start3A_341 = arith.constant 0 : i32
        %dma_start3A_342 = tpu.memref_slice %arg7[%dma_start3A_340, %dma_start3A_341] : memref<32x264xf32, #tpu.memory_space<vmem>> -> memref<8x128xf32, #tpu.memory_space<vmem>>
        tpu.enqueue_dma source(%dma_start3A_342 : memref<8x128xf32, #tpu.memory_space<vmem>>) target(%dma_start3A_339 : memref<8x128xf32, #tpu.memory_space<hbm>>) target_semaphore(%arg9 : memref<!tpu.dma_semaphore, #tpu.memory_space<semaphore_mem>>)
        %add3A_343 = arith.constant 32 : i32
        %add3A_344 = arith.addi %mul3A_39, %add3A_343 : i32
        %add3A_345 = arith.addi %add3A_344, %mul3A_286 : i32
        %add3A_346 = arith.constant 1 : i32
        %add3A_347 = arith.addi %add3A_345, %add3A_346 : i32
        %dma_start3A_348 = arith.constant 8 : i32
        %dma_start3A_349 = arith.constant 128 : i32
        %dma_start3A_350 = tpu.memref_slice %arg7[%dma_start3A_348, %dma_start3A_349] : memref<32x264xf32, #tpu.memory_space<vmem>> -> memref<8x128xf32, #tpu.memory_space<vmem>>
        %dma_start3A_351 = arith.constant 0 : i32
        %dma_start3A_352 = arith.constant 0 : i32
        %dma_start3A_353 = tpu.memref_slice %arg4[%add3A_347, %dma_start3A_351, %dma_start3A_352] : memref<75264x8x128xf32, #tpu.memory_space<hbm>> -> memref<1x8x128xf32, #tpu.memory_space<hbm>>
        %dma_start3A_354 = tpu.memref_squeeze %dma_start3A_353 : memref<1x8x128xf32, #tpu.memory_space<hbm>> -> memref<8x128xf32, #tpu.memory_space<hbm>>
        %dma_start3A_355 = arith.constant 0 : i32
        %dma_start3A_356 = arith.constant 0 : i32
        %dma_start3A_357 = tpu.memref_slice %arg4[%add3A_347, %dma_start3A_355, %dma_start3A_356] : memref<75264x8x128xf32, #tpu.memory_space<hbm>> -> memref<1x8x128xf32, #tpu.memory_space<hbm>>
        %dma_start3A_358 = tpu.memref_squeeze %dma_start3A_357 : memref<1x8x128xf32, #tpu.memory_space<hbm>> -> memref<8x128xf32, #tpu.memory_space<hbm>>
        %dma_start3A_359 = arith.constant 8 : i32
        %dma_start3A_360 = arith.constant 128 : i32
        %dma_start3A_361 = tpu.memref_slice %arg7[%dma_start3A_359, %dma_start3A_360] : memref<32x264xf32, #tpu.memory_space<vmem>> -> memref<8x128xf32, #tpu.memory_space<vmem>>
        tpu.enqueue_dma source(%dma_start3A_361 : memref<8x128xf32, #tpu.memory_space<vmem>>) target(%dma_start3A_358 : memref<8x128xf32, #tpu.memory_space<hbm>>) target_semaphore(%arg9 : memref<!tpu.dma_semaphore, #tpu.memory_space<semaphore_mem>>)
        %add3A_362 = arith.constant 64 : i32
        %add3A_363 = arith.addi %mul3A_39, %add3A_362 : i32
        %add3A_364 = arith.addi %add3A_363, %mul3A_286 : i32
        %add3A_365 = arith.constant 0 : i32
        %add3A_366 = arith.addi %add3A_364, %add3A_365 : i32
        %dma_start3A_367 = arith.constant 16 : i32
        %dma_start3A_368 = arith.constant 0 : i32
        %dma_start3A_369 = tpu.memref_slice %arg7[%dma_start3A_367, %dma_start3A_368] : memref<32x264xf32, #tpu.memory_space<vmem>> -> memref<8x128xf32, #tpu.memory_space<vmem>>
        %dma_start3A_370 = arith.constant 0 : i32
        %dma_start3A_371 = arith.constant 0 : i32
        %dma_start3A_372 = tpu.memref_slice %arg4[%add3A_366, %dma_start3A_370, %dma_start3A_371] : memref<75264x8x128xf32, #tpu.memory_space<hbm>> -> memref<1x8x128xf32, #tpu.memory_space<hbm>>
        %dma_start3A_373 = tpu.memref_squeeze %dma_start3A_372 : memref<1x8x128xf32, #tpu.memory_space<hbm>> -> memref<8x128xf32, #tpu.memory_space<hbm>>
        %dma_start3A_374 = arith.constant 0 : i32
        %dma_start3A_375 = arith.constant 0 : i32
        %dma_start3A_376 = tpu.memref_slice %arg4[%add3A_366, %dma_start3A_374, %dma_start3A_375] : memref<75264x8x128xf32, #tpu.memory_space<hbm>> -> memref<1x8x128xf32, #tpu.memory_space<hbm>>
        %dma_start3A_377 = tpu.memref_squeeze %dma_start3A_376 : memref<1x8x128xf32, #tpu.memory_space<hbm>> -> memref<8x128xf32, #tpu.memory_space<hbm>>
        %dma_start3A_378 = arith.constant 16 : i32
        %dma_start3A_379 = arith.constant 0 : i32
        %dma_start3A_380 = tpu.memref_slice %arg7[%dma_start3A_378, %dma_start3A_379] : memref<32x264xf32, #tpu.memory_space<vmem>> -> memref<8x128xf32, #tpu.memory_space<vmem>>
        tpu.enqueue_dma source(%dma_start3A_380 : memref<8x128xf32, #tpu.memory_space<vmem>>) target(%dma_start3A_377 : memref<8x128xf32, #tpu.memory_space<hbm>>) target_semaphore(%arg9 : memref<!tpu.dma_semaphore, #tpu.memory_space<semaphore_mem>>)
        %add3A_381 = arith.constant 64 : i32
        %add3A_382 = arith.addi %mul3A_39, %add3A_381 : i32
        %add3A_383 = arith.addi %add3A_382, %mul3A_286 : i32
        %add3A_384 = arith.constant 1 : i32
        %add3A_385 = arith.addi %add3A_383, %add3A_384 : i32
        %dma_start3A_386 = arith.constant 16 : i32
        %dma_start3A_387 = arith.constant 128 : i32
        %dma_start3A_388 = tpu.memref_slice %arg7[%dma_start3A_386, %dma_start3A_387] : memref<32x264xf32, #tpu.memory_space<vmem>> -> memref<8x128xf32, #tpu.memory_space<vmem>>
        %dma_start3A_389 = arith.constant 0 : i32
        %dma_start3A_390 = arith.constant 0 : i32
        %dma_start3A_391 = tpu.memref_slice %arg4[%add3A_385, %dma_start3A_389, %dma_start3A_390] : memref<75264x8x128xf32, #tpu.memory_space<hbm>> -> memref<1x8x128xf32, #tpu.memory_space<hbm>>
        %dma_start3A_392 = tpu.memref_squeeze %dma_start3A_391 : memref<1x8x128xf32, #tpu.memory_space<hbm>> -> memref<8x128xf32, #tpu.memory_space<hbm>>
        %dma_start3A_393 = arith.constant 0 : i32
        %dma_start3A_394 = arith.constant 0 : i32
        %dma_start3A_395 = tpu.memref_slice %arg4[%add3A_385, %dma_start3A_393, %dma_start3A_394] : memref<75264x8x128xf32, #tpu.memory_space<hbm>> -> memref<1x8x128xf32, #tpu.memory_space<hbm>>
        %dma_start3A_396 = tpu.memref_squeeze %dma_start3A_395 : memref<1x8x128xf32, #tpu.memory_space<hbm>> -> memref<8x128xf32, #tpu.memory_space<hbm>>
        %dma_start3A_397 = arith.constant 16 : i32
        %dma_start3A_398 = arith.constant 128 : i32
        %dma_start3A_399 = tpu.memref_slice %arg7[%dma_start3A_397, %dma_start3A_398] : memref<32x264xf32, #tpu.memory_space<vmem>> -> memref<8x128xf32, #tpu.memory_space<vmem>>
        tpu.enqueue_dma source(%dma_start3A_399 : memref<8x128xf32, #tpu.memory_space<vmem>>) target(%dma_start3A_396 : memref<8x128xf32, #tpu.memory_space<hbm>>) target_semaphore(%arg9 : memref<!tpu.dma_semaphore, #tpu.memory_space<semaphore_mem>>)
        %add3A_400 = arith.constant 96 : i32
        %add3A_401 = arith.addi %mul3A_39, %add3A_400 : i32
        %add3A_402 = arith.addi %add3A_401, %mul3A_286 : i32
        %add3A_403 = arith.constant 0 : i32
        %add3A_404 = arith.addi %add3A_402, %add3A_403 : i32
        %dma_start3A_405 = arith.constant 24 : i32
        %dma_start3A_406 = arith.constant 0 : i32
        %dma_start3A_407 = tpu.memref_slice %arg7[%dma_start3A_405, %dma_start3A_406] : memref<32x264xf32, #tpu.memory_space<vmem>> -> memref<8x128xf32, #tpu.memory_space<vmem>>
        %dma_start3A_408 = arith.constant 0 : i32
        %dma_start3A_409 = arith.constant 0 : i32
        %dma_start3A_410 = tpu.memref_slice %arg4[%add3A_404, %dma_start3A_408, %dma_start3A_409] : memref<75264x8x128xf32, #tpu.memory_space<hbm>> -> memref<1x8x128xf32, #tpu.memory_space<hbm>>
        %dma_start3A_411 = tpu.memref_squeeze %dma_start3A_410 : memref<1x8x128xf32, #tpu.memory_space<hbm>> -> memref<8x128xf32, #tpu.memory_space<hbm>>
        %dma_start3A_412 = arith.constant 0 : i32
        %dma_start3A_413 = arith.constant 0 : i32
        %dma_start3A_414 = tpu.memref_slice %arg4[%add3A_404, %dma_start3A_412, %dma_start3A_413] : memref<75264x8x128xf32, #tpu.memory_space<hbm>> -> memref<1x8x128xf32, #tpu.memory_space<hbm>>
        %dma_start3A_415 = tpu.memref_squeeze %dma_start3A_414 : memref<1x8x128xf32, #tpu.memory_space<hbm>> -> memref<8x128xf32, #tpu.memory_space<hbm>>
        %dma_start3A_416 = arith.constant 24 : i32
        %dma_start3A_417 = arith.constant 0 : i32
        %dma_start3A_418 = tpu.memref_slice %arg7[%dma_start3A_416, %dma_start3A_417] : memref<32x264xf32, #tpu.memory_space<vmem>> -> memref<8x128xf32, #tpu.memory_space<vmem>>
        tpu.enqueue_dma source(%dma_start3A_418 : memref<8x128xf32, #tpu.memory_space<vmem>>) target(%dma_start3A_415 : memref<8x128xf32, #tpu.memory_space<hbm>>) target_semaphore(%arg9 : memref<!tpu.dma_semaphore, #tpu.memory_space<semaphore_mem>>)
        %add3A_419 = arith.constant 96 : i32
        %add3A_420 = arith.addi %mul3A_39, %add3A_419 : i32
        %add3A_421 = arith.addi %add3A_420, %mul3A_286 : i32
        %add3A_422 = arith.constant 1 : i32
        %add3A_423 = arith.addi %add3A_421, %add3A_422 : i32
        %dma_start3A_424 = arith.constant 24 : i32
        %dma_start3A_425 = arith.constant 128 : i32
        %dma_start3A_426 = tpu.memref_slice %arg7[%dma_start3A_424, %dma_start3A_425] : memref<32x264xf32, #tpu.memory_space<vmem>> -> memref<8x128xf32, #tpu.memory_space<vmem>>
        %dma_start3A_427 = arith.constant 0 : i32
        %dma_start3A_428 = arith.constant 0 : i32
        %dma_start3A_429 = tpu.memref_slice %arg4[%add3A_423, %dma_start3A_427, %dma_start3A_428] : memref<75264x8x128xf32, #tpu.memory_space<hbm>> -> memref<1x8x128xf32, #tpu.memory_space<hbm>>
        %dma_start3A_430 = tpu.memref_squeeze %dma_start3A_429 : memref<1x8x128xf32, #tpu.memory_space<hbm>> -> memref<8x128xf32, #tpu.memory_space<hbm>>
        %dma_start3A_431 = arith.constant 0 : i32
        %dma_start3A_432 = arith.constant 0 : i32
        %dma_start3A_433 = tpu.memref_slice %arg4[%add3A_423, %dma_start3A_431, %dma_start3A_432] : memref<75264x8x128xf32, #tpu.memory_space<hbm>> -> memref<1x8x128xf32, #tpu.memory_space<hbm>>
        %dma_start3A_434 = tpu.memref_squeeze %dma_start3A_433 : memref<1x8x128xf32, #tpu.memory_space<hbm>> -> memref<8x128xf32, #tpu.memory_space<hbm>>
        %dma_start3A_435 = arith.constant 24 : i32
        %dma_start3A_436 = arith.constant 128 : i32
        %dma_start3A_437 = tpu.memref_slice %arg7[%dma_start3A_435, %dma_start3A_436] : memref<32x264xf32, #tpu.memory_space<vmem>> -> memref<8x128xf32, #tpu.memory_space<vmem>>
        tpu.enqueue_dma source(%dma_start3A_437 : memref<8x128xf32, #tpu.memory_space<vmem>>) target(%dma_start3A_434 : memref<8x128xf32, #tpu.memory_space<hbm>>) target_semaphore(%arg9 : memref<!tpu.dma_semaphore, #tpu.memory_space<semaphore_mem>>)
        %mul3A_438 = arith.constant 2 : i32
        %mul3A_439 = arith.muli %scan3A_270, %mul3A_438 : i32
        %add3A_440 = arith.constant 1 : i32
        %add3A_441 = arith.addi %mul3A_439, %add3A_440 : i32
        %mul3A_442 = arith.constant 256 : i32
        %mul3A_443 = arith.muli %add3A_441, %mul3A_442 : i32
        %gt3A_444 = arith.constant 0 : i32
        %gt3A_445 = arith.cmpi sgt, %scan3A_270, %gt3A_444 : i32
        %convert_element_type3A_446 = arith.extui %gt3A_445 : i1 to i32
        %cond3A_447 = arith.constant 0 : i32
        %cond3A_448 = arith.cmpi ne, %convert_element_type3A_446, %cond3A_447 : i32
        scf.if %cond3A_448 {
          %dma_wait3A_609 = arith.constant 0 : i32
          %dma_wait3A_610 = arith.constant 0 : i32
          %dma_wait3A_611 = tpu.memref_slice %arg8[%dma_wait3A_609, %dma_wait3A_610] : memref<32x264xf32, #tpu.memory_space<vmem>> -> memref<8x128xf32, #tpu.memory_space<vmem>>
          %dma_wait3A_612 = arith.constant 0 : i32
          %dma_wait3A_613 = arith.constant 0 : i32
          %dma_wait3A_614 = tpu.memref_slice %arg4[%mul3A_39, %dma_wait3A_612, %dma_wait3A_613] : memref<75264x8x128xf32, #tpu.memory_space<hbm>> -> memref<1x8x128xf32, #tpu.memory_space<hbm>>
          %dma_wait3A_615 = tpu.memref_squeeze %dma_wait3A_614 : memref<1x8x128xf32, #tpu.memory_space<hbm>> -> memref<8x128xf32, #tpu.memory_space<hbm>>
          %dma_wait3A_616 = arith.constant 0 : i32
          %dma_wait3A_617 = arith.constant 0 : i32
          %dma_wait3A_618 = tpu.memref_slice %arg4[%mul3A_39, %dma_wait3A_616, %dma_wait3A_617] : memref<75264x8x128xf32, #tpu.memory_space<hbm>> -> memref<1x8x128xf32, #tpu.memory_space<hbm>>
          %dma_wait3A_619 = tpu.memref_squeeze %dma_wait3A_618 : memref<1x8x128xf32, #tpu.memory_space<hbm>> -> memref<8x128xf32, #tpu.memory_space<hbm>>
          %dma_wait3A_620 = arith.constant 0 : i32
          %dma_wait3A_621 = arith.constant 0 : i32
          %dma_wait3A_622 = tpu.memref_slice %arg8[%dma_wait3A_620, %dma_wait3A_621] : memref<32x264xf32, #tpu.memory_space<vmem>> -> memref<8x128xf32, #tpu.memory_space<vmem>>
          tpu.wait_dma2 semaphore(%arg10 : memref<!tpu.dma_semaphore, #tpu.memory_space<semaphore_mem>>) src(%dma_wait3A_622 : memref<8x128xf32, #tpu.memory_space<vmem>>) dst(%dma_wait3A_619 : memref<8x128xf32, #tpu.memory_space<hbm>>)
          %dma_wait3A_623 = arith.constant 0 : i32
          %dma_wait3A_624 = arith.constant 0 : i32
          %dma_wait3A_625 = tpu.memref_slice %arg8[%dma_wait3A_623, %dma_wait3A_624] : memref<32x264xf32, #tpu.memory_space<vmem>> -> memref<8x128xf32, #tpu.memory_space<vmem>>
          %dma_wait3A_626 = arith.constant 0 : i32
          %dma_wait3A_627 = arith.constant 0 : i32
          %dma_wait3A_628 = tpu.memref_slice %arg4[%mul3A_39, %dma_wait3A_626, %dma_wait3A_627] : memref<75264x8x128xf32, #tpu.memory_space<hbm>> -> memref<1x8x128xf32, #tpu.memory_space<hbm>>
          %dma_wait3A_629 = tpu.memref_squeeze %dma_wait3A_628 : memref<1x8x128xf32, #tpu.memory_space<hbm>> -> memref<8x128xf32, #tpu.memory_space<hbm>>
          %dma_wait3A_630 = arith.constant 0 : i32
          %dma_wait3A_631 = arith.constant 0 : i32
          %dma_wait3A_632 = tpu.memref_slice %arg4[%mul3A_39, %dma_wait3A_630, %dma_wait3A_631] : memref<75264x8x128xf32, #tpu.memory_space<hbm>> -> memref<1x8x128xf32, #tpu.memory_space<hbm>>
          %dma_wait3A_633 = tpu.memref_squeeze %dma_wait3A_632 : memref<1x8x128xf32, #tpu.memory_space<hbm>> -> memref<8x128xf32, #tpu.memory_space<hbm>>
          %dma_wait3A_634 = arith.constant 0 : i32
          %dma_wait3A_635 = arith.constant 0 : i32
          %dma_wait3A_636 = tpu.memref_slice %arg8[%dma_wait3A_634, %dma_wait3A_635] : memref<32x264xf32, #tpu.memory_space<vmem>> -> memref<8x128xf32, #tpu.memory_space<vmem>>
          tpu.wait_dma2 semaphore(%arg10 : memref<!tpu.dma_semaphore, #tpu.memory_space<semaphore_mem>>) src(%dma_wait3A_636 : memref<8x128xf32, #tpu.memory_space<vmem>>) dst(%dma_wait3A_633 : memref<8x128xf32, #tpu.memory_space<hbm>>)
          %dma_wait3A_637 = arith.constant 0 : i32
          %dma_wait3A_638 = arith.constant 0 : i32
          %dma_wait3A_639 = tpu.memref_slice %arg8[%dma_wait3A_637, %dma_wait3A_638] : memref<32x264xf32, #tpu.memory_space<vmem>> -> memref<8x128xf32, #tpu.memory_space<vmem>>
          %dma_wait3A_640 = arith.constant 0 : i32
          %dma_wait3A_641 = arith.constant 0 : i32
          %dma_wait3A_642 = tpu.memref_slice %arg4[%mul3A_39, %dma_wait3A_640, %dma_wait3A_641] : memref<75264x8x128xf32, #tpu.memory_space<hbm>> -> memref<1x8x128xf32, #tpu.memory_space<hbm>>
          %dma_wait3A_643 = tpu.memref_squeeze %dma_wait3A_642 : memref<1x8x128xf32, #tpu.memory_space<hbm>> -> memref<8x128xf32, #tpu.memory_space<hbm>>
          %dma_wait3A_644 = arith.constant 0 : i32
          %dma_wait3A_645 = arith.constant 0 : i32
          %dma_wait3A_646 = tpu.memref_slice %arg4[%mul3A_39, %dma_wait3A_644, %dma_wait3A_645] : memref<75264x8x128xf32, #tpu.memory_space<hbm>> -> memref<1x8x128xf32, #tpu.memory_space<hbm>>
          %dma_wait3A_647 = tpu.memref_squeeze %dma_wait3A_646 : memref<1x8x128xf32, #tpu.memory_space<hbm>> -> memref<8x128xf32, #tpu.memory_space<hbm>>
          %dma_wait3A_648 = arith.constant 0 : i32
          %dma_wait3A_649 = arith.constant 0 : i32
          %dma_wait3A_650 = tpu.memref_slice %arg8[%dma_wait3A_648, %dma_wait3A_649] : memref<32x264xf32, #tpu.memory_space<vmem>> -> memref<8x128xf32, #tpu.memory_space<vmem>>
          tpu.wait_dma2 semaphore(%arg10 : memref<!tpu.dma_semaphore, #tpu.memory_space<semaphore_mem>>) src(%dma_wait3A_650 : memref<8x128xf32, #tpu.memory_space<vmem>>) dst(%dma_wait3A_647 : memref<8x128xf32, #tpu.memory_space<hbm>>)
          %dma_wait3A_651 = arith.constant 0 : i32
          %dma_wait3A_652 = arith.constant 0 : i32
          %dma_wait3A_653 = tpu.memref_slice %arg8[%dma_wait3A_651, %dma_wait3A_652] : memref<32x264xf32, #tpu.memory_space<vmem>> -> memref<8x128xf32, #tpu.memory_space<vmem>>
          %dma_wait3A_654 = arith.constant 0 : i32
          %dma_wait3A_655 = arith.constant 0 : i32
          %dma_wait3A_656 = tpu.memref_slice %arg4[%mul3A_39, %dma_wait3A_654, %dma_wait3A_655] : memref<75264x8x128xf32, #tpu.memory_space<hbm>> -> memref<1x8x128xf32, #tpu.memory_space<hbm>>
          %dma_wait3A_657 = tpu.memref_squeeze %dma_wait3A_656 : memref<1x8x128xf32, #tpu.memory_space<hbm>> -> memref<8x128xf32, #tpu.memory_space<hbm>>
          %dma_wait3A_658 = arith.constant 0 : i32
          %dma_wait3A_659 = arith.constant 0 : i32
          %dma_wait3A_660 = tpu.memref_slice %arg4[%mul3A_39, %dma_wait3A_658, %dma_wait3A_659] : memref<75264x8x128xf32, #tpu.memory_space<hbm>> -> memref<1x8x128xf32, #tpu.memory_space<hbm>>
          %dma_wait3A_661 = tpu.memref_squeeze %dma_wait3A_660 : memref<1x8x128xf32, #tpu.memory_space<hbm>> -> memref<8x128xf32, #tpu.memory_space<hbm>>
          %dma_wait3A_662 = arith.constant 0 : i32
          %dma_wait3A_663 = arith.constant 0 : i32
          %dma_wait3A_664 = tpu.memref_slice %arg8[%dma_wait3A_662, %dma_wait3A_663] : memref<32x264xf32, #tpu.memory_space<vmem>> -> memref<8x128xf32, #tpu.memory_space<vmem>>
          tpu.wait_dma2 semaphore(%arg10 : memref<!tpu.dma_semaphore, #tpu.memory_space<semaphore_mem>>) src(%dma_wait3A_664 : memref<8x128xf32, #tpu.memory_space<vmem>>) dst(%dma_wait3A_661 : memref<8x128xf32, #tpu.memory_space<hbm>>)
          %dma_wait3A_665 = arith.constant 0 : i32
          %dma_wait3A_666 = arith.constant 0 : i32
          %dma_wait3A_667 = tpu.memref_slice %arg8[%dma_wait3A_665, %dma_wait3A_666] : memref<32x264xf32, #tpu.memory_space<vmem>> -> memref<8x128xf32, #tpu.memory_space<vmem>>
          %dma_wait3A_668 = arith.constant 0 : i32
          %dma_wait3A_669 = arith.constant 0 : i32
          %dma_wait3A_670 = tpu.memref_slice %arg4[%mul3A_39, %dma_wait3A_668, %dma_wait3A_669] : memref<75264x8x128xf32, #tpu.memory_space<hbm>> -> memref<1x8x128xf32, #tpu.memory_space<hbm>>
          %dma_wait3A_671 = tpu.memref_squeeze %dma_wait3A_670 : memref<1x8x128xf32, #tpu.memory_space<hbm>> -> memref<8x128xf32, #tpu.memory_space<hbm>>
          %dma_wait3A_672 = arith.constant 0 : i32
          %dma_wait3A_673 = arith.constant 0 : i32
          %dma_wait3A_674 = tpu.memref_slice %arg4[%mul3A_39, %dma_wait3A_672, %dma_wait3A_673] : memref<75264x8x128xf32, #tpu.memory_space<hbm>> -> memref<1x8x128xf32, #tpu.memory_space<hbm>>
          %dma_wait3A_675 = tpu.memref_squeeze %dma_wait3A_674 : memref<1x8x128xf32, #tpu.memory_space<hbm>> -> memref<8x128xf32, #tpu.memory_space<hbm>>
          %dma_wait3A_676 = arith.constant 0 : i32
          %dma_wait3A_677 = arith.constant 0 : i32
          %dma_wait3A_678 = tpu.memref_slice %arg8[%dma_wait3A_676, %dma_wait3A_677] : memref<32x264xf32, #tpu.memory_space<vmem>> -> memref<8x128xf32, #tpu.memory_space<vmem>>
          tpu.wait_dma2 semaphore(%arg10 : memref<!tpu.dma_semaphore, #tpu.memory_space<semaphore_mem>>) src(%dma_wait3A_678 : memref<8x128xf32, #tpu.memory_space<vmem>>) dst(%dma_wait3A_675 : memref<8x128xf32, #tpu.memory_space<hbm>>)
          %dma_wait3A_679 = arith.constant 0 : i32
          %dma_wait3A_680 = arith.constant 0 : i32
          %dma_wait3A_681 = tpu.memref_slice %arg8[%dma_wait3A_679, %dma_wait3A_680] : memref<32x264xf32, #tpu.memory_space<vmem>> -> memref<8x128xf32, #tpu.memory_space<vmem>>
          %dma_wait3A_682 = arith.constant 0 : i32
          %dma_wait3A_683 = arith.constant 0 : i32
          %dma_wait3A_684 = tpu.memref_slice %arg4[%mul3A_39, %dma_wait3A_682, %dma_wait3A_683] : memref<75264x8x128xf32, #tpu.memory_space<hbm>> -> memref<1x8x128xf32, #tpu.memory_space<hbm>>
          %dma_wait3A_685 = tpu.memref_squeeze %dma_wait3A_684 : memref<1x8x128xf32, #tpu.memory_space<hbm>> -> memref<8x128xf32, #tpu.memory_space<hbm>>
          %dma_wait3A_686 = arith.constant 0 : i32
          %dma_wait3A_687 = arith.constant 0 : i32
          %dma_wait3A_688 = tpu.memref_slice %arg4[%mul3A_39, %dma_wait3A_686, %dma_wait3A_687] : memref<75264x8x128xf32, #tpu.memory_space<hbm>> -> memref<1x8x128xf32, #tpu.memory_space<hbm>>
          %dma_wait3A_689 = tpu.memref_squeeze %dma_wait3A_688 : memref<1x8x128xf32, #tpu.memory_space<hbm>> -> memref<8x128xf32, #tpu.memory_space<hbm>>
          %dma_wait3A_690 = arith.constant 0 : i32
          %dma_wait3A_691 = arith.constant 0 : i32
          %dma_wait3A_692 = tpu.memref_slice %arg8[%dma_wait3A_690, %dma_wait3A_691] : memref<32x264xf32, #tpu.memory_space<vmem>> -> memref<8x128xf32, #tpu.memory_space<vmem>>
          tpu.wait_dma2 semaphore(%arg10 : memref<!tpu.dma_semaphore, #tpu.memory_space<semaphore_mem>>) src(%dma_wait3A_692 : memref<8x128xf32, #tpu.memory_space<vmem>>) dst(%dma_wait3A_689 : memref<8x128xf32, #tpu.memory_space<hbm>>)
          %dma_wait3A_693 = arith.constant 0 : i32
          %dma_wait3A_694 = arith.constant 0 : i32
          %dma_wait3A_695 = tpu.memref_slice %arg8[%dma_wait3A_693, %dma_wait3A_694] : memref<32x264xf32, #tpu.memory_space<vmem>> -> memref<8x128xf32, #tpu.memory_space<vmem>>
          %dma_wait3A_696 = arith.constant 0 : i32
          %dma_wait3A_697 = arith.constant 0 : i32
          %dma_wait3A_698 = tpu.memref_slice %arg4[%mul3A_39, %dma_wait3A_696, %dma_wait3A_697] : memref<75264x8x128xf32, #tpu.memory_space<hbm>> -> memref<1x8x128xf32, #tpu.memory_space<hbm>>
          %dma_wait3A_699 = tpu.memref_squeeze %dma_wait3A_698 : memref<1x8x128xf32, #tpu.memory_space<hbm>> -> memref<8x128xf32, #tpu.memory_space<hbm>>
          %dma_wait3A_700 = arith.constant 0 : i32
          %dma_wait3A_701 = arith.constant 0 : i32
          %dma_wait3A_702 = tpu.memref_slice %arg4[%mul3A_39, %dma_wait3A_700, %dma_wait3A_701] : memref<75264x8x128xf32, #tpu.memory_space<hbm>> -> memref<1x8x128xf32, #tpu.memory_space<hbm>>
          %dma_wait3A_703 = tpu.memref_squeeze %dma_wait3A_702 : memref<1x8x128xf32, #tpu.memory_space<hbm>> -> memref<8x128xf32, #tpu.memory_space<hbm>>
          %dma_wait3A_704 = arith.constant 0 : i32
          %dma_wait3A_705 = arith.constant 0 : i32
          %dma_wait3A_706 = tpu.memref_slice %arg8[%dma_wait3A_704, %dma_wait3A_705] : memref<32x264xf32, #tpu.memory_space<vmem>> -> memref<8x128xf32, #tpu.memory_space<vmem>>
          tpu.wait_dma2 semaphore(%arg10 : memref<!tpu.dma_semaphore, #tpu.memory_space<semaphore_mem>>) src(%dma_wait3A_706 : memref<8x128xf32, #tpu.memory_space<vmem>>) dst(%dma_wait3A_703 : memref<8x128xf32, #tpu.memory_space<hbm>>)
          %dma_wait3A_707 = arith.constant 0 : i32
          %dma_wait3A_708 = arith.constant 0 : i32
          %dma_wait3A_709 = tpu.memref_slice %arg8[%dma_wait3A_707, %dma_wait3A_708] : memref<32x264xf32, #tpu.memory_space<vmem>> -> memref<8x128xf32, #tpu.memory_space<vmem>>
          %dma_wait3A_710 = arith.constant 0 : i32
          %dma_wait3A_711 = arith.constant 0 : i32
          %dma_wait3A_712 = tpu.memref_slice %arg4[%mul3A_39, %dma_wait3A_710, %dma_wait3A_711] : memref<75264x8x128xf32, #tpu.memory_space<hbm>> -> memref<1x8x128xf32, #tpu.memory_space<hbm>>
          %dma_wait3A_713 = tpu.memref_squeeze %dma_wait3A_712 : memref<1x8x128xf32, #tpu.memory_space<hbm>> -> memref<8x128xf32, #tpu.memory_space<hbm>>
          %dma_wait3A_714 = arith.constant 0 : i32
          %dma_wait3A_715 = arith.constant 0 : i32
          %dma_wait3A_716 = tpu.memref_slice %arg4[%mul3A_39, %dma_wait3A_714, %dma_wait3A_715] : memref<75264x8x128xf32, #tpu.memory_space<hbm>> -> memref<1x8x128xf32, #tpu.memory_space<hbm>>
          %dma_wait3A_717 = tpu.memref_squeeze %dma_wait3A_716 : memref<1x8x128xf32, #tpu.memory_space<hbm>> -> memref<8x128xf32, #tpu.memory_space<hbm>>
          %dma_wait3A_718 = arith.constant 0 : i32
          %dma_wait3A_719 = arith.constant 0 : i32
          %dma_wait3A_720 = tpu.memref_slice %arg8[%dma_wait3A_718, %dma_wait3A_719] : memref<32x264xf32, #tpu.memory_space<vmem>> -> memref<8x128xf32, #tpu.memory_space<vmem>>
          tpu.wait_dma2 semaphore(%arg10 : memref<!tpu.dma_semaphore, #tpu.memory_space<semaphore_mem>>) src(%dma_wait3A_720 : memref<8x128xf32, #tpu.memory_space<vmem>>) dst(%dma_wait3A_717 : memref<8x128xf32, #tpu.memory_space<hbm>>)
        } else {
        }
        %scan3A_449 = arith.constant 0 : i32
        %scan3A_450 = arith.constant 0 : i32
        %scan3A_451 = arith.constant 16 : i32
        %scan3A_452 = arith.addi %scan3A_450, %scan3A_451 : i32
        %scan3A_453 = arith.constant 2 : i32
        scf.for %scan3A_609 = %scan3A_450 to %scan3A_452 step %scan3A_453  : i32 {
          %mul3A_610 = arith.constant 16 : i32
          %mul3A_611 = arith.muli %scan3A_609, %mul3A_610 : i32
          %add3A_612 = arith.addi %mul3A_443, %mul3A_611 : i32
          %get3A = arith.index_cast %add3A_612 : i32 to index
          %get3A_613 = tpu.vector_load %arg6[%get3A] {strides = array<i32>} : memref<4096xi32, #tpu.memory_space<vmem>>, vector<16xi32>,
          %add3A_614 = vector.broadcast %mul3A_35 : i32 to vector<16xi32>
          %add3A_615 = arith.addi %get3A_613, %add3A_614 : vector<16xi32>
          %mul3A_616 = arith.constant 32 : i32
          %mul3A_617 = vector.broadcast %mul3A_616 : i32 to vector<16xi32>
          %mul3A_618 = arith.muli %add3A_615, %mul3A_617 : vector<16xi32>
          %broadcast_in_dim3A = vector.broadcast %mul3A_611 : i32 to vector<16xi32>
          %slice3A = vector.extract_strided_slice %mul3A_618 {offsets = [0], sizes = [1], strides = [1]} : vector<16xi32> to vector<1xi32>
          %squeeze3A = vector.extract %slice3A[0] : i32 from vector<1xi32>
          %get3A_619 = arith.index_cast %squeeze3A : i32 to index
          %get3A_620 = tpu.vector_load %arg5[%get3A_619] {strides = array<i32>} : memref<96000xf32, #tpu.memory_space<vmem>>, vector<16xf32>,
          %add3A_621 = arith.constant 16 : i32
          %add3A_622 = arith.addi %squeeze3A, %add3A_621 : i32
          %get3A_623 = arith.index_cast %add3A_622 : i32 to index
          %get3A_624 = tpu.vector_load %arg5[%get3A_623] {strides = array<i32>} : memref<96000xf32, #tpu.memory_space<vmem>>, vector<16xf32>,
          %slice3A_625 = vector.extract_strided_slice %mul3A_618 {offsets = [1], sizes = [1], strides = [1]} : vector<16xi32> to vector<1xi32>
          %squeeze3A_626 = vector.extract %slice3A_625[0] : i32 from vector<1xi32>
          %get3A_627 = arith.index_cast %squeeze3A_626 : i32 to index
          %get3A_628 = tpu.vector_load %arg5[%get3A_627] {strides = array<i32>} : memref<96000xf32, #tpu.memory_space<vmem>>, vector<16xf32>,
          %add3A_629 = arith.constant 16 : i32
          %add3A_630 = arith.addi %squeeze3A_626, %add3A_629 : i32
          %get3A_631 = arith.index_cast %add3A_630 : i32 to index
          %get3A_632 = tpu.vector_load %arg5[%get3A_631] {strides = array<i32>} : memref<96000xf32, #tpu.memory_space<vmem>>, vector<16xf32>,
          %slice3A_633 = vector.extract_strided_slice %mul3A_618 {offsets = [2], sizes = [1], strides = [1]} : vector<16xi32> to vector<1xi32>
          %squeeze3A_634 = vector.extract %slice3A_633[0] : i32 from vector<1xi32>
          %get3A_635 = arith.index_cast %squeeze3A_634 : i32 to index
          %get3A_636 = tpu.vector_load %arg5[%get3A_635] {strides = array<i32>} : memref<96000xf32, #tpu.memory_space<vmem>>, vector<16xf32>,
          %add3A_637 = arith.constant 16 : i32
          %add3A_638 = arith.addi %squeeze3A_634, %add3A_637 : i32
          %get3A_639 = arith.index_cast %add3A_638 : i32 to index
          %get3A_640 = tpu.vector_load %arg5[%get3A_639] {strides = array<i32>} : memref<96000xf32, #tpu.memory_space<vmem>>, vector<16xf32>,
          %slice3A_641 = vector.extract_strided_slice %mul3A_618 {offsets = [3], sizes = [1], strides = [1]} : vector<16xi32> to vector<1xi32>
          %squeeze3A_642 = vector.extract %slice3A_641[0] : i32 from vector<1xi32>
          %get3A_643 = arith.index_cast %squeeze3A_642 : i32 to index
          %get3A_644 = tpu.vector_load %arg5[%get3A_643] {strides = array<i32>} : memref<96000xf32, #tpu.memory_space<vmem>>, vector<16xf32>,
          %add3A_645 = arith.constant 16 : i32
          %add3A_646 = arith.addi %squeeze3A_642, %add3A_645 : i32
          %get3A_647 = arith.index_cast %add3A_646 : i32 to index
          %get3A_648 = tpu.vector_load %arg5[%get3A_647] {strides = array<i32>} : memref<96000xf32, #tpu.memory_space<vmem>>, vector<16xf32>,
          %slice3A_649 = vector.extract_strided_slice %mul3A_618 {offsets = [4], sizes = [1], strides = [1]} : vector<16xi32> to vector<1xi32>
          %squeeze3A_650 = vector.extract %slice3A_649[0] : i32 from vector<1xi32>
          %get3A_651 = arith.index_cast %squeeze3A_650 : i32 to index
          %get3A_652 = tpu.vector_load %arg5[%get3A_651] {strides = array<i32>} : memref<96000xf32, #tpu.memory_space<vmem>>, vector<16xf32>,
          %add3A_653 = arith.constant 16 : i32
          %add3A_654 = arith.addi %squeeze3A_650, %add3A_653 : i32
          %get3A_655 = arith.index_cast %add3A_654 : i32 to index
          %get3A_656 = tpu.vector_load %arg5[%get3A_655] {strides = array<i32>} : memref<96000xf32, #tpu.memory_space<vmem>>, vector<16xf32>,
          %slice3A_657 = vector.extract_strided_slice %mul3A_618 {offsets = [5], sizes = [1], strides = [1]} : vector<16xi32> to vector<1xi32>
          %squeeze3A_658 = vector.extract %slice3A_657[0] : i32 from vector<1xi32>
          %get3A_659 = arith.index_cast %squeeze3A_658 : i32 to index
          %get3A_660 = tpu.vector_load %arg5[%get3A_659] {strides = array<i32>} : memref<96000xf32, #tpu.memory_space<vmem>>, vector<16xf32>,
          %add3A_661 = arith.constant 16 : i32
          %add3A_662 = arith.addi %squeeze3A_658, %add3A_661 : i32
          %get3A_663 = arith.index_cast %add3A_662 : i32 to index
          %get3A_664 = tpu.vector_load %arg5[%get3A_663] {strides = array<i32>} : memref<96000xf32, #tpu.memory_space<vmem>>, vector<16xf32>,
          %slice3A_665 = vector.extract_strided_slice %mul3A_618 {offsets = [6], sizes = [1], strides = [1]} : vector<16xi32> to vector<1xi32>
          %squeeze3A_666 = vector.extract %slice3A_665[0] : i32 from vector<1xi32>
          %get3A_667 = arith.index_cast %squeeze3A_666 : i32 to index
          %get3A_668 = tpu.vector_load %arg5[%get3A_667] {strides = array<i32>} : memref<96000xf32, #tpu.memory_space<vmem>>, vector<16xf32>,
          %add3A_669 = arith.constant 16 : i32
          %add3A_670 = arith.addi %squeeze3A_666, %add3A_669 : i32
          %get3A_671 = arith.index_cast %add3A_670 : i32 to index
          %get3A_672 = tpu.vector_load %arg5[%get3A_671] {strides = array<i32>} : memref<96000xf32, #tpu.memory_space<vmem>>, vector<16xf32>,
          %slice3A_673 = vector.extract_strided_slice %mul3A_618 {offsets = [7], sizes = [1], strides = [1]} : vector<16xi32> to vector<1xi32>
          %squeeze3A_674 = vector.extract %slice3A_673[0] : i32 from vector<1xi32>
          %get3A_675 = arith.index_cast %squeeze3A_674 : i32 to index
          %get3A_676 = tpu.vector_load %arg5[%get3A_675] {strides = array<i32>} : memref<96000xf32, #tpu.memory_space<vmem>>, vector<16xf32>,
          %add3A_677 = arith.constant 16 : i32
          %add3A_678 = arith.addi %squeeze3A_674, %add3A_677 : i32
          %get3A_679 = arith.index_cast %add3A_678 : i32 to index
          %get3A_680 = tpu.vector_load %arg5[%get3A_679] {strides = array<i32>} : memref<96000xf32, #tpu.memory_space<vmem>>, vector<16xf32>,
          %add3A_681 = arith.constant 0 : i32
          %add3A_682 = vector.broadcast %add3A_681 : i32 to vector<16xi32>
          %add3A_683 = arith.addi %broadcast_in_dim3A, %add3A_682 : vector<16xi32>
          tpu.vector_store_idx %arg8[%iota3A, %add3A_683], %get3A_620 : memref<32x264xf32, #tpu.memory_space<vmem>>[vector<16xi32>, vector<16xi32>], vector<16xf32>,
          tpu.vector_store_idx %arg8[%add3A_12, %add3A_683], %get3A_624 : memref<32x264xf32, #tpu.memory_space<vmem>>[vector<16xi32>, vector<16xi32>], vector<16xf32>,
          %add3A_684 = arith.constant 1 : i32
          %add3A_685 = vector.broadcast %add3A_684 : i32 to vector<16xi32>
          %add3A_686 = arith.addi %broadcast_in_dim3A, %add3A_685 : vector<16xi32>
          tpu.vector_store_idx %arg8[%iota3A, %add3A_686], %get3A_628 : memref<32x264xf32, #tpu.memory_space<vmem>>[vector<16xi32>, vector<16xi32>], vector<16xf32>,
          tpu.vector_store_idx %arg8[%add3A_12, %add3A_686], %get3A_632 : memref<32x264xf32, #tpu.memory_space<vmem>>[vector<16xi32>, vector<16xi32>], vector<16xf32>,
          %add3A_687 = arith.constant 2 : i32
          %add3A_688 = vector.broadcast %add3A_687 : i32 to vector<16xi32>
          %add3A_689 = arith.addi %broadcast_in_dim3A, %add3A_688 : vector<16xi32>
          tpu.vector_store_idx %arg8[%iota3A, %add3A_689], %get3A_636 : memref<32x264xf32, #tpu.memory_space<vmem>>[vector<16xi32>, vector<16xi32>], vector<16xf32>,
          tpu.vector_store_idx %arg8[%add3A_12, %add3A_689], %get3A_640 : memref<32x264xf32, #tpu.memory_space<vmem>>[vector<16xi32>, vector<16xi32>], vector<16xf32>,
          %add3A_690 = arith.constant 3 : i32
          %add3A_691 = vector.broadcast %add3A_690 : i32 to vector<16xi32>
          %add3A_692 = arith.addi %broadcast_in_dim3A, %add3A_691 : vector<16xi32>
          tpu.vector_store_idx %arg8[%iota3A, %add3A_692], %get3A_644 : memref<32x264xf32, #tpu.memory_space<vmem>>[vector<16xi32>, vector<16xi32>], vector<16xf32>,
          tpu.vector_store_idx %arg8[%add3A_12, %add3A_692], %get3A_648 : memref<32x264xf32, #tpu.memory_space<vmem>>[vector<16xi32>, vector<16xi32>], vector<16xf32>,
          %add3A_693 = arith.constant 4 : i32
          %add3A_694 = vector.broadcast %add3A_693 : i32 to vector<16xi32>
          %add3A_695 = arith.addi %broadcast_in_dim3A, %add3A_694 : vector<16xi32>
          tpu.vector_store_idx %arg8[%iota3A, %add3A_695], %get3A_652 : memref<32x264xf32, #tpu.memory_space<vmem>>[vector<16xi32>, vector<16xi32>], vector<16xf32>,
          tpu.vector_store_idx %arg8[%add3A_12, %add3A_695], %get3A_656 : memref<32x264xf32, #tpu.memory_space<vmem>>[vector<16xi32>, vector<16xi32>], vector<16xf32>,
          %add3A_696 = arith.constant 5 : i32
          %add3A_697 = vector.broadcast %add3A_696 : i32 to vector<16xi32>
          %add3A_698 = arith.addi %broadcast_in_dim3A, %add3A_697 : vector<16xi32>
          tpu.vector_store_idx %arg8[%iota3A, %add3A_698], %get3A_660 : memref<32x264xf32, #tpu.memory_space<vmem>>[vector<16xi32>, vector<16xi32>], vector<16xf32>,
          tpu.vector_store_idx %arg8[%add3A_12, %add3A_698], %get3A_664 : memref<32x264xf32, #tpu.memory_space<vmem>>[vector<16xi32>, vector<16xi32>], vector<16xf32>,
          %add3A_699 = arith.constant 6 : i32
          %add3A_700 = vector.broadcast %add3A_699 : i32 to vector<16xi32>
          %add3A_701 = arith.addi %broadcast_in_dim3A, %add3A_700 : vector<16xi32>
          tpu.vector_store_idx %arg8[%iota3A, %add3A_701], %get3A_668 : memref<32x264xf32, #tpu.memory_space<vmem>>[vector<16xi32>, vector<16xi32>], vector<16xf32>,
          tpu.vector_store_idx %arg8[%add3A_12, %add3A_701], %get3A_672 : memref<32x264xf32, #tpu.memory_space<vmem>>[vector<16xi32>, vector<16xi32>], vector<16xf32>,
          %add3A_702 = arith.constant 7 : i32
          %add3A_703 = vector.broadcast %add3A_702 : i32 to vector<16xi32>
          %add3A_704 = arith.addi %broadcast_in_dim3A, %add3A_703 : vector<16xi32>
          tpu.vector_store_idx %arg8[%iota3A, %add3A_704], %get3A_676 : memref<32x264xf32, #tpu.memory_space<vmem>>[vector<16xi32>, vector<16xi32>], vector<16xf32>,
          tpu.vector_store_idx %arg8[%add3A_12, %add3A_704], %get3A_680 : memref<32x264xf32, #tpu.memory_space<vmem>>[vector<16xi32>, vector<16xi32>], vector<16xf32>,
          %slice3A_705 = vector.extract_strided_slice %mul3A_618 {offsets = [8], sizes = [1], strides = [1]} : vector<16xi32> to vector<1xi32>
          %squeeze3A_706 = vector.extract %slice3A_705[0] : i32 from vector<1xi32>
          %get3A_707 = arith.index_cast %squeeze3A_706 : i32 to index
          %get3A_708 = tpu.vector_load %arg5[%get3A_707] {strides = array<i32>} : memref<96000xf32, #tpu.memory_space<vmem>>, vector<16xf32>,
          %add3A_709 = arith.constant 16 : i32
          %add3A_710 = arith.addi %squeeze3A_706, %add3A_709 : i32
          %get3A_711 = arith.index_cast %add3A_710 : i32 to index
          %get3A_712 = tpu.vector_load %arg5[%get3A_711] {strides = array<i32>} : memref<96000xf32, #tpu.memory_space<vmem>>, vector<16xf32>,
          %slice3A_713 = vector.extract_strided_slice %mul3A_618 {offsets = [9], sizes = [1], strides = [1]} : vector<16xi32> to vector<1xi32>
          %squeeze3A_714 = vector.extract %slice3A_713[0] : i32 from vector<1xi32>
          %get3A_715 = arith.index_cast %squeeze3A_714 : i32 to index
          %get3A_716 = tpu.vector_load %arg5[%get3A_715] {strides = array<i32>} : memref<96000xf32, #tpu.memory_space<vmem>>, vector<16xf32>,
          %add3A_717 = arith.constant 16 : i32
          %add3A_718 = arith.addi %squeeze3A_714, %add3A_717 : i32
          %get3A_719 = arith.index_cast %add3A_718 : i32 to index
          %get3A_720 = tpu.vector_load %arg5[%get3A_719] {strides = array<i32>} : memref<96000xf32, #tpu.memory_space<vmem>>, vector<16xf32>,
          %slice3A_721 = vector.extract_strided_slice %mul3A_618 {offsets = [10], sizes = [1], strides = [1]} : vector<16xi32> to vector<1xi32>
          %squeeze3A_722 = vector.extract %slice3A_721[0] : i32 from vector<1xi32>
          %get3A_723 = arith.index_cast %squeeze3A_722 : i32 to index
          %get3A_724 = tpu.vector_load %arg5[%get3A_723] {strides = array<i32>} : memref<96000xf32, #tpu.memory_space<vmem>>, vector<16xf32>,
          %add3A_725 = arith.constant 16 : i32
          %add3A_726 = arith.addi %squeeze3A_722, %add3A_725 : i32
          %get3A_727 = arith.index_cast %add3A_726 : i32 to index
          %get3A_728 = tpu.vector_load %arg5[%get3A_727] {strides = array<i32>} : memref<96000xf32, #tpu.memory_space<vmem>>, vector<16xf32>,
          %slice3A_729 = vector.extract_strided_slice %mul3A_618 {offsets = [11], sizes = [1], strides = [1]} : vector<16xi32> to vector<1xi32>
          %squeeze3A_730 = vector.extract %slice3A_729[0] : i32 from vector<1xi32>
          %get3A_731 = arith.index_cast %squeeze3A_730 : i32 to index
          %get3A_732 = tpu.vector_load %arg5[%get3A_731] {strides = array<i32>} : memref<96000xf32, #tpu.memory_space<vmem>>, vector<16xf32>,
          %add3A_733 = arith.constant 16 : i32
          %add3A_734 = arith.addi %squeeze3A_730, %add3A_733 : i32
          %get3A_735 = arith.index_cast %add3A_734 : i32 to index
          %get3A_736 = tpu.vector_load %arg5[%get3A_735] {strides = array<i32>} : memref<96000xf32, #tpu.memory_space<vmem>>, vector<16xf32>,
          %slice3A_737 = vector.extract_strided_slice %mul3A_618 {offsets = [12], sizes = [1], strides = [1]} : vector<16xi32> to vector<1xi32>
          %squeeze3A_738 = vector.extract %slice3A_737[0] : i32 from vector<1xi32>
          %get3A_739 = arith.index_cast %squeeze3A_738 : i32 to index
          %get3A_740 = tpu.vector_load %arg5[%get3A_739] {strides = array<i32>} : memref<96000xf32, #tpu.memory_space<vmem>>, vector<16xf32>,
          %add3A_741 = arith.constant 16 : i32
          %add3A_742 = arith.addi %squeeze3A_738, %add3A_741 : i32
          %get3A_743 = arith.index_cast %add3A_742 : i32 to index
          %get3A_744 = tpu.vector_load %arg5[%get3A_743] {strides = array<i32>} : memref<96000xf32, #tpu.memory_space<vmem>>, vector<16xf32>,
          %slice3A_745 = vector.extract_strided_slice %mul3A_618 {offsets = [13], sizes = [1], strides = [1]} : vector<16xi32> to vector<1xi32>
          %squeeze3A_746 = vector.extract %slice3A_745[0] : i32 from vector<1xi32>
          %get3A_747 = arith.index_cast %squeeze3A_746 : i32 to index
          %get3A_748 = tpu.vector_load %arg5[%get3A_747] {strides = array<i32>} : memref<96000xf32, #tpu.memory_space<vmem>>, vector<16xf32>,
          %add3A_749 = arith.constant 16 : i32
          %add3A_750 = arith.addi %squeeze3A_746, %add3A_749 : i32
          %get3A_751 = arith.index_cast %add3A_750 : i32 to index
          %get3A_752 = tpu.vector_load %arg5[%get3A_751] {strides = array<i32>} : memref<96000xf32, #tpu.memory_space<vmem>>, vector<16xf32>,
          %slice3A_753 = vector.extract_strided_slice %mul3A_618 {offsets = [14], sizes = [1], strides = [1]} : vector<16xi32> to vector<1xi32>
          %squeeze3A_754 = vector.extract %slice3A_753[0] : i32 from vector<1xi32>
          %get3A_755 = arith.index_cast %squeeze3A_754 : i32 to index
          %get3A_756 = tpu.vector_load %arg5[%get3A_755] {strides = array<i32>} : memref<96000xf32, #tpu.memory_space<vmem>>, vector<16xf32>,
          %add3A_757 = arith.constant 16 : i32
          %add3A_758 = arith.addi %squeeze3A_754, %add3A_757 : i32
          %get3A_759 = arith.index_cast %add3A_758 : i32 to index
          %get3A_760 = tpu.vector_load %arg5[%get3A_759] {strides = array<i32>} : memref<96000xf32, #tpu.memory_space<vmem>>, vector<16xf32>,
          %slice3A_761 = vector.extract_strided_slice %mul3A_618 {offsets = [15], sizes = [1], strides = [1]} : vector<16xi32> to vector<1xi32>
          %squeeze3A_762 = vector.extract %slice3A_761[0] : i32 from vector<1xi32>
          %get3A_763 = arith.index_cast %squeeze3A_762 : i32 to index
          %get3A_764 = tpu.vector_load %arg5[%get3A_763] {strides = array<i32>} : memref<96000xf32, #tpu.memory_space<vmem>>, vector<16xf32>,
          %add3A_765 = arith.constant 16 : i32
          %add3A_766 = arith.addi %squeeze3A_762, %add3A_765 : i32
          %get3A_767 = arith.index_cast %add3A_766 : i32 to index
          %get3A_768 = tpu.vector_load %arg5[%get3A_767] {strides = array<i32>} : memref<96000xf32, #tpu.memory_space<vmem>>, vector<16xf32>,
          %add3A_769 = arith.constant 8 : i32
          %add3A_770 = vector.broadcast %add3A_769 : i32 to vector<16xi32>
          %add3A_771 = arith.addi %broadcast_in_dim3A, %add3A_770 : vector<16xi32>
          tpu.vector_store_idx %arg8[%iota3A, %add3A_771], %get3A_708 : memref<32x264xf32, #tpu.memory_space<vmem>>[vector<16xi32>, vector<16xi32>], vector<16xf32>,
          tpu.vector_store_idx %arg8[%add3A_12, %add3A_771], %get3A_712 : memref<32x264xf32, #tpu.memory_space<vmem>>[vector<16xi32>, vector<16xi32>], vector<16xf32>,
          %add3A_772 = arith.constant 9 : i32
          %add3A_773 = vector.broadcast %add3A_772 : i32 to vector<16xi32>
          %add3A_774 = arith.addi %broadcast_in_dim3A, %add3A_773 : vector<16xi32>
          tpu.vector_store_idx %arg8[%iota3A, %add3A_774], %get3A_716 : memref<32x264xf32, #tpu.memory_space<vmem>>[vector<16xi32>, vector<16xi32>], vector<16xf32>,
          tpu.vector_store_idx %arg8[%add3A_12, %add3A_774], %get3A_720 : memref<32x264xf32, #tpu.memory_space<vmem>>[vector<16xi32>, vector<16xi32>], vector<16xf32>,
          %add3A_775 = arith.constant 10 : i32
          %add3A_776 = vector.broadcast %add3A_775 : i32 to vector<16xi32>
          %add3A_777 = arith.addi %broadcast_in_dim3A, %add3A_776 : vector<16xi32>
          tpu.vector_store_idx %arg8[%iota3A, %add3A_777], %get3A_724 : memref<32x264xf32, #tpu.memory_space<vmem>>[vector<16xi32>, vector<16xi32>], vector<16xf32>,
          tpu.vector_store_idx %arg8[%add3A_12, %add3A_777], %get3A_728 : memref<32x264xf32, #tpu.memory_space<vmem>>[vector<16xi32>, vector<16xi32>], vector<16xf32>,
          %add3A_778 = arith.constant 11 : i32
          %add3A_779 = vector.broadcast %add3A_778 : i32 to vector<16xi32>
          %add3A_780 = arith.addi %broadcast_in_dim3A, %add3A_779 : vector<16xi32>
          tpu.vector_store_idx %arg8[%iota3A, %add3A_780], %get3A_732 : memref<32x264xf32, #tpu.memory_space<vmem>>[vector<16xi32>, vector<16xi32>], vector<16xf32>,
          tpu.vector_store_idx %arg8[%add3A_12, %add3A_780], %get3A_736 : memref<32x264xf32, #tpu.memory_space<vmem>>[vector<16xi32>, vector<16xi32>], vector<16xf32>,
          %add3A_781 = arith.constant 12 : i32
          %add3A_782 = vector.broadcast %add3A_781 : i32 to vector<16xi32>
          %add3A_783 = arith.addi %broadcast_in_dim3A, %add3A_782 : vector<16xi32>
          tpu.vector_store_idx %arg8[%iota3A, %add3A_783], %get3A_740 : memref<32x264xf32, #tpu.memory_space<vmem>>[vector<16xi32>, vector<16xi32>], vector<16xf32>,
          tpu.vector_store_idx %arg8[%add3A_12, %add3A_783], %get3A_744 : memref<32x264xf32, #tpu.memory_space<vmem>>[vector<16xi32>, vector<16xi32>], vector<16xf32>,
          %add3A_784 = arith.constant 13 : i32
          %add3A_785 = vector.broadcast %add3A_784 : i32 to vector<16xi32>
          %add3A_786 = arith.addi %broadcast_in_dim3A, %add3A_785 : vector<16xi32>
          tpu.vector_store_idx %arg8[%iota3A, %add3A_786], %get3A_748 : memref<32x264xf32, #tpu.memory_space<vmem>>[vector<16xi32>, vector<16xi32>], vector<16xf32>,
          tpu.vector_store_idx %arg8[%add3A_12, %add3A_786], %get3A_752 : memref<32x264xf32, #tpu.memory_space<vmem>>[vector<16xi32>, vector<16xi32>], vector<16xf32>,
          %add3A_787 = arith.constant 14 : i32
          %add3A_788 = vector.broadcast %add3A_787 : i32 to vector<16xi32>
          %add3A_789 = arith.addi %broadcast_in_dim3A, %add3A_788 : vector<16xi32>
          tpu.vector_store_idx %arg8[%iota3A, %add3A_789], %get3A_756 : memref<32x264xf32, #tpu.memory_space<vmem>>[vector<16xi32>, vector<16xi32>], vector<16xf32>,
          tpu.vector_store_idx %arg8[%add3A_12, %add3A_789], %get3A_760 : memref<32x264xf32, #tpu.memory_space<vmem>>[vector<16xi32>, vector<16xi32>], vector<16xf32>,
          %add3A_790 = arith.constant 15 : i32
          %add3A_791 = vector.broadcast %add3A_790 : i32 to vector<16xi32>
          %add3A_792 = arith.addi %broadcast_in_dim3A, %add3A_791 : vector<16xi32>
          tpu.vector_store_idx %arg8[%iota3A, %add3A_792], %get3A_764 : memref<32x264xf32, #tpu.memory_space<vmem>>[vector<16xi32>, vector<16xi32>], vector<16xf32>,
          tpu.vector_store_idx %arg8[%add3A_12, %add3A_792], %get3A_768 : memref<32x264xf32, #tpu.memory_space<vmem>>[vector<16xi32>, vector<16xi32>], vector<16xf32>,
          %scan3A_793 = arith.constant 1 : i32
          %scan3A_794 = arith.addi %scan3A_609, %scan3A_793 : i32
          %mul3A_795 = arith.constant 16 : i32
          %mul3A_796 = arith.muli %scan3A_794, %mul3A_795 : i32
          %add3A_797 = arith.addi %mul3A_443, %mul3A_796 : i32
          %get3A_798 = arith.index_cast %add3A_797 : i32 to index
          %get3A_799 = tpu.vector_load %arg6[%get3A_798] {strides = array<i32>} : memref<4096xi32, #tpu.memory_space<vmem>>, vector<16xi32>,
          %add3A_800 = vector.broadcast %mul3A_35 : i32 to vector<16xi32>
          %add3A_801 = arith.addi %get3A_799, %add3A_800 : vector<16xi32>
          %mul3A_802 = arith.constant 32 : i32
          %mul3A_803 = vector.broadcast %mul3A_802 : i32 to vector<16xi32>
          %mul3A_804 = arith.muli %add3A_801, %mul3A_803 : vector<16xi32>
          %broadcast_in_dim3A_805 = vector.broadcast %mul3A_796 : i32 to vector<16xi32>
          %slice3A_806 = vector.extract_strided_slice %mul3A_804 {offsets = [0], sizes = [1], strides = [1]} : vector<16xi32> to vector<1xi32>
          %squeeze3A_807 = vector.extract %slice3A_806[0] : i32 from vector<1xi32>
          %get3A_808 = arith.index_cast %squeeze3A_807 : i32 to index
          %get3A_809 = tpu.vector_load %arg5[%get3A_808] {strides = array<i32>} : memref<96000xf32, #tpu.memory_space<vmem>>, vector<16xf32>,
          %add3A_810 = arith.constant 16 : i32
          %add3A_811 = arith.addi %squeeze3A_807, %add3A_810 : i32
          %get3A_812 = arith.index_cast %add3A_811 : i32 to index
          %get3A_813 = tpu.vector_load %arg5[%get3A_812] {strides = array<i32>} : memref<96000xf32, #tpu.memory_space<vmem>>, vector<16xf32>,
          %slice3A_814 = vector.extract_strided_slice %mul3A_804 {offsets = [1], sizes = [1], strides = [1]} : vector<16xi32> to vector<1xi32>
          %squeeze3A_815 = vector.extract %slice3A_814[0] : i32 from vector<1xi32>
          %get3A_816 = arith.index_cast %squeeze3A_815 : i32 to index
          %get3A_817 = tpu.vector_load %arg5[%get3A_816] {strides = array<i32>} : memref<96000xf32, #tpu.memory_space<vmem>>, vector<16xf32>,
          %add3A_818 = arith.constant 16 : i32
          %add3A_819 = arith.addi %squeeze3A_815, %add3A_818 : i32
          %get3A_820 = arith.index_cast %add3A_819 : i32 to index
          %get3A_821 = tpu.vector_load %arg5[%get3A_820] {strides = array<i32>} : memref<96000xf32, #tpu.memory_space<vmem>>, vector<16xf32>,
          %slice3A_822 = vector.extract_strided_slice %mul3A_804 {offsets = [2], sizes = [1], strides = [1]} : vector<16xi32> to vector<1xi32>
          %squeeze3A_823 = vector.extract %slice3A_822[0] : i32 from vector<1xi32>
          %get3A_824 = arith.index_cast %squeeze3A_823 : i32 to index
          %get3A_825 = tpu.vector_load %arg5[%get3A_824] {strides = array<i32>} : memref<96000xf32, #tpu.memory_space<vmem>>, vector<16xf32>,
          %add3A_826 = arith.constant 16 : i32
          %add3A_827 = arith.addi %squeeze3A_823, %add3A_826 : i32
          %get3A_828 = arith.index_cast %add3A_827 : i32 to index
          %get3A_829 = tpu.vector_load %arg5[%get3A_828] {strides = array<i32>} : memref<96000xf32, #tpu.memory_space<vmem>>, vector<16xf32>,
          %slice3A_830 = vector.extract_strided_slice %mul3A_804 {offsets = [3], sizes = [1], strides = [1]} : vector<16xi32> to vector<1xi32>
          %squeeze3A_831 = vector.extract %slice3A_830[0] : i32 from vector<1xi32>
          %get3A_832 = arith.index_cast %squeeze3A_831 : i32 to index
          %get3A_833 = tpu.vector_load %arg5[%get3A_832] {strides = array<i32>} : memref<96000xf32, #tpu.memory_space<vmem>>, vector<16xf32>,
          %add3A_834 = arith.constant 16 : i32
          %add3A_835 = arith.addi %squeeze3A_831, %add3A_834 : i32
          %get3A_836 = arith.index_cast %add3A_835 : i32 to index
          %get3A_837 = tpu.vector_load %arg5[%get3A_836] {strides = array<i32>} : memref<96000xf32, #tpu.memory_space<vmem>>, vector<16xf32>,
          %slice3A_838 = vector.extract_strided_slice %mul3A_804 {offsets = [4], sizes = [1], strides = [1]} : vector<16xi32> to vector<1xi32>
          %squeeze3A_839 = vector.extract %slice3A_838[0] : i32 from vector<1xi32>
          %get3A_840 = arith.index_cast %squeeze3A_839 : i32 to index
          %get3A_841 = tpu.vector_load %arg5[%get3A_840] {strides = array<i32>} : memref<96000xf32, #tpu.memory_space<vmem>>, vector<16xf32>,
          %add3A_842 = arith.constant 16 : i32
          %add3A_843 = arith.addi %squeeze3A_839, %add3A_842 : i32
          %get3A_844 = arith.index_cast %add3A_843 : i32 to index
          %get3A_845 = tpu.vector_load %arg5[%get3A_844] {strides = array<i32>} : memref<96000xf32, #tpu.memory_space<vmem>>, vector<16xf32>,
          %slice3A_846 = vector.extract_strided_slice %mul3A_804 {offsets = [5], sizes = [1], strides = [1]} : vector<16xi32> to vector<1xi32>
          %squeeze3A_847 = vector.extract %slice3A_846[0] : i32 from vector<1xi32>
          %get3A_848 = arith.index_cast %squeeze3A_847 : i32 to index
          %get3A_849 = tpu.vector_load %arg5[%get3A_848] {strides = array<i32>} : memref<96000xf32, #tpu.memory_space<vmem>>, vector<16xf32>,
          %add3A_850 = arith.constant 16 : i32
          %add3A_851 = arith.addi %squeeze3A_847, %add3A_850 : i32
          %get3A_852 = arith.index_cast %add3A_851 : i32 to index
          %get3A_853 = tpu.vector_load %arg5[%get3A_852] {strides = array<i32>} : memref<96000xf32, #tpu.memory_space<vmem>>, vector<16xf32>,
          %slice3A_854 = vector.extract_strided_slice %mul3A_804 {offsets = [6], sizes = [1], strides = [1]} : vector<16xi32> to vector<1xi32>
          %squeeze3A_855 = vector.extract %slice3A_854[0] : i32 from vector<1xi32>
          %get3A_856 = arith.index_cast %squeeze3A_855 : i32 to index
          %get3A_857 = tpu.vector_load %arg5[%get3A_856] {strides = array<i32>} : memref<96000xf32, #tpu.memory_space<vmem>>, vector<16xf32>,
          %add3A_858 = arith.constant 16 : i32
          %add3A_859 = arith.addi %squeeze3A_855, %add3A_858 : i32
          %get3A_860 = arith.index_cast %add3A_859 : i32 to index
          %get3A_861 = tpu.vector_load %arg5[%get3A_860] {strides = array<i32>} : memref<96000xf32, #tpu.memory_space<vmem>>, vector<16xf32>,
          %slice3A_862 = vector.extract_strided_slice %mul3A_804 {offsets = [7], sizes = [1], strides = [1]} : vector<16xi32> to vector<1xi32>
          %squeeze3A_863 = vector.extract %slice3A_862[0] : i32 from vector<1xi32>
          %get3A_864 = arith.index_cast %squeeze3A_863 : i32 to index
          %get3A_865 = tpu.vector_load %arg5[%get3A_864] {strides = array<i32>} : memref<96000xf32, #tpu.memory_space<vmem>>, vector<16xf32>,
          %add3A_866 = arith.constant 16 : i32
          %add3A_867 = arith.addi %squeeze3A_863, %add3A_866 : i32
          %get3A_868 = arith.index_cast %add3A_867 : i32 to index
          %get3A_869 = tpu.vector_load %arg5[%get3A_868] {strides = array<i32>} : memref<96000xf32, #tpu.memory_space<vmem>>, vector<16xf32>,
          %add3A_870 = arith.constant 0 : i32
          %add3A_871 = vector.broadcast %add3A_870 : i32 to vector<16xi32>
          %add3A_872 = arith.addi %broadcast_in_dim3A_805, %add3A_871 : vector<16xi32>
          tpu.vector_store_idx %arg8[%iota3A, %add3A_872], %get3A_809 : memref<32x264xf32, #tpu.memory_space<vmem>>[vector<16xi32>, vector<16xi32>], vector<16xf32>,
          tpu.vector_store_idx %arg8[%add3A_12, %add3A_872], %get3A_813 : memref<32x264xf32, #tpu.memory_space<vmem>>[vector<16xi32>, vector<16xi32>], vector<16xf32>,
          %add3A_873 = arith.constant 1 : i32
          %add3A_874 = vector.broadcast %add3A_873 : i32 to vector<16xi32>
          %add3A_875 = arith.addi %broadcast_in_dim3A_805, %add3A_874 : vector<16xi32>
          tpu.vector_store_idx %arg8[%iota3A, %add3A_875], %get3A_817 : memref<32x264xf32, #tpu.memory_space<vmem>>[vector<16xi32>, vector<16xi32>], vector<16xf32>,
          tpu.vector_store_idx %arg8[%add3A_12, %add3A_875], %get3A_821 : memref<32x264xf32, #tpu.memory_space<vmem>>[vector<16xi32>, vector<16xi32>], vector<16xf32>,
          %add3A_876 = arith.constant 2 : i32
          %add3A_877 = vector.broadcast %add3A_876 : i32 to vector<16xi32>
          %add3A_878 = arith.addi %broadcast_in_dim3A_805, %add3A_877 : vector<16xi32>
          tpu.vector_store_idx %arg8[%iota3A, %add3A_878], %get3A_825 : memref<32x264xf32, #tpu.memory_space<vmem>>[vector<16xi32>, vector<16xi32>], vector<16xf32>,
          tpu.vector_store_idx %arg8[%add3A_12, %add3A_878], %get3A_829 : memref<32x264xf32, #tpu.memory_space<vmem>>[vector<16xi32>, vector<16xi32>], vector<16xf32>,
          %add3A_879 = arith.constant 3 : i32
          %add3A_880 = vector.broadcast %add3A_879 : i32 to vector<16xi32>
          %add3A_881 = arith.addi %broadcast_in_dim3A_805, %add3A_880 : vector<16xi32>
          tpu.vector_store_idx %arg8[%iota3A, %add3A_881], %get3A_833 : memref<32x264xf32, #tpu.memory_space<vmem>>[vector<16xi32>, vector<16xi32>], vector<16xf32>,
          tpu.vector_store_idx %arg8[%add3A_12, %add3A_881], %get3A_837 : memref<32x264xf32, #tpu.memory_space<vmem>>[vector<16xi32>, vector<16xi32>], vector<16xf32>,
          %add3A_882 = arith.constant 4 : i32
          %add3A_883 = vector.broadcast %add3A_882 : i32 to vector<16xi32>
          %add3A_884 = arith.addi %broadcast_in_dim3A_805, %add3A_883 : vector<16xi32>
          tpu.vector_store_idx %arg8[%iota3A, %add3A_884], %get3A_841 : memref<32x264xf32, #tpu.memory_space<vmem>>[vector<16xi32>, vector<16xi32>], vector<16xf32>,
          tpu.vector_store_idx %arg8[%add3A_12, %add3A_884], %get3A_845 : memref<32x264xf32, #tpu.memory_space<vmem>>[vector<16xi32>, vector<16xi32>], vector<16xf32>,
          %add3A_885 = arith.constant 5 : i32
          %add3A_886 = vector.broadcast %add3A_885 : i32 to vector<16xi32>
          %add3A_887 = arith.addi %broadcast_in_dim3A_805, %add3A_886 : vector<16xi32>
          tpu.vector_store_idx %arg8[%iota3A, %add3A_887], %get3A_849 : memref<32x264xf32, #tpu.memory_space<vmem>>[vector<16xi32>, vector<16xi32>], vector<16xf32>,
          tpu.vector_store_idx %arg8[%add3A_12, %add3A_887], %get3A_853 : memref<32x264xf32, #tpu.memory_space<vmem>>[vector<16xi32>, vector<16xi32>], vector<16xf32>,
          %add3A_888 = arith.constant 6 : i32
          %add3A_889 = vector.broadcast %add3A_888 : i32 to vector<16xi32>
          %add3A_890 = arith.addi %broadcast_in_dim3A_805, %add3A_889 : vector<16xi32>
          tpu.vector_store_idx %arg8[%iota3A, %add3A_890], %get3A_857 : memref<32x264xf32, #tpu.memory_space<vmem>>[vector<16xi32>, vector<16xi32>], vector<16xf32>,
          tpu.vector_store_idx %arg8[%add3A_12, %add3A_890], %get3A_861 : memref<32x264xf32, #tpu.memory_space<vmem>>[vector<16xi32>, vector<16xi32>], vector<16xf32>,
          %add3A_891 = arith.constant 7 : i32
          %add3A_892 = vector.broadcast %add3A_891 : i32 to vector<16xi32>
          %add3A_893 = arith.addi %broadcast_in_dim3A_805, %add3A_892 : vector<16xi32>
          tpu.vector_store_idx %arg8[%iota3A, %add3A_893], %get3A_865 : memref<32x264xf32, #tpu.memory_space<vmem>>[vector<16xi32>, vector<16xi32>], vector<16xf32>,
          tpu.vector_store_idx %arg8[%add3A_12, %add3A_893], %get3A_869 : memref<32x264xf32, #tpu.memory_space<vmem>>[vector<16xi32>, vector<16xi32>], vector<16xf32>,
          %slice3A_894 = vector.extract_strided_slice %mul3A_804 {offsets = [8], sizes = [1], strides = [1]} : vector<16xi32> to vector<1xi32>
          %squeeze3A_895 = vector.extract %slice3A_894[0] : i32 from vector<1xi32>
          %get3A_896 = arith.index_cast %squeeze3A_895 : i32 to index
          %get3A_897 = tpu.vector_load %arg5[%get3A_896] {strides = array<i32>} : memref<96000xf32, #tpu.memory_space<vmem>>, vector<16xf32>,
          %add3A_898 = arith.constant 16 : i32
          %add3A_899 = arith.addi %squeeze3A_895, %add3A_898 : i32
          %get3A_900 = arith.index_cast %add3A_899 : i32 to index
          %get3A_901 = tpu.vector_load %arg5[%get3A_900] {strides = array<i32>} : memref<96000xf32, #tpu.memory_space<vmem>>, vector<16xf32>,
          %slice3A_902 = vector.extract_strided_slice %mul3A_804 {offsets = [9], sizes = [1], strides = [1]} : vector<16xi32> to vector<1xi32>
          %squeeze3A_903 = vector.extract %slice3A_902[0] : i32 from vector<1xi32>
          %get3A_904 = arith.index_cast %squeeze3A_903 : i32 to index
          %get3A_905 = tpu.vector_load %arg5[%get3A_904] {strides = array<i32>} : memref<96000xf32, #tpu.memory_space<vmem>>, vector<16xf32>,
          %add3A_906 = arith.constant 16 : i32
          %add3A_907 = arith.addi %squeeze3A_903, %add3A_906 : i32
          %get3A_908 = arith.index_cast %add3A_907 : i32 to index
          %get3A_909 = tpu.vector_load %arg5[%get3A_908] {strides = array<i32>} : memref<96000xf32, #tpu.memory_space<vmem>>, vector<16xf32>,
          %slice3A_910 = vector.extract_strided_slice %mul3A_804 {offsets = [10], sizes = [1], strides = [1]} : vector<16xi32> to vector<1xi32>
          %squeeze3A_911 = vector.extract %slice3A_910[0] : i32 from vector<1xi32>
          %get3A_912 = arith.index_cast %squeeze3A_911 : i32 to index
          %get3A_913 = tpu.vector_load %arg5[%get3A_912] {strides = array<i32>} : memref<96000xf32, #tpu.memory_space<vmem>>, vector<16xf32>,
          %add3A_914 = arith.constant 16 : i32
          %add3A_915 = arith.addi %squeeze3A_911, %add3A_914 : i32
          %get3A_916 = arith.index_cast %add3A_915 : i32 to index
          %get3A_917 = tpu.vector_load %arg5[%get3A_916] {strides = array<i32>} : memref<96000xf32, #tpu.memory_space<vmem>>, vector<16xf32>,
          %slice3A_918 = vector.extract_strided_slice %mul3A_804 {offsets = [11], sizes = [1], strides = [1]} : vector<16xi32> to vector<1xi32>
          %squeeze3A_919 = vector.extract %slice3A_918[0] : i32 from vector<1xi32>
          %get3A_920 = arith.index_cast %squeeze3A_919 : i32 to index
          %get3A_921 = tpu.vector_load %arg5[%get3A_920] {strides = array<i32>} : memref<96000xf32, #tpu.memory_space<vmem>>, vector<16xf32>,
          %add3A_922 = arith.constant 16 : i32
          %add3A_923 = arith.addi %squeeze3A_919, %add3A_922 : i32
          %get3A_924 = arith.index_cast %add3A_923 : i32 to index
          %get3A_925 = tpu.vector_load %arg5[%get3A_924] {strides = array<i32>} : memref<96000xf32, #tpu.memory_space<vmem>>, vector<16xf32>,
          %slice3A_926 = vector.extract_strided_slice %mul3A_804 {offsets = [12], sizes = [1], strides = [1]} : vector<16xi32> to vector<1xi32>
          %squeeze3A_927 = vector.extract %slice3A_926[0] : i32 from vector<1xi32>
          %get3A_928 = arith.index_cast %squeeze3A_927 : i32 to index
          %get3A_929 = tpu.vector_load %arg5[%get3A_928] {strides = array<i32>} : memref<96000xf32, #tpu.memory_space<vmem>>, vector<16xf32>,
          %add3A_930 = arith.constant 16 : i32
          %add3A_931 = arith.addi %squeeze3A_927, %add3A_930 : i32
          %get3A_932 = arith.index_cast %add3A_931 : i32 to index
          %get3A_933 = tpu.vector_load %arg5[%get3A_932] {strides = array<i32>} : memref<96000xf32, #tpu.memory_space<vmem>>, vector<16xf32>,
          %slice3A_934 = vector.extract_strided_slice %mul3A_804 {offsets = [13], sizes = [1], strides = [1]} : vector<16xi32> to vector<1xi32>
          %squeeze3A_935 = vector.extract %slice3A_934[0] : i32 from vector<1xi32>
          %get3A_936 = arith.index_cast %squeeze3A_935 : i32 to index
          %get3A_937 = tpu.vector_load %arg5[%get3A_936] {strides = array<i32>} : memref<96000xf32, #tpu.memory_space<vmem>>, vector<16xf32>,
          %add3A_938 = arith.constant 16 : i32
          %add3A_939 = arith.addi %squeeze3A_935, %add3A_938 : i32
          %get3A_940 = arith.index_cast %add3A_939 : i32 to index
          %get3A_941 = tpu.vector_load %arg5[%get3A_940] {strides = array<i32>} : memref<96000xf32, #tpu.memory_space<vmem>>, vector<16xf32>,
          %slice3A_942 = vector.extract_strided_slice %mul3A_804 {offsets = [14], sizes = [1], strides = [1]} : vector<16xi32> to vector<1xi32>
          %squeeze3A_943 = vector.extract %slice3A_942[0] : i32 from vector<1xi32>
          %get3A_944 = arith.index_cast %squeeze3A_943 : i32 to index
          %get3A_945 = tpu.vector_load %arg5[%get3A_944] {strides = array<i32>} : memref<96000xf32, #tpu.memory_space<vmem>>, vector<16xf32>,
          %add3A_946 = arith.constant 16 : i32
          %add3A_947 = arith.addi %squeeze3A_943, %add3A_946 : i32
          %get3A_948 = arith.index_cast %add3A_947 : i32 to index
          %get3A_949 = tpu.vector_load %arg5[%get3A_948] {strides = array<i32>} : memref<96000xf32, #tpu.memory_space<vmem>>, vector<16xf32>,
          %slice3A_950 = vector.extract_strided_slice %mul3A_804 {offsets = [15], sizes = [1], strides = [1]} : vector<16xi32> to vector<1xi32>
          %squeeze3A_951 = vector.extract %slice3A_950[0] : i32 from vector<1xi32>
          %get3A_952 = arith.index_cast %squeeze3A_951 : i32 to index
          %get3A_953 = tpu.vector_load %arg5[%get3A_952] {strides = array<i32>} : memref<96000xf32, #tpu.memory_space<vmem>>, vector<16xf32>,
          %add3A_954 = arith.constant 16 : i32
          %add3A_955 = arith.addi %squeeze3A_951, %add3A_954 : i32
          %get3A_956 = arith.index_cast %add3A_955 : i32 to index
          %get3A_957 = tpu.vector_load %arg5[%get3A_956] {strides = array<i32>} : memref<96000xf32, #tpu.memory_space<vmem>>, vector<16xf32>,
          %add3A_958 = arith.constant 8 : i32
          %add3A_959 = vector.broadcast %add3A_958 : i32 to vector<16xi32>
          %add3A_960 = arith.addi %broadcast_in_dim3A_805, %add3A_959 : vector<16xi32>
          tpu.vector_store_idx %arg8[%iota3A, %add3A_960], %get3A_897 : memref<32x264xf32, #tpu.memory_space<vmem>>[vector<16xi32>, vector<16xi32>], vector<16xf32>,
          tpu.vector_store_idx %arg8[%add3A_12, %add3A_960], %get3A_901 : memref<32x264xf32, #tpu.memory_space<vmem>>[vector<16xi32>, vector<16xi32>], vector<16xf32>,
          %add3A_961 = arith.constant 9 : i32
          %add3A_962 = vector.broadcast %add3A_961 : i32 to vector<16xi32>
          %add3A_963 = arith.addi %broadcast_in_dim3A_805, %add3A_962 : vector<16xi32>
          tpu.vector_store_idx %arg8[%iota3A, %add3A_963], %get3A_905 : memref<32x264xf32, #tpu.memory_space<vmem>>[vector<16xi32>, vector<16xi32>], vector<16xf32>,
          tpu.vector_store_idx %arg8[%add3A_12, %add3A_963], %get3A_909 : memref<32x264xf32, #tpu.memory_space<vmem>>[vector<16xi32>, vector<16xi32>], vector<16xf32>,
          %add3A_964 = arith.constant 10 : i32
          %add3A_965 = vector.broadcast %add3A_964 : i32 to vector<16xi32>
          %add3A_966 = arith.addi %broadcast_in_dim3A_805, %add3A_965 : vector<16xi32>
          tpu.vector_store_idx %arg8[%iota3A, %add3A_966], %get3A_913 : memref<32x264xf32, #tpu.memory_space<vmem>>[vector<16xi32>, vector<16xi32>], vector<16xf32>,
          tpu.vector_store_idx %arg8[%add3A_12, %add3A_966], %get3A_917 : memref<32x264xf32, #tpu.memory_space<vmem>>[vector<16xi32>, vector<16xi32>], vector<16xf32>,
          %add3A_967 = arith.constant 11 : i32
          %add3A_968 = vector.broadcast %add3A_967 : i32 to vector<16xi32>
          %add3A_969 = arith.addi %broadcast_in_dim3A_805, %add3A_968 : vector<16xi32>
          tpu.vector_store_idx %arg8[%iota3A, %add3A_969], %get3A_921 : memref<32x264xf32, #tpu.memory_space<vmem>>[vector<16xi32>, vector<16xi32>], vector<16xf32>,
          tpu.vector_store_idx %arg8[%add3A_12, %add3A_969], %get3A_925 : memref<32x264xf32, #tpu.memory_space<vmem>>[vector<16xi32>, vector<16xi32>], vector<16xf32>,
          %add3A_970 = arith.constant 12 : i32
          %add3A_971 = vector.broadcast %add3A_970 : i32 to vector<16xi32>
          %add3A_972 = arith.addi %broadcast_in_dim3A_805, %add3A_971 : vector<16xi32>
          tpu.vector_store_idx %arg8[%iota3A, %add3A_972], %get3A_929 : memref<32x264xf32, #tpu.memory_space<vmem>>[vector<16xi32>, vector<16xi32>], vector<16xf32>,
          tpu.vector_store_idx %arg8[%add3A_12, %add3A_972], %get3A_933 : memref<32x264xf32, #tpu.memory_space<vmem>>[vector<16xi32>, vector<16xi32>], vector<16xf32>,
          %add3A_973 = arith.constant 13 : i32
          %add3A_974 = vector.broadcast %add3A_973 : i32 to vector<16xi32>
          %add3A_975 = arith.addi %broadcast_in_dim3A_805, %add3A_974 : vector<16xi32>
          tpu.vector_store_idx %arg8[%iota3A, %add3A_975], %get3A_937 : memref<32x264xf32, #tpu.memory_space<vmem>>[vector<16xi32>, vector<16xi32>], vector<16xf32>,
          tpu.vector_store_idx %arg8[%add3A_12, %add3A_975], %get3A_941 : memref<32x264xf32, #tpu.memory_space<vmem>>[vector<16xi32>, vector<16xi32>], vector<16xf32>,
          %add3A_976 = arith.constant 14 : i32
          %add3A_977 = vector.broadcast %add3A_976 : i32 to vector<16xi32>
          %add3A_978 = arith.addi %broadcast_in_dim3A_805, %add3A_977 : vector<16xi32>
          tpu.vector_store_idx %arg8[%iota3A, %add3A_978], %get3A_945 : memref<32x264xf32, #tpu.memory_space<vmem>>[vector<16xi32>, vector<16xi32>], vector<16xf32>,
          tpu.vector_store_idx %arg8[%add3A_12, %add3A_978], %get3A_949 : memref<32x264xf32, #tpu.memory_space<vmem>>[vector<16xi32>, vector<16xi32>], vector<16xf32>,
          %add3A_979 = arith.constant 15 : i32
          %add3A_980 = vector.broadcast %add3A_979 : i32 to vector<16xi32>
          %add3A_981 = arith.addi %broadcast_in_dim3A_805, %add3A_980 : vector<16xi32>
          tpu.vector_store_idx %arg8[%iota3A, %add3A_981], %get3A_953 : memref<32x264xf32, #tpu.memory_space<vmem>>[vector<16xi32>, vector<16xi32>], vector<16xf32>,
          tpu.vector_store_idx %arg8[%add3A_12, %add3A_981], %get3A_957 : memref<32x264xf32, #tpu.memory_space<vmem>>[vector<16xi32>, vector<16xi32>], vector<16xf32>,
        }
        %scan3A_454 = arith.constant 16 : i32
        %mul3A_455 = arith.constant 2 : i32
        %mul3A_456 = arith.muli %add3A_441, %mul3A_455 : i32
        %add3A_457 = arith.constant 0 : i32
        %add3A_458 = arith.addi %mul3A_39, %add3A_457 : i32
        %add3A_459 = arith.addi %add3A_458, %mul3A_456 : i32
        %add3A_460 = arith.constant 0 : i32
        %add3A_461 = arith.addi %add3A_459, %add3A_460 : i32
        %dma_start3A_462 = arith.constant 0 : i32
        %dma_start3A_463 = arith.constant 0 : i32
        %dma_start3A_464 = tpu.memref_slice %arg8[%dma_start3A_462, %dma_start3A_463] : memref<32x264xf32, #tpu.memory_space<vmem>> -> memref<8x128xf32, #tpu.memory_space<vmem>>
        %dma_start3A_465 = arith.constant 0 : i32
        %dma_start3A_466 = arith.constant 0 : i32
        %dma_start3A_467 = tpu.memref_slice %arg4[%add3A_461, %dma_start3A_465, %dma_start3A_466] : memref<75264x8x128xf32, #tpu.memory_space<hbm>> -> memref<1x8x128xf32, #tpu.memory_space<hbm>>
        %dma_start3A_468 = tpu.memref_squeeze %dma_start3A_467 : memref<1x8x128xf32, #tpu.memory_space<hbm>> -> memref<8x128xf32, #tpu.memory_space<hbm>>
        %dma_start3A_469 = arith.constant 0 : i32
        %dma_start3A_470 = arith.constant 0 : i32
        %dma_start3A_471 = tpu.memref_slice %arg4[%add3A_461, %dma_start3A_469, %dma_start3A_470] : memref<75264x8x128xf32, #tpu.memory_space<hbm>> -> memref<1x8x128xf32, #tpu.memory_space<hbm>>
        %dma_start3A_472 = tpu.memref_squeeze %dma_start3A_471 : memref<1x8x128xf32, #tpu.memory_space<hbm>> -> memref<8x128xf32, #tpu.memory_space<hbm>>
        %dma_start3A_473 = arith.constant 0 : i32
        %dma_start3A_474 = arith.constant 0 : i32
        %dma_start3A_475 = tpu.memref_slice %arg8[%dma_start3A_473, %dma_start3A_474] : memref<32x264xf32, #tpu.memory_space<vmem>> -> memref<8x128xf32, #tpu.memory_space<vmem>>
        tpu.enqueue_dma source(%dma_start3A_475 : memref<8x128xf32, #tpu.memory_space<vmem>>) target(%dma_start3A_472 : memref<8x128xf32, #tpu.memory_space<hbm>>) target_semaphore(%arg10 : memref<!tpu.dma_semaphore, #tpu.memory_space<semaphore_mem>>)
        %add3A_476 = arith.constant 0 : i32
        %add3A_477 = arith.addi %mul3A_39, %add3A_476 : i32
        %add3A_478 = arith.addi %add3A_477, %mul3A_456 : i32
        %add3A_479 = arith.constant 1 : i32
        %add3A_480 = arith.addi %add3A_478, %add3A_479 : i32
        %dma_start3A_481 = arith.constant 0 : i32
        %dma_start3A_482 = arith.constant 128 : i32
        %dma_start3A_483 = tpu.memref_slice %arg8[%dma_start3A_481, %dma_start3A_482] : memref<32x264xf32, #tpu.memory_space<vmem>> -> memref<8x128xf32, #tpu.memory_space<vmem>>
        %dma_start3A_484 = arith.constant 0 : i32
        %dma_start3A_485 = arith.constant 0 : i32
        %dma_start3A_486 = tpu.memref_slice %arg4[%add3A_480, %dma_start3A_484, %dma_start3A_485] : memref<75264x8x128xf32, #tpu.memory_space<hbm>> -> memref<1x8x128xf32, #tpu.memory_space<hbm>>
        %dma_start3A_487 = tpu.memref_squeeze %dma_start3A_486 : memref<1x8x128xf32, #tpu.memory_space<hbm>> -> memref<8x128xf32, #tpu.memory_space<hbm>>
        %dma_start3A_488 = arith.constant 0 : i32
        %dma_start3A_489 = arith.constant 0 : i32
        %dma_start3A_490 = tpu.memref_slice %arg4[%add3A_480, %dma_start3A_488, %dma_start3A_489] : memref<75264x8x128xf32, #tpu.memory_space<hbm>> -> memref<1x8x128xf32, #tpu.memory_space<hbm>>
        %dma_start3A_491 = tpu.memref_squeeze %dma_start3A_490 : memref<1x8x128xf32, #tpu.memory_space<hbm>> -> memref<8x128xf32, #tpu.memory_space<hbm>>
        %dma_start3A_492 = arith.constant 0 : i32
        %dma_start3A_493 = arith.constant 128 : i32
        %dma_start3A_494 = tpu.memref_slice %arg8[%dma_start3A_492, %dma_start3A_493] : memref<32x264xf32, #tpu.memory_space<vmem>> -> memref<8x128xf32, #tpu.memory_space<vmem>>
        tpu.enqueue_dma source(%dma_start3A_494 : memref<8x128xf32, #tpu.memory_space<vmem>>) target(%dma_start3A_491 : memref<8x128xf32, #tpu.memory_space<hbm>>) target_semaphore(%arg10 : memref<!tpu.dma_semaphore, #tpu.memory_space<semaphore_mem>>)
        %add3A_495 = arith.constant 32 : i32
        %add3A_496 = arith.addi %mul3A_39, %add3A_495 : i32
        %add3A_497 = arith.addi %add3A_496, %mul3A_456 : i32
        %add3A_498 = arith.constant 0 : i32
        %add3A_499 = arith.addi %add3A_497, %add3A_498 : i32
        %dma_start3A_500 = arith.constant 8 : i32
        %dma_start3A_501 = arith.constant 0 : i32
        %dma_start3A_502 = tpu.memref_slice %arg8[%dma_start3A_500, %dma_start3A_501] : memref<32x264xf32, #tpu.memory_space<vmem>> -> memref<8x128xf32, #tpu.memory_space<vmem>>
        %dma_start3A_503 = arith.constant 0 : i32
        %dma_start3A_504 = arith.constant 0 : i32
        %dma_start3A_505 = tpu.memref_slice %arg4[%add3A_499, %dma_start3A_503, %dma_start3A_504] : memref<75264x8x128xf32, #tpu.memory_space<hbm>> -> memref<1x8x128xf32, #tpu.memory_space<hbm>>
        %dma_start3A_506 = tpu.memref_squeeze %dma_start3A_505 : memref<1x8x128xf32, #tpu.memory_space<hbm>> -> memref<8x128xf32, #tpu.memory_space<hbm>>
        %dma_start3A_507 = arith.constant 0 : i32
        %dma_start3A_508 = arith.constant 0 : i32
        %dma_start3A_509 = tpu.memref_slice %arg4[%add3A_499, %dma_start3A_507, %dma_start3A_508] : memref<75264x8x128xf32, #tpu.memory_space<hbm>> -> memref<1x8x128xf32, #tpu.memory_space<hbm>>
        %dma_start3A_510 = tpu.memref_squeeze %dma_start3A_509 : memref<1x8x128xf32, #tpu.memory_space<hbm>> -> memref<8x128xf32, #tpu.memory_space<hbm>>
        %dma_start3A_511 = arith.constant 8 : i32
        %dma_start3A_512 = arith.constant 0 : i32
        %dma_start3A_513 = tpu.memref_slice %arg8[%dma_start3A_511, %dma_start3A_512] : memref<32x264xf32, #tpu.memory_space<vmem>> -> memref<8x128xf32, #tpu.memory_space<vmem>>
        tpu.enqueue_dma source(%dma_start3A_513 : memref<8x128xf32, #tpu.memory_space<vmem>>) target(%dma_start3A_510 : memref<8x128xf32, #tpu.memory_space<hbm>>) target_semaphore(%arg10 : memref<!tpu.dma_semaphore, #tpu.memory_space<semaphore_mem>>)
        %add3A_514 = arith.constant 32 : i32
        %add3A_515 = arith.addi %mul3A_39, %add3A_514 : i32
        %add3A_516 = arith.addi %add3A_515, %mul3A_456 : i32
        %add3A_517 = arith.constant 1 : i32
        %add3A_518 = arith.addi %add3A_516, %add3A_517 : i32
        %dma_start3A_519 = arith.constant 8 : i32
        %dma_start3A_520 = arith.constant 128 : i32
        %dma_start3A_521 = tpu.memref_slice %arg8[%dma_start3A_519, %dma_start3A_520] : memref<32x264xf32, #tpu.memory_space<vmem>> -> memref<8x128xf32, #tpu.memory_space<vmem>>
        %dma_start3A_522 = arith.constant 0 : i32
        %dma_start3A_523 = arith.constant 0 : i32
        %dma_start3A_524 = tpu.memref_slice %arg4[%add3A_518, %dma_start3A_522, %dma_start3A_523] : memref<75264x8x128xf32, #tpu.memory_space<hbm>> -> memref<1x8x128xf32, #tpu.memory_space<hbm>>
        %dma_start3A_525 = tpu.memref_squeeze %dma_start3A_524 : memref<1x8x128xf32, #tpu.memory_space<hbm>> -> memref<8x128xf32, #tpu.memory_space<hbm>>
        %dma_start3A_526 = arith.constant 0 : i32
        %dma_start3A_527 = arith.constant 0 : i32
        %dma_start3A_528 = tpu.memref_slice %arg4[%add3A_518, %dma_start3A_526, %dma_start3A_527] : memref<75264x8x128xf32, #tpu.memory_space<hbm>> -> memref<1x8x128xf32, #tpu.memory_space<hbm>>
        %dma_start3A_529 = tpu.memref_squeeze %dma_start3A_528 : memref<1x8x128xf32, #tpu.memory_space<hbm>> -> memref<8x128xf32, #tpu.memory_space<hbm>>
        %dma_start3A_530 = arith.constant 8 : i32
        %dma_start3A_531 = arith.constant 128 : i32
        %dma_start3A_532 = tpu.memref_slice %arg8[%dma_start3A_530, %dma_start3A_531] : memref<32x264xf32, #tpu.memory_space<vmem>> -> memref<8x128xf32, #tpu.memory_space<vmem>>
        tpu.enqueue_dma source(%dma_start3A_532 : memref<8x128xf32, #tpu.memory_space<vmem>>) target(%dma_start3A_529 : memref<8x128xf32, #tpu.memory_space<hbm>>) target_semaphore(%arg10 : memref<!tpu.dma_semaphore, #tpu.memory_space<semaphore_mem>>)
        %add3A_533 = arith.constant 64 : i32
        %add3A_534 = arith.addi %mul3A_39, %add3A_533 : i32
        %add3A_535 = arith.addi %add3A_534, %mul3A_456 : i32
        %add3A_536 = arith.constant 0 : i32
        %add3A_537 = arith.addi %add3A_535, %add3A_536 : i32
        %dma_start3A_538 = arith.constant 16 : i32
        %dma_start3A_539 = arith.constant 0 : i32
        %dma_start3A_540 = tpu.memref_slice %arg8[%dma_start3A_538, %dma_start3A_539] : memref<32x264xf32, #tpu.memory_space<vmem>> -> memref<8x128xf32, #tpu.memory_space<vmem>>
        %dma_start3A_541 = arith.constant 0 : i32
        %dma_start3A_542 = arith.constant 0 : i32
        %dma_start3A_543 = tpu.memref_slice %arg4[%add3A_537, %dma_start3A_541, %dma_start3A_542] : memref<75264x8x128xf32, #tpu.memory_space<hbm>> -> memref<1x8x128xf32, #tpu.memory_space<hbm>>
        %dma_start3A_544 = tpu.memref_squeeze %dma_start3A_543 : memref<1x8x128xf32, #tpu.memory_space<hbm>> -> memref<8x128xf32, #tpu.memory_space<hbm>>
        %dma_start3A_545 = arith.constant 0 : i32
        %dma_start3A_546 = arith.constant 0 : i32
        %dma_start3A_547 = tpu.memref_slice %arg4[%add3A_537, %dma_start3A_545, %dma_start3A_546] : memref<75264x8x128xf32, #tpu.memory_space<hbm>> -> memref<1x8x128xf32, #tpu.memory_space<hbm>>
        %dma_start3A_548 = tpu.memref_squeeze %dma_start3A_547 : memref<1x8x128xf32, #tpu.memory_space<hbm>> -> memref<8x128xf32, #tpu.memory_space<hbm>>
        %dma_start3A_549 = arith.constant 16 : i32
        %dma_start3A_550 = arith.constant 0 : i32
        %dma_start3A_551 = tpu.memref_slice %arg8[%dma_start3A_549, %dma_start3A_550] : memref<32x264xf32, #tpu.memory_space<vmem>> -> memref<8x128xf32, #tpu.memory_space<vmem>>
        tpu.enqueue_dma source(%dma_start3A_551 : memref<8x128xf32, #tpu.memory_space<vmem>>) target(%dma_start3A_548 : memref<8x128xf32, #tpu.memory_space<hbm>>) target_semaphore(%arg10 : memref<!tpu.dma_semaphore, #tpu.memory_space<semaphore_mem>>)
        %add3A_552 = arith.constant 64 : i32
        %add3A_553 = arith.addi %mul3A_39, %add3A_552 : i32
        %add3A_554 = arith.addi %add3A_553, %mul3A_456 : i32
        %add3A_555 = arith.constant 1 : i32
        %add3A_556 = arith.addi %add3A_554, %add3A_555 : i32
        %dma_start3A_557 = arith.constant 16 : i32
        %dma_start3A_558 = arith.constant 128 : i32
        %dma_start3A_559 = tpu.memref_slice %arg8[%dma_start3A_557, %dma_start3A_558] : memref<32x264xf32, #tpu.memory_space<vmem>> -> memref<8x128xf32, #tpu.memory_space<vmem>>
        %dma_start3A_560 = arith.constant 0 : i32
        %dma_start3A_561 = arith.constant 0 : i32
        %dma_start3A_562 = tpu.memref_slice %arg4[%add3A_556, %dma_start3A_560, %dma_start3A_561] : memref<75264x8x128xf32, #tpu.memory_space<hbm>> -> memref<1x8x128xf32, #tpu.memory_space<hbm>>
        %dma_start3A_563 = tpu.memref_squeeze %dma_start3A_562 : memref<1x8x128xf32, #tpu.memory_space<hbm>> -> memref<8x128xf32, #tpu.memory_space<hbm>>
        %dma_start3A_564 = arith.constant 0 : i32
        %dma_start3A_565 = arith.constant 0 : i32
        %dma_start3A_566 = tpu.memref_slice %arg4[%add3A_556, %dma_start3A_564, %dma_start3A_565] : memref<75264x8x128xf32, #tpu.memory_space<hbm>> -> memref<1x8x128xf32, #tpu.memory_space<hbm>>
        %dma_start3A_567 = tpu.memref_squeeze %dma_start3A_566 : memref<1x8x128xf32, #tpu.memory_space<hbm>> -> memref<8x128xf32, #tpu.memory_space<hbm>>
        %dma_start3A_568 = arith.constant 16 : i32
        %dma_start3A_569 = arith.constant 128 : i32
        %dma_start3A_570 = tpu.memref_slice %arg8[%dma_start3A_568, %dma_start3A_569] : memref<32x264xf32, #tpu.memory_space<vmem>> -> memref<8x128xf32, #tpu.memory_space<vmem>>
        tpu.enqueue_dma source(%dma_start3A_570 : memref<8x128xf32, #tpu.memory_space<vmem>>) target(%dma_start3A_567 : memref<8x128xf32, #tpu.memory_space<hbm>>) target_semaphore(%arg10 : memref<!tpu.dma_semaphore, #tpu.memory_space<semaphore_mem>>)
        %add3A_571 = arith.constant 96 : i32
        %add3A_572 = arith.addi %mul3A_39, %add3A_571 : i32
        %add3A_573 = arith.addi %add3A_572, %mul3A_456 : i32
        %add3A_574 = arith.constant 0 : i32
        %add3A_575 = arith.addi %add3A_573, %add3A_574 : i32
        %dma_start3A_576 = arith.constant 24 : i32
        %dma_start3A_577 = arith.constant 0 : i32
        %dma_start3A_578 = tpu.memref_slice %arg8[%dma_start3A_576, %dma_start3A_577] : memref<32x264xf32, #tpu.memory_space<vmem>> -> memref<8x128xf32, #tpu.memory_space<vmem>>
        %dma_start3A_579 = arith.constant 0 : i32
        %dma_start3A_580 = arith.constant 0 : i32
        %dma_start3A_581 = tpu.memref_slice %arg4[%add3A_575, %dma_start3A_579, %dma_start3A_580] : memref<75264x8x128xf32, #tpu.memory_space<hbm>> -> memref<1x8x128xf32, #tpu.memory_space<hbm>>
        %dma_start3A_582 = tpu.memref_squeeze %dma_start3A_581 : memref<1x8x128xf32, #tpu.memory_space<hbm>> -> memref<8x128xf32, #tpu.memory_space<hbm>>
        %dma_start3A_583 = arith.constant 0 : i32
        %dma_start3A_584 = arith.constant 0 : i32
        %dma_start3A_585 = tpu.memref_slice %arg4[%add3A_575, %dma_start3A_583, %dma_start3A_584] : memref<75264x8x128xf32, #tpu.memory_space<hbm>> -> memref<1x8x128xf32, #tpu.memory_space<hbm>>
        %dma_start3A_586 = tpu.memref_squeeze %dma_start3A_585 : memref<1x8x128xf32, #tpu.memory_space<hbm>> -> memref<8x128xf32, #tpu.memory_space<hbm>>
        %dma_start3A_587 = arith.constant 24 : i32
        %dma_start3A_588 = arith.constant 0 : i32
        %dma_start3A_589 = tpu.memref_slice %arg8[%dma_start3A_587, %dma_start3A_588] : memref<32x264xf32, #tpu.memory_space<vmem>> -> memref<8x128xf32, #tpu.memory_space<vmem>>
        tpu.enqueue_dma source(%dma_start3A_589 : memref<8x128xf32, #tpu.memory_space<vmem>>) target(%dma_start3A_586 : memref<8x128xf32, #tpu.memory_space<hbm>>) target_semaphore(%arg10 : memref<!tpu.dma_semaphore, #tpu.memory_space<semaphore_mem>>)
        %add3A_590 = arith.constant 96 : i32
        %add3A_591 = arith.addi %mul3A_39, %add3A_590 : i32
        %add3A_592 = arith.addi %add3A_591, %mul3A_456 : i32
        %add3A_593 = arith.constant 1 : i32
        %add3A_594 = arith.addi %add3A_592, %add3A_593 : i32
        %dma_start3A_595 = arith.constant 24 : i32
        %dma_start3A_596 = arith.constant 128 : i32
        %dma_start3A_597 = tpu.memref_slice %arg8[%dma_start3A_595, %dma_start3A_596] : memref<32x264xf32, #tpu.memory_space<vmem>> -> memref<8x128xf32, #tpu.memory_space<vmem>>
        %dma_start3A_598 = arith.constant 0 : i32
        %dma_start3A_599 = arith.constant 0 : i32
        %dma_start3A_600 = tpu.memref_slice %arg4[%add3A_594, %dma_start3A_598, %dma_start3A_599] : memref<75264x8x128xf32, #tpu.memory_space<hbm>> -> memref<1x8x128xf32, #tpu.memory_space<hbm>>
        %dma_start3A_601 = tpu.memref_squeeze %dma_start3A_600 : memref<1x8x128xf32, #tpu.memory_space<hbm>> -> memref<8x128xf32, #tpu.memory_space<hbm>>
        %dma_start3A_602 = arith.constant 0 : i32
        %dma_start3A_603 = arith.constant 0 : i32
        %dma_start3A_604 = tpu.memref_slice %arg4[%add3A_594, %dma_start3A_602, %dma_start3A_603] : memref<75264x8x128xf32, #tpu.memory_space<hbm>> -> memref<1x8x128xf32, #tpu.memory_space<hbm>>
        %dma_start3A_605 = tpu.memref_squeeze %dma_start3A_604 : memref<1x8x128xf32, #tpu.memory_space<hbm>> -> memref<8x128xf32, #tpu.memory_space<hbm>>
        %dma_start3A_606 = arith.constant 24 : i32
        %dma_start3A_607 = arith.constant 128 : i32
        %dma_start3A_608 = tpu.memref_slice %arg8[%dma_start3A_606, %dma_start3A_607] : memref<32x264xf32, #tpu.memory_space<vmem>> -> memref<8x128xf32, #tpu.memory_space<vmem>>
        tpu.enqueue_dma source(%dma_start3A_608 : memref<8x128xf32, #tpu.memory_space<vmem>>) target(%dma_start3A_605 : memref<8x128xf32, #tpu.memory_space<hbm>>) target_semaphore(%arg10 : memref<!tpu.dma_semaphore, #tpu.memory_space<semaphore_mem>>)
      }
      %scan3A_46 = arith.constant 8 : i32
      %dma_wait3A = arith.constant 0 : i32
      %dma_wait3A_47 = arith.constant 0 : i32
      %dma_wait3A_48 = tpu.memref_slice %arg7[%dma_wait3A, %dma_wait3A_47] : memref<32x264xf32, #tpu.memory_space<vmem>> -> memref<8x128xf32, #tpu.memory_space<vmem>>
      %dma_wait3A_49 = arith.constant 0 : i32
      %dma_wait3A_50 = arith.constant 0 : i32
      %dma_wait3A_51 = tpu.memref_slice %arg4[%mul3A_39, %dma_wait3A_49, %dma_wait3A_50] : memref<75264x8x128xf32, #tpu.memory_space<hbm>> -> memref<1x8x128xf32, #tpu.memory_space<hbm>>
      %dma_wait3A_52 = tpu.memref_squeeze %dma_wait3A_51 : memref<1x8x128xf32, #tpu.memory_space<hbm>> -> memref<8x128xf32, #tpu.memory_space<hbm>>
      %dma_wait3A_53 = arith.constant 0 : i32
      %dma_wait3A_54 = arith.constant 0 : i32
      %dma_wait3A_55 = tpu.memref_slice %arg4[%mul3A_39, %dma_wait3A_53, %dma_wait3A_54] : memref<75264x8x128xf32, #tpu.memory_space<hbm>> -> memref<1x8x128xf32, #tpu.memory_space<hbm>>
      %dma_wait3A_56 = tpu.memref_squeeze %dma_wait3A_55 : memref<1x8x128xf32, #tpu.memory_space<hbm>> -> memref<8x128xf32, #tpu.memory_space<hbm>>
      %dma_wait3A_57 = arith.constant 0 : i32
      %dma_wait3A_58 = arith.constant 0 : i32
      %dma_wait3A_59 = tpu.memref_slice %arg7[%dma_wait3A_57, %dma_wait3A_58] : memref<32x264xf32, #tpu.memory_space<vmem>> -> memref<8x128xf32, #tpu.memory_space<vmem>>
      tpu.wait_dma2 semaphore(%arg9 : memref<!tpu.dma_semaphore, #tpu.memory_space<semaphore_mem>>) src(%dma_wait3A_59 : memref<8x128xf32, #tpu.memory_space<vmem>>) dst(%dma_wait3A_56 : memref<8x128xf32, #tpu.memory_space<hbm>>)
      %dma_wait3A_60 = arith.constant 0 : i32
      %dma_wait3A_61 = arith.constant 0 : i32
      %dma_wait3A_62 = tpu.memref_slice %arg7[%dma_wait3A_60, %dma_wait3A_61] : memref<32x264xf32, #tpu.memory_space<vmem>> -> memref<8x128xf32, #tpu.memory_space<vmem>>
      %dma_wait3A_63 = arith.constant 0 : i32
      %dma_wait3A_64 = arith.constant 0 : i32
      %dma_wait3A_65 = tpu.memref_slice %arg4[%mul3A_39, %dma_wait3A_63, %dma_wait3A_64] : memref<75264x8x128xf32, #tpu.memory_space<hbm>> -> memref<1x8x128xf32, #tpu.memory_space<hbm>>
      %dma_wait3A_66 = tpu.memref_squeeze %dma_wait3A_65 : memref<1x8x128xf32, #tpu.memory_space<hbm>> -> memref<8x128xf32, #tpu.memory_space<hbm>>
      %dma_wait3A_67 = arith.constant 0 : i32
      %dma_wait3A_68 = arith.constant 0 : i32
      %dma_wait3A_69 = tpu.memref_slice %arg4[%mul3A_39, %dma_wait3A_67, %dma_wait3A_68] : memref<75264x8x128xf32, #tpu.memory_space<hbm>> -> memref<1x8x128xf32, #tpu.memory_space<hbm>>
      %dma_wait3A_70 = tpu.memref_squeeze %dma_wait3A_69 : memref<1x8x128xf32, #tpu.memory_space<hbm>> -> memref<8x128xf32, #tpu.memory_space<hbm>>
      %dma_wait3A_71 = arith.constant 0 : i32
      %dma_wait3A_72 = arith.constant 0 : i32
      %dma_wait3A_73 = tpu.memref_slice %arg7[%dma_wait3A_71, %dma_wait3A_72] : memref<32x264xf32, #tpu.memory_space<vmem>> -> memref<8x128xf32, #tpu.memory_space<vmem>>
      tpu.wait_dma2 semaphore(%arg9 : memref<!tpu.dma_semaphore, #tpu.memory_space<semaphore_mem>>) src(%dma_wait3A_73 : memref<8x128xf32, #tpu.memory_space<vmem>>) dst(%dma_wait3A_70 : memref<8x128xf32, #tpu.memory_space<hbm>>)
      %dma_wait3A_74 = arith.constant 0 : i32
      %dma_wait3A_75 = arith.constant 0 : i32
      %dma_wait3A_76 = tpu.memref_slice %arg7[%dma_wait3A_74, %dma_wait3A_75] : memref<32x264xf32, #tpu.memory_space<vmem>> -> memref<8x128xf32, #tpu.memory_space<vmem>>
      %dma_wait3A_77 = arith.constant 0 : i32
      %dma_wait3A_78 = arith.constant 0 : i32
      %dma_wait3A_79 = tpu.memref_slice %arg4[%mul3A_39, %dma_wait3A_77, %dma_wait3A_78] : memref<75264x8x128xf32, #tpu.memory_space<hbm>> -> memref<1x8x128xf32, #tpu.memory_space<hbm>>
      %dma_wait3A_80 = tpu.memref_squeeze %dma_wait3A_79 : memref<1x8x128xf32, #tpu.memory_space<hbm>> -> memref<8x128xf32, #tpu.memory_space<hbm>>
      %dma_wait3A_81 = arith.constant 0 : i32
      %dma_wait3A_82 = arith.constant 0 : i32
      %dma_wait3A_83 = tpu.memref_slice %arg4[%mul3A_39, %dma_wait3A_81, %dma_wait3A_82] : memref<75264x8x128xf32, #tpu.memory_space<hbm>> -> memref<1x8x128xf32, #tpu.memory_space<hbm>>
      %dma_wait3A_84 = tpu.memref_squeeze %dma_wait3A_83 : memref<1x8x128xf32, #tpu.memory_space<hbm>> -> memref<8x128xf32, #tpu.memory_space<hbm>>
      %dma_wait3A_85 = arith.constant 0 : i32
      %dma_wait3A_86 = arith.constant 0 : i32
      %dma_wait3A_87 = tpu.memref_slice %arg7[%dma_wait3A_85, %dma_wait3A_86] : memref<32x264xf32, #tpu.memory_space<vmem>> -> memref<8x128xf32, #tpu.memory_space<vmem>>
      tpu.wait_dma2 semaphore(%arg9 : memref<!tpu.dma_semaphore, #tpu.memory_space<semaphore_mem>>) src(%dma_wait3A_87 : memref<8x128xf32, #tpu.memory_space<vmem>>) dst(%dma_wait3A_84 : memref<8x128xf32, #tpu.memory_space<hbm>>)
      %dma_wait3A_88 = arith.constant 0 : i32
      %dma_wait3A_89 = arith.constant 0 : i32
      %dma_wait3A_90 = tpu.memref_slice %arg7[%dma_wait3A_88, %dma_wait3A_89] : memref<32x264xf32, #tpu.memory_space<vmem>> -> memref<8x128xf32, #tpu.memory_space<vmem>>
      %dma_wait3A_91 = arith.constant 0 : i32
      %dma_wait3A_92 = arith.constant 0 : i32
      %dma_wait3A_93 = tpu.memref_slice %arg4[%mul3A_39, %dma_wait3A_91, %dma_wait3A_92] : memref<75264x8x128xf32, #tpu.memory_space<hbm>> -> memref<1x8x128xf32, #tpu.memory_space<hbm>>
      %dma_wait3A_94 = tpu.memref_squeeze %dma_wait3A_93 : memref<1x8x128xf32, #tpu.memory_space<hbm>> -> memref<8x128xf32, #tpu.memory_space<hbm>>
      %dma_wait3A_95 = arith.constant 0 : i32
      %dma_wait3A_96 = arith.constant 0 : i32
      %dma_wait3A_97 = tpu.memref_slice %arg4[%mul3A_39, %dma_wait3A_95, %dma_wait3A_96] : memref<75264x8x128xf32, #tpu.memory_space<hbm>> -> memref<1x8x128xf32, #tpu.memory_space<hbm>>
      %dma_wait3A_98 = tpu.memref_squeeze %dma_wait3A_97 : memref<1x8x128xf32, #tpu.memory_space<hbm>> -> memref<8x128xf32, #tpu.memory_space<hbm>>
      %dma_wait3A_99 = arith.constant 0 : i32
      %dma_wait3A_100 = arith.constant 0 : i32
      %dma_wait3A_101 = tpu.memref_slice %arg7[%dma_wait3A_99, %dma_wait3A_100] : memref<32x264xf32, #tpu.memory_space<vmem>> -> memref<8x128xf32, #tpu.memory_space<vmem>>
      tpu.wait_dma2 semaphore(%arg9 : memref<!tpu.dma_semaphore, #tpu.memory_space<semaphore_mem>>) src(%dma_wait3A_101 : memref<8x128xf32, #tpu.memory_space<vmem>>) dst(%dma_wait3A_98 : memref<8x128xf32, #tpu.memory_space<hbm>>)
      %dma_wait3A_102 = arith.constant 0 : i32
      %dma_wait3A_103 = arith.constant 0 : i32
      %dma_wait3A_104 = tpu.memref_slice %arg7[%dma_wait3A_102, %dma_wait3A_103] : memref<32x264xf32, #tpu.memory_space<vmem>> -> memref<8x128xf32, #tpu.memory_space<vmem>>
      %dma_wait3A_105 = arith.constant 0 : i32
      %dma_wait3A_106 = arith.constant 0 : i32
      %dma_wait3A_107 = tpu.memref_slice %arg4[%mul3A_39, %dma_wait3A_105, %dma_wait3A_106] : memref<75264x8x128xf32, #tpu.memory_space<hbm>> -> memref<1x8x128xf32, #tpu.memory_space<hbm>>
      %dma_wait3A_108 = tpu.memref_squeeze %dma_wait3A_107 : memref<1x8x128xf32, #tpu.memory_space<hbm>> -> memref<8x128xf32, #tpu.memory_space<hbm>>
      %dma_wait3A_109 = arith.constant 0 : i32
      %dma_wait3A_110 = arith.constant 0 : i32
      %dma_wait3A_111 = tpu.memref_slice %arg4[%mul3A_39, %dma_wait3A_109, %dma_wait3A_110] : memref<75264x8x128xf32, #tpu.memory_space<hbm>> -> memref<1x8x128xf32, #tpu.memory_space<hbm>>
      %dma_wait3A_112 = tpu.memref_squeeze %dma_wait3A_111 : memref<1x8x128xf32, #tpu.memory_space<hbm>> -> memref<8x128xf32, #tpu.memory_space<hbm>>
      %dma_wait3A_113 = arith.constant 0 : i32
      %dma_wait3A_114 = arith.constant 0 : i32
      %dma_wait3A_115 = tpu.memref_slice %arg7[%dma_wait3A_113, %dma_wait3A_114] : memref<32x264xf32, #tpu.memory_space<vmem>> -> memref<8x128xf32, #tpu.memory_space<vmem>>
      tpu.wait_dma2 semaphore(%arg9 : memref<!tpu.dma_semaphore, #tpu.memory_space<semaphore_mem>>) src(%dma_wait3A_115 : memref<8x128xf32, #tpu.memory_space<vmem>>) dst(%dma_wait3A_112 : memref<8x128xf32, #tpu.memory_space<hbm>>)
      %dma_wait3A_116 = arith.constant 0 : i32
      %dma_wait3A_117 = arith.constant 0 : i32
      %dma_wait3A_118 = tpu.memref_slice %arg7[%dma_wait3A_116, %dma_wait3A_117] : memref<32x264xf32, #tpu.memory_space<vmem>> -> memref<8x128xf32, #tpu.memory_space<vmem>>
      %dma_wait3A_119 = arith.constant 0 : i32
      %dma_wait3A_120 = arith.constant 0 : i32
      %dma_wait3A_121 = tpu.memref_slice %arg4[%mul3A_39, %dma_wait3A_119, %dma_wait3A_120] : memref<75264x8x128xf32, #tpu.memory_space<hbm>> -> memref<1x8x128xf32, #tpu.memory_space<hbm>>
      %dma_wait3A_122 = tpu.memref_squeeze %dma_wait3A_121 : memref<1x8x128xf32, #tpu.memory_space<hbm>> -> memref<8x128xf32, #tpu.memory_space<hbm>>
      %dma_wait3A_123 = arith.constant 0 : i32
      %dma_wait3A_124 = arith.constant 0 : i32
      %dma_wait3A_125 = tpu.memref_slice %arg4[%mul3A_39, %dma_wait3A_123, %dma_wait3A_124] : memref<75264x8x128xf32, #tpu.memory_space<hbm>> -> memref<1x8x128xf32, #tpu.memory_space<hbm>>
      %dma_wait3A_126 = tpu.memref_squeeze %dma_wait3A_125 : memref<1x8x128xf32, #tpu.memory_space<hbm>> -> memref<8x128xf32, #tpu.memory_space<hbm>>
      %dma_wait3A_127 = arith.constant 0 : i32
      %dma_wait3A_128 = arith.constant 0 : i32
      %dma_wait3A_129 = tpu.memref_slice %arg7[%dma_wait3A_127, %dma_wait3A_128] : memref<32x264xf32, #tpu.memory_space<vmem>> -> memref<8x128xf32, #tpu.memory_space<vmem>>
      tpu.wait_dma2 semaphore(%arg9 : memref<!tpu.dma_semaphore, #tpu.memory_space<semaphore_mem>>) src(%dma_wait3A_129 : memref<8x128xf32, #tpu.memory_space<vmem>>) dst(%dma_wait3A_126 : memref<8x128xf32, #tpu.memory_space<hbm>>)
      %dma_wait3A_130 = arith.constant 0 : i32
      %dma_wait3A_131 = arith.constant 0 : i32
      %dma_wait3A_132 = tpu.memref_slice %arg7[%dma_wait3A_130, %dma_wait3A_131] : memref<32x264xf32, #tpu.memory_space<vmem>> -> memref<8x128xf32, #tpu.memory_space<vmem>>
      %dma_wait3A_133 = arith.constant 0 : i32
      %dma_wait3A_134 = arith.constant 0 : i32
      %dma_wait3A_135 = tpu.memref_slice %arg4[%mul3A_39, %dma_wait3A_133, %dma_wait3A_134] : memref<75264x8x128xf32, #tpu.memory_space<hbm>> -> memref<1x8x128xf32, #tpu.memory_space<hbm>>
      %dma_wait3A_136 = tpu.memref_squeeze %dma_wait3A_135 : memref<1x8x128xf32, #tpu.memory_space<hbm>> -> memref<8x128xf32, #tpu.memory_space<hbm>>
      %dma_wait3A_137 = arith.constant 0 : i32
      %dma_wait3A_138 = arith.constant 0 : i32
      %dma_wait3A_139 = tpu.memref_slice %arg4[%mul3A_39, %dma_wait3A_137, %dma_wait3A_138] : memref<75264x8x128xf32, #tpu.memory_space<hbm>> -> memref<1x8x128xf32, #tpu.memory_space<hbm>>
      %dma_wait3A_140 = tpu.memref_squeeze %dma_wait3A_139 : memref<1x8x128xf32, #tpu.memory_space<hbm>> -> memref<8x128xf32, #tpu.memory_space<hbm>>
      %dma_wait3A_141 = arith.constant 0 : i32
      %dma_wait3A_142 = arith.constant 0 : i32
      %dma_wait3A_143 = tpu.memref_slice %arg7[%dma_wait3A_141, %dma_wait3A_142] : memref<32x264xf32, #tpu.memory_space<vmem>> -> memref<8x128xf32, #tpu.memory_space<vmem>>
      tpu.wait_dma2 semaphore(%arg9 : memref<!tpu.dma_semaphore, #tpu.memory_space<semaphore_mem>>) src(%dma_wait3A_143 : memref<8x128xf32, #tpu.memory_space<vmem>>) dst(%dma_wait3A_140 : memref<8x128xf32, #tpu.memory_space<hbm>>)
      %dma_wait3A_144 = arith.constant 0 : i32
      %dma_wait3A_145 = arith.constant 0 : i32
      %dma_wait3A_146 = tpu.memref_slice %arg7[%dma_wait3A_144, %dma_wait3A_145] : memref<32x264xf32, #tpu.memory_space<vmem>> -> memref<8x128xf32, #tpu.memory_space<vmem>>
      %dma_wait3A_147 = arith.constant 0 : i32
      %dma_wait3A_148 = arith.constant 0 : i32
      %dma_wait3A_149 = tpu.memref_slice %arg4[%mul3A_39, %dma_wait3A_147, %dma_wait3A_148] : memref<75264x8x128xf32, #tpu.memory_space<hbm>> -> memref<1x8x128xf32, #tpu.memory_space<hbm>>
      %dma_wait3A_150 = tpu.memref_squeeze %dma_wait3A_149 : memref<1x8x128xf32, #tpu.memory_space<hbm>> -> memref<8x128xf32, #tpu.memory_space<hbm>>
      %dma_wait3A_151 = arith.constant 0 : i32
      %dma_wait3A_152 = arith.constant 0 : i32
      %dma_wait3A_153 = tpu.memref_slice %arg4[%mul3A_39, %dma_wait3A_151, %dma_wait3A_152] : memref<75264x8x128xf32, #tpu.memory_space<hbm>> -> memref<1x8x128xf32, #tpu.memory_space<hbm>>
      %dma_wait3A_154 = tpu.memref_squeeze %dma_wait3A_153 : memref<1x8x128xf32, #tpu.memory_space<hbm>> -> memref<8x128xf32, #tpu.memory_space<hbm>>
      %dma_wait3A_155 = arith.constant 0 : i32
      %dma_wait3A_156 = arith.constant 0 : i32
      %dma_wait3A_157 = tpu.memref_slice %arg7[%dma_wait3A_155, %dma_wait3A_156] : memref<32x264xf32, #tpu.memory_space<vmem>> -> memref<8x128xf32, #tpu.memory_space<vmem>>
      tpu.wait_dma2 semaphore(%arg9 : memref<!tpu.dma_semaphore, #tpu.memory_space<semaphore_mem>>) src(%dma_wait3A_157 : memref<8x128xf32, #tpu.memory_space<vmem>>) dst(%dma_wait3A_154 : memref<8x128xf32, #tpu.memory_space<hbm>>)
      %dma_wait3A_158 = arith.constant 0 : i32
      %dma_wait3A_159 = arith.constant 0 : i32
      %dma_wait3A_160 = tpu.memref_slice %arg8[%dma_wait3A_158, %dma_wait3A_159] : memref<32x264xf32, #tpu.memory_space<vmem>> -> memref<8x128xf32, #tpu.memory_space<vmem>>
      %dma_wait3A_161 = arith.constant 0 : i32
      %dma_wait3A_162 = arith.constant 0 : i32
      %dma_wait3A_163 = tpu.memref_slice %arg4[%mul3A_39, %dma_wait3A_161, %dma_wait3A_162] : memref<75264x8x128xf32, #tpu.memory_space<hbm>> -> memref<1x8x128xf32, #tpu.memory_space<hbm>>
      %dma_wait3A_164 = tpu.memref_squeeze %dma_wait3A_163 : memref<1x8x128xf32, #tpu.memory_space<hbm>> -> memref<8x128xf32, #tpu.memory_space<hbm>>
      %dma_wait3A_165 = arith.constant 0 : i32
      %dma_wait3A_166 = arith.constant 0 : i32
      %dma_wait3A_167 = tpu.memref_slice %arg4[%mul3A_39, %dma_wait3A_165, %dma_wait3A_166] : memref<75264x8x128xf32, #tpu.memory_space<hbm>> -> memref<1x8x128xf32, #tpu.memory_space<hbm>>
      %dma_wait3A_168 = tpu.memref_squeeze %dma_wait3A_167 : memref<1x8x128xf32, #tpu.memory_space<hbm>> -> memref<8x128xf32, #tpu.memory_space<hbm>>
      %dma_wait3A_169 = arith.constant 0 : i32
      %dma_wait3A_170 = arith.constant 0 : i32
      %dma_wait3A_171 = tpu.memref_slice %arg8[%dma_wait3A_169, %dma_wait3A_170] : memref<32x264xf32, #tpu.memory_space<vmem>> -> memref<8x128xf32, #tpu.memory_space<vmem>>
      tpu.wait_dma2 semaphore(%arg10 : memref<!tpu.dma_semaphore, #tpu.memory_space<semaphore_mem>>) src(%dma_wait3A_171 : memref<8x128xf32, #tpu.memory_space<vmem>>) dst(%dma_wait3A_168 : memref<8x128xf32, #tpu.memory_space<hbm>>)
      %dma_wait3A_172 = arith.constant 0 : i32
      %dma_wait3A_173 = arith.constant 0 : i32
      %dma_wait3A_174 = tpu.memref_slice %arg8[%dma_wait3A_172, %dma_wait3A_173] : memref<32x264xf32, #tpu.memory_space<vmem>> -> memref<8x128xf32, #tpu.memory_space<vmem>>
      %dma_wait3A_175 = arith.constant 0 : i32
      %dma_wait3A_176 = arith.constant 0 : i32
      %dma_wait3A_177 = tpu.memref_slice %arg4[%mul3A_39, %dma_wait3A_175, %dma_wait3A_176] : memref<75264x8x128xf32, #tpu.memory_space<hbm>> -> memref<1x8x128xf32, #tpu.memory_space<hbm>>
      %dma_wait3A_178 = tpu.memref_squeeze %dma_wait3A_177 : memref<1x8x128xf32, #tpu.memory_space<hbm>> -> memref<8x128xf32, #tpu.memory_space<hbm>>
      %dma_wait3A_179 = arith.constant 0 : i32
      %dma_wait3A_180 = arith.constant 0 : i32
      %dma_wait3A_181 = tpu.memref_slice %arg4[%mul3A_39, %dma_wait3A_179, %dma_wait3A_180] : memref<75264x8x128xf32, #tpu.memory_space<hbm>> -> memref<1x8x128xf32, #tpu.memory_space<hbm>>
      %dma_wait3A_182 = tpu.memref_squeeze %dma_wait3A_181 : memref<1x8x128xf32, #tpu.memory_space<hbm>> -> memref<8x128xf32, #tpu.memory_space<hbm>>
      %dma_wait3A_183 = arith.constant 0 : i32
      %dma_wait3A_184 = arith.constant 0 : i32
      %dma_wait3A_185 = tpu.memref_slice %arg8[%dma_wait3A_183, %dma_wait3A_184] : memref<32x264xf32, #tpu.memory_space<vmem>> -> memref<8x128xf32, #tpu.memory_space<vmem>>
      tpu.wait_dma2 semaphore(%arg10 : memref<!tpu.dma_semaphore, #tpu.memory_space<semaphore_mem>>) src(%dma_wait3A_185 : memref<8x128xf32, #tpu.memory_space<vmem>>) dst(%dma_wait3A_182 : memref<8x128xf32, #tpu.memory_space<hbm>>)
      %dma_wait3A_186 = arith.constant 0 : i32
      %dma_wait3A_187 = arith.constant 0 : i32
      %dma_wait3A_188 = tpu.memref_slice %arg8[%dma_wait3A_186, %dma_wait3A_187] : memref<32x264xf32, #tpu.memory_space<vmem>> -> memref<8x128xf32, #tpu.memory_space<vmem>>
      %dma_wait3A_189 = arith.constant 0 : i32
      %dma_wait3A_190 = arith.constant 0 : i32
      %dma_wait3A_191 = tpu.memref_slice %arg4[%mul3A_39, %dma_wait3A_189, %dma_wait3A_190] : memref<75264x8x128xf32, #tpu.memory_space<hbm>> -> memref<1x8x128xf32, #tpu.memory_space<hbm>>
      %dma_wait3A_192 = tpu.memref_squeeze %dma_wait3A_191 : memref<1x8x128xf32, #tpu.memory_space<hbm>> -> memref<8x128xf32, #tpu.memory_space<hbm>>
      %dma_wait3A_193 = arith.constant 0 : i32
      %dma_wait3A_194 = arith.constant 0 : i32
      %dma_wait3A_195 = tpu.memref_slice %arg4[%mul3A_39, %dma_wait3A_193, %dma_wait3A_194] : memref<75264x8x128xf32, #tpu.memory_space<hbm>> -> memref<1x8x128xf32, #tpu.memory_space<hbm>>
      %dma_wait3A_196 = tpu.memref_squeeze %dma_wait3A_195 : memref<1x8x128xf32, #tpu.memory_space<hbm>> -> memref<8x128xf32, #tpu.memory_space<hbm>>
      %dma_wait3A_197 = arith.constant 0 : i32
      %dma_wait3A_198 = arith.constant 0 : i32
      %dma_wait3A_199 = tpu.memref_slice %arg8[%dma_wait3A_197, %dma_wait3A_198] : memref<32x264xf32, #tpu.memory_space<vmem>> -> memref<8x128xf32, #tpu.memory_space<vmem>>
      tpu.wait_dma2 semaphore(%arg10 : memref<!tpu.dma_semaphore, #tpu.memory_space<semaphore_mem>>) src(%dma_wait3A_199 : memref<8x128xf32, #tpu.memory_space<vmem>>) dst(%dma_wait3A_196 : memref<8x128xf32, #tpu.memory_space<hbm>>)
      %dma_wait3A_200 = arith.constant 0 : i32
      %dma_wait3A_201 = arith.constant 0 : i32
      %dma_wait3A_202 = tpu.memref_slice %arg8[%dma_wait3A_200, %dma_wait3A_201] : memref<32x264xf32, #tpu.memory_space<vmem>> -> memref<8x128xf32, #tpu.memory_space<vmem>>
      %dma_wait3A_203 = arith.constant 0 : i32
      %dma_wait3A_204 = arith.constant 0 : i32
      %dma_wait3A_205 = tpu.memref_slice %arg4[%mul3A_39, %dma_wait3A_203, %dma_wait3A_204] : memref<75264x8x128xf32, #tpu.memory_space<hbm>> -> memref<1x8x128xf32, #tpu.memory_space<hbm>>
      %dma_wait3A_206 = tpu.memref_squeeze %dma_wait3A_205 : memref<1x8x128xf32, #tpu.memory_space<hbm>> -> memref<8x128xf32, #tpu.memory_space<hbm>>
      %dma_wait3A_207 = arith.constant 0 : i32
      %dma_wait3A_208 = arith.constant 0 : i32
      %dma_wait3A_209 = tpu.memref_slice %arg4[%mul3A_39, %dma_wait3A_207, %dma_wait3A_208] : memref<75264x8x128xf32, #tpu.memory_space<hbm>> -> memref<1x8x128xf32, #tpu.memory_space<hbm>>
      %dma_wait3A_210 = tpu.memref_squeeze %dma_wait3A_209 : memref<1x8x128xf32, #tpu.memory_space<hbm>> -> memref<8x128xf32, #tpu.memory_space<hbm>>
      %dma_wait3A_211 = arith.constant 0 : i32
      %dma_wait3A_212 = arith.constant 0 : i32
      %dma_wait3A_213 = tpu.memref_slice %arg8[%dma_wait3A_211, %dma_wait3A_212] : memref<32x264xf32, #tpu.memory_space<vmem>> -> memref<8x128xf32, #tpu.memory_space<vmem>>
      tpu.wait_dma2 semaphore(%arg10 : memref<!tpu.dma_semaphore, #tpu.memory_space<semaphore_mem>>) src(%dma_wait3A_213 : memref<8x128xf32, #tpu.memory_space<vmem>>) dst(%dma_wait3A_210 : memref<8x128xf32, #tpu.memory_space<hbm>>)
      %dma_wait3A_214 = arith.constant 0 : i32
      %dma_wait3A_215 = arith.constant 0 : i32
      %dma_wait3A_216 = tpu.memref_slice %arg8[%dma_wait3A_214, %dma_wait3A_215] : memref<32x264xf32, #tpu.memory_space<vmem>> -> memref<8x128xf32, #tpu.memory_space<vmem>>
      %dma_wait3A_217 = arith.constant 0 : i32
      %dma_wait3A_218 = arith.constant 0 : i32
      %dma_wait3A_219 = tpu.memref_slice %arg4[%mul3A_39, %dma_wait3A_217, %dma_wait3A_218] : memref<75264x8x128xf32, #tpu.memory_space<hbm>> -> memref<1x8x128xf32, #tpu.memory_space<hbm>>
      %dma_wait3A_220 = tpu.memref_squeeze %dma_wait3A_219 : memref<1x8x128xf32, #tpu.memory_space<hbm>> -> memref<8x128xf32, #tpu.memory_space<hbm>>
      %dma_wait3A_221 = arith.constant 0 : i32
      %dma_wait3A_222 = arith.constant 0 : i32
      %dma_wait3A_223 = tpu.memref_slice %arg4[%mul3A_39, %dma_wait3A_221, %dma_wait3A_222] : memref<75264x8x128xf32, #tpu.memory_space<hbm>> -> memref<1x8x128xf32, #tpu.memory_space<hbm>>
      %dma_wait3A_224 = tpu.memref_squeeze %dma_wait3A_223 : memref<1x8x128xf32, #tpu.memory_space<hbm>> -> memref<8x128xf32, #tpu.memory_space<hbm>>
      %dma_wait3A_225 = arith.constant 0 : i32
      %dma_wait3A_226 = arith.constant 0 : i32
      %dma_wait3A_227 = tpu.memref_slice %arg8[%dma_wait3A_225, %dma_wait3A_226] : memref<32x264xf32, #tpu.memory_space<vmem>> -> memref<8x128xf32, #tpu.memory_space<vmem>>
      tpu.wait_dma2 semaphore(%arg10 : memref<!tpu.dma_semaphore, #tpu.memory_space<semaphore_mem>>) src(%dma_wait3A_227 : memref<8x128xf32, #tpu.memory_space<vmem>>) dst(%dma_wait3A_224 : memref<8x128xf32, #tpu.memory_space<hbm>>)
      %dma_wait3A_228 = arith.constant 0 : i32
      %dma_wait3A_229 = arith.constant 0 : i32
      %dma_wait3A_230 = tpu.memref_slice %arg8[%dma_wait3A_228, %dma_wait3A_229] : memref<32x264xf32, #tpu.memory_space<vmem>> -> memref<8x128xf32, #tpu.memory_space<vmem>>
      %dma_wait3A_231 = arith.constant 0 : i32
      %dma_wait3A_232 = arith.constant 0 : i32
      %dma_wait3A_233 = tpu.memref_slice %arg4[%mul3A_39, %dma_wait3A_231, %dma_wait3A_232] : memref<75264x8x128xf32, #tpu.memory_space<hbm>> -> memref<1x8x128xf32, #tpu.memory_space<hbm>>
      %dma_wait3A_234 = tpu.memref_squeeze %dma_wait3A_233 : memref<1x8x128xf32, #tpu.memory_space<hbm>> -> memref<8x128xf32, #tpu.memory_space<hbm>>
      %dma_wait3A_235 = arith.constant 0 : i32
      %dma_wait3A_236 = arith.constant 0 : i32
      %dma_wait3A_237 = tpu.memref_slice %arg4[%mul3A_39, %dma_wait3A_235, %dma_wait3A_236] : memref<75264x8x128xf32, #tpu.memory_space<hbm>> -> memref<1x8x128xf32, #tpu.memory_space<hbm>>
      %dma_wait3A_238 = tpu.memref_squeeze %dma_wait3A_237 : memref<1x8x128xf32, #tpu.memory_space<hbm>> -> memref<8x128xf32, #tpu.memory_space<hbm>>
      %dma_wait3A_239 = arith.constant 0 : i32
      %dma_wait3A_240 = arith.constant 0 : i32
      %dma_wait3A_241 = tpu.memref_slice %arg8[%dma_wait3A_239, %dma_wait3A_240] : memref<32x264xf32, #tpu.memory_space<vmem>> -> memref<8x128xf32, #tpu.memory_space<vmem>>
      tpu.wait_dma2 semaphore(%arg10 : memref<!tpu.dma_semaphore, #tpu.memory_space<semaphore_mem>>) src(%dma_wait3A_241 : memref<8x128xf32, #tpu.memory_space<vmem>>) dst(%dma_wait3A_238 : memref<8x128xf32, #tpu.memory_space<hbm>>)
      %dma_wait3A_242 = arith.constant 0 : i32
      %dma_wait3A_243 = arith.constant 0 : i32
      %dma_wait3A_244 = tpu.memref_slice %arg8[%dma_wait3A_242, %dma_wait3A_243] : memref<32x264xf32, #tpu.memory_space<vmem>> -> memref<8x128xf32, #tpu.memory_space<vmem>>
      %dma_wait3A_245 = arith.constant 0 : i32
      %dma_wait3A_246 = arith.constant 0 : i32
      %dma_wait3A_247 = tpu.memref_slice %arg4[%mul3A_39, %dma_wait3A_245, %dma_wait3A_246] : memref<75264x8x128xf32, #tpu.memory_space<hbm>> -> memref<1x8x128xf32, #tpu.memory_space<hbm>>
      %dma_wait3A_248 = tpu.memref_squeeze %dma_wait3A_247 : memref<1x8x128xf32, #tpu.memory_space<hbm>> -> memref<8x128xf32, #tpu.memory_space<hbm>>
      %dma_wait3A_249 = arith.constant 0 : i32
      %dma_wait3A_250 = arith.constant 0 : i32
      %dma_wait3A_251 = tpu.memref_slice %arg4[%mul3A_39, %dma_wait3A_249, %dma_wait3A_250] : memref<75264x8x128xf32, #tpu.memory_space<hbm>> -> memref<1x8x128xf32, #tpu.memory_space<hbm>>
      %dma_wait3A_252 = tpu.memref_squeeze %dma_wait3A_251 : memref<1x8x128xf32, #tpu.memory_space<hbm>> -> memref<8x128xf32, #tpu.memory_space<hbm>>
      %dma_wait3A_253 = arith.constant 0 : i32
      %dma_wait3A_254 = arith.constant 0 : i32
      %dma_wait3A_255 = tpu.memref_slice %arg8[%dma_wait3A_253, %dma_wait3A_254] : memref<32x264xf32, #tpu.memory_space<vmem>> -> memref<8x128xf32, #tpu.memory_space<vmem>>
      tpu.wait_dma2 semaphore(%arg10 : memref<!tpu.dma_semaphore, #tpu.memory_space<semaphore_mem>>) src(%dma_wait3A_255 : memref<8x128xf32, #tpu.memory_space<vmem>>) dst(%dma_wait3A_252 : memref<8x128xf32, #tpu.memory_space<hbm>>)
      %dma_wait3A_256 = arith.constant 0 : i32
      %dma_wait3A_257 = arith.constant 0 : i32
      %dma_wait3A_258 = tpu.memref_slice %arg8[%dma_wait3A_256, %dma_wait3A_257] : memref<32x264xf32, #tpu.memory_space<vmem>> -> memref<8x128xf32, #tpu.memory_space<vmem>>
      %dma_wait3A_259 = arith.constant 0 : i32
      %dma_wait3A_260 = arith.constant 0 : i32
      %dma_wait3A_261 = tpu.memref_slice %arg4[%mul3A_39, %dma_wait3A_259, %dma_wait3A_260] : memref<75264x8x128xf32, #tpu.memory_space<hbm>> -> memref<1x8x128xf32, #tpu.memory_space<hbm>>
      %dma_wait3A_262 = tpu.memref_squeeze %dma_wait3A_261 : memref<1x8x128xf32, #tpu.memory_space<hbm>> -> memref<8x128xf32, #tpu.memory_space<hbm>>
      %dma_wait3A_263 = arith.constant 0 : i32
      %dma_wait3A_264 = arith.constant 0 : i32
      %dma_wait3A_265 = tpu.memref_slice %arg4[%mul3A_39, %dma_wait3A_263, %dma_wait3A_264] : memref<75264x8x128xf32, #tpu.memory_space<hbm>> -> memref<1x8x128xf32, #tpu.memory_space<hbm>>
      %dma_wait3A_266 = tpu.memref_squeeze %dma_wait3A_265 : memref<1x8x128xf32, #tpu.memory_space<hbm>> -> memref<8x128xf32, #tpu.memory_space<hbm>>
      %dma_wait3A_267 = arith.constant 0 : i32
      %dma_wait3A_268 = arith.constant 0 : i32
      %dma_wait3A_269 = tpu.memref_slice %arg8[%dma_wait3A_267, %dma_wait3A_268] : memref<32x264xf32, #tpu.memory_space<vmem>> -> memref<8x128xf32, #tpu.memory_space<vmem>>
      tpu.wait_dma2 semaphore(%arg10 : memref<!tpu.dma_semaphore, #tpu.memory_space<semaphore_mem>>) src(%dma_wait3A_269 : memref<8x128xf32, #tpu.memory_space<vmem>>) dst(%dma_wait3A_266 : memref<8x128xf32, #tpu.memory_space<hbm>>)
    }
    %while3A_20 = arith.constant 1 : i32
    scf.for %while3A_21 = %while3A_18 to %while3A_14 step %while3A_20  : i32 {
      %jit3A_22 = arith.constant 3 : i32
      %eq3A = arith.constant 0 : i32
      %eq3A_23 = arith.cmpi eq, %jit3A_22, %eq3A : i32
      %jit3A_24 = arith.constant 1 : i32
      %select_n3A_25 = arith.select %eq3A_23, %jit3A_24, %jit3A_22 : i32
      %rem3A = arith.remsi %while3A_21, %select_n3A_25 : i32
      %ne3A = arith.constant 0 : i32
      %ne3A_26 = arith.cmpi ne, %rem3A, %ne3A : i32
      %lt3A_27 = arith.constant 0 : i32
      %lt3A_28 = arith.cmpi slt, %rem3A, %lt3A_27 : i32
      %lt3A_29 = arith.constant 0 : i32
      %lt3A_30 = arith.cmpi slt, %select_n3A_25, %lt3A_29 : i32
      %ne3A_31 = arith.xori %lt3A_28, %lt3A_30 : i1
      %and3A = arith.andi %ne3A_31, %ne3A_26 : i1
      %add3A_32 = arith.addi %rem3A, %select_n3A_25 : i32
      %select_n3A_33 = arith.select %and3A, %add3A_32, %rem3A : i32
      %mul3A_34 = arith.constant 1000 : i32
      %mul3A_35 = arith.muli %select_n3A_33, %mul3A_34 : i32
      %mul3A_36 = arith.constant 4 : i32
      %mul3A_37 = arith.muli %while3A_21, %mul3A_36 : i32
      %mul3A_38 = arith.constant 32 : i32
      %mul3A_39 = arith.muli %mul3A_37, %mul3A_38 : i32
      %mul3A_40 = arith.constant 4096 : i32
      %mul3A_41 = arith.muli %while3A_21, %mul3A_40 : i32
      "tpu.region"() ({
        %run_scoped3A = tpu.sem_alloc : memref<!tpu.dma_semaphore, #tpu.memory_space<semaphore_mem>>
        %dma_start3A = tpu.memref_slice %arg2[%mul3A_41] : memref<2408448xi32, #tpu.memory_space<hbm>> -> memref<4096xi32, #tpu.memory_space<hbm>>
        %dma_start3A_270 = tpu.memref_slice %arg2[%mul3A_41] : memref<2408448xi32, #tpu.memory_space<hbm>> -> memref<4096xi32, #tpu.memory_space<hbm>>
        tpu.enqueue_dma source(%dma_start3A_270 : memref<4096xi32, #tpu.memory_space<hbm>>) target(%arg6 : memref<4096xi32, #tpu.memory_space<vmem>>) target_semaphore(%run_scoped3A : memref<!tpu.dma_semaphore, #tpu.memory_space<semaphore_mem>>)
        %dma_wait3A_271 = tpu.memref_slice %arg2[%mul3A_41] : memref<2408448xi32, #tpu.memory_space<hbm>> -> memref<4096xi32, #tpu.memory_space<hbm>>
        %dma_wait3A_272 = tpu.memref_slice %arg2[%mul3A_41] : memref<2408448xi32, #tpu.memory_space<hbm>> -> memref<4096xi32, #tpu.memory_space<hbm>>
        tpu.wait_dma2 semaphore(%run_scoped3A : memref<!tpu.dma_semaphore, #tpu.memory_space<semaphore_mem>>) src(%dma_wait3A_272 : memref<4096xi32, #tpu.memory_space<hbm>>) dst(%arg6 : memref<4096xi32, #tpu.memory_space<vmem>>)
        tpu.yield
      }) : () -> ()
      %scan3A = arith.constant 0 : i32
      %scan3A_42 = arith.constant 0 : i32
      %scan3A_43 = arith.constant 8 : i32
      %scan3A_44 = arith.addi %scan3A_42, %scan3A_43 : i32
      %scan3A_45 = arith.constant 1 : i32
      scf.for %scan3A_270 = %scan3A_42 to %scan3A_44 step %scan3A_45  : i32 {
        %mul3A_271 = arith.constant 2 : i32
        %mul3A_272 = arith.muli %scan3A_270, %mul3A_271 : i32
        %add3A_273 = arith.constant 0 : i32
        %add3A_274 = arith.addi %mul3A_272, %add3A_273 : i32
        %mul3A_275 = arith.constant 256 : i32
        %mul3A_276 = arith.muli %add3A_274, %mul3A_275 : i32
        %gt3A = arith.constant 0 : i32
        %gt3A_277 = arith.cmpi sgt, %scan3A_270, %gt3A : i32
        %convert_element_type3A = arith.extui %gt3A_277 : i1 to i32
        %cond3A = arith.constant 0 : i32
        %cond3A_278 = arith.cmpi ne, %convert_element_type3A, %cond3A : i32
        scf.if %cond3A_278 {
          %dma_wait3A_609 = arith.constant 0 : i32
          %dma_wait3A_610 = arith.constant 0 : i32
          %dma_wait3A_611 = tpu.memref_slice %arg7[%dma_wait3A_609, %dma_wait3A_610] : memref<32x264xf32, #tpu.memory_space<vmem>> -> memref<8x128xf32, #tpu.memory_space<vmem>>
          %dma_wait3A_612 = arith.constant 0 : i32
          %dma_wait3A_613 = arith.constant 0 : i32
          %dma_wait3A_614 = tpu.memref_slice %arg4[%mul3A_39, %dma_wait3A_612, %dma_wait3A_613] : memref<75264x8x128xf32, #tpu.memory_space<hbm>> -> memref<1x8x128xf32, #tpu.memory_space<hbm>>
          %dma_wait3A_615 = tpu.memref_squeeze %dma_wait3A_614 : memref<1x8x128xf32, #tpu.memory_space<hbm>> -> memref<8x128xf32, #tpu.memory_space<hbm>>
          %dma_wait3A_616 = arith.constant 0 : i32
          %dma_wait3A_617 = arith.constant 0 : i32
          %dma_wait3A_618 = tpu.memref_slice %arg4[%mul3A_39, %dma_wait3A_616, %dma_wait3A_617] : memref<75264x8x128xf32, #tpu.memory_space<hbm>> -> memref<1x8x128xf32, #tpu.memory_space<hbm>>
          %dma_wait3A_619 = tpu.memref_squeeze %dma_wait3A_618 : memref<1x8x128xf32, #tpu.memory_space<hbm>> -> memref<8x128xf32, #tpu.memory_space<hbm>>
          %dma_wait3A_620 = arith.constant 0 : i32
          %dma_wait3A_621 = arith.constant 0 : i32
          %dma_wait3A_622 = tpu.memref_slice %arg7[%dma_wait3A_620, %dma_wait3A_621] : memref<32x264xf32, #tpu.memory_space<vmem>> -> memref<8x128xf32, #tpu.memory_space<vmem>>
          tpu.wait_dma2 semaphore(%arg9 : memref<!tpu.dma_semaphore, #tpu.memory_space<semaphore_mem>>) src(%dma_wait3A_622 : memref<8x128xf32, #tpu.memory_space<vmem>>) dst(%dma_wait3A_619 : memref<8x128xf32, #tpu.memory_space<hbm>>)
          %dma_wait3A_623 = arith.constant 0 : i32
          %dma_wait3A_624 = arith.constant 0 : i32
          %dma_wait3A_625 = tpu.memref_slice %arg7[%dma_wait3A_623, %dma_wait3A_624] : memref<32x264xf32, #tpu.memory_space<vmem>> -> memref<8x128xf32, #tpu.memory_space<vmem>>
          %dma_wait3A_626 = arith.constant 0 : i32
          %dma_wait3A_627 = arith.constant 0 : i32
          %dma_wait3A_628 = tpu.memref_slice %arg4[%mul3A_39, %dma_wait3A_626, %dma_wait3A_627] : memref<75264x8x128xf32, #tpu.memory_space<hbm>> -> memref<1x8x128xf32, #tpu.memory_space<hbm>>
          %dma_wait3A_629 = tpu.memref_squeeze %dma_wait3A_628 : memref<1x8x128xf32, #tpu.memory_space<hbm>> -> memref<8x128xf32, #tpu.memory_space<hbm>>
          %dma_wait3A_630 = arith.constant 0 : i32
          %dma_wait3A_631 = arith.constant 0 : i32
          %dma_wait3A_632 = tpu.memref_slice %arg4[%mul3A_39, %dma_wait3A_630, %dma_wait3A_631] : memref<75264x8x128xf32, #tpu.memory_space<hbm>> -> memref<1x8x128xf32, #tpu.memory_space<hbm>>
          %dma_wait3A_633 = tpu.memref_squeeze %dma_wait3A_632 : memref<1x8x128xf32, #tpu.memory_space<hbm>> -> memref<8x128xf32, #tpu.memory_space<hbm>>
          %dma_wait3A_634 = arith.constant 0 : i32
          %dma_wait3A_635 = arith.constant 0 : i32
          %dma_wait3A_636 = tpu.memref_slice %arg7[%dma_wait3A_634, %dma_wait3A_635] : memref<32x264xf32, #tpu.memory_space<vmem>> -> memref<8x128xf32, #tpu.memory_space<vmem>>
          tpu.wait_dma2 semaphore(%arg9 : memref<!tpu.dma_semaphore, #tpu.memory_space<semaphore_mem>>) src(%dma_wait3A_636 : memref<8x128xf32, #tpu.memory_space<vmem>>) dst(%dma_wait3A_633 : memref<8x128xf32, #tpu.memory_space<hbm>>)
          %dma_wait3A_637 = arith.constant 0 : i32
          %dma_wait3A_638 = arith.constant 0 : i32
          %dma_wait3A_639 = tpu.memref_slice %arg7[%dma_wait3A_637, %dma_wait3A_638] : memref<32x264xf32, #tpu.memory_space<vmem>> -> memref<8x128xf32, #tpu.memory_space<vmem>>
          %dma_wait3A_640 = arith.constant 0 : i32
          %dma_wait3A_641 = arith.constant 0 : i32
          %dma_wait3A_642 = tpu.memref_slice %arg4[%mul3A_39, %dma_wait3A_640, %dma_wait3A_641] : memref<75264x8x128xf32, #tpu.memory_space<hbm>> -> memref<1x8x128xf32, #tpu.memory_space<hbm>>
          %dma_wait3A_643 = tpu.memref_squeeze %dma_wait3A_642 : memref<1x8x128xf32, #tpu.memory_space<hbm>> -> memref<8x128xf32, #tpu.memory_space<hbm>>
          %dma_wait3A_644 = arith.constant 0 : i32
          %dma_wait3A_645 = arith.constant 0 : i32
          %dma_wait3A_646 = tpu.memref_slice %arg4[%mul3A_39, %dma_wait3A_644, %dma_wait3A_645] : memref<75264x8x128xf32, #tpu.memory_space<hbm>> -> memref<1x8x128xf32, #tpu.memory_space<hbm>>
          %dma_wait3A_647 = tpu.memref_squeeze %dma_wait3A_646 : memref<1x8x128xf32, #tpu.memory_space<hbm>> -> memref<8x128xf32, #tpu.memory_space<hbm>>
          %dma_wait3A_648 = arith.constant 0 : i32
          %dma_wait3A_649 = arith.constant 0 : i32
          %dma_wait3A_650 = tpu.memref_slice %arg7[%dma_wait3A_648, %dma_wait3A_649] : memref<32x264xf32, #tpu.memory_space<vmem>> -> memref<8x128xf32, #tpu.memory_space<vmem>>
          tpu.wait_dma2 semaphore(%arg9 : memref<!tpu.dma_semaphore, #tpu.memory_space<semaphore_mem>>) src(%dma_wait3A_650 : memref<8x128xf32, #tpu.memory_space<vmem>>) dst(%dma_wait3A_647 : memref<8x128xf32, #tpu.memory_space<hbm>>)
          %dma_wait3A_651 = arith.constant 0 : i32
          %dma_wait3A_652 = arith.constant 0 : i32
          %dma_wait3A_653 = tpu.memref_slice %arg7[%dma_wait3A_651, %dma_wait3A_652] : memref<32x264xf32, #tpu.memory_space<vmem>> -> memref<8x128xf32, #tpu.memory_space<vmem>>
          %dma_wait3A_654 = arith.constant 0 : i32
          %dma_wait3A_655 = arith.constant 0 : i32
          %dma_wait3A_656 = tpu.memref_slice %arg4[%mul3A_39, %dma_wait3A_654, %dma_wait3A_655] : memref<75264x8x128xf32, #tpu.memory_space<hbm>> -> memref<1x8x128xf32, #tpu.memory_space<hbm>>
          %dma_wait3A_657 = tpu.memref_squeeze %dma_wait3A_656 : memref<1x8x128xf32, #tpu.memory_space<hbm>> -> memref<8x128xf32, #tpu.memory_space<hbm>>
          %dma_wait3A_658 = arith.constant 0 : i32
          %dma_wait3A_659 = arith.constant 0 : i32
          %dma_wait3A_660 = tpu.memref_slice %arg4[%mul3A_39, %dma_wait3A_658, %dma_wait3A_659] : memref<75264x8x128xf32, #tpu.memory_space<hbm>> -> memref<1x8x128xf32, #tpu.memory_space<hbm>>
          %dma_wait3A_661 = tpu.memref_squeeze %dma_wait3A_660 : memref<1x8x128xf32, #tpu.memory_space<hbm>> -> memref<8x128xf32, #tpu.memory_space<hbm>>
          %dma_wait3A_662 = arith.constant 0 : i32
          %dma_wait3A_663 = arith.constant 0 : i32
          %dma_wait3A_664 = tpu.memref_slice %arg7[%dma_wait3A_662, %dma_wait3A_663] : memref<32x264xf32, #tpu.memory_space<vmem>> -> memref<8x128xf32, #tpu.memory_space<vmem>>
          tpu.wait_dma2 semaphore(%arg9 : memref<!tpu.dma_semaphore, #tpu.memory_space<semaphore_mem>>) src(%dma_wait3A_664 : memref<8x128xf32, #tpu.memory_space<vmem>>) dst(%dma_wait3A_661 : memref<8x128xf32, #tpu.memory_space<hbm>>)
          %dma_wait3A_665 = arith.constant 0 : i32
          %dma_wait3A_666 = arith.constant 0 : i32
          %dma_wait3A_667 = tpu.memref_slice %arg7[%dma_wait3A_665, %dma_wait3A_666] : memref<32x264xf32, #tpu.memory_space<vmem>> -> memref<8x128xf32, #tpu.memory_space<vmem>>
          %dma_wait3A_668 = arith.constant 0 : i32
          %dma_wait3A_669 = arith.constant 0 : i32
          %dma_wait3A_670 = tpu.memref_slice %arg4[%mul3A_39, %dma_wait3A_668, %dma_wait3A_669] : memref<75264x8x128xf32, #tpu.memory_space<hbm>> -> memref<1x8x128xf32, #tpu.memory_space<hbm>>
          %dma_wait3A_671 = tpu.memref_squeeze %dma_wait3A_670 : memref<1x8x128xf32, #tpu.memory_space<hbm>> -> memref<8x128xf32, #tpu.memory_space<hbm>>
          %dma_wait3A_672 = arith.constant 0 : i32
          %dma_wait3A_673 = arith.constant 0 : i32
          %dma_wait3A_674 = tpu.memref_slice %arg4[%mul3A_39, %dma_wait3A_672, %dma_wait3A_673] : memref<75264x8x128xf32, #tpu.memory_space<hbm>> -> memref<1x8x128xf32, #tpu.memory_space<hbm>>
          %dma_wait3A_675 = tpu.memref_squeeze %dma_wait3A_674 : memref<1x8x128xf32, #tpu.memory_space<hbm>> -> memref<8x128xf32, #tpu.memory_space<hbm>>
          %dma_wait3A_676 = arith.constant 0 : i32
          %dma_wait3A_677 = arith.constant 0 : i32
          %dma_wait3A_678 = tpu.memref_slice %arg7[%dma_wait3A_676, %dma_wait3A_677] : memref<32x264xf32, #tpu.memory_space<vmem>> -> memref<8x128xf32, #tpu.memory_space<vmem>>
          tpu.wait_dma2 semaphore(%arg9 : memref<!tpu.dma_semaphore, #tpu.memory_space<semaphore_mem>>) src(%dma_wait3A_678 : memref<8x128xf32, #tpu.memory_space<vmem>>) dst(%dma_wait3A_675 : memref<8x128xf32, #tpu.memory_space<hbm>>)
          %dma_wait3A_679 = arith.constant 0 : i32
          %dma_wait3A_680 = arith.constant 0 : i32
          %dma_wait3A_681 = tpu.memref_slice %arg7[%dma_wait3A_679, %dma_wait3A_680] : memref<32x264xf32, #tpu.memory_space<vmem>> -> memref<8x128xf32, #tpu.memory_space<vmem>>
          %dma_wait3A_682 = arith.constant 0 : i32
          %dma_wait3A_683 = arith.constant 0 : i32
          %dma_wait3A_684 = tpu.memref_slice %arg4[%mul3A_39, %dma_wait3A_682, %dma_wait3A_683] : memref<75264x8x128xf32, #tpu.memory_space<hbm>> -> memref<1x8x128xf32, #tpu.memory_space<hbm>>
          %dma_wait3A_685 = tpu.memref_squeeze %dma_wait3A_684 : memref<1x8x128xf32, #tpu.memory_space<hbm>> -> memref<8x128xf32, #tpu.memory_space<hbm>>
          %dma_wait3A_686 = arith.constant 0 : i32
          %dma_wait3A_687 = arith.constant 0 : i32
          %dma_wait3A_688 = tpu.memref_slice %arg4[%mul3A_39, %dma_wait3A_686, %dma_wait3A_687] : memref<75264x8x128xf32, #tpu.memory_space<hbm>> -> memref<1x8x128xf32, #tpu.memory_space<hbm>>
          %dma_wait3A_689 = tpu.memref_squeeze %dma_wait3A_688 : memref<1x8x128xf32, #tpu.memory_space<hbm>> -> memref<8x128xf32, #tpu.memory_space<hbm>>
          %dma_wait3A_690 = arith.constant 0 : i32
          %dma_wait3A_691 = arith.constant 0 : i32
          %dma_wait3A_692 = tpu.memref_slice %arg7[%dma_wait3A_690, %dma_wait3A_691] : memref<32x264xf32, #tpu.memory_space<vmem>> -> memref<8x128xf32, #tpu.memory_space<vmem>>
          tpu.wait_dma2 semaphore(%arg9 : memref<!tpu.dma_semaphore, #tpu.memory_space<semaphore_mem>>) src(%dma_wait3A_692 : memref<8x128xf32, #tpu.memory_space<vmem>>) dst(%dma_wait3A_689 : memref<8x128xf32, #tpu.memory_space<hbm>>)
          %dma_wait3A_693 = arith.constant 0 : i32
          %dma_wait3A_694 = arith.constant 0 : i32
          %dma_wait3A_695 = tpu.memref_slice %arg7[%dma_wait3A_693, %dma_wait3A_694] : memref<32x264xf32, #tpu.memory_space<vmem>> -> memref<8x128xf32, #tpu.memory_space<vmem>>
          %dma_wait3A_696 = arith.constant 0 : i32
          %dma_wait3A_697 = arith.constant 0 : i32
          %dma_wait3A_698 = tpu.memref_slice %arg4[%mul3A_39, %dma_wait3A_696, %dma_wait3A_697] : memref<75264x8x128xf32, #tpu.memory_space<hbm>> -> memref<1x8x128xf32, #tpu.memory_space<hbm>>
          %dma_wait3A_699 = tpu.memref_squeeze %dma_wait3A_698 : memref<1x8x128xf32, #tpu.memory_space<hbm>> -> memref<8x128xf32, #tpu.memory_space<hbm>>
          %dma_wait3A_700 = arith.constant 0 : i32
          %dma_wait3A_701 = arith.constant 0 : i32
          %dma_wait3A_702 = tpu.memref_slice %arg4[%mul3A_39, %dma_wait3A_700, %dma_wait3A_701] : memref<75264x8x128xf32, #tpu.memory_space<hbm>> -> memref<1x8x128xf32, #tpu.memory_space<hbm>>
          %dma_wait3A_703 = tpu.memref_squeeze %dma_wait3A_702 : memref<1x8x128xf32, #tpu.memory_space<hbm>> -> memref<8x128xf32, #tpu.memory_space<hbm>>
          %dma_wait3A_704 = arith.constant 0 : i32
          %dma_wait3A_705 = arith.constant 0 : i32
          %dma_wait3A_706 = tpu.memref_slice %arg7[%dma_wait3A_704, %dma_wait3A_705] : memref<32x264xf32, #tpu.memory_space<vmem>> -> memref<8x128xf32, #tpu.memory_space<vmem>>
          tpu.wait_dma2 semaphore(%arg9 : memref<!tpu.dma_semaphore, #tpu.memory_space<semaphore_mem>>) src(%dma_wait3A_706 : memref<8x128xf32, #tpu.memory_space<vmem>>) dst(%dma_wait3A_703 : memref<8x128xf32, #tpu.memory_space<hbm>>)
          %dma_wait3A_707 = arith.constant 0 : i32
          %dma_wait3A_708 = arith.constant 0 : i32
          %dma_wait3A_709 = tpu.memref_slice %arg7[%dma_wait3A_707, %dma_wait3A_708] : memref<32x264xf32, #tpu.memory_space<vmem>> -> memref<8x128xf32, #tpu.memory_space<vmem>>
          %dma_wait3A_710 = arith.constant 0 : i32
          %dma_wait3A_711 = arith.constant 0 : i32
          %dma_wait3A_712 = tpu.memref_slice %arg4[%mul3A_39, %dma_wait3A_710, %dma_wait3A_711] : memref<75264x8x128xf32, #tpu.memory_space<hbm>> -> memref<1x8x128xf32, #tpu.memory_space<hbm>>
          %dma_wait3A_713 = tpu.memref_squeeze %dma_wait3A_712 : memref<1x8x128xf32, #tpu.memory_space<hbm>> -> memref<8x128xf32, #tpu.memory_space<hbm>>
          %dma_wait3A_714 = arith.constant 0 : i32
          %dma_wait3A_715 = arith.constant 0 : i32
          %dma_wait3A_716 = tpu.memref_slice %arg4[%mul3A_39, %dma_wait3A_714, %dma_wait3A_715] : memref<75264x8x128xf32, #tpu.memory_space<hbm>> -> memref<1x8x128xf32, #tpu.memory_space<hbm>>
          %dma_wait3A_717 = tpu.memref_squeeze %dma_wait3A_716 : memref<1x8x128xf32, #tpu.memory_space<hbm>> -> memref<8x128xf32, #tpu.memory_space<hbm>>
          %dma_wait3A_718 = arith.constant 0 : i32
          %dma_wait3A_719 = arith.constant 0 : i32
          %dma_wait3A_720 = tpu.memref_slice %arg7[%dma_wait3A_718, %dma_wait3A_719] : memref<32x264xf32, #tpu.memory_space<vmem>> -> memref<8x128xf32, #tpu.memory_space<vmem>>
          tpu.wait_dma2 semaphore(%arg9 : memref<!tpu.dma_semaphore, #tpu.memory_space<semaphore_mem>>) src(%dma_wait3A_720 : memref<8x128xf32, #tpu.memory_space<vmem>>) dst(%dma_wait3A_717 : memref<8x128xf32, #tpu.memory_space<hbm>>)
        } else {
        }
        %scan3A_279 = arith.constant 0 : i32
        %scan3A_280 = arith.constant 0 : i32
        %scan3A_281 = arith.constant 16 : i32
        %scan3A_282 = arith.addi %scan3A_280, %scan3A_281 : i32
        %scan3A_283 = arith.constant 2 : i32
        scf.for %scan3A_609 = %scan3A_280 to %scan3A_282 step %scan3A_283  : i32 {
          %mul3A_610 = arith.constant 16 : i32
          %mul3A_611 = arith.muli %scan3A_609, %mul3A_610 : i32
          %add3A_612 = arith.addi %mul3A_276, %mul3A_611 : i32
          %get3A = arith.index_cast %add3A_612 : i32 to index
          %get3A_613 = tpu.vector_load %arg6[%get3A] {strides = array<i32>} : memref<4096xi32, #tpu.memory_space<vmem>>, vector<16xi32>,
          %add3A_614 = vector.broadcast %mul3A_35 : i32 to vector<16xi32>
          %add3A_615 = arith.addi %get3A_613, %add3A_614 : vector<16xi32>
          %mul3A_616 = arith.constant 32 : i32
          %mul3A_617 = vector.broadcast %mul3A_616 : i32 to vector<16xi32>
          %mul3A_618 = arith.muli %add3A_615, %mul3A_617 : vector<16xi32>
          %broadcast_in_dim3A = vector.broadcast %mul3A_611 : i32 to vector<16xi32>
          %slice3A = vector.extract_strided_slice %mul3A_618 {offsets = [0], sizes = [1], strides = [1]} : vector<16xi32> to vector<1xi32>
          %squeeze3A = vector.extract %slice3A[0] : i32 from vector<1xi32>
          %get3A_619 = arith.index_cast %squeeze3A : i32 to index
          %get3A_620 = tpu.vector_load %arg5[%get3A_619] {strides = array<i32>} : memref<96000xf32, #tpu.memory_space<vmem>>, vector<16xf32>,
          %add3A_621 = arith.constant 16 : i32
          %add3A_622 = arith.addi %squeeze3A, %add3A_621 : i32
          %get3A_623 = arith.index_cast %add3A_622 : i32 to index
          %get3A_624 = tpu.vector_load %arg5[%get3A_623] {strides = array<i32>} : memref<96000xf32, #tpu.memory_space<vmem>>, vector<16xf32>,
          %slice3A_625 = vector.extract_strided_slice %mul3A_618 {offsets = [1], sizes = [1], strides = [1]} : vector<16xi32> to vector<1xi32>
          %squeeze3A_626 = vector.extract %slice3A_625[0] : i32 from vector<1xi32>
          %get3A_627 = arith.index_cast %squeeze3A_626 : i32 to index
          %get3A_628 = tpu.vector_load %arg5[%get3A_627] {strides = array<i32>} : memref<96000xf32, #tpu.memory_space<vmem>>, vector<16xf32>,
          %add3A_629 = arith.constant 16 : i32
          %add3A_630 = arith.addi %squeeze3A_626, %add3A_629 : i32
          %get3A_631 = arith.index_cast %add3A_630 : i32 to index
          %get3A_632 = tpu.vector_load %arg5[%get3A_631] {strides = array<i32>} : memref<96000xf32, #tpu.memory_space<vmem>>, vector<16xf32>,
          %slice3A_633 = vector.extract_strided_slice %mul3A_618 {offsets = [2], sizes = [1], strides = [1]} : vector<16xi32> to vector<1xi32>
          %squeeze3A_634 = vector.extract %slice3A_633[0] : i32 from vector<1xi32>
          %get3A_635 = arith.index_cast %squeeze3A_634 : i32 to index
          %get3A_636 = tpu.vector_load %arg5[%get3A_635] {strides = array<i32>} : memref<96000xf32, #tpu.memory_space<vmem>>, vector<16xf32>,
          %add3A_637 = arith.constant 16 : i32
          %add3A_638 = arith.addi %squeeze3A_634, %add3A_637 : i32
          %get3A_639 = arith.index_cast %add3A_638 : i32 to index
          %get3A_640 = tpu.vector_load %arg5[%get3A_639] {strides = array<i32>} : memref<96000xf32, #tpu.memory_space<vmem>>, vector<16xf32>,
          %slice3A_641 = vector.extract_strided_slice %mul3A_618 {offsets = [3], sizes = [1], strides = [1]} : vector<16xi32> to vector<1xi32>
          %squeeze3A_642 = vector.extract %slice3A_641[0] : i32 from vector<1xi32>
          %get3A_643 = arith.index_cast %squeeze3A_642 : i32 to index
          %get3A_644 = tpu.vector_load %arg5[%get3A_643] {strides = array<i32>} : memref<96000xf32, #tpu.memory_space<vmem>>, vector<16xf32>,
          %add3A_645 = arith.constant 16 : i32
          %add3A_646 = arith.addi %squeeze3A_642, %add3A_645 : i32
          %get3A_647 = arith.index_cast %add3A_646 : i32 to index
          %get3A_648 = tpu.vector_load %arg5[%get3A_647] {strides = array<i32>} : memref<96000xf32, #tpu.memory_space<vmem>>, vector<16xf32>,
          %slice3A_649 = vector.extract_strided_slice %mul3A_618 {offsets = [4], sizes = [1], strides = [1]} : vector<16xi32> to vector<1xi32>
          %squeeze3A_650 = vector.extract %slice3A_649[0] : i32 from vector<1xi32>
          %get3A_651 = arith.index_cast %squeeze3A_650 : i32 to index
          %get3A_652 = tpu.vector_load %arg5[%get3A_651] {strides = array<i32>} : memref<96000xf32, #tpu.memory_space<vmem>>, vector<16xf32>,
          %add3A_653 = arith.constant 16 : i32
          %add3A_654 = arith.addi %squeeze3A_650, %add3A_653 : i32
          %get3A_655 = arith.index_cast %add3A_654 : i32 to index
          %get3A_656 = tpu.vector_load %arg5[%get3A_655] {strides = array<i32>} : memref<96000xf32, #tpu.memory_space<vmem>>, vector<16xf32>,
          %slice3A_657 = vector.extract_strided_slice %mul3A_618 {offsets = [5], sizes = [1], strides = [1]} : vector<16xi32> to vector<1xi32>
          %squeeze3A_658 = vector.extract %slice3A_657[0] : i32 from vector<1xi32>
          %get3A_659 = arith.index_cast %squeeze3A_658 : i32 to index
          %get3A_660 = tpu.vector_load %arg5[%get3A_659] {strides = array<i32>} : memref<96000xf32, #tpu.memory_space<vmem>>, vector<16xf32>,
          %add3A_661 = arith.constant 16 : i32
          %add3A_662 = arith.addi %squeeze3A_658, %add3A_661 : i32
          %get3A_663 = arith.index_cast %add3A_662 : i32 to index
          %get3A_664 = tpu.vector_load %arg5[%get3A_663] {strides = array<i32>} : memref<96000xf32, #tpu.memory_space<vmem>>, vector<16xf32>,
          %slice3A_665 = vector.extract_strided_slice %mul3A_618 {offsets = [6], sizes = [1], strides = [1]} : vector<16xi32> to vector<1xi32>
          %squeeze3A_666 = vector.extract %slice3A_665[0] : i32 from vector<1xi32>
          %get3A_667 = arith.index_cast %squeeze3A_666 : i32 to index
          %get3A_668 = tpu.vector_load %arg5[%get3A_667] {strides = array<i32>} : memref<96000xf32, #tpu.memory_space<vmem>>, vector<16xf32>,
          %add3A_669 = arith.constant 16 : i32
          %add3A_670 = arith.addi %squeeze3A_666, %add3A_669 : i32
          %get3A_671 = arith.index_cast %add3A_670 : i32 to index
          %get3A_672 = tpu.vector_load %arg5[%get3A_671] {strides = array<i32>} : memref<96000xf32, #tpu.memory_space<vmem>>, vector<16xf32>,
          %slice3A_673 = vector.extract_strided_slice %mul3A_618 {offsets = [7], sizes = [1], strides = [1]} : vector<16xi32> to vector<1xi32>
          %squeeze3A_674 = vector.extract %slice3A_673[0] : i32 from vector<1xi32>
          %get3A_675 = arith.index_cast %squeeze3A_674 : i32 to index
          %get3A_676 = tpu.vector_load %arg5[%get3A_675] {strides = array<i32>} : memref<96000xf32, #tpu.memory_space<vmem>>, vector<16xf32>,
          %add3A_677 = arith.constant 16 : i32
          %add3A_678 = arith.addi %squeeze3A_674, %add3A_677 : i32
          %get3A_679 = arith.index_cast %add3A_678 : i32 to index
          %get3A_680 = tpu.vector_load %arg5[%get3A_679] {strides = array<i32>} : memref<96000xf32, #tpu.memory_space<vmem>>, vector<16xf32>,
          %add3A_681 = arith.constant 0 : i32
          %add3A_682 = vector.broadcast %add3A_681 : i32 to vector<16xi32>
          %add3A_683 = arith.addi %broadcast_in_dim3A, %add3A_682 : vector<16xi32>
          tpu.vector_store_idx %arg7[%iota3A, %add3A_683], %get3A_620 : memref<32x264xf32, #tpu.memory_space<vmem>>[vector<16xi32>, vector<16xi32>], vector<16xf32>,
          tpu.vector_store_idx %arg7[%add3A_12, %add3A_683], %get3A_624 : memref<32x264xf32, #tpu.memory_space<vmem>>[vector<16xi32>, vector<16xi32>], vector<16xf32>,
          %add3A_684 = arith.constant 1 : i32
          %add3A_685 = vector.broadcast %add3A_684 : i32 to vector<16xi32>
          %add3A_686 = arith.addi %broadcast_in_dim3A, %add3A_685 : vector<16xi32>
          tpu.vector_store_idx %arg7[%iota3A, %add3A_686], %get3A_628 : memref<32x264xf32, #tpu.memory_space<vmem>>[vector<16xi32>, vector<16xi32>], vector<16xf32>,
          tpu.vector_store_idx %arg7[%add3A_12, %add3A_686], %get3A_632 : memref<32x264xf32, #tpu.memory_space<vmem>>[vector<16xi32>, vector<16xi32>], vector<16xf32>,
          %add3A_687 = arith.constant 2 : i32
          %add3A_688 = vector.broadcast %add3A_687 : i32 to vector<16xi32>
          %add3A_689 = arith.addi %broadcast_in_dim3A, %add3A_688 : vector<16xi32>
          tpu.vector_store_idx %arg7[%iota3A, %add3A_689], %get3A_636 : memref<32x264xf32, #tpu.memory_space<vmem>>[vector<16xi32>, vector<16xi32>], vector<16xf32>,
          tpu.vector_store_idx %arg7[%add3A_12, %add3A_689], %get3A_640 : memref<32x264xf32, #tpu.memory_space<vmem>>[vector<16xi32>, vector<16xi32>], vector<16xf32>,
          %add3A_690 = arith.constant 3 : i32
          %add3A_691 = vector.broadcast %add3A_690 : i32 to vector<16xi32>
          %add3A_692 = arith.addi %broadcast_in_dim3A, %add3A_691 : vector<16xi32>
          tpu.vector_store_idx %arg7[%iota3A, %add3A_692], %get3A_644 : memref<32x264xf32, #tpu.memory_space<vmem>>[vector<16xi32>, vector<16xi32>], vector<16xf32>,
          tpu.vector_store_idx %arg7[%add3A_12, %add3A_692], %get3A_648 : memref<32x264xf32, #tpu.memory_space<vmem>>[vector<16xi32>, vector<16xi32>], vector<16xf32>,
          %add3A_693 = arith.constant 4 : i32
          %add3A_694 = vector.broadcast %add3A_693 : i32 to vector<16xi32>
          %add3A_695 = arith.addi %broadcast_in_dim3A, %add3A_694 : vector<16xi32>
          tpu.vector_store_idx %arg7[%iota3A, %add3A_695], %get3A_652 : memref<32x264xf32, #tpu.memory_space<vmem>>[vector<16xi32>, vector<16xi32>], vector<16xf32>,
          tpu.vector_store_idx %arg7[%add3A_12, %add3A_695], %get3A_656 : memref<32x264xf32, #tpu.memory_space<vmem>>[vector<16xi32>, vector<16xi32>], vector<16xf32>,
          %add3A_696 = arith.constant 5 : i32
          %add3A_697 = vector.broadcast %add3A_696 : i32 to vector<16xi32>
          %add3A_698 = arith.addi %broadcast_in_dim3A, %add3A_697 : vector<16xi32>
          tpu.vector_store_idx %arg7[%iota3A, %add3A_698], %get3A_660 : memref<32x264xf32, #tpu.memory_space<vmem>>[vector<16xi32>, vector<16xi32>], vector<16xf32>,
          tpu.vector_store_idx %arg7[%add3A_12, %add3A_698], %get3A_664 : memref<32x264xf32, #tpu.memory_space<vmem>>[vector<16xi32>, vector<16xi32>], vector<16xf32>,
          %add3A_699 = arith.constant 6 : i32
          %add3A_700 = vector.broadcast %add3A_699 : i32 to vector<16xi32>
          %add3A_701 = arith.addi %broadcast_in_dim3A, %add3A_700 : vector<16xi32>
          tpu.vector_store_idx %arg7[%iota3A, %add3A_701], %get3A_668 : memref<32x264xf32, #tpu.memory_space<vmem>>[vector<16xi32>, vector<16xi32>], vector<16xf32>,
          tpu.vector_store_idx %arg7[%add3A_12, %add3A_701], %get3A_672 : memref<32x264xf32, #tpu.memory_space<vmem>>[vector<16xi32>, vector<16xi32>], vector<16xf32>,
          %add3A_702 = arith.constant 7 : i32
          %add3A_703 = vector.broadcast %add3A_702 : i32 to vector<16xi32>
          %add3A_704 = arith.addi %broadcast_in_dim3A, %add3A_703 : vector<16xi32>
          tpu.vector_store_idx %arg7[%iota3A, %add3A_704], %get3A_676 : memref<32x264xf32, #tpu.memory_space<vmem>>[vector<16xi32>, vector<16xi32>], vector<16xf32>,
          tpu.vector_store_idx %arg7[%add3A_12, %add3A_704], %get3A_680 : memref<32x264xf32, #tpu.memory_space<vmem>>[vector<16xi32>, vector<16xi32>], vector<16xf32>,
          %slice3A_705 = vector.extract_strided_slice %mul3A_618 {offsets = [8], sizes = [1], strides = [1]} : vector<16xi32> to vector<1xi32>
          %squeeze3A_706 = vector.extract %slice3A_705[0] : i32 from vector<1xi32>
          %get3A_707 = arith.index_cast %squeeze3A_706 : i32 to index
          %get3A_708 = tpu.vector_load %arg5[%get3A_707] {strides = array<i32>} : memref<96000xf32, #tpu.memory_space<vmem>>, vector<16xf32>,
          %add3A_709 = arith.constant 16 : i32
          %add3A_710 = arith.addi %squeeze3A_706, %add3A_709 : i32
          %get3A_711 = arith.index_cast %add3A_710 : i32 to index
          %get3A_712 = tpu.vector_load %arg5[%get3A_711] {strides = array<i32>} : memref<96000xf32, #tpu.memory_space<vmem>>, vector<16xf32>,
          %slice3A_713 = vector.extract_strided_slice %mul3A_618 {offsets = [9], sizes = [1], strides = [1]} : vector<16xi32> to vector<1xi32>
          %squeeze3A_714 = vector.extract %slice3A_713[0] : i32 from vector<1xi32>
          %get3A_715 = arith.index_cast %squeeze3A_714 : i32 to index
          %get3A_716 = tpu.vector_load %arg5[%get3A_715] {strides = array<i32>} : memref<96000xf32, #tpu.memory_space<vmem>>, vector<16xf32>,
          %add3A_717 = arith.constant 16 : i32
          %add3A_718 = arith.addi %squeeze3A_714, %add3A_717 : i32
          %get3A_719 = arith.index_cast %add3A_718 : i32 to index
          %get3A_720 = tpu.vector_load %arg5[%get3A_719] {strides = array<i32>} : memref<96000xf32, #tpu.memory_space<vmem>>, vector<16xf32>,
          %slice3A_721 = vector.extract_strided_slice %mul3A_618 {offsets = [10], sizes = [1], strides = [1]} : vector<16xi32> to vector<1xi32>
          %squeeze3A_722 = vector.extract %slice3A_721[0] : i32 from vector<1xi32>
          %get3A_723 = arith.index_cast %squeeze3A_722 : i32 to index
          %get3A_724 = tpu.vector_load %arg5[%get3A_723] {strides = array<i32>} : memref<96000xf32, #tpu.memory_space<vmem>>, vector<16xf32>,
          %add3A_725 = arith.constant 16 : i32
          %add3A_726 = arith.addi %squeeze3A_722, %add3A_725 : i32
          %get3A_727 = arith.index_cast %add3A_726 : i32 to index
          %get3A_728 = tpu.vector_load %arg5[%get3A_727] {strides = array<i32>} : memref<96000xf32, #tpu.memory_space<vmem>>, vector<16xf32>,
          %slice3A_729 = vector.extract_strided_slice %mul3A_618 {offsets = [11], sizes = [1], strides = [1]} : vector<16xi32> to vector<1xi32>
          %squeeze3A_730 = vector.extract %slice3A_729[0] : i32 from vector<1xi32>
          %get3A_731 = arith.index_cast %squeeze3A_730 : i32 to index
          %get3A_732 = tpu.vector_load %arg5[%get3A_731] {strides = array<i32>} : memref<96000xf32, #tpu.memory_space<vmem>>, vector<16xf32>,
          %add3A_733 = arith.constant 16 : i32
          %add3A_734 = arith.addi %squeeze3A_730, %add3A_733 : i32
          %get3A_735 = arith.index_cast %add3A_734 : i32 to index
          %get3A_736 = tpu.vector_load %arg5[%get3A_735] {strides = array<i32>} : memref<96000xf32, #tpu.memory_space<vmem>>, vector<16xf32>,
          %slice3A_737 = vector.extract_strided_slice %mul3A_618 {offsets = [12], sizes = [1], strides = [1]} : vector<16xi32> to vector<1xi32>
          %squeeze3A_738 = vector.extract %slice3A_737[0] : i32 from vector<1xi32>
          %get3A_739 = arith.index_cast %squeeze3A_738 : i32 to index
          %get3A_740 = tpu.vector_load %arg5[%get3A_739] {strides = array<i32>} : memref<96000xf32, #tpu.memory_space<vmem>>, vector<16xf32>,
          %add3A_741 = arith.constant 16 : i32
          %add3A_742 = arith.addi %squeeze3A_738, %add3A_741 : i32
          %get3A_743 = arith.index_cast %add3A_742 : i32 to index
          %get3A_744 = tpu.vector_load %arg5[%get3A_743] {strides = array<i32>} : memref<96000xf32, #tpu.memory_space<vmem>>, vector<16xf32>,
          %slice3A_745 = vector.extract_strided_slice %mul3A_618 {offsets = [13], sizes = [1], strides = [1]} : vector<16xi32> to vector<1xi32>
          %squeeze3A_746 = vector.extract %slice3A_745[0] : i32 from vector<1xi32>
          %get3A_747 = arith.index_cast %squeeze3A_746 : i32 to index
          %get3A_748 = tpu.vector_load %arg5[%get3A_747] {strides = array<i32>} : memref<96000xf32, #tpu.memory_space<vmem>>, vector<16xf32>,
          %add3A_749 = arith.constant 16 : i32
          %add3A_750 = arith.addi %squeeze3A_746, %add3A_749 : i32
          %get3A_751 = arith.index_cast %add3A_750 : i32 to index
          %get3A_752 = tpu.vector_load %arg5[%get3A_751] {strides = array<i32>} : memref<96000xf32, #tpu.memory_space<vmem>>, vector<16xf32>,
          %slice3A_753 = vector.extract_strided_slice %mul3A_618 {offsets = [14], sizes = [1], strides = [1]} : vector<16xi32> to vector<1xi32>
          %squeeze3A_754 = vector.extract %slice3A_753[0] : i32 from vector<1xi32>
          %get3A_755 = arith.index_cast %squeeze3A_754 : i32 to index
          %get3A_756 = tpu.vector_load %arg5[%get3A_755] {strides = array<i32>} : memref<96000xf32, #tpu.memory_space<vmem>>, vector<16xf32>,
          %add3A_757 = arith.constant 16 : i32
          %add3A_758 = arith.addi %squeeze3A_754, %add3A_757 : i32
          %get3A_759 = arith.index_cast %add3A_758 : i32 to index
          %get3A_760 = tpu.vector_load %arg5[%get3A_759] {strides = array<i32>} : memref<96000xf32, #tpu.memory_space<vmem>>, vector<16xf32>,
          %slice3A_761 = vector.extract_strided_slice %mul3A_618 {offsets = [15], sizes = [1], strides = [1]} : vector<16xi32> to vector<1xi32>
          %squeeze3A_762 = vector.extract %slice3A_761[0] : i32 from vector<1xi32>
          %get3A_763 = arith.index_cast %squeeze3A_762 : i32 to index
          %get3A_764 = tpu.vector_load %arg5[%get3A_763] {strides = array<i32>} : memref<96000xf32, #tpu.memory_space<vmem>>, vector<16xf32>,
          %add3A_765 = arith.constant 16 : i32
          %add3A_766 = arith.addi %squeeze3A_762, %add3A_765 : i32
          %get3A_767 = arith.index_cast %add3A_766 : i32 to index
          %get3A_768 = tpu.vector_load %arg5[%get3A_767] {strides = array<i32>} : memref<96000xf32, #tpu.memory_space<vmem>>, vector<16xf32>,
          %add3A_769 = arith.constant 8 : i32
          %add3A_770 = vector.broadcast %add3A_769 : i32 to vector<16xi32>
          %add3A_771 = arith.addi %broadcast_in_dim3A, %add3A_770 : vector<16xi32>
          tpu.vector_store_idx %arg7[%iota3A, %add3A_771], %get3A_708 : memref<32x264xf32, #tpu.memory_space<vmem>>[vector<16xi32>, vector<16xi32>], vector<16xf32>,
          tpu.vector_store_idx %arg7[%add3A_12, %add3A_771], %get3A_712 : memref<32x264xf32, #tpu.memory_space<vmem>>[vector<16xi32>, vector<16xi32>], vector<16xf32>,
          %add3A_772 = arith.constant 9 : i32
          %add3A_773 = vector.broadcast %add3A_772 : i32 to vector<16xi32>
          %add3A_774 = arith.addi %broadcast_in_dim3A, %add3A_773 : vector<16xi32>
          tpu.vector_store_idx %arg7[%iota3A, %add3A_774], %get3A_716 : memref<32x264xf32, #tpu.memory_space<vmem>>[vector<16xi32>, vector<16xi32>], vector<16xf32>,
          tpu.vector_store_idx %arg7[%add3A_12, %add3A_774], %get3A_720 : memref<32x264xf32, #tpu.memory_space<vmem>>[vector<16xi32>, vector<16xi32>], vector<16xf32>,
          %add3A_775 = arith.constant 10 : i32
          %add3A_776 = vector.broadcast %add3A_775 : i32 to vector<16xi32>
          %add3A_777 = arith.addi %broadcast_in_dim3A, %add3A_776 : vector<16xi32>
          tpu.vector_store_idx %arg7[%iota3A, %add3A_777], %get3A_724 : memref<32x264xf32, #tpu.memory_space<vmem>>[vector<16xi32>, vector<16xi32>], vector<16xf32>,
          tpu.vector_store_idx %arg7[%add3A_12, %add3A_777], %get3A_728 : memref<32x264xf32, #tpu.memory_space<vmem>>[vector<16xi32>, vector<16xi32>], vector<16xf32>,
          %add3A_778 = arith.constant 11 : i32
          %add3A_779 = vector.broadcast %add3A_778 : i32 to vector<16xi32>
          %add3A_780 = arith.addi %broadcast_in_dim3A, %add3A_779 : vector<16xi32>
          tpu.vector_store_idx %arg7[%iota3A, %add3A_780], %get3A_732 : memref<32x264xf32, #tpu.memory_space<vmem>>[vector<16xi32>, vector<16xi32>], vector<16xf32>,
          tpu.vector_store_idx %arg7[%add3A_12, %add3A_780], %get3A_736 : memref<32x264xf32, #tpu.memory_space<vmem>>[vector<16xi32>, vector<16xi32>], vector<16xf32>,
          %add3A_781 = arith.constant 12 : i32
          %add3A_782 = vector.broadcast %add3A_781 : i32 to vector<16xi32>
          %add3A_783 = arith.addi %broadcast_in_dim3A, %add3A_782 : vector<16xi32>
          tpu.vector_store_idx %arg7[%iota3A, %add3A_783], %get3A_740 : memref<32x264xf32, #tpu.memory_space<vmem>>[vector<16xi32>, vector<16xi32>], vector<16xf32>,
          tpu.vector_store_idx %arg7[%add3A_12, %add3A_783], %get3A_744 : memref<32x264xf32, #tpu.memory_space<vmem>>[vector<16xi32>, vector<16xi32>], vector<16xf32>,
          %add3A_784 = arith.constant 13 : i32
          %add3A_785 = vector.broadcast %add3A_784 : i32 to vector<16xi32>
          %add3A_786 = arith.addi %broadcast_in_dim3A, %add3A_785 : vector<16xi32>
          tpu.vector_store_idx %arg7[%iota3A, %add3A_786], %get3A_748 : memref<32x264xf32, #tpu.memory_space<vmem>>[vector<16xi32>, vector<16xi32>], vector<16xf32>,
          tpu.vector_store_idx %arg7[%add3A_12, %add3A_786], %get3A_752 : memref<32x264xf32, #tpu.memory_space<vmem>>[vector<16xi32>, vector<16xi32>], vector<16xf32>,
          %add3A_787 = arith.constant 14 : i32
          %add3A_788 = vector.broadcast %add3A_787 : i32 to vector<16xi32>
          %add3A_789 = arith.addi %broadcast_in_dim3A, %add3A_788 : vector<16xi32>
          tpu.vector_store_idx %arg7[%iota3A, %add3A_789], %get3A_756 : memref<32x264xf32, #tpu.memory_space<vmem>>[vector<16xi32>, vector<16xi32>], vector<16xf32>,
          tpu.vector_store_idx %arg7[%add3A_12, %add3A_789], %get3A_760 : memref<32x264xf32, #tpu.memory_space<vmem>>[vector<16xi32>, vector<16xi32>], vector<16xf32>,
          %add3A_790 = arith.constant 15 : i32
          %add3A_791 = vector.broadcast %add3A_790 : i32 to vector<16xi32>
          %add3A_792 = arith.addi %broadcast_in_dim3A, %add3A_791 : vector<16xi32>
          tpu.vector_store_idx %arg7[%iota3A, %add3A_792], %get3A_764 : memref<32x264xf32, #tpu.memory_space<vmem>>[vector<16xi32>, vector<16xi32>], vector<16xf32>,
          tpu.vector_store_idx %arg7[%add3A_12, %add3A_792], %get3A_768 : memref<32x264xf32, #tpu.memory_space<vmem>>[vector<16xi32>, vector<16xi32>], vector<16xf32>,
          %scan3A_793 = arith.constant 1 : i32
          %scan3A_794 = arith.addi %scan3A_609, %scan3A_793 : i32
          %mul3A_795 = arith.constant 16 : i32
          %mul3A_796 = arith.muli %scan3A_794, %mul3A_795 : i32
          %add3A_797 = arith.addi %mul3A_276, %mul3A_796 : i32
          %get3A_798 = arith.index_cast %add3A_797 : i32 to index
          %get3A_799 = tpu.vector_load %arg6[%get3A_798] {strides = array<i32>} : memref<4096xi32, #tpu.memory_space<vmem>>, vector<16xi32>,
          %add3A_800 = vector.broadcast %mul3A_35 : i32 to vector<16xi32>
          %add3A_801 = arith.addi %get3A_799, %add3A_800 : vector<16xi32>
          %mul3A_802 = arith.constant 32 : i32
          %mul3A_803 = vector.broadcast %mul3A_802 : i32 to vector<16xi32>
          %mul3A_804 = arith.muli %add3A_801, %mul3A_803 : vector<16xi32>
          %broadcast_in_dim3A_805 = vector.broadcast %mul3A_796 : i32 to vector<16xi32>
          %slice3A_806 = vector.extract_strided_slice %mul3A_804 {offsets = [0], sizes = [1], strides = [1]} : vector<16xi32> to vector<1xi32>
          %squeeze3A_807 = vector.extract %slice3A_806[0] : i32 from vector<1xi32>
          %get3A_808 = arith.index_cast %squeeze3A_807 : i32 to index
          %get3A_809 = tpu.vector_load %arg5[%get3A_808] {strides = array<i32>} : memref<96000xf32, #tpu.memory_space<vmem>>, vector<16xf32>,
          %add3A_810 = arith.constant 16 : i32
          %add3A_811 = arith.addi %squeeze3A_807, %add3A_810 : i32
          %get3A_812 = arith.index_cast %add3A_811 : i32 to index
          %get3A_813 = tpu.vector_load %arg5[%get3A_812] {strides = array<i32>} : memref<96000xf32, #tpu.memory_space<vmem>>, vector<16xf32>,
          %slice3A_814 = vector.extract_strided_slice %mul3A_804 {offsets = [1], sizes = [1], strides = [1]} : vector<16xi32> to vector<1xi32>
          %squeeze3A_815 = vector.extract %slice3A_814[0] : i32 from vector<1xi32>
          %get3A_816 = arith.index_cast %squeeze3A_815 : i32 to index
          %get3A_817 = tpu.vector_load %arg5[%get3A_816] {strides = array<i32>} : memref<96000xf32, #tpu.memory_space<vmem>>, vector<16xf32>,
          %add3A_818 = arith.constant 16 : i32
          %add3A_819 = arith.addi %squeeze3A_815, %add3A_818 : i32
          %get3A_820 = arith.index_cast %add3A_819 : i32 to index
          %get3A_821 = tpu.vector_load %arg5[%get3A_820] {strides = array<i32>} : memref<96000xf32, #tpu.memory_space<vmem>>, vector<16xf32>,
          %slice3A_822 = vector.extract_strided_slice %mul3A_804 {offsets = [2], sizes = [1], strides = [1]} : vector<16xi32> to vector<1xi32>
          %squeeze3A_823 = vector.extract %slice3A_822[0] : i32 from vector<1xi32>
          %get3A_824 = arith.index_cast %squeeze3A_823 : i32 to index
          %get3A_825 = tpu.vector_load %arg5[%get3A_824] {strides = array<i32>} : memref<96000xf32, #tpu.memory_space<vmem>>, vector<16xf32>,
          %add3A_826 = arith.constant 16 : i32
          %add3A_827 = arith.addi %squeeze3A_823, %add3A_826 : i32
          %get3A_828 = arith.index_cast %add3A_827 : i32 to index
          %get3A_829 = tpu.vector_load %arg5[%get3A_828] {strides = array<i32>} : memref<96000xf32, #tpu.memory_space<vmem>>, vector<16xf32>,
          %slice3A_830 = vector.extract_strided_slice %mul3A_804 {offsets = [3], sizes = [1], strides = [1]} : vector<16xi32> to vector<1xi32>
          %squeeze3A_831 = vector.extract %slice3A_830[0] : i32 from vector<1xi32>
          %get3A_832 = arith.index_cast %squeeze3A_831 : i32 to index
          %get3A_833 = tpu.vector_load %arg5[%get3A_832] {strides = array<i32>} : memref<96000xf32, #tpu.memory_space<vmem>>, vector<16xf32>,
          %add3A_834 = arith.constant 16 : i32
          %add3A_835 = arith.addi %squeeze3A_831, %add3A_834 : i32
          %get3A_836 = arith.index_cast %add3A_835 : i32 to index
          %get3A_837 = tpu.vector_load %arg5[%get3A_836] {strides = array<i32>} : memref<96000xf32, #tpu.memory_space<vmem>>, vector<16xf32>,
          %slice3A_838 = vector.extract_strided_slice %mul3A_804 {offsets = [4], sizes = [1], strides = [1]} : vector<16xi32> to vector<1xi32>
          %squeeze3A_839 = vector.extract %slice3A_838[0] : i32 from vector<1xi32>
          %get3A_840 = arith.index_cast %squeeze3A_839 : i32 to index
          %get3A_841 = tpu.vector_load %arg5[%get3A_840] {strides = array<i32>} : memref<96000xf32, #tpu.memory_space<vmem>>, vector<16xf32>,
          %add3A_842 = arith.constant 16 : i32
          %add3A_843 = arith.addi %squeeze3A_839, %add3A_842 : i32
          %get3A_844 = arith.index_cast %add3A_843 : i32 to index
          %get3A_845 = tpu.vector_load %arg5[%get3A_844] {strides = array<i32>} : memref<96000xf32, #tpu.memory_space<vmem>>, vector<16xf32>,
          %slice3A_846 = vector.extract_strided_slice %mul3A_804 {offsets = [5], sizes = [1], strides = [1]} : vector<16xi32> to vector<1xi32>
          %squeeze3A_847 = vector.extract %slice3A_846[0] : i32 from vector<1xi32>
          %get3A_848 = arith.index_cast %squeeze3A_847 : i32 to index
          %get3A_849 = tpu.vector_load %arg5[%get3A_848] {strides = array<i32>} : memref<96000xf32, #tpu.memory_space<vmem>>, vector<16xf32>,
          %add3A_850 = arith.constant 16 : i32
          %add3A_851 = arith.addi %squeeze3A_847, %add3A_850 : i32
          %get3A_852 = arith.index_cast %add3A_851 : i32 to index
          %get3A_853 = tpu.vector_load %arg5[%get3A_852] {strides = array<i32>} : memref<96000xf32, #tpu.memory_space<vmem>>, vector<16xf32>,
          %slice3A_854 = vector.extract_strided_slice %mul3A_804 {offsets = [6], sizes = [1], strides = [1]} : vector<16xi32> to vector<1xi32>
          %squeeze3A_855 = vector.extract %slice3A_854[0] : i32 from vector<1xi32>
          %get3A_856 = arith.index_cast %squeeze3A_855 : i32 to index
          %get3A_857 = tpu.vector_load %arg5[%get3A_856] {strides = array<i32>} : memref<96000xf32, #tpu.memory_space<vmem>>, vector<16xf32>,
          %add3A_858 = arith.constant 16 : i32
          %add3A_859 = arith.addi %squeeze3A_855, %add3A_858 : i32
          %get3A_860 = arith.index_cast %add3A_859 : i32 to index
          %get3A_861 = tpu.vector_load %arg5[%get3A_860] {strides = array<i32>} : memref<96000xf32, #tpu.memory_space<vmem>>, vector<16xf32>,
          %slice3A_862 = vector.extract_strided_slice %mul3A_804 {offsets = [7], sizes = [1], strides = [1]} : vector<16xi32> to vector<1xi32>
          %squeeze3A_863 = vector.extract %slice3A_862[0] : i32 from vector<1xi32>
          %get3A_864 = arith.index_cast %squeeze3A_863 : i32 to index
          %get3A_865 = tpu.vector_load %arg5[%get3A_864] {strides = array<i32>} : memref<96000xf32, #tpu.memory_space<vmem>>, vector<16xf32>,
          %add3A_866 = arith.constant 16 : i32
          %add3A_867 = arith.addi %squeeze3A_863, %add3A_866 : i32
          %get3A_868 = arith.index_cast %add3A_867 : i32 to index
          %get3A_869 = tpu.vector_load %arg5[%get3A_868] {strides = array<i32>} : memref<96000xf32, #tpu.memory_space<vmem>>, vector<16xf32>,
          %add3A_870 = arith.constant 0 : i32
          %add3A_871 = vector.broadcast %add3A_870 : i32 to vector<16xi32>
          %add3A_872 = arith.addi %broadcast_in_dim3A_805, %add3A_871 : vector<16xi32>
          tpu.vector_store_idx %arg7[%iota3A, %add3A_872], %get3A_809 : memref<32x264xf32, #tpu.memory_space<vmem>>[vector<16xi32>, vector<16xi32>], vector<16xf32>,
          tpu.vector_store_idx %arg7[%add3A_12, %add3A_872], %get3A_813 : memref<32x264xf32, #tpu.memory_space<vmem>>[vector<16xi32>, vector<16xi32>], vector<16xf32>,
          %add3A_873 = arith.constant 1 : i32
          %add3A_874 = vector.broadcast %add3A_873 : i32 to vector<16xi32>
          %add3A_875 = arith.addi %broadcast_in_dim3A_805, %add3A_874 : vector<16xi32>
          tpu.vector_store_idx %arg7[%iota3A, %add3A_875], %get3A_817 : memref<32x264xf32, #tpu.memory_space<vmem>>[vector<16xi32>, vector<16xi32>], vector<16xf32>,
          tpu.vector_store_idx %arg7[%add3A_12, %add3A_875], %get3A_821 : memref<32x264xf32, #tpu.memory_space<vmem>>[vector<16xi32>, vector<16xi32>], vector<16xf32>,
          %add3A_876 = arith.constant 2 : i32
          %add3A_877 = vector.broadcast %add3A_876 : i32 to vector<16xi32>
          %add3A_878 = arith.addi %broadcast_in_dim3A_805, %add3A_877 : vector<16xi32>
          tpu.vector_store_idx %arg7[%iota3A, %add3A_878], %get3A_825 : memref<32x264xf32, #tpu.memory_space<vmem>>[vector<16xi32>, vector<16xi32>], vector<16xf32>,
          tpu.vector_store_idx %arg7[%add3A_12, %add3A_878], %get3A_829 : memref<32x264xf32, #tpu.memory_space<vmem>>[vector<16xi32>, vector<16xi32>], vector<16xf32>,
          %add3A_879 = arith.constant 3 : i32
          %add3A_880 = vector.broadcast %add3A_879 : i32 to vector<16xi32>
          %add3A_881 = arith.addi %broadcast_in_dim3A_805, %add3A_880 : vector<16xi32>
          tpu.vector_store_idx %arg7[%iota3A, %add3A_881], %get3A_833 : memref<32x264xf32, #tpu.memory_space<vmem>>[vector<16xi32>, vector<16xi32>], vector<16xf32>,
          tpu.vector_store_idx %arg7[%add3A_12, %add3A_881], %get3A_837 : memref<32x264xf32, #tpu.memory_space<vmem>>[vector<16xi32>, vector<16xi32>], vector<16xf32>,
          %add3A_882 = arith.constant 4 : i32
          %add3A_883 = vector.broadcast %add3A_882 : i32 to vector<16xi32>
          %add3A_884 = arith.addi %broadcast_in_dim3A_805, %add3A_883 : vector<16xi32>
          tpu.vector_store_idx %arg7[%iota3A, %add3A_884], %get3A_841 : memref<32x264xf32, #tpu.memory_space<vmem>>[vector<16xi32>, vector<16xi32>], vector<16xf32>,
          tpu.vector_store_idx %arg7[%add3A_12, %add3A_884], %get3A_845 : memref<32x264xf32, #tpu.memory_space<vmem>>[vector<16xi32>, vector<16xi32>], vector<16xf32>,
          %add3A_885 = arith.constant 5 : i32
          %add3A_886 = vector.broadcast %add3A_885 : i32 to vector<16xi32>
          %add3A_887 = arith.addi %broadcast_in_dim3A_805, %add3A_886 : vector<16xi32>
          tpu.vector_store_idx %arg7[%iota3A, %add3A_887], %get3A_849 : memref<32x264xf32, #tpu.memory_space<vmem>>[vector<16xi32>, vector<16xi32>], vector<16xf32>,
          tpu.vector_store_idx %arg7[%add3A_12, %add3A_887], %get3A_853 : memref<32x264xf32, #tpu.memory_space<vmem>>[vector<16xi32>, vector<16xi32>], vector<16xf32>,
          %add3A_888 = arith.constant 6 : i32
          %add3A_889 = vector.broadcast %add3A_888 : i32 to vector<16xi32>
          %add3A_890 = arith.addi %broadcast_in_dim3A_805, %add3A_889 : vector<16xi32>
          tpu.vector_store_idx %arg7[%iota3A, %add3A_890], %get3A_857 : memref<32x264xf32, #tpu.memory_space<vmem>>[vector<16xi32>, vector<16xi32>], vector<16xf32>,
          tpu.vector_store_idx %arg7[%add3A_12, %add3A_890], %get3A_861 : memref<32x264xf32, #tpu.memory_space<vmem>>[vector<16xi32>, vector<16xi32>], vector<16xf32>,
          %add3A_891 = arith.constant 7 : i32
          %add3A_892 = vector.broadcast %add3A_891 : i32 to vector<16xi32>
          %add3A_893 = arith.addi %broadcast_in_dim3A_805, %add3A_892 : vector<16xi32>
          tpu.vector_store_idx %arg7[%iota3A, %add3A_893], %get3A_865 : memref<32x264xf32, #tpu.memory_space<vmem>>[vector<16xi32>, vector<16xi32>], vector<16xf32>,
          tpu.vector_store_idx %arg7[%add3A_12, %add3A_893], %get3A_869 : memref<32x264xf32, #tpu.memory_space<vmem>>[vector<16xi32>, vector<16xi32>], vector<16xf32>,
          %slice3A_894 = vector.extract_strided_slice %mul3A_804 {offsets = [8], sizes = [1], strides = [1]} : vector<16xi32> to vector<1xi32>
          %squeeze3A_895 = vector.extract %slice3A_894[0] : i32 from vector<1xi32>
          %get3A_896 = arith.index_cast %squeeze3A_895 : i32 to index
          %get3A_897 = tpu.vector_load %arg5[%get3A_896] {strides = array<i32>} : memref<96000xf32, #tpu.memory_space<vmem>>, vector<16xf32>,
          %add3A_898 = arith.constant 16 : i32
          %add3A_899 = arith.addi %squeeze3A_895, %add3A_898 : i32
          %get3A_900 = arith.index_cast %add3A_899 : i32 to index
          %get3A_901 = tpu.vector_load %arg5[%get3A_900] {strides = array<i32>} : memref<96000xf32, #tpu.memory_space<vmem>>, vector<16xf32>,
          %slice3A_902 = vector.extract_strided_slice %mul3A_804 {offsets = [9], sizes = [1], strides = [1]} : vector<16xi32> to vector<1xi32>
          %squeeze3A_903 = vector.extract %slice3A_902[0] : i32 from vector<1xi32>
          %get3A_904 = arith.index_cast %squeeze3A_903 : i32 to index
          %get3A_905 = tpu.vector_load %arg5[%get3A_904] {strides = array<i32>} : memref<96000xf32, #tpu.memory_space<vmem>>, vector<16xf32>,
          %add3A_906 = arith.constant 16 : i32
          %add3A_907 = arith.addi %squeeze3A_903, %add3A_906 : i32
          %get3A_908 = arith.index_cast %add3A_907 : i32 to index
          %get3A_909 = tpu.vector_load %arg5[%get3A_908] {strides = array<i32>} : memref<96000xf32, #tpu.memory_space<vmem>>, vector<16xf32>,
          %slice3A_910 = vector.extract_strided_slice %mul3A_804 {offsets = [10], sizes = [1], strides = [1]} : vector<16xi32> to vector<1xi32>
          %squeeze3A_911 = vector.extract %slice3A_910[0] : i32 from vector<1xi32>
          %get3A_912 = arith.index_cast %squeeze3A_911 : i32 to index
          %get3A_913 = tpu.vector_load %arg5[%get3A_912] {strides = array<i32>} : memref<96000xf32, #tpu.memory_space<vmem>>, vector<16xf32>,
          %add3A_914 = arith.constant 16 : i32
          %add3A_915 = arith.addi %squeeze3A_911, %add3A_914 : i32
          %get3A_916 = arith.index_cast %add3A_915 : i32 to index
          %get3A_917 = tpu.vector_load %arg5[%get3A_916] {strides = array<i32>} : memref<96000xf32, #tpu.memory_space<vmem>>, vector<16xf32>,
          %slice3A_918 = vector.extract_strided_slice %mul3A_804 {offsets = [11], sizes = [1], strides = [1]} : vector<16xi32> to vector<1xi32>
          %squeeze3A_919 = vector.extract %slice3A_918[0] : i32 from vector<1xi32>
          %get3A_920 = arith.index_cast %squeeze3A_919 : i32 to index
          %get3A_921 = tpu.vector_load %arg5[%get3A_920] {strides = array<i32>} : memref<96000xf32, #tpu.memory_space<vmem>>, vector<16xf32>,
          %add3A_922 = arith.constant 16 : i32
          %add3A_923 = arith.addi %squeeze3A_919, %add3A_922 : i32
          %get3A_924 = arith.index_cast %add3A_923 : i32 to index
          %get3A_925 = tpu.vector_load %arg5[%get3A_924] {strides = array<i32>} : memref<96000xf32, #tpu.memory_space<vmem>>, vector<16xf32>,
          %slice3A_926 = vector.extract_strided_slice %mul3A_804 {offsets = [12], sizes = [1], strides = [1]} : vector<16xi32> to vector<1xi32>
          %squeeze3A_927 = vector.extract %slice3A_926[0] : i32 from vector<1xi32>
          %get3A_928 = arith.index_cast %squeeze3A_927 : i32 to index
          %get3A_929 = tpu.vector_load %arg5[%get3A_928] {strides = array<i32>} : memref<96000xf32, #tpu.memory_space<vmem>>, vector<16xf32>,
          %add3A_930 = arith.constant 16 : i32
          %add3A_931 = arith.addi %squeeze3A_927, %add3A_930 : i32
          %get3A_932 = arith.index_cast %add3A_931 : i32 to index
          %get3A_933 = tpu.vector_load %arg5[%get3A_932] {strides = array<i32>} : memref<96000xf32, #tpu.memory_space<vmem>>, vector<16xf32>,
          %slice3A_934 = vector.extract_strided_slice %mul3A_804 {offsets = [13], sizes = [1], strides = [1]} : vector<16xi32> to vector<1xi32>
          %squeeze3A_935 = vector.extract %slice3A_934[0] : i32 from vector<1xi32>
          %get3A_936 = arith.index_cast %squeeze3A_935 : i32 to index
          %get3A_937 = tpu.vector_load %arg5[%get3A_936] {strides = array<i32>} : memref<96000xf32, #tpu.memory_space<vmem>>, vector<16xf32>,
          %add3A_938 = arith.constant 16 : i32
          %add3A_939 = arith.addi %squeeze3A_935, %add3A_938 : i32
          %get3A_940 = arith.index_cast %add3A_939 : i32 to index
          %get3A_941 = tpu.vector_load %arg5[%get3A_940] {strides = array<i32>} : memref<96000xf32, #tpu.memory_space<vmem>>, vector<16xf32>,
          %slice3A_942 = vector.extract_strided_slice %mul3A_804 {offsets = [14], sizes = [1], strides = [1]} : vector<16xi32> to vector<1xi32>
          %squeeze3A_943 = vector.extract %slice3A_942[0] : i32 from vector<1xi32>
          %get3A_944 = arith.index_cast %squeeze3A_943 : i32 to index
          %get3A_945 = tpu.vector_load %arg5[%get3A_944] {strides = array<i32>} : memref<96000xf32, #tpu.memory_space<vmem>>, vector<16xf32>,
          %add3A_946 = arith.constant 16 : i32
          %add3A_947 = arith.addi %squeeze3A_943, %add3A_946 : i32
          %get3A_948 = arith.index_cast %add3A_947 : i32 to index
          %get3A_949 = tpu.vector_load %arg5[%get3A_948] {strides = array<i32>} : memref<96000xf32, #tpu.memory_space<vmem>>, vector<16xf32>,
          %slice3A_950 = vector.extract_strided_slice %mul3A_804 {offsets = [15], sizes = [1], strides = [1]} : vector<16xi32> to vector<1xi32>
          %squeeze3A_951 = vector.extract %slice3A_950[0] : i32 from vector<1xi32>
          %get3A_952 = arith.index_cast %squeeze3A_951 : i32 to index
          %get3A_953 = tpu.vector_load %arg5[%get3A_952] {strides = array<i32>} : memref<96000xf32, #tpu.memory_space<vmem>>, vector<16xf32>,
          %add3A_954 = arith.constant 16 : i32
          %add3A_955 = arith.addi %squeeze3A_951, %add3A_954 : i32
          %get3A_956 = arith.index_cast %add3A_955 : i32 to index
          %get3A_957 = tpu.vector_load %arg5[%get3A_956] {strides = array<i32>} : memref<96000xf32, #tpu.memory_space<vmem>>, vector<16xf32>,
          %add3A_958 = arith.constant 8 : i32
          %add3A_959 = vector.broadcast %add3A_958 : i32 to vector<16xi32>
          %add3A_960 = arith.addi %broadcast_in_dim3A_805, %add3A_959 : vector<16xi32>
          tpu.vector_store_idx %arg7[%iota3A, %add3A_960], %get3A_897 : memref<32x264xf32, #tpu.memory_space<vmem>>[vector<16xi32>, vector<16xi32>], vector<16xf32>,
          tpu.vector_store_idx %arg7[%add3A_12, %add3A_960], %get3A_901 : memref<32x264xf32, #tpu.memory_space<vmem>>[vector<16xi32>, vector<16xi32>], vector<16xf32>,
          %add3A_961 = arith.constant 9 : i32
          %add3A_962 = vector.broadcast %add3A_961 : i32 to vector<16xi32>
          %add3A_963 = arith.addi %broadcast_in_dim3A_805, %add3A_962 : vector<16xi32>
          tpu.vector_store_idx %arg7[%iota3A, %add3A_963], %get3A_905 : memref<32x264xf32, #tpu.memory_space<vmem>>[vector<16xi32>, vector<16xi32>], vector<16xf32>,
          tpu.vector_store_idx %arg7[%add3A_12, %add3A_963], %get3A_909 : memref<32x264xf32, #tpu.memory_space<vmem>>[vector<16xi32>, vector<16xi32>], vector<16xf32>,
          %add3A_964 = arith.constant 10 : i32
          %add3A_965 = vector.broadcast %add3A_964 : i32 to vector<16xi32>
          %add3A_966 = arith.addi %broadcast_in_dim3A_805, %add3A_965 : vector<16xi32>
          tpu.vector_store_idx %arg7[%iota3A, %add3A_966], %get3A_913 : memref<32x264xf32, #tpu.memory_space<vmem>>[vector<16xi32>, vector<16xi32>], vector<16xf32>,
          tpu.vector_store_idx %arg7[%add3A_12, %add3A_966], %get3A_917 : memref<32x264xf32, #tpu.memory_space<vmem>>[vector<16xi32>, vector<16xi32>], vector<16xf32>,
          %add3A_967 = arith.constant 11 : i32
          %add3A_968 = vector.broadcast %add3A_967 : i32 to vector<16xi32>
          %add3A_969 = arith.addi %broadcast_in_dim3A_805, %add3A_968 : vector<16xi32>
          tpu.vector_store_idx %arg7[%iota3A, %add3A_969], %get3A_921 : memref<32x264xf32, #tpu.memory_space<vmem>>[vector<16xi32>, vector<16xi32>], vector<16xf32>,
          tpu.vector_store_idx %arg7[%add3A_12, %add3A_969], %get3A_925 : memref<32x264xf32, #tpu.memory_space<vmem>>[vector<16xi32>, vector<16xi32>], vector<16xf32>,
          %add3A_970 = arith.constant 12 : i32
          %add3A_971 = vector.broadcast %add3A_970 : i32 to vector<16xi32>
          %add3A_972 = arith.addi %broadcast_in_dim3A_805, %add3A_971 : vector<16xi32>
          tpu.vector_store_idx %arg7[%iota3A, %add3A_972], %get3A_929 : memref<32x264xf32, #tpu.memory_space<vmem>>[vector<16xi32>, vector<16xi32>], vector<16xf32>,
          tpu.vector_store_idx %arg7[%add3A_12, %add3A_972], %get3A_933 : memref<32x264xf32, #tpu.memory_space<vmem>>[vector<16xi32>, vector<16xi32>], vector<16xf32>,
          %add3A_973 = arith.constant 13 : i32
          %add3A_974 = vector.broadcast %add3A_973 : i32 to vector<16xi32>
          %add3A_975 = arith.addi %broadcast_in_dim3A_805, %add3A_974 : vector<16xi32>
          tpu.vector_store_idx %arg7[%iota3A, %add3A_975], %get3A_937 : memref<32x264xf32, #tpu.memory_space<vmem>>[vector<16xi32>, vector<16xi32>], vector<16xf32>,
          tpu.vector_store_idx %arg7[%add3A_12, %add3A_975], %get3A_941 : memref<32x264xf32, #tpu.memory_space<vmem>>[vector<16xi32>, vector<16xi32>], vector<16xf32>,
          %add3A_976 = arith.constant 14 : i32
          %add3A_977 = vector.broadcast %add3A_976 : i32 to vector<16xi32>
          %add3A_978 = arith.addi %broadcast_in_dim3A_805, %add3A_977 : vector<16xi32>
          tpu.vector_store_idx %arg7[%iota3A, %add3A_978], %get3A_945 : memref<32x264xf32, #tpu.memory_space<vmem>>[vector<16xi32>, vector<16xi32>], vector<16xf32>,
          tpu.vector_store_idx %arg7[%add3A_12, %add3A_978], %get3A_949 : memref<32x264xf32, #tpu.memory_space<vmem>>[vector<16xi32>, vector<16xi32>], vector<16xf32>,
          %add3A_979 = arith.constant 15 : i32
          %add3A_980 = vector.broadcast %add3A_979 : i32 to vector<16xi32>
          %add3A_981 = arith.addi %broadcast_in_dim3A_805, %add3A_980 : vector<16xi32>
          tpu.vector_store_idx %arg7[%iota3A, %add3A_981], %get3A_953 : memref<32x264xf32, #tpu.memory_space<vmem>>[vector<16xi32>, vector<16xi32>], vector<16xf32>,
          tpu.vector_store_idx %arg7[%add3A_12, %add3A_981], %get3A_957 : memref<32x264xf32, #tpu.memory_space<vmem>>[vector<16xi32>, vector<16xi32>], vector<16xf32>,
        }
        %scan3A_284 = arith.constant 16 : i32
        %mul3A_285 = arith.constant 2 : i32
        %mul3A_286 = arith.muli %add3A_274, %mul3A_285 : i32
        %add3A_287 = arith.constant 0 : i32
        %add3A_288 = arith.addi %mul3A_39, %add3A_287 : i32
        %add3A_289 = arith.addi %add3A_288, %mul3A_286 : i32
        %add3A_290 = arith.constant 0 : i32
        %add3A_291 = arith.addi %add3A_289, %add3A_290 : i32
        %dma_start3A = arith.constant 0 : i32
        %dma_start3A_292 = arith.constant 0 : i32
        %dma_start3A_293 = tpu.memref_slice %arg7[%dma_start3A, %dma_start3A_292] : memref<32x264xf32, #tpu.memory_space<vmem>> -> memref<8x128xf32, #tpu.memory_space<vmem>>
        %dma_start3A_294 = arith.constant 0 : i32
        %dma_start3A_295 = arith.constant 0 : i32
        %dma_start3A_296 = tpu.memref_slice %arg4[%add3A_291, %dma_start3A_294, %dma_start3A_295] : memref<75264x8x128xf32, #tpu.memory_space<hbm>> -> memref<1x8x128xf32, #tpu.memory_space<hbm>>
        %dma_start3A_297 = tpu.memref_squeeze %dma_start3A_296 : memref<1x8x128xf32, #tpu.memory_space<hbm>> -> memref<8x128xf32, #tpu.memory_space<hbm>>
        %dma_start3A_298 = arith.constant 0 : i32
        %dma_start3A_299 = arith.constant 0 : i32
        %dma_start3A_300 = tpu.memref_slice %arg4[%add3A_291, %dma_start3A_298, %dma_start3A_299] : memref<75264x8x128xf32, #tpu.memory_space<hbm>> -> memref<1x8x128xf32, #tpu.memory_space<hbm>>
        %dma_start3A_301 = tpu.memref_squeeze %dma_start3A_300 : memref<1x8x128xf32, #tpu.memory_space<hbm>> -> memref<8x128xf32, #tpu.memory_space<hbm>>
        %dma_start3A_302 = arith.constant 0 : i32
        %dma_start3A_303 = arith.constant 0 : i32
        %dma_start3A_304 = tpu.memref_slice %arg7[%dma_start3A_302, %dma_start3A_303] : memref<32x264xf32, #tpu.memory_space<vmem>> -> memref<8x128xf32, #tpu.memory_space<vmem>>
        tpu.enqueue_dma source(%dma_start3A_304 : memref<8x128xf32, #tpu.memory_space<vmem>>) target(%dma_start3A_301 : memref<8x128xf32, #tpu.memory_space<hbm>>) target_semaphore(%arg9 : memref<!tpu.dma_semaphore, #tpu.memory_space<semaphore_mem>>)
        %add3A_305 = arith.constant 0 : i32
        %add3A_306 = arith.addi %mul3A_39, %add3A_305 : i32
        %add3A_307 = arith.addi %add3A_306, %mul3A_286 : i32
        %add3A_308 = arith.constant 1 : i32
        %add3A_309 = arith.addi %add3A_307, %add3A_308 : i32
        %dma_start3A_310 = arith.constant 0 : i32
        %dma_start3A_311 = arith.constant 128 : i32
        %dma_start3A_312 = tpu.memref_slice %arg7[%dma_start3A_310, %dma_start3A_311] : memref<32x264xf32, #tpu.memory_space<vmem>> -> memref<8x128xf32, #tpu.memory_space<vmem>>
        %dma_start3A_313 = arith.constant 0 : i32
        %dma_start3A_314 = arith.constant 0 : i32
        %dma_start3A_315 = tpu.memref_slice %arg4[%add3A_309, %dma_start3A_313, %dma_start3A_314] : memref<75264x8x128xf32, #tpu.memory_space<hbm>> -> memref<1x8x128xf32, #tpu.memory_space<hbm>>
        %dma_start3A_316 = tpu.memref_squeeze %dma_start3A_315 : memref<1x8x128xf32, #tpu.memory_space<hbm>> -> memref<8x128xf32, #tpu.memory_space<hbm>>
        %dma_start3A_317 = arith.constant 0 : i32
        %dma_start3A_318 = arith.constant 0 : i32
        %dma_start3A_319 = tpu.memref_slice %arg4[%add3A_309, %dma_start3A_317, %dma_start3A_318] : memref<75264x8x128xf32, #tpu.memory_space<hbm>> -> memref<1x8x128xf32, #tpu.memory_space<hbm>>
        %dma_start3A_320 = tpu.memref_squeeze %dma_start3A_319 : memref<1x8x128xf32, #tpu.memory_space<hbm>> -> memref<8x128xf32, #tpu.memory_space<hbm>>
        %dma_start3A_321 = arith.constant 0 : i32
        %dma_start3A_322 = arith.constant 128 : i32
        %dma_start3A_323 = tpu.memref_slice %arg7[%dma_start3A_321, %dma_start3A_322] : memref<32x264xf32, #tpu.memory_space<vmem>> -> memref<8x128xf32, #tpu.memory_space<vmem>>
        tpu.enqueue_dma source(%dma_start3A_323 : memref<8x128xf32, #tpu.memory_space<vmem>>) target(%dma_start3A_320 : memref<8x128xf32, #tpu.memory_space<hbm>>) target_semaphore(%arg9 : memref<!tpu.dma_semaphore, #tpu.memory_space<semaphore_mem>>)
        %add3A_324 = arith.constant 32 : i32
        %add3A_325 = arith.addi %mul3A_39, %add3A_324 : i32
        %add3A_326 = arith.addi %add3A_325, %mul3A_286 : i32
        %add3A_327 = arith.constant 0 : i32
        %add3A_328 = arith.addi %add3A_326, %add3A_327 : i32
        %dma_start3A_329 = arith.constant 8 : i32
        %dma_start3A_330 = arith.constant 0 : i32
        %dma_start3A_331 = tpu.memref_slice %arg7[%dma_start3A_329, %dma_start3A_330] : memref<32x264xf32, #tpu.memory_space<vmem>> -> memref<8x128xf32, #tpu.memory_space<vmem>>
        %dma_start3A_332 = arith.constant 0 : i32
        %dma_start3A_333 = arith.constant 0 : i32
        %dma_start3A_334 = tpu.memref_slice %arg4[%add3A_328, %dma_start3A_332, %dma_start3A_333] : memref<75264x8x128xf32, #tpu.memory_space<hbm>> -> memref<1x8x128xf32, #tpu.memory_space<hbm>>
        %dma_start3A_335 = tpu.memref_squeeze %dma_start3A_334 : memref<1x8x128xf32, #tpu.memory_space<hbm>> -> memref<8x128xf32, #tpu.memory_space<hbm>>
        %dma_start3A_336 = arith.constant 0 : i32
        %dma_start3A_337 = arith.constant 0 : i32
        %dma_start3A_338 = tpu.memref_slice %arg4[%add3A_328, %dma_start3A_336, %dma_start3A_337] : memref<75264x8x128xf32, #tpu.memory_space<hbm>> -> memref<1x8x128xf32, #tpu.memory_space<hbm>>
        %dma_start3A_339 = tpu.memref_squeeze %dma_start3A_338 : memref<1x8x128xf32, #tpu.memory_space<hbm>> -> memref<8x128xf32, #tpu.memory_space<hbm>>
        %dma_start3A_340 = arith.constant 8 : i32
        %dma_start3A_341 = arith.constant 0 : i32
        %dma_start3A_342 = tpu.memref_slice %arg7[%dma_start3A_340, %dma_start3A_341] : memref<32x264xf32, #tpu.memory_space<vmem>> -> memref<8x128xf32, #tpu.memory_space<vmem>>
        tpu.enqueue_dma source(%dma_start3A_342 : memref<8x128xf32, #tpu.memory_space<vmem>>) target(%dma_start3A_339 : memref<8x128xf32, #tpu.memory_space<hbm>>) target_semaphore(%arg9 : memref<!tpu.dma_semaphore, #tpu.memory_space<semaphore_mem>>)
        %add3A_343 = arith.constant 32 : i32
        %add3A_344 = arith.addi %mul3A_39, %add3A_343 : i32
        %add3A_345 = arith.addi %add3A_344, %mul3A_286 : i32
        %add3A_346 = arith.constant 1 : i32
        %add3A_347 = arith.addi %add3A_345, %add3A_346 : i32
        %dma_start3A_348 = arith.constant 8 : i32
        %dma_start3A_349 = arith.constant 128 : i32
        %dma_start3A_350 = tpu.memref_slice %arg7[%dma_start3A_348, %dma_start3A_349] : memref<32x264xf32, #tpu.memory_space<vmem>> -> memref<8x128xf32, #tpu.memory_space<vmem>>
        %dma_start3A_351 = arith.constant 0 : i32
        %dma_start3A_352 = arith.constant 0 : i32
        %dma_start3A_353 = tpu.memref_slice %arg4[%add3A_347, %dma_start3A_351, %dma_start3A_352] : memref<75264x8x128xf32, #tpu.memory_space<hbm>> -> memref<1x8x128xf32, #tpu.memory_space<hbm>>
        %dma_start3A_354 = tpu.memref_squeeze %dma_start3A_353 : memref<1x8x128xf32, #tpu.memory_space<hbm>> -> memref<8x128xf32, #tpu.memory_space<hbm>>
        %dma_start3A_355 = arith.constant 0 : i32
        %dma_start3A_356 = arith.constant 0 : i32
        %dma_start3A_357 = tpu.memref_slice %arg4[%add3A_347, %dma_start3A_355, %dma_start3A_356] : memref<75264x8x128xf32, #tpu.memory_space<hbm>> -> memref<1x8x128xf32, #tpu.memory_space<hbm>>
        %dma_start3A_358 = tpu.memref_squeeze %dma_start3A_357 : memref<1x8x128xf32, #tpu.memory_space<hbm>> -> memref<8x128xf32, #tpu.memory_space<hbm>>
        %dma_start3A_359 = arith.constant 8 : i32
        %dma_start3A_360 = arith.constant 128 : i32
        %dma_start3A_361 = tpu.memref_slice %arg7[%dma_start3A_359, %dma_start3A_360] : memref<32x264xf32, #tpu.memory_space<vmem>> -> memref<8x128xf32, #tpu.memory_space<vmem>>
        tpu.enqueue_dma source(%dma_start3A_361 : memref<8x128xf32, #tpu.memory_space<vmem>>) target(%dma_start3A_358 : memref<8x128xf32, #tpu.memory_space<hbm>>) target_semaphore(%arg9 : memref<!tpu.dma_semaphore, #tpu.memory_space<semaphore_mem>>)
        %add3A_362 = arith.constant 64 : i32
        %add3A_363 = arith.addi %mul3A_39, %add3A_362 : i32
        %add3A_364 = arith.addi %add3A_363, %mul3A_286 : i32
        %add3A_365 = arith.constant 0 : i32
        %add3A_366 = arith.addi %add3A_364, %add3A_365 : i32
        %dma_start3A_367 = arith.constant 16 : i32
        %dma_start3A_368 = arith.constant 0 : i32
        %dma_start3A_369 = tpu.memref_slice %arg7[%dma_start3A_367, %dma_start3A_368] : memref<32x264xf32, #tpu.memory_space<vmem>> -> memref<8x128xf32, #tpu.memory_space<vmem>>
        %dma_start3A_370 = arith.constant 0 : i32
        %dma_start3A_371 = arith.constant 0 : i32
        %dma_start3A_372 = tpu.memref_slice %arg4[%add3A_366, %dma_start3A_370, %dma_start3A_371] : memref<75264x8x128xf32, #tpu.memory_space<hbm>> -> memref<1x8x128xf32, #tpu.memory_space<hbm>>
        %dma_start3A_373 = tpu.memref_squeeze %dma_start3A_372 : memref<1x8x128xf32, #tpu.memory_space<hbm>> -> memref<8x128xf32, #tpu.memory_space<hbm>>
        %dma_start3A_374 = arith.constant 0 : i32
        %dma_start3A_375 = arith.constant 0 : i32
        %dma_start3A_376 = tpu.memref_slice %arg4[%add3A_366, %dma_start3A_374, %dma_start3A_375] : memref<75264x8x128xf32, #tpu.memory_space<hbm>> -> memref<1x8x128xf32, #tpu.memory_space<hbm>>
        %dma_start3A_377 = tpu.memref_squeeze %dma_start3A_376 : memref<1x8x128xf32, #tpu.memory_space<hbm>> -> memref<8x128xf32, #tpu.memory_space<hbm>>
        %dma_start3A_378 = arith.constant 16 : i32
        %dma_start3A_379 = arith.constant 0 : i32
        %dma_start3A_380 = tpu.memref_slice %arg7[%dma_start3A_378, %dma_start3A_379] : memref<32x264xf32, #tpu.memory_space<vmem>> -> memref<8x128xf32, #tpu.memory_space<vmem>>
        tpu.enqueue_dma source(%dma_start3A_380 : memref<8x128xf32, #tpu.memory_space<vmem>>) target(%dma_start3A_377 : memref<8x128xf32, #tpu.memory_space<hbm>>) target_semaphore(%arg9 : memref<!tpu.dma_semaphore, #tpu.memory_space<semaphore_mem>>)
        %add3A_381 = arith.constant 64 : i32
        %add3A_382 = arith.addi %mul3A_39, %add3A_381 : i32
        %add3A_383 = arith.addi %add3A_382, %mul3A_286 : i32
        %add3A_384 = arith.constant 1 : i32
        %add3A_385 = arith.addi %add3A_383, %add3A_384 : i32
        %dma_start3A_386 = arith.constant 16 : i32
        %dma_start3A_387 = arith.constant 128 : i32
        %dma_start3A_388 = tpu.memref_slice %arg7[%dma_start3A_386, %dma_start3A_387] : memref<32x264xf32, #tpu.memory_space<vmem>> -> memref<8x128xf32, #tpu.memory_space<vmem>>
        %dma_start3A_389 = arith.constant 0 : i32
        %dma_start3A_390 = arith.constant 0 : i32
        %dma_start3A_391 = tpu.memref_slice %arg4[%add3A_385, %dma_start3A_389, %dma_start3A_390] : memref<75264x8x128xf32, #tpu.memory_space<hbm>> -> memref<1x8x128xf32, #tpu.memory_space<hbm>>
        %dma_start3A_392 = tpu.memref_squeeze %dma_start3A_391 : memref<1x8x128xf32, #tpu.memory_space<hbm>> -> memref<8x128xf32, #tpu.memory_space<hbm>>
        %dma_start3A_393 = arith.constant 0 : i32
        %dma_start3A_394 = arith.constant 0 : i32
        %dma_start3A_395 = tpu.memref_slice %arg4[%add3A_385, %dma_start3A_393, %dma_start3A_394] : memref<75264x8x128xf32, #tpu.memory_space<hbm>> -> memref<1x8x128xf32, #tpu.memory_space<hbm>>
        %dma_start3A_396 = tpu.memref_squeeze %dma_start3A_395 : memref<1x8x128xf32, #tpu.memory_space<hbm>> -> memref<8x128xf32, #tpu.memory_space<hbm>>
        %dma_start3A_397 = arith.constant 16 : i32
        %dma_start3A_398 = arith.constant 128 : i32
        %dma_start3A_399 = tpu.memref_slice %arg7[%dma_start3A_397, %dma_start3A_398] : memref<32x264xf32, #tpu.memory_space<vmem>> -> memref<8x128xf32, #tpu.memory_space<vmem>>
        tpu.enqueue_dma source(%dma_start3A_399 : memref<8x128xf32, #tpu.memory_space<vmem>>) target(%dma_start3A_396 : memref<8x128xf32, #tpu.memory_space<hbm>>) target_semaphore(%arg9 : memref<!tpu.dma_semaphore, #tpu.memory_space<semaphore_mem>>)
        %add3A_400 = arith.constant 96 : i32
        %add3A_401 = arith.addi %mul3A_39, %add3A_400 : i32
        %add3A_402 = arith.addi %add3A_401, %mul3A_286 : i32
        %add3A_403 = arith.constant 0 : i32
        %add3A_404 = arith.addi %add3A_402, %add3A_403 : i32
        %dma_start3A_405 = arith.constant 24 : i32
        %dma_start3A_406 = arith.constant 0 : i32
        %dma_start3A_407 = tpu.memref_slice %arg7[%dma_start3A_405, %dma_start3A_406] : memref<32x264xf32, #tpu.memory_space<vmem>> -> memref<8x128xf32, #tpu.memory_space<vmem>>
        %dma_start3A_408 = arith.constant 0 : i32
        %dma_start3A_409 = arith.constant 0 : i32
        %dma_start3A_410 = tpu.memref_slice %arg4[%add3A_404, %dma_start3A_408, %dma_start3A_409] : memref<75264x8x128xf32, #tpu.memory_space<hbm>> -> memref<1x8x128xf32, #tpu.memory_space<hbm>>
        %dma_start3A_411 = tpu.memref_squeeze %dma_start3A_410 : memref<1x8x128xf32, #tpu.memory_space<hbm>> -> memref<8x128xf32, #tpu.memory_space<hbm>>
        %dma_start3A_412 = arith.constant 0 : i32
        %dma_start3A_413 = arith.constant 0 : i32
        %dma_start3A_414 = tpu.memref_slice %arg4[%add3A_404, %dma_start3A_412, %dma_start3A_413] : memref<75264x8x128xf32, #tpu.memory_space<hbm>> -> memref<1x8x128xf32, #tpu.memory_space<hbm>>
        %dma_start3A_415 = tpu.memref_squeeze %dma_start3A_414 : memref<1x8x128xf32, #tpu.memory_space<hbm>> -> memref<8x128xf32, #tpu.memory_space<hbm>>
        %dma_start3A_416 = arith.constant 24 : i32
        %dma_start3A_417 = arith.constant 0 : i32
        %dma_start3A_418 = tpu.memref_slice %arg7[%dma_start3A_416, %dma_start3A_417] : memref<32x264xf32, #tpu.memory_space<vmem>> -> memref<8x128xf32, #tpu.memory_space<vmem>>
        tpu.enqueue_dma source(%dma_start3A_418 : memref<8x128xf32, #tpu.memory_space<vmem>>) target(%dma_start3A_415 : memref<8x128xf32, #tpu.memory_space<hbm>>) target_semaphore(%arg9 : memref<!tpu.dma_semaphore, #tpu.memory_space<semaphore_mem>>)
        %add3A_419 = arith.constant 96 : i32
        %add3A_420 = arith.addi %mul3A_39, %add3A_419 : i32
        %add3A_421 = arith.addi %add3A_420, %mul3A_286 : i32
        %add3A_422 = arith.constant 1 : i32
        %add3A_423 = arith.addi %add3A_421, %add3A_422 : i32
        %dma_start3A_424 = arith.constant 24 : i32
        %dma_start3A_425 = arith.constant 128 : i32
        %dma_start3A_426 = tpu.memref_slice %arg7[%dma_start3A_424, %dma_start3A_425] : memref<32x264xf32, #tpu.memory_space<vmem>> -> memref<8x128xf32, #tpu.memory_space<vmem>>
        %dma_start3A_427 = arith.constant 0 : i32
        %dma_start3A_428 = arith.constant 0 : i32
        %dma_start3A_429 = tpu.memref_slice %arg4[%add3A_423, %dma_start3A_427, %dma_start3A_428] : memref<75264x8x128xf32, #tpu.memory_space<hbm>> -> memref<1x8x128xf32, #tpu.memory_space<hbm>>
        %dma_start3A_430 = tpu.memref_squeeze %dma_start3A_429 : memref<1x8x128xf32, #tpu.memory_space<hbm>> -> memref<8x128xf32, #tpu.memory_space<hbm>>
        %dma_start3A_431 = arith.constant 0 : i32
        %dma_start3A_432 = arith.constant 0 : i32
        %dma_start3A_433 = tpu.memref_slice %arg4[%add3A_423, %dma_start3A_431, %dma_start3A_432] : memref<75264x8x128xf32, #tpu.memory_space<hbm>> -> memref<1x8x128xf32, #tpu.memory_space<hbm>>
        %dma_start3A_434 = tpu.memref_squeeze %dma_start3A_433 : memref<1x8x128xf32, #tpu.memory_space<hbm>> -> memref<8x128xf32, #tpu.memory_space<hbm>>
        %dma_start3A_435 = arith.constant 24 : i32
        %dma_start3A_436 = arith.constant 128 : i32
        %dma_start3A_437 = tpu.memref_slice %arg7[%dma_start3A_435, %dma_start3A_436] : memref<32x264xf32, #tpu.memory_space<vmem>> -> memref<8x128xf32, #tpu.memory_space<vmem>>
        tpu.enqueue_dma source(%dma_start3A_437 : memref<8x128xf32, #tpu.memory_space<vmem>>) target(%dma_start3A_434 : memref<8x128xf32, #tpu.memory_space<hbm>>) target_semaphore(%arg9 : memref<!tpu.dma_semaphore, #tpu.memory_space<semaphore_mem>>)
        %mul3A_438 = arith.constant 2 : i32
        %mul3A_439 = arith.muli %scan3A_270, %mul3A_438 : i32
        %add3A_440 = arith.constant 1 : i32
        %add3A_441 = arith.addi %mul3A_439, %add3A_440 : i32
        %mul3A_442 = arith.constant 256 : i32
        %mul3A_443 = arith.muli %add3A_441, %mul3A_442 : i32
        %gt3A_444 = arith.constant 0 : i32
        %gt3A_445 = arith.cmpi sgt, %scan3A_270, %gt3A_444 : i32
        %convert_element_type3A_446 = arith.extui %gt3A_445 : i1 to i32
        %cond3A_447 = arith.constant 0 : i32
        %cond3A_448 = arith.cmpi ne, %convert_element_type3A_446, %cond3A_447 : i32
        scf.if %cond3A_448 {
          %dma_wait3A_609 = arith.constant 0 : i32
          %dma_wait3A_610 = arith.constant 0 : i32
          %dma_wait3A_611 = tpu.memref_slice %arg8[%dma_wait3A_609, %dma_wait3A_610] : memref<32x264xf32, #tpu.memory_space<vmem>> -> memref<8x128xf32, #tpu.memory_space<vmem>>
          %dma_wait3A_612 = arith.constant 0 : i32
          %dma_wait3A_613 = arith.constant 0 : i32
          %dma_wait3A_614 = tpu.memref_slice %arg4[%mul3A_39, %dma_wait3A_612, %dma_wait3A_613] : memref<75264x8x128xf32, #tpu.memory_space<hbm>> -> memref<1x8x128xf32, #tpu.memory_space<hbm>>
          %dma_wait3A_615 = tpu.memref_squeeze %dma_wait3A_614 : memref<1x8x128xf32, #tpu.memory_space<hbm>> -> memref<8x128xf32, #tpu.memory_space<hbm>>
          %dma_wait3A_616 = arith.constant 0 : i32
          %dma_wait3A_617 = arith.constant 0 : i32
          %dma_wait3A_618 = tpu.memref_slice %arg4[%mul3A_39, %dma_wait3A_616, %dma_wait3A_617] : memref<75264x8x128xf32, #tpu.memory_space<hbm>> -> memref<1x8x128xf32, #tpu.memory_space<hbm>>
          %dma_wait3A_619 = tpu.memref_squeeze %dma_wait3A_618 : memref<1x8x128xf32, #tpu.memory_space<hbm>> -> memref<8x128xf32, #tpu.memory_space<hbm>>
          %dma_wait3A_620 = arith.constant 0 : i32
          %dma_wait3A_621 = arith.constant 0 : i32
          %dma_wait3A_622 = tpu.memref_slice %arg8[%dma_wait3A_620, %dma_wait3A_621] : memref<32x264xf32, #tpu.memory_space<vmem>> -> memref<8x128xf32, #tpu.memory_space<vmem>>
          tpu.wait_dma2 semaphore(%arg10 : memref<!tpu.dma_semaphore, #tpu.memory_space<semaphore_mem>>) src(%dma_wait3A_622 : memref<8x128xf32, #tpu.memory_space<vmem>>) dst(%dma_wait3A_619 : memref<8x128xf32, #tpu.memory_space<hbm>>)
          %dma_wait3A_623 = arith.constant 0 : i32
          %dma_wait3A_624 = arith.constant 0 : i32
          %dma_wait3A_625 = tpu.memref_slice %arg8[%dma_wait3A_623, %dma_wait3A_624] : memref<32x264xf32, #tpu.memory_space<vmem>> -> memref<8x128xf32, #tpu.memory_space<vmem>>
          %dma_wait3A_626 = arith.constant 0 : i32
          %dma_wait3A_627 = arith.constant 0 : i32
          %dma_wait3A_628 = tpu.memref_slice %arg4[%mul3A_39, %dma_wait3A_626, %dma_wait3A_627] : memref<75264x8x128xf32, #tpu.memory_space<hbm>> -> memref<1x8x128xf32, #tpu.memory_space<hbm>>
          %dma_wait3A_629 = tpu.memref_squeeze %dma_wait3A_628 : memref<1x8x128xf32, #tpu.memory_space<hbm>> -> memref<8x128xf32, #tpu.memory_space<hbm>>
          %dma_wait3A_630 = arith.constant 0 : i32
          %dma_wait3A_631 = arith.constant 0 : i32
          %dma_wait3A_632 = tpu.memref_slice %arg4[%mul3A_39, %dma_wait3A_630, %dma_wait3A_631] : memref<75264x8x128xf32, #tpu.memory_space<hbm>> -> memref<1x8x128xf32, #tpu.memory_space<hbm>>
          %dma_wait3A_633 = tpu.memref_squeeze %dma_wait3A_632 : memref<1x8x128xf32, #tpu.memory_space<hbm>> -> memref<8x128xf32, #tpu.memory_space<hbm>>
          %dma_wait3A_634 = arith.constant 0 : i32
          %dma_wait3A_635 = arith.constant 0 : i32
          %dma_wait3A_636 = tpu.memref_slice %arg8[%dma_wait3A_634, %dma_wait3A_635] : memref<32x264xf32, #tpu.memory_space<vmem>> -> memref<8x128xf32, #tpu.memory_space<vmem>>
          tpu.wait_dma2 semaphore(%arg10 : memref<!tpu.dma_semaphore, #tpu.memory_space<semaphore_mem>>) src(%dma_wait3A_636 : memref<8x128xf32, #tpu.memory_space<vmem>>) dst(%dma_wait3A_633 : memref<8x128xf32, #tpu.memory_space<hbm>>)
          %dma_wait3A_637 = arith.constant 0 : i32
          %dma_wait3A_638 = arith.constant 0 : i32
          %dma_wait3A_639 = tpu.memref_slice %arg8[%dma_wait3A_637, %dma_wait3A_638] : memref<32x264xf32, #tpu.memory_space<vmem>> -> memref<8x128xf32, #tpu.memory_space<vmem>>
          %dma_wait3A_640 = arith.constant 0 : i32
          %dma_wait3A_641 = arith.constant 0 : i32
          %dma_wait3A_642 = tpu.memref_slice %arg4[%mul3A_39, %dma_wait3A_640, %dma_wait3A_641] : memref<75264x8x128xf32, #tpu.memory_space<hbm>> -> memref<1x8x128xf32, #tpu.memory_space<hbm>>
          %dma_wait3A_643 = tpu.memref_squeeze %dma_wait3A_642 : memref<1x8x128xf32, #tpu.memory_space<hbm>> -> memref<8x128xf32, #tpu.memory_space<hbm>>
          %dma_wait3A_644 = arith.constant 0 : i32
          %dma_wait3A_645 = arith.constant 0 : i32
          %dma_wait3A_646 = tpu.memref_slice %arg4[%mul3A_39, %dma_wait3A_644, %dma_wait3A_645] : memref<75264x8x128xf32, #tpu.memory_space<hbm>> -> memref<1x8x128xf32, #tpu.memory_space<hbm>>
          %dma_wait3A_647 = tpu.memref_squeeze %dma_wait3A_646 : memref<1x8x128xf32, #tpu.memory_space<hbm>> -> memref<8x128xf32, #tpu.memory_space<hbm>>
          %dma_wait3A_648 = arith.constant 0 : i32
          %dma_wait3A_649 = arith.constant 0 : i32
          %dma_wait3A_650 = tpu.memref_slice %arg8[%dma_wait3A_648, %dma_wait3A_649] : memref<32x264xf32, #tpu.memory_space<vmem>> -> memref<8x128xf32, #tpu.memory_space<vmem>>
          tpu.wait_dma2 semaphore(%arg10 : memref<!tpu.dma_semaphore, #tpu.memory_space<semaphore_mem>>) src(%dma_wait3A_650 : memref<8x128xf32, #tpu.memory_space<vmem>>) dst(%dma_wait3A_647 : memref<8x128xf32, #tpu.memory_space<hbm>>)
          %dma_wait3A_651 = arith.constant 0 : i32
          %dma_wait3A_652 = arith.constant 0 : i32
          %dma_wait3A_653 = tpu.memref_slice %arg8[%dma_wait3A_651, %dma_wait3A_652] : memref<32x264xf32, #tpu.memory_space<vmem>> -> memref<8x128xf32, #tpu.memory_space<vmem>>
          %dma_wait3A_654 = arith.constant 0 : i32
          %dma_wait3A_655 = arith.constant 0 : i32
          %dma_wait3A_656 = tpu.memref_slice %arg4[%mul3A_39, %dma_wait3A_654, %dma_wait3A_655] : memref<75264x8x128xf32, #tpu.memory_space<hbm>> -> memref<1x8x128xf32, #tpu.memory_space<hbm>>
          %dma_wait3A_657 = tpu.memref_squeeze %dma_wait3A_656 : memref<1x8x128xf32, #tpu.memory_space<hbm>> -> memref<8x128xf32, #tpu.memory_space<hbm>>
          %dma_wait3A_658 = arith.constant 0 : i32
          %dma_wait3A_659 = arith.constant 0 : i32
          %dma_wait3A_660 = tpu.memref_slice %arg4[%mul3A_39, %dma_wait3A_658, %dma_wait3A_659] : memref<75264x8x128xf32, #tpu.memory_space<hbm>> -> memref<1x8x128xf32, #tpu.memory_space<hbm>>
          %dma_wait3A_661 = tpu.memref_squeeze %dma_wait3A_660 : memref<1x8x128xf32, #tpu.memory_space<hbm>> -> memref<8x128xf32, #tpu.memory_space<hbm>>
          %dma_wait3A_662 = arith.constant 0 : i32
          %dma_wait3A_663 = arith.constant 0 : i32
          %dma_wait3A_664 = tpu.memref_slice %arg8[%dma_wait3A_662, %dma_wait3A_663] : memref<32x264xf32, #tpu.memory_space<vmem>> -> memref<8x128xf32, #tpu.memory_space<vmem>>
          tpu.wait_dma2 semaphore(%arg10 : memref<!tpu.dma_semaphore, #tpu.memory_space<semaphore_mem>>) src(%dma_wait3A_664 : memref<8x128xf32, #tpu.memory_space<vmem>>) dst(%dma_wait3A_661 : memref<8x128xf32, #tpu.memory_space<hbm>>)
          %dma_wait3A_665 = arith.constant 0 : i32
          %dma_wait3A_666 = arith.constant 0 : i32
          %dma_wait3A_667 = tpu.memref_slice %arg8[%dma_wait3A_665, %dma_wait3A_666] : memref<32x264xf32, #tpu.memory_space<vmem>> -> memref<8x128xf32, #tpu.memory_space<vmem>>
          %dma_wait3A_668 = arith.constant 0 : i32
          %dma_wait3A_669 = arith.constant 0 : i32
          %dma_wait3A_670 = tpu.memref_slice %arg4[%mul3A_39, %dma_wait3A_668, %dma_wait3A_669] : memref<75264x8x128xf32, #tpu.memory_space<hbm>> -> memref<1x8x128xf32, #tpu.memory_space<hbm>>
          %dma_wait3A_671 = tpu.memref_squeeze %dma_wait3A_670 : memref<1x8x128xf32, #tpu.memory_space<hbm>> -> memref<8x128xf32, #tpu.memory_space<hbm>>
          %dma_wait3A_672 = arith.constant 0 : i32
          %dma_wait3A_673 = arith.constant 0 : i32
          %dma_wait3A_674 = tpu.memref_slice %arg4[%mul3A_39, %dma_wait3A_672, %dma_wait3A_673] : memref<75264x8x128xf32, #tpu.memory_space<hbm>> -> memref<1x8x128xf32, #tpu.memory_space<hbm>>
          %dma_wait3A_675 = tpu.memref_squeeze %dma_wait3A_674 : memref<1x8x128xf32, #tpu.memory_space<hbm>> -> memref<8x128xf32, #tpu.memory_space<hbm>>
          %dma_wait3A_676 = arith.constant 0 : i32
          %dma_wait3A_677 = arith.constant 0 : i32
          %dma_wait3A_678 = tpu.memref_slice %arg8[%dma_wait3A_676, %dma_wait3A_677] : memref<32x264xf32, #tpu.memory_space<vmem>> -> memref<8x128xf32, #tpu.memory_space<vmem>>
          tpu.wait_dma2 semaphore(%arg10 : memref<!tpu.dma_semaphore, #tpu.memory_space<semaphore_mem>>) src(%dma_wait3A_678 : memref<8x128xf32, #tpu.memory_space<vmem>>) dst(%dma_wait3A_675 : memref<8x128xf32, #tpu.memory_space<hbm>>)
          %dma_wait3A_679 = arith.constant 0 : i32
          %dma_wait3A_680 = arith.constant 0 : i32
          %dma_wait3A_681 = tpu.memref_slice %arg8[%dma_wait3A_679, %dma_wait3A_680] : memref<32x264xf32, #tpu.memory_space<vmem>> -> memref<8x128xf32, #tpu.memory_space<vmem>>
          %dma_wait3A_682 = arith.constant 0 : i32
          %dma_wait3A_683 = arith.constant 0 : i32
          %dma_wait3A_684 = tpu.memref_slice %arg4[%mul3A_39, %dma_wait3A_682, %dma_wait3A_683] : memref<75264x8x128xf32, #tpu.memory_space<hbm>> -> memref<1x8x128xf32, #tpu.memory_space<hbm>>
          %dma_wait3A_685 = tpu.memref_squeeze %dma_wait3A_684 : memref<1x8x128xf32, #tpu.memory_space<hbm>> -> memref<8x128xf32, #tpu.memory_space<hbm>>
          %dma_wait3A_686 = arith.constant 0 : i32
          %dma_wait3A_687 = arith.constant 0 : i32
          %dma_wait3A_688 = tpu.memref_slice %arg4[%mul3A_39, %dma_wait3A_686, %dma_wait3A_687] : memref<75264x8x128xf32, #tpu.memory_space<hbm>> -> memref<1x8x128xf32, #tpu.memory_space<hbm>>
          %dma_wait3A_689 = tpu.memref_squeeze %dma_wait3A_688 : memref<1x8x128xf32, #tpu.memory_space<hbm>> -> memref<8x128xf32, #tpu.memory_space<hbm>>
          %dma_wait3A_690 = arith.constant 0 : i32
          %dma_wait3A_691 = arith.constant 0 : i32
          %dma_wait3A_692 = tpu.memref_slice %arg8[%dma_wait3A_690, %dma_wait3A_691] : memref<32x264xf32, #tpu.memory_space<vmem>> -> memref<8x128xf32, #tpu.memory_space<vmem>>
          tpu.wait_dma2 semaphore(%arg10 : memref<!tpu.dma_semaphore, #tpu.memory_space<semaphore_mem>>) src(%dma_wait3A_692 : memref<8x128xf32, #tpu.memory_space<vmem>>) dst(%dma_wait3A_689 : memref<8x128xf32, #tpu.memory_space<hbm>>)
          %dma_wait3A_693 = arith.constant 0 : i32
          %dma_wait3A_694 = arith.constant 0 : i32
          %dma_wait3A_695 = tpu.memref_slice %arg8[%dma_wait3A_693, %dma_wait3A_694] : memref<32x264xf32, #tpu.memory_space<vmem>> -> memref<8x128xf32, #tpu.memory_space<vmem>>
          %dma_wait3A_696 = arith.constant 0 : i32
          %dma_wait3A_697 = arith.constant 0 : i32
          %dma_wait3A_698 = tpu.memref_slice %arg4[%mul3A_39, %dma_wait3A_696, %dma_wait3A_697] : memref<75264x8x128xf32, #tpu.memory_space<hbm>> -> memref<1x8x128xf32, #tpu.memory_space<hbm>>
          %dma_wait3A_699 = tpu.memref_squeeze %dma_wait3A_698 : memref<1x8x128xf32, #tpu.memory_space<hbm>> -> memref<8x128xf32, #tpu.memory_space<hbm>>
          %dma_wait3A_700 = arith.constant 0 : i32
          %dma_wait3A_701 = arith.constant 0 : i32
          %dma_wait3A_702 = tpu.memref_slice %arg4[%mul3A_39, %dma_wait3A_700, %dma_wait3A_701] : memref<75264x8x128xf32, #tpu.memory_space<hbm>> -> memref<1x8x128xf32, #tpu.memory_space<hbm>>
          %dma_wait3A_703 = tpu.memref_squeeze %dma_wait3A_702 : memref<1x8x128xf32, #tpu.memory_space<hbm>> -> memref<8x128xf32, #tpu.memory_space<hbm>>
          %dma_wait3A_704 = arith.constant 0 : i32
          %dma_wait3A_705 = arith.constant 0 : i32
          %dma_wait3A_706 = tpu.memref_slice %arg8[%dma_wait3A_704, %dma_wait3A_705] : memref<32x264xf32, #tpu.memory_space<vmem>> -> memref<8x128xf32, #tpu.memory_space<vmem>>
          tpu.wait_dma2 semaphore(%arg10 : memref<!tpu.dma_semaphore, #tpu.memory_space<semaphore_mem>>) src(%dma_wait3A_706 : memref<8x128xf32, #tpu.memory_space<vmem>>) dst(%dma_wait3A_703 : memref<8x128xf32, #tpu.memory_space<hbm>>)
          %dma_wait3A_707 = arith.constant 0 : i32
          %dma_wait3A_708 = arith.constant 0 : i32
          %dma_wait3A_709 = tpu.memref_slice %arg8[%dma_wait3A_707, %dma_wait3A_708] : memref<32x264xf32, #tpu.memory_space<vmem>> -> memref<8x128xf32, #tpu.memory_space<vmem>>
          %dma_wait3A_710 = arith.constant 0 : i32
          %dma_wait3A_711 = arith.constant 0 : i32
          %dma_wait3A_712 = tpu.memref_slice %arg4[%mul3A_39, %dma_wait3A_710, %dma_wait3A_711] : memref<75264x8x128xf32, #tpu.memory_space<hbm>> -> memref<1x8x128xf32, #tpu.memory_space<hbm>>
          %dma_wait3A_713 = tpu.memref_squeeze %dma_wait3A_712 : memref<1x8x128xf32, #tpu.memory_space<hbm>> -> memref<8x128xf32, #tpu.memory_space<hbm>>
          %dma_wait3A_714 = arith.constant 0 : i32
          %dma_wait3A_715 = arith.constant 0 : i32
          %dma_wait3A_716 = tpu.memref_slice %arg4[%mul3A_39, %dma_wait3A_714, %dma_wait3A_715] : memref<75264x8x128xf32, #tpu.memory_space<hbm>> -> memref<1x8x128xf32, #tpu.memory_space<hbm>>
          %dma_wait3A_717 = tpu.memref_squeeze %dma_wait3A_716 : memref<1x8x128xf32, #tpu.memory_space<hbm>> -> memref<8x128xf32, #tpu.memory_space<hbm>>
          %dma_wait3A_718 = arith.constant 0 : i32
          %dma_wait3A_719 = arith.constant 0 : i32
          %dma_wait3A_720 = tpu.memref_slice %arg8[%dma_wait3A_718, %dma_wait3A_719] : memref<32x264xf32, #tpu.memory_space<vmem>> -> memref<8x128xf32, #tpu.memory_space<vmem>>
          tpu.wait_dma2 semaphore(%arg10 : memref<!tpu.dma_semaphore, #tpu.memory_space<semaphore_mem>>) src(%dma_wait3A_720 : memref<8x128xf32, #tpu.memory_space<vmem>>) dst(%dma_wait3A_717 : memref<8x128xf32, #tpu.memory_space<hbm>>)
        } else {
        }
        %scan3A_449 = arith.constant 0 : i32
        %scan3A_450 = arith.constant 0 : i32
        %scan3A_451 = arith.constant 16 : i32
        %scan3A_452 = arith.addi %scan3A_450, %scan3A_451 : i32
        %scan3A_453 = arith.constant 2 : i32
        scf.for %scan3A_609 = %scan3A_450 to %scan3A_452 step %scan3A_453  : i32 {
          %mul3A_610 = arith.constant 16 : i32
          %mul3A_611 = arith.muli %scan3A_609, %mul3A_610 : i32
          %add3A_612 = arith.addi %mul3A_443, %mul3A_611 : i32
          %get3A = arith.index_cast %add3A_612 : i32 to index
          %get3A_613 = tpu.vector_load %arg6[%get3A] {strides = array<i32>} : memref<4096xi32, #tpu.memory_space<vmem>>, vector<16xi32>,
          %add3A_614 = vector.broadcast %mul3A_35 : i32 to vector<16xi32>
          %add3A_615 = arith.addi %get3A_613, %add3A_614 : vector<16xi32>
          %mul3A_616 = arith.constant 32 : i32
          %mul3A_617 = vector.broadcast %mul3A_616 : i32 to vector<16xi32>
          %mul3A_618 = arith.muli %add3A_615, %mul3A_617 : vector<16xi32>
          %broadcast_in_dim3A = vector.broadcast %mul3A_611 : i32 to vector<16xi32>
          %slice3A = vector.extract_strided_slice %mul3A_618 {offsets = [0], sizes = [1], strides = [1]} : vector<16xi32> to vector<1xi32>
          %squeeze3A = vector.extract %slice3A[0] : i32 from vector<1xi32>
          %get3A_619 = arith.index_cast %squeeze3A : i32 to index
          %get3A_620 = tpu.vector_load %arg5[%get3A_619] {strides = array<i32>} : memref<96000xf32, #tpu.memory_space<vmem>>, vector<16xf32>,
          %add3A_621 = arith.constant 16 : i32
          %add3A_622 = arith.addi %squeeze3A, %add3A_621 : i32
          %get3A_623 = arith.index_cast %add3A_622 : i32 to index
          %get3A_624 = tpu.vector_load %arg5[%get3A_623] {strides = array<i32>} : memref<96000xf32, #tpu.memory_space<vmem>>, vector<16xf32>,
          %slice3A_625 = vector.extract_strided_slice %mul3A_618 {offsets = [1], sizes = [1], strides = [1]} : vector<16xi32> to vector<1xi32>
          %squeeze3A_626 = vector.extract %slice3A_625[0] : i32 from vector<1xi32>
          %get3A_627 = arith.index_cast %squeeze3A_626 : i32 to index
          %get3A_628 = tpu.vector_load %arg5[%get3A_627] {strides = array<i32>} : memref<96000xf32, #tpu.memory_space<vmem>>, vector<16xf32>,
          %add3A_629 = arith.constant 16 : i32
          %add3A_630 = arith.addi %squeeze3A_626, %add3A_629 : i32
          %get3A_631 = arith.index_cast %add3A_630 : i32 to index
          %get3A_632 = tpu.vector_load %arg5[%get3A_631] {strides = array<i32>} : memref<96000xf32, #tpu.memory_space<vmem>>, vector<16xf32>,
          %slice3A_633 = vector.extract_strided_slice %mul3A_618 {offsets = [2], sizes = [1], strides = [1]} : vector<16xi32> to vector<1xi32>
          %squeeze3A_634 = vector.extract %slice3A_633[0] : i32 from vector<1xi32>
          %get3A_635 = arith.index_cast %squeeze3A_634 : i32 to index
          %get3A_636 = tpu.vector_load %arg5[%get3A_635] {strides = array<i32>} : memref<96000xf32, #tpu.memory_space<vmem>>, vector<16xf32>,
          %add3A_637 = arith.constant 16 : i32
          %add3A_638 = arith.addi %squeeze3A_634, %add3A_637 : i32
          %get3A_639 = arith.index_cast %add3A_638 : i32 to index
          %get3A_640 = tpu.vector_load %arg5[%get3A_639] {strides = array<i32>} : memref<96000xf32, #tpu.memory_space<vmem>>, vector<16xf32>,
          %slice3A_641 = vector.extract_strided_slice %mul3A_618 {offsets = [3], sizes = [1], strides = [1]} : vector<16xi32> to vector<1xi32>
          %squeeze3A_642 = vector.extract %slice3A_641[0] : i32 from vector<1xi32>
          %get3A_643 = arith.index_cast %squeeze3A_642 : i32 to index
          %get3A_644 = tpu.vector_load %arg5[%get3A_643] {strides = array<i32>} : memref<96000xf32, #tpu.memory_space<vmem>>, vector<16xf32>,
          %add3A_645 = arith.constant 16 : i32
          %add3A_646 = arith.addi %squeeze3A_642, %add3A_645 : i32
          %get3A_647 = arith.index_cast %add3A_646 : i32 to index
          %get3A_648 = tpu.vector_load %arg5[%get3A_647] {strides = array<i32>} : memref<96000xf32, #tpu.memory_space<vmem>>, vector<16xf32>,
          %slice3A_649 = vector.extract_strided_slice %mul3A_618 {offsets = [4], sizes = [1], strides = [1]} : vector<16xi32> to vector<1xi32>
          %squeeze3A_650 = vector.extract %slice3A_649[0] : i32 from vector<1xi32>
          %get3A_651 = arith.index_cast %squeeze3A_650 : i32 to index
          %get3A_652 = tpu.vector_load %arg5[%get3A_651] {strides = array<i32>} : memref<96000xf32, #tpu.memory_space<vmem>>, vector<16xf32>,
          %add3A_653 = arith.constant 16 : i32
          %add3A_654 = arith.addi %squeeze3A_650, %add3A_653 : i32
          %get3A_655 = arith.index_cast %add3A_654 : i32 to index
          %get3A_656 = tpu.vector_load %arg5[%get3A_655] {strides = array<i32>} : memref<96000xf32, #tpu.memory_space<vmem>>, vector<16xf32>,
          %slice3A_657 = vector.extract_strided_slice %mul3A_618 {offsets = [5], sizes = [1], strides = [1]} : vector<16xi32> to vector<1xi32>
          %squeeze3A_658 = vector.extract %slice3A_657[0] : i32 from vector<1xi32>
          %get3A_659 = arith.index_cast %squeeze3A_658 : i32 to index
          %get3A_660 = tpu.vector_load %arg5[%get3A_659] {strides = array<i32>} : memref<96000xf32, #tpu.memory_space<vmem>>, vector<16xf32>,
          %add3A_661 = arith.constant 16 : i32
          %add3A_662 = arith.addi %squeeze3A_658, %add3A_661 : i32
          %get3A_663 = arith.index_cast %add3A_662 : i32 to index
          %get3A_664 = tpu.vector_load %arg5[%get3A_663] {strides = array<i32>} : memref<96000xf32, #tpu.memory_space<vmem>>, vector<16xf32>,
          %slice3A_665 = vector.extract_strided_slice %mul3A_618 {offsets = [6], sizes = [1], strides = [1]} : vector<16xi32> to vector<1xi32>
          %squeeze3A_666 = vector.extract %slice3A_665[0] : i32 from vector<1xi32>
          %get3A_667 = arith.index_cast %squeeze3A_666 : i32 to index
          %get3A_668 = tpu.vector_load %arg5[%get3A_667] {strides = array<i32>} : memref<96000xf32, #tpu.memory_space<vmem>>, vector<16xf32>,
          %add3A_669 = arith.constant 16 : i32
          %add3A_670 = arith.addi %squeeze3A_666, %add3A_669 : i32
          %get3A_671 = arith.index_cast %add3A_670 : i32 to index
          %get3A_672 = tpu.vector_load %arg5[%get3A_671] {strides = array<i32>} : memref<96000xf32, #tpu.memory_space<vmem>>, vector<16xf32>,
          %slice3A_673 = vector.extract_strided_slice %mul3A_618 {offsets = [7], sizes = [1], strides = [1]} : vector<16xi32> to vector<1xi32>
          %squeeze3A_674 = vector.extract %slice3A_673[0] : i32 from vector<1xi32>
          %get3A_675 = arith.index_cast %squeeze3A_674 : i32 to index
          %get3A_676 = tpu.vector_load %arg5[%get3A_675] {strides = array<i32>} : memref<96000xf32, #tpu.memory_space<vmem>>, vector<16xf32>,
          %add3A_677 = arith.constant 16 : i32
          %add3A_678 = arith.addi %squeeze3A_674, %add3A_677 : i32
          %get3A_679 = arith.index_cast %add3A_678 : i32 to index
          %get3A_680 = tpu.vector_load %arg5[%get3A_679] {strides = array<i32>} : memref<96000xf32, #tpu.memory_space<vmem>>, vector<16xf32>,
          %add3A_681 = arith.constant 0 : i32
          %add3A_682 = vector.broadcast %add3A_681 : i32 to vector<16xi32>
          %add3A_683 = arith.addi %broadcast_in_dim3A, %add3A_682 : vector<16xi32>
          tpu.vector_store_idx %arg8[%iota3A, %add3A_683], %get3A_620 : memref<32x264xf32, #tpu.memory_space<vmem>>[vector<16xi32>, vector<16xi32>], vector<16xf32>,
          tpu.vector_store_idx %arg8[%add3A_12, %add3A_683], %get3A_624 : memref<32x264xf32, #tpu.memory_space<vmem>>[vector<16xi32>, vector<16xi32>], vector<16xf32>,
          %add3A_684 = arith.constant 1 : i32
          %add3A_685 = vector.broadcast %add3A_684 : i32 to vector<16xi32>
          %add3A_686 = arith.addi %broadcast_in_dim3A, %add3A_685 : vector<16xi32>
          tpu.vector_store_idx %arg8[%iota3A, %add3A_686], %get3A_628 : memref<32x264xf32, #tpu.memory_space<vmem>>[vector<16xi32>, vector<16xi32>], vector<16xf32>,
          tpu.vector_store_idx %arg8[%add3A_12, %add3A_686], %get3A_632 : memref<32x264xf32, #tpu.memory_space<vmem>>[vector<16xi32>, vector<16xi32>], vector<16xf32>,
          %add3A_687 = arith.constant 2 : i32
          %add3A_688 = vector.broadcast %add3A_687 : i32 to vector<16xi32>
          %add3A_689 = arith.addi %broadcast_in_dim3A, %add3A_688 : vector<16xi32>
          tpu.vector_store_idx %arg8[%iota3A, %add3A_689], %get3A_636 : memref<32x264xf32, #tpu.memory_space<vmem>>[vector<16xi32>, vector<16xi32>], vector<16xf32>,
          tpu.vector_store_idx %arg8[%add3A_12, %add3A_689], %get3A_640 : memref<32x264xf32, #tpu.memory_space<vmem>>[vector<16xi32>, vector<16xi32>], vector<16xf32>,
          %add3A_690 = arith.constant 3 : i32
          %add3A_691 = vector.broadcast %add3A_690 : i32 to vector<16xi32>
          %add3A_692 = arith.addi %broadcast_in_dim3A, %add3A_691 : vector<16xi32>
          tpu.vector_store_idx %arg8[%iota3A, %add3A_692], %get3A_644 : memref<32x264xf32, #tpu.memory_space<vmem>>[vector<16xi32>, vector<16xi32>], vector<16xf32>,
          tpu.vector_store_idx %arg8[%add3A_12, %add3A_692], %get3A_648 : memref<32x264xf32, #tpu.memory_space<vmem>>[vector<16xi32>, vector<16xi32>], vector<16xf32>,
          %add3A_693 = arith.constant 4 : i32
          %add3A_694 = vector.broadcast %add3A_693 : i32 to vector<16xi32>
          %add3A_695 = arith.addi %broadcast_in_dim3A, %add3A_694 : vector<16xi32>
          tpu.vector_store_idx %arg8[%iota3A, %add3A_695], %get3A_652 : memref<32x264xf32, #tpu.memory_space<vmem>>[vector<16xi32>, vector<16xi32>], vector<16xf32>,
          tpu.vector_store_idx %arg8[%add3A_12, %add3A_695], %get3A_656 : memref<32x264xf32, #tpu.memory_space<vmem>>[vector<16xi32>, vector<16xi32>], vector<16xf32>,
          %add3A_696 = arith.constant 5 : i32
          %add3A_697 = vector.broadcast %add3A_696 : i32 to vector<16xi32>
          %add3A_698 = arith.addi %broadcast_in_dim3A, %add3A_697 : vector<16xi32>
          tpu.vector_store_idx %arg8[%iota3A, %add3A_698], %get3A_660 : memref<32x264xf32, #tpu.memory_space<vmem>>[vector<16xi32>, vector<16xi32>], vector<16xf32>,
          tpu.vector_store_idx %arg8[%add3A_12, %add3A_698], %get3A_664 : memref<32x264xf32, #tpu.memory_space<vmem>>[vector<16xi32>, vector<16xi32>], vector<16xf32>,
          %add3A_699 = arith.constant 6 : i32
          %add3A_700 = vector.broadcast %add3A_699 : i32 to vector<16xi32>
          %add3A_701 = arith.addi %broadcast_in_dim3A, %add3A_700 : vector<16xi32>
          tpu.vector_store_idx %arg8[%iota3A, %add3A_701], %get3A_668 : memref<32x264xf32, #tpu.memory_space<vmem>>[vector<16xi32>, vector<16xi32>], vector<16xf32>,
          tpu.vector_store_idx %arg8[%add3A_12, %add3A_701], %get3A_672 : memref<32x264xf32, #tpu.memory_space<vmem>>[vector<16xi32>, vector<16xi32>], vector<16xf32>,
          %add3A_702 = arith.constant 7 : i32
          %add3A_703 = vector.broadcast %add3A_702 : i32 to vector<16xi32>
          %add3A_704 = arith.addi %broadcast_in_dim3A, %add3A_703 : vector<16xi32>
          tpu.vector_store_idx %arg8[%iota3A, %add3A_704], %get3A_676 : memref<32x264xf32, #tpu.memory_space<vmem>>[vector<16xi32>, vector<16xi32>], vector<16xf32>,
          tpu.vector_store_idx %arg8[%add3A_12, %add3A_704], %get3A_680 : memref<32x264xf32, #tpu.memory_space<vmem>>[vector<16xi32>, vector<16xi32>], vector<16xf32>,
          %slice3A_705 = vector.extract_strided_slice %mul3A_618 {offsets = [8], sizes = [1], strides = [1]} : vector<16xi32> to vector<1xi32>
          %squeeze3A_706 = vector.extract %slice3A_705[0] : i32 from vector<1xi32>
          %get3A_707 = arith.index_cast %squeeze3A_706 : i32 to index
          %get3A_708 = tpu.vector_load %arg5[%get3A_707] {strides = array<i32>} : memref<96000xf32, #tpu.memory_space<vmem>>, vector<16xf32>,
          %add3A_709 = arith.constant 16 : i32
          %add3A_710 = arith.addi %squeeze3A_706, %add3A_709 : i32
          %get3A_711 = arith.index_cast %add3A_710 : i32 to index
          %get3A_712 = tpu.vector_load %arg5[%get3A_711] {strides = array<i32>} : memref<96000xf32, #tpu.memory_space<vmem>>, vector<16xf32>,
          %slice3A_713 = vector.extract_strided_slice %mul3A_618 {offsets = [9], sizes = [1], strides = [1]} : vector<16xi32> to vector<1xi32>
          %squeeze3A_714 = vector.extract %slice3A_713[0] : i32 from vector<1xi32>
          %get3A_715 = arith.index_cast %squeeze3A_714 : i32 to index
          %get3A_716 = tpu.vector_load %arg5[%get3A_715] {strides = array<i32>} : memref<96000xf32, #tpu.memory_space<vmem>>, vector<16xf32>,
          %add3A_717 = arith.constant 16 : i32
          %add3A_718 = arith.addi %squeeze3A_714, %add3A_717 : i32
          %get3A_719 = arith.index_cast %add3A_718 : i32 to index
          %get3A_720 = tpu.vector_load %arg5[%get3A_719] {strides = array<i32>} : memref<96000xf32, #tpu.memory_space<vmem>>, vector<16xf32>,
          %slice3A_721 = vector.extract_strided_slice %mul3A_618 {offsets = [10], sizes = [1], strides = [1]} : vector<16xi32> to vector<1xi32>
          %squeeze3A_722 = vector.extract %slice3A_721[0] : i32 from vector<1xi32>
          %get3A_723 = arith.index_cast %squeeze3A_722 : i32 to index
          %get3A_724 = tpu.vector_load %arg5[%get3A_723] {strides = array<i32>} : memref<96000xf32, #tpu.memory_space<vmem>>, vector<16xf32>,
          %add3A_725 = arith.constant 16 : i32
          %add3A_726 = arith.addi %squeeze3A_722, %add3A_725 : i32
          %get3A_727 = arith.index_cast %add3A_726 : i32 to index
          %get3A_728 = tpu.vector_load %arg5[%get3A_727] {strides = array<i32>} : memref<96000xf32, #tpu.memory_space<vmem>>, vector<16xf32>,
          %slice3A_729 = vector.extract_strided_slice %mul3A_618 {offsets = [11], sizes = [1], strides = [1]} : vector<16xi32> to vector<1xi32>
          %squeeze3A_730 = vector.extract %slice3A_729[0] : i32 from vector<1xi32>
          %get3A_731 = arith.index_cast %squeeze3A_730 : i32 to index
          %get3A_732 = tpu.vector_load %arg5[%get3A_731] {strides = array<i32>} : memref<96000xf32, #tpu.memory_space<vmem>>, vector<16xf32>,
          %add3A_733 = arith.constant 16 : i32
          %add3A_734 = arith.addi %squeeze3A_730, %add3A_733 : i32
          %get3A_735 = arith.index_cast %add3A_734 : i32 to index
          %get3A_736 = tpu.vector_load %arg5[%get3A_735] {strides = array<i32>} : memref<96000xf32, #tpu.memory_space<vmem>>, vector<16xf32>,
          %slice3A_737 = vector.extract_strided_slice %mul3A_618 {offsets = [12], sizes = [1], strides = [1]} : vector<16xi32> to vector<1xi32>
          %squeeze3A_738 = vector.extract %slice3A_737[0] : i32 from vector<1xi32>
          %get3A_739 = arith.index_cast %squeeze3A_738 : i32 to index
          %get3A_740 = tpu.vector_load %arg5[%get3A_739] {strides = array<i32>} : memref<96000xf32, #tpu.memory_space<vmem>>, vector<16xf32>,
          %add3A_741 = arith.constant 16 : i32
          %add3A_742 = arith.addi %squeeze3A_738, %add3A_741 : i32
          %get3A_743 = arith.index_cast %add3A_742 : i32 to index
          %get3A_744 = tpu.vector_load %arg5[%get3A_743] {strides = array<i32>} : memref<96000xf32, #tpu.memory_space<vmem>>, vector<16xf32>,
          %slice3A_745 = vector.extract_strided_slice %mul3A_618 {offsets = [13], sizes = [1], strides = [1]} : vector<16xi32> to vector<1xi32>
          %squeeze3A_746 = vector.extract %slice3A_745[0] : i32 from vector<1xi32>
          %get3A_747 = arith.index_cast %squeeze3A_746 : i32 to index
          %get3A_748 = tpu.vector_load %arg5[%get3A_747] {strides = array<i32>} : memref<96000xf32, #tpu.memory_space<vmem>>, vector<16xf32>,
          %add3A_749 = arith.constant 16 : i32
          %add3A_750 = arith.addi %squeeze3A_746, %add3A_749 : i32
          %get3A_751 = arith.index_cast %add3A_750 : i32 to index
          %get3A_752 = tpu.vector_load %arg5[%get3A_751] {strides = array<i32>} : memref<96000xf32, #tpu.memory_space<vmem>>, vector<16xf32>,
          %slice3A_753 = vector.extract_strided_slice %mul3A_618 {offsets = [14], sizes = [1], strides = [1]} : vector<16xi32> to vector<1xi32>
          %squeeze3A_754 = vector.extract %slice3A_753[0] : i32 from vector<1xi32>
          %get3A_755 = arith.index_cast %squeeze3A_754 : i32 to index
          %get3A_756 = tpu.vector_load %arg5[%get3A_755] {strides = array<i32>} : memref<96000xf32, #tpu.memory_space<vmem>>, vector<16xf32>,
          %add3A_757 = arith.constant 16 : i32
          %add3A_758 = arith.addi %squeeze3A_754, %add3A_757 : i32
          %get3A_759 = arith.index_cast %add3A_758 : i32 to index
          %get3A_760 = tpu.vector_load %arg5[%get3A_759] {strides = array<i32>} : memref<96000xf32, #tpu.memory_space<vmem>>, vector<16xf32>,
          %slice3A_761 = vector.extract_strided_slice %mul3A_618 {offsets = [15], sizes = [1], strides = [1]} : vector<16xi32> to vector<1xi32>
          %squeeze3A_762 = vector.extract %slice3A_761[0] : i32 from vector<1xi32>
          %get3A_763 = arith.index_cast %squeeze3A_762 : i32 to index
          %get3A_764 = tpu.vector_load %arg5[%get3A_763] {strides = array<i32>} : memref<96000xf32, #tpu.memory_space<vmem>>, vector<16xf32>,
          %add3A_765 = arith.constant 16 : i32
          %add3A_766 = arith.addi %squeeze3A_762, %add3A_765 : i32
          %get3A_767 = arith.index_cast %add3A_766 : i32 to index
          %get3A_768 = tpu.vector_load %arg5[%get3A_767] {strides = array<i32>} : memref<96000xf32, #tpu.memory_space<vmem>>, vector<16xf32>,
          %add3A_769 = arith.constant 8 : i32
          %add3A_770 = vector.broadcast %add3A_769 : i32 to vector<16xi32>
          %add3A_771 = arith.addi %broadcast_in_dim3A, %add3A_770 : vector<16xi32>
          tpu.vector_store_idx %arg8[%iota3A, %add3A_771], %get3A_708 : memref<32x264xf32, #tpu.memory_space<vmem>>[vector<16xi32>, vector<16xi32>], vector<16xf32>,
          tpu.vector_store_idx %arg8[%add3A_12, %add3A_771], %get3A_712 : memref<32x264xf32, #tpu.memory_space<vmem>>[vector<16xi32>, vector<16xi32>], vector<16xf32>,
          %add3A_772 = arith.constant 9 : i32
          %add3A_773 = vector.broadcast %add3A_772 : i32 to vector<16xi32>
          %add3A_774 = arith.addi %broadcast_in_dim3A, %add3A_773 : vector<16xi32>
          tpu.vector_store_idx %arg8[%iota3A, %add3A_774], %get3A_716 : memref<32x264xf32, #tpu.memory_space<vmem>>[vector<16xi32>, vector<16xi32>], vector<16xf32>,
          tpu.vector_store_idx %arg8[%add3A_12, %add3A_774], %get3A_720 : memref<32x264xf32, #tpu.memory_space<vmem>>[vector<16xi32>, vector<16xi32>], vector<16xf32>,
          %add3A_775 = arith.constant 10 : i32
          %add3A_776 = vector.broadcast %add3A_775 : i32 to vector<16xi32>
          %add3A_777 = arith.addi %broadcast_in_dim3A, %add3A_776 : vector<16xi32>
          tpu.vector_store_idx %arg8[%iota3A, %add3A_777], %get3A_724 : memref<32x264xf32, #tpu.memory_space<vmem>>[vector<16xi32>, vector<16xi32>], vector<16xf32>,
          tpu.vector_store_idx %arg8[%add3A_12, %add3A_777], %get3A_728 : memref<32x264xf32, #tpu.memory_space<vmem>>[vector<16xi32>, vector<16xi32>], vector<16xf32>,
          %add3A_778 = arith.constant 11 : i32
          %add3A_779 = vector.broadcast %add3A_778 : i32 to vector<16xi32>
          %add3A_780 = arith.addi %broadcast_in_dim3A, %add3A_779 : vector<16xi32>
          tpu.vector_store_idx %arg8[%iota3A, %add3A_780], %get3A_732 : memref<32x264xf32, #tpu.memory_space<vmem>>[vector<16xi32>, vector<16xi32>], vector<16xf32>,
          tpu.vector_store_idx %arg8[%add3A_12, %add3A_780], %get3A_736 : memref<32x264xf32, #tpu.memory_space<vmem>>[vector<16xi32>, vector<16xi32>], vector<16xf32>,
          %add3A_781 = arith.constant 12 : i32
          %add3A_782 = vector.broadcast %add3A_781 : i32 to vector<16xi32>
          %add3A_783 = arith.addi %broadcast_in_dim3A, %add3A_782 : vector<16xi32>
          tpu.vector_store_idx %arg8[%iota3A, %add3A_783], %get3A_740 : memref<32x264xf32, #tpu.memory_space<vmem>>[vector<16xi32>, vector<16xi32>], vector<16xf32>,
          tpu.vector_store_idx %arg8[%add3A_12, %add3A_783], %get3A_744 : memref<32x264xf32, #tpu.memory_space<vmem>>[vector<16xi32>, vector<16xi32>], vector<16xf32>,
          %add3A_784 = arith.constant 13 : i32
          %add3A_785 = vector.broadcast %add3A_784 : i32 to vector<16xi32>
          %add3A_786 = arith.addi %broadcast_in_dim3A, %add3A_785 : vector<16xi32>
          tpu.vector_store_idx %arg8[%iota3A, %add3A_786], %get3A_748 : memref<32x264xf32, #tpu.memory_space<vmem>>[vector<16xi32>, vector<16xi32>], vector<16xf32>,
          tpu.vector_store_idx %arg8[%add3A_12, %add3A_786], %get3A_752 : memref<32x264xf32, #tpu.memory_space<vmem>>[vector<16xi32>, vector<16xi32>], vector<16xf32>,
          %add3A_787 = arith.constant 14 : i32
          %add3A_788 = vector.broadcast %add3A_787 : i32 to vector<16xi32>
          %add3A_789 = arith.addi %broadcast_in_dim3A, %add3A_788 : vector<16xi32>
          tpu.vector_store_idx %arg8[%iota3A, %add3A_789], %get3A_756 : memref<32x264xf32, #tpu.memory_space<vmem>>[vector<16xi32>, vector<16xi32>], vector<16xf32>,
          tpu.vector_store_idx %arg8[%add3A_12, %add3A_789], %get3A_760 : memref<32x264xf32, #tpu.memory_space<vmem>>[vector<16xi32>, vector<16xi32>], vector<16xf32>,
          %add3A_790 = arith.constant 15 : i32
          %add3A_791 = vector.broadcast %add3A_790 : i32 to vector<16xi32>
          %add3A_792 = arith.addi %broadcast_in_dim3A, %add3A_791 : vector<16xi32>
          tpu.vector_store_idx %arg8[%iota3A, %add3A_792], %get3A_764 : memref<32x264xf32, #tpu.memory_space<vmem>>[vector<16xi32>, vector<16xi32>], vector<16xf32>,
          tpu.vector_store_idx %arg8[%add3A_12, %add3A_792], %get3A_768 : memref<32x264xf32, #tpu.memory_space<vmem>>[vector<16xi32>, vector<16xi32>], vector<16xf32>,
          %scan3A_793 = arith.constant 1 : i32
          %scan3A_794 = arith.addi %scan3A_609, %scan3A_793 : i32
          %mul3A_795 = arith.constant 16 : i32
          %mul3A_796 = arith.muli %scan3A_794, %mul3A_795 : i32
          %add3A_797 = arith.addi %mul3A_443, %mul3A_796 : i32
          %get3A_798 = arith.index_cast %add3A_797 : i32 to index
          %get3A_799 = tpu.vector_load %arg6[%get3A_798] {strides = array<i32>} : memref<4096xi32, #tpu.memory_space<vmem>>, vector<16xi32>,
          %add3A_800 = vector.broadcast %mul3A_35 : i32 to vector<16xi32>
          %add3A_801 = arith.addi %get3A_799, %add3A_800 : vector<16xi32>
          %mul3A_802 = arith.constant 32 : i32
          %mul3A_803 = vector.broadcast %mul3A_802 : i32 to vector<16xi32>
          %mul3A_804 = arith.muli %add3A_801, %mul3A_803 : vector<16xi32>
          %broadcast_in_dim3A_805 = vector.broadcast %mul3A_796 : i32 to vector<16xi32>
          %slice3A_806 = vector.extract_strided_slice %mul3A_804 {offsets = [0], sizes = [1], strides = [1]} : vector<16xi32> to vector<1xi32>
          %squeeze3A_807 = vector.extract %slice3A_806[0] : i32 from vector<1xi32>
          %get3A_808 = arith.index_cast %squeeze3A_807 : i32 to index
          %get3A_809 = tpu.vector_load %arg5[%get3A_808] {strides = array<i32>} : memref<96000xf32, #tpu.memory_space<vmem>>, vector<16xf32>,
          %add3A_810 = arith.constant 16 : i32
          %add3A_811 = arith.addi %squeeze3A_807, %add3A_810 : i32
          %get3A_812 = arith.index_cast %add3A_811 : i32 to index
          %get3A_813 = tpu.vector_load %arg5[%get3A_812] {strides = array<i32>} : memref<96000xf32, #tpu.memory_space<vmem>>, vector<16xf32>,
          %slice3A_814 = vector.extract_strided_slice %mul3A_804 {offsets = [1], sizes = [1], strides = [1]} : vector<16xi32> to vector<1xi32>
          %squeeze3A_815 = vector.extract %slice3A_814[0] : i32 from vector<1xi32>
          %get3A_816 = arith.index_cast %squeeze3A_815 : i32 to index
          %get3A_817 = tpu.vector_load %arg5[%get3A_816] {strides = array<i32>} : memref<96000xf32, #tpu.memory_space<vmem>>, vector<16xf32>,
          %add3A_818 = arith.constant 16 : i32
          %add3A_819 = arith.addi %squeeze3A_815, %add3A_818 : i32
          %get3A_820 = arith.index_cast %add3A_819 : i32 to index
          %get3A_821 = tpu.vector_load %arg5[%get3A_820] {strides = array<i32>} : memref<96000xf32, #tpu.memory_space<vmem>>, vector<16xf32>,
          %slice3A_822 = vector.extract_strided_slice %mul3A_804 {offsets = [2], sizes = [1], strides = [1]} : vector<16xi32> to vector<1xi32>
          %squeeze3A_823 = vector.extract %slice3A_822[0] : i32 from vector<1xi32>
          %get3A_824 = arith.index_cast %squeeze3A_823 : i32 to index
          %get3A_825 = tpu.vector_load %arg5[%get3A_824] {strides = array<i32>} : memref<96000xf32, #tpu.memory_space<vmem>>, vector<16xf32>,
          %add3A_826 = arith.constant 16 : i32
          %add3A_827 = arith.addi %squeeze3A_823, %add3A_826 : i32
          %get3A_828 = arith.index_cast %add3A_827 : i32 to index
          %get3A_829 = tpu.vector_load %arg5[%get3A_828] {strides = array<i32>} : memref<96000xf32, #tpu.memory_space<vmem>>, vector<16xf32>,
          %slice3A_830 = vector.extract_strided_slice %mul3A_804 {offsets = [3], sizes = [1], strides = [1]} : vector<16xi32> to vector<1xi32>
          %squeeze3A_831 = vector.extract %slice3A_830[0] : i32 from vector<1xi32>
          %get3A_832 = arith.index_cast %squeeze3A_831 : i32 to index
          %get3A_833 = tpu.vector_load %arg5[%get3A_832] {strides = array<i32>} : memref<96000xf32, #tpu.memory_space<vmem>>, vector<16xf32>,
          %add3A_834 = arith.constant 16 : i32
          %add3A_835 = arith.addi %squeeze3A_831, %add3A_834 : i32
          %get3A_836 = arith.index_cast %add3A_835 : i32 to index
          %get3A_837 = tpu.vector_load %arg5[%get3A_836] {strides = array<i32>} : memref<96000xf32, #tpu.memory_space<vmem>>, vector<16xf32>,
          %slice3A_838 = vector.extract_strided_slice %mul3A_804 {offsets = [4], sizes = [1], strides = [1]} : vector<16xi32> to vector<1xi32>
          %squeeze3A_839 = vector.extract %slice3A_838[0] : i32 from vector<1xi32>
          %get3A_840 = arith.index_cast %squeeze3A_839 : i32 to index
          %get3A_841 = tpu.vector_load %arg5[%get3A_840] {strides = array<i32>} : memref<96000xf32, #tpu.memory_space<vmem>>, vector<16xf32>,
          %add3A_842 = arith.constant 16 : i32
          %add3A_843 = arith.addi %squeeze3A_839, %add3A_842 : i32
          %get3A_844 = arith.index_cast %add3A_843 : i32 to index
          %get3A_845 = tpu.vector_load %arg5[%get3A_844] {strides = array<i32>} : memref<96000xf32, #tpu.memory_space<vmem>>, vector<16xf32>,
          %slice3A_846 = vector.extract_strided_slice %mul3A_804 {offsets = [5], sizes = [1], strides = [1]} : vector<16xi32> to vector<1xi32>
          %squeeze3A_847 = vector.extract %slice3A_846[0] : i32 from vector<1xi32>
          %get3A_848 = arith.index_cast %squeeze3A_847 : i32 to index
          %get3A_849 = tpu.vector_load %arg5[%get3A_848] {strides = array<i32>} : memref<96000xf32, #tpu.memory_space<vmem>>, vector<16xf32>,
          %add3A_850 = arith.constant 16 : i32
          %add3A_851 = arith.addi %squeeze3A_847, %add3A_850 : i32
          %get3A_852 = arith.index_cast %add3A_851 : i32 to index
          %get3A_853 = tpu.vector_load %arg5[%get3A_852] {strides = array<i32>} : memref<96000xf32, #tpu.memory_space<vmem>>, vector<16xf32>,
          %slice3A_854 = vector.extract_strided_slice %mul3A_804 {offsets = [6], sizes = [1], strides = [1]} : vector<16xi32> to vector<1xi32>
          %squeeze3A_855 = vector.extract %slice3A_854[0] : i32 from vector<1xi32>
          %get3A_856 = arith.index_cast %squeeze3A_855 : i32 to index
          %get3A_857 = tpu.vector_load %arg5[%get3A_856] {strides = array<i32>} : memref<96000xf32, #tpu.memory_space<vmem>>, vector<16xf32>,
          %add3A_858 = arith.constant 16 : i32
          %add3A_859 = arith.addi %squeeze3A_855, %add3A_858 : i32
          %get3A_860 = arith.index_cast %add3A_859 : i32 to index
          %get3A_861 = tpu.vector_load %arg5[%get3A_860] {strides = array<i32>} : memref<96000xf32, #tpu.memory_space<vmem>>, vector<16xf32>,
          %slice3A_862 = vector.extract_strided_slice %mul3A_804 {offsets = [7], sizes = [1], strides = [1]} : vector<16xi32> to vector<1xi32>
          %squeeze3A_863 = vector.extract %slice3A_862[0] : i32 from vector<1xi32>
          %get3A_864 = arith.index_cast %squeeze3A_863 : i32 to index
          %get3A_865 = tpu.vector_load %arg5[%get3A_864] {strides = array<i32>} : memref<96000xf32, #tpu.memory_space<vmem>>, vector<16xf32>,
          %add3A_866 = arith.constant 16 : i32
          %add3A_867 = arith.addi %squeeze3A_863, %add3A_866 : i32
          %get3A_868 = arith.index_cast %add3A_867 : i32 to index
          %get3A_869 = tpu.vector_load %arg5[%get3A_868] {strides = array<i32>} : memref<96000xf32, #tpu.memory_space<vmem>>, vector<16xf32>,
          %add3A_870 = arith.constant 0 : i32
          %add3A_871 = vector.broadcast %add3A_870 : i32 to vector<16xi32>
          %add3A_872 = arith.addi %broadcast_in_dim3A_805, %add3A_871 : vector<16xi32>
          tpu.vector_store_idx %arg8[%iota3A, %add3A_872], %get3A_809 : memref<32x264xf32, #tpu.memory_space<vmem>>[vector<16xi32>, vector<16xi32>], vector<16xf32>,
          tpu.vector_store_idx %arg8[%add3A_12, %add3A_872], %get3A_813 : memref<32x264xf32, #tpu.memory_space<vmem>>[vector<16xi32>, vector<16xi32>], vector<16xf32>,
          %add3A_873 = arith.constant 1 : i32
          %add3A_874 = vector.broadcast %add3A_873 : i32 to vector<16xi32>
          %add3A_875 = arith.addi %broadcast_in_dim3A_805, %add3A_874 : vector<16xi32>
          tpu.vector_store_idx %arg8[%iota3A, %add3A_875], %get3A_817 : memref<32x264xf32, #tpu.memory_space<vmem>>[vector<16xi32>, vector<16xi32>], vector<16xf32>,
          tpu.vector_store_idx %arg8[%add3A_12, %add3A_875], %get3A_821 : memref<32x264xf32, #tpu.memory_space<vmem>>[vector<16xi32>, vector<16xi32>], vector<16xf32>,
          %add3A_876 = arith.constant 2 : i32
          %add3A_877 = vector.broadcast %add3A_876 : i32 to vector<16xi32>
          %add3A_878 = arith.addi %broadcast_in_dim3A_805, %add3A_877 : vector<16xi32>
          tpu.vector_store_idx %arg8[%iota3A, %add3A_878], %get3A_825 : memref<32x264xf32, #tpu.memory_space<vmem>>[vector<16xi32>, vector<16xi32>], vector<16xf32>,
          tpu.vector_store_idx %arg8[%add3A_12, %add3A_878], %get3A_829 : memref<32x264xf32, #tpu.memory_space<vmem>>[vector<16xi32>, vector<16xi32>], vector<16xf32>,
          %add3A_879 = arith.constant 3 : i32
          %add3A_880 = vector.broadcast %add3A_879 : i32 to vector<16xi32>
          %add3A_881 = arith.addi %broadcast_in_dim3A_805, %add3A_880 : vector<16xi32>
          tpu.vector_store_idx %arg8[%iota3A, %add3A_881], %get3A_833 : memref<32x264xf32, #tpu.memory_space<vmem>>[vector<16xi32>, vector<16xi32>], vector<16xf32>,
          tpu.vector_store_idx %arg8[%add3A_12, %add3A_881], %get3A_837 : memref<32x264xf32, #tpu.memory_space<vmem>>[vector<16xi32>, vector<16xi32>], vector<16xf32>,
          %add3A_882 = arith.constant 4 : i32
          %add3A_883 = vector.broadcast %add3A_882 : i32 to vector<16xi32>
          %add3A_884 = arith.addi %broadcast_in_dim3A_805, %add3A_883 : vector<16xi32>
          tpu.vector_store_idx %arg8[%iota3A, %add3A_884], %get3A_841 : memref<32x264xf32, #tpu.memory_space<vmem>>[vector<16xi32>, vector<16xi32>], vector<16xf32>,
          tpu.vector_store_idx %arg8[%add3A_12, %add3A_884], %get3A_845 : memref<32x264xf32, #tpu.memory_space<vmem>>[vector<16xi32>, vector<16xi32>], vector<16xf32>,
          %add3A_885 = arith.constant 5 : i32
          %add3A_886 = vector.broadcast %add3A_885 : i32 to vector<16xi32>
          %add3A_887 = arith.addi %broadcast_in_dim3A_805, %add3A_886 : vector<16xi32>
          tpu.vector_store_idx %arg8[%iota3A, %add3A_887], %get3A_849 : memref<32x264xf32, #tpu.memory_space<vmem>>[vector<16xi32>, vector<16xi32>], vector<16xf32>,
          tpu.vector_store_idx %arg8[%add3A_12, %add3A_887], %get3A_853 : memref<32x264xf32, #tpu.memory_space<vmem>>[vector<16xi32>, vector<16xi32>], vector<16xf32>,
          %add3A_888 = arith.constant 6 : i32
          %add3A_889 = vector.broadcast %add3A_888 : i32 to vector<16xi32>
          %add3A_890 = arith.addi %broadcast_in_dim3A_805, %add3A_889 : vector<16xi32>
          tpu.vector_store_idx %arg8[%iota3A, %add3A_890], %get3A_857 : memref<32x264xf32, #tpu.memory_space<vmem>>[vector<16xi32>, vector<16xi32>], vector<16xf32>,
          tpu.vector_store_idx %arg8[%add3A_12, %add3A_890], %get3A_861 : memref<32x264xf32, #tpu.memory_space<vmem>>[vector<16xi32>, vector<16xi32>], vector<16xf32>,
          %add3A_891 = arith.constant 7 : i32
          %add3A_892 = vector.broadcast %add3A_891 : i32 to vector<16xi32>
          %add3A_893 = arith.addi %broadcast_in_dim3A_805, %add3A_892 : vector<16xi32>
          tpu.vector_store_idx %arg8[%iota3A, %add3A_893], %get3A_865 : memref<32x264xf32, #tpu.memory_space<vmem>>[vector<16xi32>, vector<16xi32>], vector<16xf32>,
          tpu.vector_store_idx %arg8[%add3A_12, %add3A_893], %get3A_869 : memref<32x264xf32, #tpu.memory_space<vmem>>[vector<16xi32>, vector<16xi32>], vector<16xf32>,
          %slice3A_894 = vector.extract_strided_slice %mul3A_804 {offsets = [8], sizes = [1], strides = [1]} : vector<16xi32> to vector<1xi32>
          %squeeze3A_895 = vector.extract %slice3A_894[0] : i32 from vector<1xi32>
          %get3A_896 = arith.index_cast %squeeze3A_895 : i32 to index
          %get3A_897 = tpu.vector_load %arg5[%get3A_896] {strides = array<i32>} : memref<96000xf32, #tpu.memory_space<vmem>>, vector<16xf32>,
          %add3A_898 = arith.constant 16 : i32
          %add3A_899 = arith.addi %squeeze3A_895, %add3A_898 : i32
          %get3A_900 = arith.index_cast %add3A_899 : i32 to index
          %get3A_901 = tpu.vector_load %arg5[%get3A_900] {strides = array<i32>} : memref<96000xf32, #tpu.memory_space<vmem>>, vector<16xf32>,
          %slice3A_902 = vector.extract_strided_slice %mul3A_804 {offsets = [9], sizes = [1], strides = [1]} : vector<16xi32> to vector<1xi32>
          %squeeze3A_903 = vector.extract %slice3A_902[0] : i32 from vector<1xi32>
          %get3A_904 = arith.index_cast %squeeze3A_903 : i32 to index
          %get3A_905 = tpu.vector_load %arg5[%get3A_904] {strides = array<i32>} : memref<96000xf32, #tpu.memory_space<vmem>>, vector<16xf32>,
          %add3A_906 = arith.constant 16 : i32
          %add3A_907 = arith.addi %squeeze3A_903, %add3A_906 : i32
          %get3A_908 = arith.index_cast %add3A_907 : i32 to index
          %get3A_909 = tpu.vector_load %arg5[%get3A_908] {strides = array<i32>} : memref<96000xf32, #tpu.memory_space<vmem>>, vector<16xf32>,
          %slice3A_910 = vector.extract_strided_slice %mul3A_804 {offsets = [10], sizes = [1], strides = [1]} : vector<16xi32> to vector<1xi32>
          %squeeze3A_911 = vector.extract %slice3A_910[0] : i32 from vector<1xi32>
          %get3A_912 = arith.index_cast %squeeze3A_911 : i32 to index
          %get3A_913 = tpu.vector_load %arg5[%get3A_912] {strides = array<i32>} : memref<96000xf32, #tpu.memory_space<vmem>>, vector<16xf32>,
          %add3A_914 = arith.constant 16 : i32
          %add3A_915 = arith.addi %squeeze3A_911, %add3A_914 : i32
          %get3A_916 = arith.index_cast %add3A_915 : i32 to index
          %get3A_917 = tpu.vector_load %arg5[%get3A_916] {strides = array<i32>} : memref<96000xf32, #tpu.memory_space<vmem>>, vector<16xf32>,
          %slice3A_918 = vector.extract_strided_slice %mul3A_804 {offsets = [11], sizes = [1], strides = [1]} : vector<16xi32> to vector<1xi32>
          %squeeze3A_919 = vector.extract %slice3A_918[0] : i32 from vector<1xi32>
          %get3A_920 = arith.index_cast %squeeze3A_919 : i32 to index
          %get3A_921 = tpu.vector_load %arg5[%get3A_920] {strides = array<i32>} : memref<96000xf32, #tpu.memory_space<vmem>>, vector<16xf32>,
          %add3A_922 = arith.constant 16 : i32
          %add3A_923 = arith.addi %squeeze3A_919, %add3A_922 : i32
          %get3A_924 = arith.index_cast %add3A_923 : i32 to index
          %get3A_925 = tpu.vector_load %arg5[%get3A_924] {strides = array<i32>} : memref<96000xf32, #tpu.memory_space<vmem>>, vector<16xf32>,
          %slice3A_926 = vector.extract_strided_slice %mul3A_804 {offsets = [12], sizes = [1], strides = [1]} : vector<16xi32> to vector<1xi32>
          %squeeze3A_927 = vector.extract %slice3A_926[0] : i32 from vector<1xi32>
          %get3A_928 = arith.index_cast %squeeze3A_927 : i32 to index
          %get3A_929 = tpu.vector_load %arg5[%get3A_928] {strides = array<i32>} : memref<96000xf32, #tpu.memory_space<vmem>>, vector<16xf32>,
          %add3A_930 = arith.constant 16 : i32
          %add3A_931 = arith.addi %squeeze3A_927, %add3A_930 : i32
          %get3A_932 = arith.index_cast %add3A_931 : i32 to index
          %get3A_933 = tpu.vector_load %arg5[%get3A_932] {strides = array<i32>} : memref<96000xf32, #tpu.memory_space<vmem>>, vector<16xf32>,
          %slice3A_934 = vector.extract_strided_slice %mul3A_804 {offsets = [13], sizes = [1], strides = [1]} : vector<16xi32> to vector<1xi32>
          %squeeze3A_935 = vector.extract %slice3A_934[0] : i32 from vector<1xi32>
          %get3A_936 = arith.index_cast %squeeze3A_935 : i32 to index
          %get3A_937 = tpu.vector_load %arg5[%get3A_936] {strides = array<i32>} : memref<96000xf32, #tpu.memory_space<vmem>>, vector<16xf32>,
          %add3A_938 = arith.constant 16 : i32
          %add3A_939 = arith.addi %squeeze3A_935, %add3A_938 : i32
          %get3A_940 = arith.index_cast %add3A_939 : i32 to index
          %get3A_941 = tpu.vector_load %arg5[%get3A_940] {strides = array<i32>} : memref<96000xf32, #tpu.memory_space<vmem>>, vector<16xf32>,
          %slice3A_942 = vector.extract_strided_slice %mul3A_804 {offsets = [14], sizes = [1], strides = [1]} : vector<16xi32> to vector<1xi32>
          %squeeze3A_943 = vector.extract %slice3A_942[0] : i32 from vector<1xi32>
          %get3A_944 = arith.index_cast %squeeze3A_943 : i32 to index
          %get3A_945 = tpu.vector_load %arg5[%get3A_944] {strides = array<i32>} : memref<96000xf32, #tpu.memory_space<vmem>>, vector<16xf32>,
          %add3A_946 = arith.constant 16 : i32
          %add3A_947 = arith.addi %squeeze3A_943, %add3A_946 : i32
          %get3A_948 = arith.index_cast %add3A_947 : i32 to index
          %get3A_949 = tpu.vector_load %arg5[%get3A_948] {strides = array<i32>} : memref<96000xf32, #tpu.memory_space<vmem>>, vector<16xf32>,
          %slice3A_950 = vector.extract_strided_slice %mul3A_804 {offsets = [15], sizes = [1], strides = [1]} : vector<16xi32> to vector<1xi32>
          %squeeze3A_951 = vector.extract %slice3A_950[0] : i32 from vector<1xi32>
          %get3A_952 = arith.index_cast %squeeze3A_951 : i32 to index
          %get3A_953 = tpu.vector_load %arg5[%get3A_952] {strides = array<i32>} : memref<96000xf32, #tpu.memory_space<vmem>>, vector<16xf32>,
          %add3A_954 = arith.constant 16 : i32
          %add3A_955 = arith.addi %squeeze3A_951, %add3A_954 : i32
          %get3A_956 = arith.index_cast %add3A_955 : i32 to index
          %get3A_957 = tpu.vector_load %arg5[%get3A_956] {strides = array<i32>} : memref<96000xf32, #tpu.memory_space<vmem>>, vector<16xf32>,
          %add3A_958 = arith.constant 8 : i32
          %add3A_959 = vector.broadcast %add3A_958 : i32 to vector<16xi32>
          %add3A_960 = arith.addi %broadcast_in_dim3A_805, %add3A_959 : vector<16xi32>
          tpu.vector_store_idx %arg8[%iota3A, %add3A_960], %get3A_897 : memref<32x264xf32, #tpu.memory_space<vmem>>[vector<16xi32>, vector<16xi32>], vector<16xf32>,
          tpu.vector_store_idx %arg8[%add3A_12, %add3A_960], %get3A_901 : memref<32x264xf32, #tpu.memory_space<vmem>>[vector<16xi32>, vector<16xi32>], vector<16xf32>,
          %add3A_961 = arith.constant 9 : i32
          %add3A_962 = vector.broadcast %add3A_961 : i32 to vector<16xi32>
          %add3A_963 = arith.addi %broadcast_in_dim3A_805, %add3A_962 : vector<16xi32>
          tpu.vector_store_idx %arg8[%iota3A, %add3A_963], %get3A_905 : memref<32x264xf32, #tpu.memory_space<vmem>>[vector<16xi32>, vector<16xi32>], vector<16xf32>,
          tpu.vector_store_idx %arg8[%add3A_12, %add3A_963], %get3A_909 : memref<32x264xf32, #tpu.memory_space<vmem>>[vector<16xi32>, vector<16xi32>], vector<16xf32>,
          %add3A_964 = arith.constant 10 : i32
          %add3A_965 = vector.broadcast %add3A_964 : i32 to vector<16xi32>
          %add3A_966 = arith.addi %broadcast_in_dim3A_805, %add3A_965 : vector<16xi32>
          tpu.vector_store_idx %arg8[%iota3A, %add3A_966], %get3A_913 : memref<32x264xf32, #tpu.memory_space<vmem>>[vector<16xi32>, vector<16xi32>], vector<16xf32>,
          tpu.vector_store_idx %arg8[%add3A_12, %add3A_966], %get3A_917 : memref<32x264xf32, #tpu.memory_space<vmem>>[vector<16xi32>, vector<16xi32>], vector<16xf32>,
          %add3A_967 = arith.constant 11 : i32
          %add3A_968 = vector.broadcast %add3A_967 : i32 to vector<16xi32>
          %add3A_969 = arith.addi %broadcast_in_dim3A_805, %add3A_968 : vector<16xi32>
          tpu.vector_store_idx %arg8[%iota3A, %add3A_969], %get3A_921 : memref<32x264xf32, #tpu.memory_space<vmem>>[vector<16xi32>, vector<16xi32>], vector<16xf32>,
          tpu.vector_store_idx %arg8[%add3A_12, %add3A_969], %get3A_925 : memref<32x264xf32, #tpu.memory_space<vmem>>[vector<16xi32>, vector<16xi32>], vector<16xf32>,
          %add3A_970 = arith.constant 12 : i32
          %add3A_971 = vector.broadcast %add3A_970 : i32 to vector<16xi32>
          %add3A_972 = arith.addi %broadcast_in_dim3A_805, %add3A_971 : vector<16xi32>
          tpu.vector_store_idx %arg8[%iota3A, %add3A_972], %get3A_929 : memref<32x264xf32, #tpu.memory_space<vmem>>[vector<16xi32>, vector<16xi32>], vector<16xf32>,
          tpu.vector_store_idx %arg8[%add3A_12, %add3A_972], %get3A_933 : memref<32x264xf32, #tpu.memory_space<vmem>>[vector<16xi32>, vector<16xi32>], vector<16xf32>,
          %add3A_973 = arith.constant 13 : i32
          %add3A_974 = vector.broadcast %add3A_973 : i32 to vector<16xi32>
          %add3A_975 = arith.addi %broadcast_in_dim3A_805, %add3A_974 : vector<16xi32>
          tpu.vector_store_idx %arg8[%iota3A, %add3A_975], %get3A_937 : memref<32x264xf32, #tpu.memory_space<vmem>>[vector<16xi32>, vector<16xi32>], vector<16xf32>,
          tpu.vector_store_idx %arg8[%add3A_12, %add3A_975], %get3A_941 : memref<32x264xf32, #tpu.memory_space<vmem>>[vector<16xi32>, vector<16xi32>], vector<16xf32>,
          %add3A_976 = arith.constant 14 : i32
          %add3A_977 = vector.broadcast %add3A_976 : i32 to vector<16xi32>
          %add3A_978 = arith.addi %broadcast_in_dim3A_805, %add3A_977 : vector<16xi32>
          tpu.vector_store_idx %arg8[%iota3A, %add3A_978], %get3A_945 : memref<32x264xf32, #tpu.memory_space<vmem>>[vector<16xi32>, vector<16xi32>], vector<16xf32>,
          tpu.vector_store_idx %arg8[%add3A_12, %add3A_978], %get3A_949 : memref<32x264xf32, #tpu.memory_space<vmem>>[vector<16xi32>, vector<16xi32>], vector<16xf32>,
          %add3A_979 = arith.constant 15 : i32
          %add3A_980 = vector.broadcast %add3A_979 : i32 to vector<16xi32>
          %add3A_981 = arith.addi %broadcast_in_dim3A_805, %add3A_980 : vector<16xi32>
          tpu.vector_store_idx %arg8[%iota3A, %add3A_981], %get3A_953 : memref<32x264xf32, #tpu.memory_space<vmem>>[vector<16xi32>, vector<16xi32>], vector<16xf32>,
          tpu.vector_store_idx %arg8[%add3A_12, %add3A_981], %get3A_957 : memref<32x264xf32, #tpu.memory_space<vmem>>[vector<16xi32>, vector<16xi32>], vector<16xf32>,
        }
        %scan3A_454 = arith.constant 16 : i32
        %mul3A_455 = arith.constant 2 : i32
        %mul3A_456 = arith.muli %add3A_441, %mul3A_455 : i32
        %add3A_457 = arith.constant 0 : i32
        %add3A_458 = arith.addi %mul3A_39, %add3A_457 : i32
        %add3A_459 = arith.addi %add3A_458, %mul3A_456 : i32
        %add3A_460 = arith.constant 0 : i32
        %add3A_461 = arith.addi %add3A_459, %add3A_460 : i32
        %dma_start3A_462 = arith.constant 0 : i32
        %dma_start3A_463 = arith.constant 0 : i32
        %dma_start3A_464 = tpu.memref_slice %arg8[%dma_start3A_462, %dma_start3A_463] : memref<32x264xf32, #tpu.memory_space<vmem>> -> memref<8x128xf32, #tpu.memory_space<vmem>>
        %dma_start3A_465 = arith.constant 0 : i32
        %dma_start3A_466 = arith.constant 0 : i32
        %dma_start3A_467 = tpu.memref_slice %arg4[%add3A_461, %dma_start3A_465, %dma_start3A_466] : memref<75264x8x128xf32, #tpu.memory_space<hbm>> -> memref<1x8x128xf32, #tpu.memory_space<hbm>>
        %dma_start3A_468 = tpu.memref_squeeze %dma_start3A_467 : memref<1x8x128xf32, #tpu.memory_space<hbm>> -> memref<8x128xf32, #tpu.memory_space<hbm>>
        %dma_start3A_469 = arith.constant 0 : i32
        %dma_start3A_470 = arith.constant 0 : i32
        %dma_start3A_471 = tpu.memref_slice %arg4[%add3A_461, %dma_start3A_469, %dma_start3A_470] : memref<75264x8x128xf32, #tpu.memory_space<hbm>> -> memref<1x8x128xf32, #tpu.memory_space<hbm>>
        %dma_start3A_472 = tpu.memref_squeeze %dma_start3A_471 : memref<1x8x128xf32, #tpu.memory_space<hbm>> -> memref<8x128xf32, #tpu.memory_space<hbm>>
        %dma_start3A_473 = arith.constant 0 : i32
        %dma_start3A_474 = arith.constant 0 : i32
        %dma_start3A_475 = tpu.memref_slice %arg8[%dma_start3A_473, %dma_start3A_474] : memref<32x264xf32, #tpu.memory_space<vmem>> -> memref<8x128xf32, #tpu.memory_space<vmem>>
        tpu.enqueue_dma source(%dma_start3A_475 : memref<8x128xf32, #tpu.memory_space<vmem>>) target(%dma_start3A_472 : memref<8x128xf32, #tpu.memory_space<hbm>>) target_semaphore(%arg10 : memref<!tpu.dma_semaphore, #tpu.memory_space<semaphore_mem>>)
        %add3A_476 = arith.constant 0 : i32
        %add3A_477 = arith.addi %mul3A_39, %add3A_476 : i32
        %add3A_478 = arith.addi %add3A_477, %mul3A_456 : i32
        %add3A_479 = arith.constant 1 : i32
        %add3A_480 = arith.addi %add3A_478, %add3A_479 : i32
        %dma_start3A_481 = arith.constant 0 : i32
        %dma_start3A_482 = arith.constant 128 : i32
        %dma_start3A_483 = tpu.memref_slice %arg8[%dma_start3A_481, %dma_start3A_482] : memref<32x264xf32, #tpu.memory_space<vmem>> -> memref<8x128xf32, #tpu.memory_space<vmem>>
        %dma_start3A_484 = arith.constant 0 : i32
        %dma_start3A_485 = arith.constant 0 : i32
        %dma_start3A_486 = tpu.memref_slice %arg4[%add3A_480, %dma_start3A_484, %dma_start3A_485] : memref<75264x8x128xf32, #tpu.memory_space<hbm>> -> memref<1x8x128xf32, #tpu.memory_space<hbm>>
        %dma_start3A_487 = tpu.memref_squeeze %dma_start3A_486 : memref<1x8x128xf32, #tpu.memory_space<hbm>> -> memref<8x128xf32, #tpu.memory_space<hbm>>
        %dma_start3A_488 = arith.constant 0 : i32
        %dma_start3A_489 = arith.constant 0 : i32
        %dma_start3A_490 = tpu.memref_slice %arg4[%add3A_480, %dma_start3A_488, %dma_start3A_489] : memref<75264x8x128xf32, #tpu.memory_space<hbm>> -> memref<1x8x128xf32, #tpu.memory_space<hbm>>
        %dma_start3A_491 = tpu.memref_squeeze %dma_start3A_490 : memref<1x8x128xf32, #tpu.memory_space<hbm>> -> memref<8x128xf32, #tpu.memory_space<hbm>>
        %dma_start3A_492 = arith.constant 0 : i32
        %dma_start3A_493 = arith.constant 128 : i32
        %dma_start3A_494 = tpu.memref_slice %arg8[%dma_start3A_492, %dma_start3A_493] : memref<32x264xf32, #tpu.memory_space<vmem>> -> memref<8x128xf32, #tpu.memory_space<vmem>>
        tpu.enqueue_dma source(%dma_start3A_494 : memref<8x128xf32, #tpu.memory_space<vmem>>) target(%dma_start3A_491 : memref<8x128xf32, #tpu.memory_space<hbm>>) target_semaphore(%arg10 : memref<!tpu.dma_semaphore, #tpu.memory_space<semaphore_mem>>)
        %add3A_495 = arith.constant 32 : i32
        %add3A_496 = arith.addi %mul3A_39, %add3A_495 : i32
        %add3A_497 = arith.addi %add3A_496, %mul3A_456 : i32
        %add3A_498 = arith.constant 0 : i32
        %add3A_499 = arith.addi %add3A_497, %add3A_498 : i32
        %dma_start3A_500 = arith.constant 8 : i32
        %dma_start3A_501 = arith.constant 0 : i32
        %dma_start3A_502 = tpu.memref_slice %arg8[%dma_start3A_500, %dma_start3A_501] : memref<32x264xf32, #tpu.memory_space<vmem>> -> memref<8x128xf32, #tpu.memory_space<vmem>>
        %dma_start3A_503 = arith.constant 0 : i32
        %dma_start3A_504 = arith.constant 0 : i32
        %dma_start3A_505 = tpu.memref_slice %arg4[%add3A_499, %dma_start3A_503, %dma_start3A_504] : memref<75264x8x128xf32, #tpu.memory_space<hbm>> -> memref<1x8x128xf32, #tpu.memory_space<hbm>>
        %dma_start3A_506 = tpu.memref_squeeze %dma_start3A_505 : memref<1x8x128xf32, #tpu.memory_space<hbm>> -> memref<8x128xf32, #tpu.memory_space<hbm>>
        %dma_start3A_507 = arith.constant 0 : i32
        %dma_start3A_508 = arith.constant 0 : i32
        %dma_start3A_509 = tpu.memref_slice %arg4[%add3A_499, %dma_start3A_507, %dma_start3A_508] : memref<75264x8x128xf32, #tpu.memory_space<hbm>> -> memref<1x8x128xf32, #tpu.memory_space<hbm>>
        %dma_start3A_510 = tpu.memref_squeeze %dma_start3A_509 : memref<1x8x128xf32, #tpu.memory_space<hbm>> -> memref<8x128xf32, #tpu.memory_space<hbm>>
        %dma_start3A_511 = arith.constant 8 : i32
        %dma_start3A_512 = arith.constant 0 : i32
        %dma_start3A_513 = tpu.memref_slice %arg8[%dma_start3A_511, %dma_start3A_512] : memref<32x264xf32, #tpu.memory_space<vmem>> -> memref<8x128xf32, #tpu.memory_space<vmem>>
        tpu.enqueue_dma source(%dma_start3A_513 : memref<8x128xf32, #tpu.memory_space<vmem>>) target(%dma_start3A_510 : memref<8x128xf32, #tpu.memory_space<hbm>>) target_semaphore(%arg10 : memref<!tpu.dma_semaphore, #tpu.memory_space<semaphore_mem>>)
        %add3A_514 = arith.constant 32 : i32
        %add3A_515 = arith.addi %mul3A_39, %add3A_514 : i32
        %add3A_516 = arith.addi %add3A_515, %mul3A_456 : i32
        %add3A_517 = arith.constant 1 : i32
        %add3A_518 = arith.addi %add3A_516, %add3A_517 : i32
        %dma_start3A_519 = arith.constant 8 : i32
        %dma_start3A_520 = arith.constant 128 : i32
        %dma_start3A_521 = tpu.memref_slice %arg8[%dma_start3A_519, %dma_start3A_520] : memref<32x264xf32, #tpu.memory_space<vmem>> -> memref<8x128xf32, #tpu.memory_space<vmem>>
        %dma_start3A_522 = arith.constant 0 : i32
        %dma_start3A_523 = arith.constant 0 : i32
        %dma_start3A_524 = tpu.memref_slice %arg4[%add3A_518, %dma_start3A_522, %dma_start3A_523] : memref<75264x8x128xf32, #tpu.memory_space<hbm>> -> memref<1x8x128xf32, #tpu.memory_space<hbm>>
        %dma_start3A_525 = tpu.memref_squeeze %dma_start3A_524 : memref<1x8x128xf32, #tpu.memory_space<hbm>> -> memref<8x128xf32, #tpu.memory_space<hbm>>
        %dma_start3A_526 = arith.constant 0 : i32
        %dma_start3A_527 = arith.constant 0 : i32
        %dma_start3A_528 = tpu.memref_slice %arg4[%add3A_518, %dma_start3A_526, %dma_start3A_527] : memref<75264x8x128xf32, #tpu.memory_space<hbm>> -> memref<1x8x128xf32, #tpu.memory_space<hbm>>
        %dma_start3A_529 = tpu.memref_squeeze %dma_start3A_528 : memref<1x8x128xf32, #tpu.memory_space<hbm>> -> memref<8x128xf32, #tpu.memory_space<hbm>>
        %dma_start3A_530 = arith.constant 8 : i32
        %dma_start3A_531 = arith.constant 128 : i32
        %dma_start3A_532 = tpu.memref_slice %arg8[%dma_start3A_530, %dma_start3A_531] : memref<32x264xf32, #tpu.memory_space<vmem>> -> memref<8x128xf32, #tpu.memory_space<vmem>>
        tpu.enqueue_dma source(%dma_start3A_532 : memref<8x128xf32, #tpu.memory_space<vmem>>) target(%dma_start3A_529 : memref<8x128xf32, #tpu.memory_space<hbm>>) target_semaphore(%arg10 : memref<!tpu.dma_semaphore, #tpu.memory_space<semaphore_mem>>)
        %add3A_533 = arith.constant 64 : i32
        %add3A_534 = arith.addi %mul3A_39, %add3A_533 : i32
        %add3A_535 = arith.addi %add3A_534, %mul3A_456 : i32
        %add3A_536 = arith.constant 0 : i32
        %add3A_537 = arith.addi %add3A_535, %add3A_536 : i32
        %dma_start3A_538 = arith.constant 16 : i32
        %dma_start3A_539 = arith.constant 0 : i32
        %dma_start3A_540 = tpu.memref_slice %arg8[%dma_start3A_538, %dma_start3A_539] : memref<32x264xf32, #tpu.memory_space<vmem>> -> memref<8x128xf32, #tpu.memory_space<vmem>>
        %dma_start3A_541 = arith.constant 0 : i32
        %dma_start3A_542 = arith.constant 0 : i32
        %dma_start3A_543 = tpu.memref_slice %arg4[%add3A_537, %dma_start3A_541, %dma_start3A_542] : memref<75264x8x128xf32, #tpu.memory_space<hbm>> -> memref<1x8x128xf32, #tpu.memory_space<hbm>>
        %dma_start3A_544 = tpu.memref_squeeze %dma_start3A_543 : memref<1x8x128xf32, #tpu.memory_space<hbm>> -> memref<8x128xf32, #tpu.memory_space<hbm>>
        %dma_start3A_545 = arith.constant 0 : i32
        %dma_start3A_546 = arith.constant 0 : i32
        %dma_start3A_547 = tpu.memref_slice %arg4[%add3A_537, %dma_start3A_545, %dma_start3A_546] : memref<75264x8x128xf32, #tpu.memory_space<hbm>> -> memref<1x8x128xf32, #tpu.memory_space<hbm>>
        %dma_start3A_548 = tpu.memref_squeeze %dma_start3A_547 : memref<1x8x128xf32, #tpu.memory_space<hbm>> -> memref<8x128xf32, #tpu.memory_space<hbm>>
        %dma_start3A_549 = arith.constant 16 : i32
        %dma_start3A_550 = arith.constant 0 : i32
        %dma_start3A_551 = tpu.memref_slice %arg8[%dma_start3A_549, %dma_start3A_550] : memref<32x264xf32, #tpu.memory_space<vmem>> -> memref<8x128xf32, #tpu.memory_space<vmem>>
        tpu.enqueue_dma source(%dma_start3A_551 : memref<8x128xf32, #tpu.memory_space<vmem>>) target(%dma_start3A_548 : memref<8x128xf32, #tpu.memory_space<hbm>>) target_semaphore(%arg10 : memref<!tpu.dma_semaphore, #tpu.memory_space<semaphore_mem>>)
        %add3A_552 = arith.constant 64 : i32
        %add3A_553 = arith.addi %mul3A_39, %add3A_552 : i32
        %add3A_554 = arith.addi %add3A_553, %mul3A_456 : i32
        %add3A_555 = arith.constant 1 : i32
        %add3A_556 = arith.addi %add3A_554, %add3A_555 : i32
        %dma_start3A_557 = arith.constant 16 : i32
        %dma_start3A_558 = arith.constant 128 : i32
        %dma_start3A_559 = tpu.memref_slice %arg8[%dma_start3A_557, %dma_start3A_558] : memref<32x264xf32, #tpu.memory_space<vmem>> -> memref<8x128xf32, #tpu.memory_space<vmem>>
        %dma_start3A_560 = arith.constant 0 : i32
        %dma_start3A_561 = arith.constant 0 : i32
        %dma_start3A_562 = tpu.memref_slice %arg4[%add3A_556, %dma_start3A_560, %dma_start3A_561] : memref<75264x8x128xf32, #tpu.memory_space<hbm>> -> memref<1x8x128xf32, #tpu.memory_space<hbm>>
        %dma_start3A_563 = tpu.memref_squeeze %dma_start3A_562 : memref<1x8x128xf32, #tpu.memory_space<hbm>> -> memref<8x128xf32, #tpu.memory_space<hbm>>
        %dma_start3A_564 = arith.constant 0 : i32
        %dma_start3A_565 = arith.constant 0 : i32
        %dma_start3A_566 = tpu.memref_slice %arg4[%add3A_556, %dma_start3A_564, %dma_start3A_565] : memref<75264x8x128xf32, #tpu.memory_space<hbm>> -> memref<1x8x128xf32, #tpu.memory_space<hbm>>
        %dma_start3A_567 = tpu.memref_squeeze %dma_start3A_566 : memref<1x8x128xf32, #tpu.memory_space<hbm>> -> memref<8x128xf32, #tpu.memory_space<hbm>>
        %dma_start3A_568 = arith.constant 16 : i32
        %dma_start3A_569 = arith.constant 128 : i32
        %dma_start3A_570 = tpu.memref_slice %arg8[%dma_start3A_568, %dma_start3A_569] : memref<32x264xf32, #tpu.memory_space<vmem>> -> memref<8x128xf32, #tpu.memory_space<vmem>>
        tpu.enqueue_dma source(%dma_start3A_570 : memref<8x128xf32, #tpu.memory_space<vmem>>) target(%dma_start3A_567 : memref<8x128xf32, #tpu.memory_space<hbm>>) target_semaphore(%arg10 : memref<!tpu.dma_semaphore, #tpu.memory_space<semaphore_mem>>)
        %add3A_571 = arith.constant 96 : i32
        %add3A_572 = arith.addi %mul3A_39, %add3A_571 : i32
        %add3A_573 = arith.addi %add3A_572, %mul3A_456 : i32
        %add3A_574 = arith.constant 0 : i32
        %add3A_575 = arith.addi %add3A_573, %add3A_574 : i32
        %dma_start3A_576 = arith.constant 24 : i32
        %dma_start3A_577 = arith.constant 0 : i32
        %dma_start3A_578 = tpu.memref_slice %arg8[%dma_start3A_576, %dma_start3A_577] : memref<32x264xf32, #tpu.memory_space<vmem>> -> memref<8x128xf32, #tpu.memory_space<vmem>>
        %dma_start3A_579 = arith.constant 0 : i32
        %dma_start3A_580 = arith.constant 0 : i32
        %dma_start3A_581 = tpu.memref_slice %arg4[%add3A_575, %dma_start3A_579, %dma_start3A_580] : memref<75264x8x128xf32, #tpu.memory_space<hbm>> -> memref<1x8x128xf32, #tpu.memory_space<hbm>>
        %dma_start3A_582 = tpu.memref_squeeze %dma_start3A_581 : memref<1x8x128xf32, #tpu.memory_space<hbm>> -> memref<8x128xf32, #tpu.memory_space<hbm>>
        %dma_start3A_583 = arith.constant 0 : i32
        %dma_start3A_584 = arith.constant 0 : i32
        %dma_start3A_585 = tpu.memref_slice %arg4[%add3A_575, %dma_start3A_583, %dma_start3A_584] : memref<75264x8x128xf32, #tpu.memory_space<hbm>> -> memref<1x8x128xf32, #tpu.memory_space<hbm>>
        %dma_start3A_586 = tpu.memref_squeeze %dma_start3A_585 : memref<1x8x128xf32, #tpu.memory_space<hbm>> -> memref<8x128xf32, #tpu.memory_space<hbm>>
        %dma_start3A_587 = arith.constant 24 : i32
        %dma_start3A_588 = arith.constant 0 : i32
        %dma_start3A_589 = tpu.memref_slice %arg8[%dma_start3A_587, %dma_start3A_588] : memref<32x264xf32, #tpu.memory_space<vmem>> -> memref<8x128xf32, #tpu.memory_space<vmem>>
        tpu.enqueue_dma source(%dma_start3A_589 : memref<8x128xf32, #tpu.memory_space<vmem>>) target(%dma_start3A_586 : memref<8x128xf32, #tpu.memory_space<hbm>>) target_semaphore(%arg10 : memref<!tpu.dma_semaphore, #tpu.memory_space<semaphore_mem>>)
        %add3A_590 = arith.constant 96 : i32
        %add3A_591 = arith.addi %mul3A_39, %add3A_590 : i32
        %add3A_592 = arith.addi %add3A_591, %mul3A_456 : i32
        %add3A_593 = arith.constant 1 : i32
        %add3A_594 = arith.addi %add3A_592, %add3A_593 : i32
        %dma_start3A_595 = arith.constant 24 : i32
        %dma_start3A_596 = arith.constant 128 : i32
        %dma_start3A_597 = tpu.memref_slice %arg8[%dma_start3A_595, %dma_start3A_596] : memref<32x264xf32, #tpu.memory_space<vmem>> -> memref<8x128xf32, #tpu.memory_space<vmem>>
        %dma_start3A_598 = arith.constant 0 : i32
        %dma_start3A_599 = arith.constant 0 : i32
        %dma_start3A_600 = tpu.memref_slice %arg4[%add3A_594, %dma_start3A_598, %dma_start3A_599] : memref<75264x8x128xf32, #tpu.memory_space<hbm>> -> memref<1x8x128xf32, #tpu.memory_space<hbm>>
        %dma_start3A_601 = tpu.memref_squeeze %dma_start3A_600 : memref<1x8x128xf32, #tpu.memory_space<hbm>> -> memref<8x128xf32, #tpu.memory_space<hbm>>
        %dma_start3A_602 = arith.constant 0 : i32
        %dma_start3A_603 = arith.constant 0 : i32
        %dma_start3A_604 = tpu.memref_slice %arg4[%add3A_594, %dma_start3A_602, %dma_start3A_603] : memref<75264x8x128xf32, #tpu.memory_space<hbm>> -> memref<1x8x128xf32, #tpu.memory_space<hbm>>
        %dma_start3A_605 = tpu.memref_squeeze %dma_start3A_604 : memref<1x8x128xf32, #tpu.memory_space<hbm>> -> memref<8x128xf32, #tpu.memory_space<hbm>>
        %dma_start3A_606 = arith.constant 24 : i32
        %dma_start3A_607 = arith.constant 128 : i32
        %dma_start3A_608 = tpu.memref_slice %arg8[%dma_start3A_606, %dma_start3A_607] : memref<32x264xf32, #tpu.memory_space<vmem>> -> memref<8x128xf32, #tpu.memory_space<vmem>>
        tpu.enqueue_dma source(%dma_start3A_608 : memref<8x128xf32, #tpu.memory_space<vmem>>) target(%dma_start3A_605 : memref<8x128xf32, #tpu.memory_space<hbm>>) target_semaphore(%arg10 : memref<!tpu.dma_semaphore, #tpu.memory_space<semaphore_mem>>)
      }
      %scan3A_46 = arith.constant 8 : i32
      %dma_wait3A = arith.constant 0 : i32
      %dma_wait3A_47 = arith.constant 0 : i32
      %dma_wait3A_48 = tpu.memref_slice %arg7[%dma_wait3A, %dma_wait3A_47] : memref<32x264xf32, #tpu.memory_space<vmem>> -> memref<8x128xf32, #tpu.memory_space<vmem>>
      %dma_wait3A_49 = arith.constant 0 : i32
      %dma_wait3A_50 = arith.constant 0 : i32
      %dma_wait3A_51 = tpu.memref_slice %arg4[%mul3A_39, %dma_wait3A_49, %dma_wait3A_50] : memref<75264x8x128xf32, #tpu.memory_space<hbm>> -> memref<1x8x128xf32, #tpu.memory_space<hbm>>
      %dma_wait3A_52 = tpu.memref_squeeze %dma_wait3A_51 : memref<1x8x128xf32, #tpu.memory_space<hbm>> -> memref<8x128xf32, #tpu.memory_space<hbm>>
      %dma_wait3A_53 = arith.constant 0 : i32
      %dma_wait3A_54 = arith.constant 0 : i32
      %dma_wait3A_55 = tpu.memref_slice %arg4[%mul3A_39, %dma_wait3A_53, %dma_wait3A_54] : memref<75264x8x128xf32, #tpu.memory_space<hbm>> -> memref<1x8x128xf32, #tpu.memory_space<hbm>>
      %dma_wait3A_56 = tpu.memref_squeeze %dma_wait3A_55 : memref<1x8x128xf32, #tpu.memory_space<hbm>> -> memref<8x128xf32, #tpu.memory_space<hbm>>
      %dma_wait3A_57 = arith.constant 0 : i32
      %dma_wait3A_58 = arith.constant 0 : i32
      %dma_wait3A_59 = tpu.memref_slice %arg7[%dma_wait3A_57, %dma_wait3A_58] : memref<32x264xf32, #tpu.memory_space<vmem>> -> memref<8x128xf32, #tpu.memory_space<vmem>>
      tpu.wait_dma2 semaphore(%arg9 : memref<!tpu.dma_semaphore, #tpu.memory_space<semaphore_mem>>) src(%dma_wait3A_59 : memref<8x128xf32, #tpu.memory_space<vmem>>) dst(%dma_wait3A_56 : memref<8x128xf32, #tpu.memory_space<hbm>>)
      %dma_wait3A_60 = arith.constant 0 : i32
      %dma_wait3A_61 = arith.constant 0 : i32
      %dma_wait3A_62 = tpu.memref_slice %arg7[%dma_wait3A_60, %dma_wait3A_61] : memref<32x264xf32, #tpu.memory_space<vmem>> -> memref<8x128xf32, #tpu.memory_space<vmem>>
      %dma_wait3A_63 = arith.constant 0 : i32
      %dma_wait3A_64 = arith.constant 0 : i32
      %dma_wait3A_65 = tpu.memref_slice %arg4[%mul3A_39, %dma_wait3A_63, %dma_wait3A_64] : memref<75264x8x128xf32, #tpu.memory_space<hbm>> -> memref<1x8x128xf32, #tpu.memory_space<hbm>>
      %dma_wait3A_66 = tpu.memref_squeeze %dma_wait3A_65 : memref<1x8x128xf32, #tpu.memory_space<hbm>> -> memref<8x128xf32, #tpu.memory_space<hbm>>
      %dma_wait3A_67 = arith.constant 0 : i32
      %dma_wait3A_68 = arith.constant 0 : i32
      %dma_wait3A_69 = tpu.memref_slice %arg4[%mul3A_39, %dma_wait3A_67, %dma_wait3A_68] : memref<75264x8x128xf32, #tpu.memory_space<hbm>> -> memref<1x8x128xf32, #tpu.memory_space<hbm>>
      %dma_wait3A_70 = tpu.memref_squeeze %dma_wait3A_69 : memref<1x8x128xf32, #tpu.memory_space<hbm>> -> memref<8x128xf32, #tpu.memory_space<hbm>>
      %dma_wait3A_71 = arith.constant 0 : i32
      %dma_wait3A_72 = arith.constant 0 : i32
      %dma_wait3A_73 = tpu.memref_slice %arg7[%dma_wait3A_71, %dma_wait3A_72] : memref<32x264xf32, #tpu.memory_space<vmem>> -> memref<8x128xf32, #tpu.memory_space<vmem>>
      tpu.wait_dma2 semaphore(%arg9 : memref<!tpu.dma_semaphore, #tpu.memory_space<semaphore_mem>>) src(%dma_wait3A_73 : memref<8x128xf32, #tpu.memory_space<vmem>>) dst(%dma_wait3A_70 : memref<8x128xf32, #tpu.memory_space<hbm>>)
      %dma_wait3A_74 = arith.constant 0 : i32
      %dma_wait3A_75 = arith.constant 0 : i32
      %dma_wait3A_76 = tpu.memref_slice %arg7[%dma_wait3A_74, %dma_wait3A_75] : memref<32x264xf32, #tpu.memory_space<vmem>> -> memref<8x128xf32, #tpu.memory_space<vmem>>
      %dma_wait3A_77 = arith.constant 0 : i32
      %dma_wait3A_78 = arith.constant 0 : i32
      %dma_wait3A_79 = tpu.memref_slice %arg4[%mul3A_39, %dma_wait3A_77, %dma_wait3A_78] : memref<75264x8x128xf32, #tpu.memory_space<hbm>> -> memref<1x8x128xf32, #tpu.memory_space<hbm>>
      %dma_wait3A_80 = tpu.memref_squeeze %dma_wait3A_79 : memref<1x8x128xf32, #tpu.memory_space<hbm>> -> memref<8x128xf32, #tpu.memory_space<hbm>>
      %dma_wait3A_81 = arith.constant 0 : i32
      %dma_wait3A_82 = arith.constant 0 : i32
      %dma_wait3A_83 = tpu.memref_slice %arg4[%mul3A_39, %dma_wait3A_81, %dma_wait3A_82] : memref<75264x8x128xf32, #tpu.memory_space<hbm>> -> memref<1x8x128xf32, #tpu.memory_space<hbm>>
      %dma_wait3A_84 = tpu.memref_squeeze %dma_wait3A_83 : memref<1x8x128xf32, #tpu.memory_space<hbm>> -> memref<8x128xf32, #tpu.memory_space<hbm>>
      %dma_wait3A_85 = arith.constant 0 : i32
      %dma_wait3A_86 = arith.constant 0 : i32
      %dma_wait3A_87 = tpu.memref_slice %arg7[%dma_wait3A_85, %dma_wait3A_86] : memref<32x264xf32, #tpu.memory_space<vmem>> -> memref<8x128xf32, #tpu.memory_space<vmem>>
      tpu.wait_dma2 semaphore(%arg9 : memref<!tpu.dma_semaphore, #tpu.memory_space<semaphore_mem>>) src(%dma_wait3A_87 : memref<8x128xf32, #tpu.memory_space<vmem>>) dst(%dma_wait3A_84 : memref<8x128xf32, #tpu.memory_space<hbm>>)
      %dma_wait3A_88 = arith.constant 0 : i32
      %dma_wait3A_89 = arith.constant 0 : i32
      %dma_wait3A_90 = tpu.memref_slice %arg7[%dma_wait3A_88, %dma_wait3A_89] : memref<32x264xf32, #tpu.memory_space<vmem>> -> memref<8x128xf32, #tpu.memory_space<vmem>>
      %dma_wait3A_91 = arith.constant 0 : i32
      %dma_wait3A_92 = arith.constant 0 : i32
      %dma_wait3A_93 = tpu.memref_slice %arg4[%mul3A_39, %dma_wait3A_91, %dma_wait3A_92] : memref<75264x8x128xf32, #tpu.memory_space<hbm>> -> memref<1x8x128xf32, #tpu.memory_space<hbm>>
      %dma_wait3A_94 = tpu.memref_squeeze %dma_wait3A_93 : memref<1x8x128xf32, #tpu.memory_space<hbm>> -> memref<8x128xf32, #tpu.memory_space<hbm>>
      %dma_wait3A_95 = arith.constant 0 : i32
      %dma_wait3A_96 = arith.constant 0 : i32
      %dma_wait3A_97 = tpu.memref_slice %arg4[%mul3A_39, %dma_wait3A_95, %dma_wait3A_96] : memref<75264x8x128xf32, #tpu.memory_space<hbm>> -> memref<1x8x128xf32, #tpu.memory_space<hbm>>
      %dma_wait3A_98 = tpu.memref_squeeze %dma_wait3A_97 : memref<1x8x128xf32, #tpu.memory_space<hbm>> -> memref<8x128xf32, #tpu.memory_space<hbm>>
      %dma_wait3A_99 = arith.constant 0 : i32
      %dma_wait3A_100 = arith.constant 0 : i32
      %dma_wait3A_101 = tpu.memref_slice %arg7[%dma_wait3A_99, %dma_wait3A_100] : memref<32x264xf32, #tpu.memory_space<vmem>> -> memref<8x128xf32, #tpu.memory_space<vmem>>
      tpu.wait_dma2 semaphore(%arg9 : memref<!tpu.dma_semaphore, #tpu.memory_space<semaphore_mem>>) src(%dma_wait3A_101 : memref<8x128xf32, #tpu.memory_space<vmem>>) dst(%dma_wait3A_98 : memref<8x128xf32, #tpu.memory_space<hbm>>)
      %dma_wait3A_102 = arith.constant 0 : i32
      %dma_wait3A_103 = arith.constant 0 : i32
      %dma_wait3A_104 = tpu.memref_slice %arg7[%dma_wait3A_102, %dma_wait3A_103] : memref<32x264xf32, #tpu.memory_space<vmem>> -> memref<8x128xf32, #tpu.memory_space<vmem>>
      %dma_wait3A_105 = arith.constant 0 : i32
      %dma_wait3A_106 = arith.constant 0 : i32
      %dma_wait3A_107 = tpu.memref_slice %arg4[%mul3A_39, %dma_wait3A_105, %dma_wait3A_106] : memref<75264x8x128xf32, #tpu.memory_space<hbm>> -> memref<1x8x128xf32, #tpu.memory_space<hbm>>
      %dma_wait3A_108 = tpu.memref_squeeze %dma_wait3A_107 : memref<1x8x128xf32, #tpu.memory_space<hbm>> -> memref<8x128xf32, #tpu.memory_space<hbm>>
      %dma_wait3A_109 = arith.constant 0 : i32
      %dma_wait3A_110 = arith.constant 0 : i32
      %dma_wait3A_111 = tpu.memref_slice %arg4[%mul3A_39, %dma_wait3A_109, %dma_wait3A_110] : memref<75264x8x128xf32, #tpu.memory_space<hbm>> -> memref<1x8x128xf32, #tpu.memory_space<hbm>>
      %dma_wait3A_112 = tpu.memref_squeeze %dma_wait3A_111 : memref<1x8x128xf32, #tpu.memory_space<hbm>> -> memref<8x128xf32, #tpu.memory_space<hbm>>
      %dma_wait3A_113 = arith.constant 0 : i32
      %dma_wait3A_114 = arith.constant 0 : i32
      %dma_wait3A_115 = tpu.memref_slice %arg7[%dma_wait3A_113, %dma_wait3A_114] : memref<32x264xf32, #tpu.memory_space<vmem>> -> memref<8x128xf32, #tpu.memory_space<vmem>>
      tpu.wait_dma2 semaphore(%arg9 : memref<!tpu.dma_semaphore, #tpu.memory_space<semaphore_mem>>) src(%dma_wait3A_115 : memref<8x128xf32, #tpu.memory_space<vmem>>) dst(%dma_wait3A_112 : memref<8x128xf32, #tpu.memory_space<hbm>>)
      %dma_wait3A_116 = arith.constant 0 : i32
      %dma_wait3A_117 = arith.constant 0 : i32
      %dma_wait3A_118 = tpu.memref_slice %arg7[%dma_wait3A_116, %dma_wait3A_117] : memref<32x264xf32, #tpu.memory_space<vmem>> -> memref<8x128xf32, #tpu.memory_space<vmem>>
      %dma_wait3A_119 = arith.constant 0 : i32
      %dma_wait3A_120 = arith.constant 0 : i32
      %dma_wait3A_121 = tpu.memref_slice %arg4[%mul3A_39, %dma_wait3A_119, %dma_wait3A_120] : memref<75264x8x128xf32, #tpu.memory_space<hbm>> -> memref<1x8x128xf32, #tpu.memory_space<hbm>>
      %dma_wait3A_122 = tpu.memref_squeeze %dma_wait3A_121 : memref<1x8x128xf32, #tpu.memory_space<hbm>> -> memref<8x128xf32, #tpu.memory_space<hbm>>
      %dma_wait3A_123 = arith.constant 0 : i32
      %dma_wait3A_124 = arith.constant 0 : i32
      %dma_wait3A_125 = tpu.memref_slice %arg4[%mul3A_39, %dma_wait3A_123, %dma_wait3A_124] : memref<75264x8x128xf32, #tpu.memory_space<hbm>> -> memref<1x8x128xf32, #tpu.memory_space<hbm>>
      %dma_wait3A_126 = tpu.memref_squeeze %dma_wait3A_125 : memref<1x8x128xf32, #tpu.memory_space<hbm>> -> memref<8x128xf32, #tpu.memory_space<hbm>>
      %dma_wait3A_127 = arith.constant 0 : i32
      %dma_wait3A_128 = arith.constant 0 : i32
      %dma_wait3A_129 = tpu.memref_slice %arg7[%dma_wait3A_127, %dma_wait3A_128] : memref<32x264xf32, #tpu.memory_space<vmem>> -> memref<8x128xf32, #tpu.memory_space<vmem>>
      tpu.wait_dma2 semaphore(%arg9 : memref<!tpu.dma_semaphore, #tpu.memory_space<semaphore_mem>>) src(%dma_wait3A_129 : memref<8x128xf32, #tpu.memory_space<vmem>>) dst(%dma_wait3A_126 : memref<8x128xf32, #tpu.memory_space<hbm>>)
      %dma_wait3A_130 = arith.constant 0 : i32
      %dma_wait3A_131 = arith.constant 0 : i32
      %dma_wait3A_132 = tpu.memref_slice %arg7[%dma_wait3A_130, %dma_wait3A_131] : memref<32x264xf32, #tpu.memory_space<vmem>> -> memref<8x128xf32, #tpu.memory_space<vmem>>
      %dma_wait3A_133 = arith.constant 0 : i32
      %dma_wait3A_134 = arith.constant 0 : i32
      %dma_wait3A_135 = tpu.memref_slice %arg4[%mul3A_39, %dma_wait3A_133, %dma_wait3A_134] : memref<75264x8x128xf32, #tpu.memory_space<hbm>> -> memref<1x8x128xf32, #tpu.memory_space<hbm>>
      %dma_wait3A_136 = tpu.memref_squeeze %dma_wait3A_135 : memref<1x8x128xf32, #tpu.memory_space<hbm>> -> memref<8x128xf32, #tpu.memory_space<hbm>>
      %dma_wait3A_137 = arith.constant 0 : i32
      %dma_wait3A_138 = arith.constant 0 : i32
      %dma_wait3A_139 = tpu.memref_slice %arg4[%mul3A_39, %dma_wait3A_137, %dma_wait3A_138] : memref<75264x8x128xf32, #tpu.memory_space<hbm>> -> memref<1x8x128xf32, #tpu.memory_space<hbm>>
      %dma_wait3A_140 = tpu.memref_squeeze %dma_wait3A_139 : memref<1x8x128xf32, #tpu.memory_space<hbm>> -> memref<8x128xf32, #tpu.memory_space<hbm>>
      %dma_wait3A_141 = arith.constant 0 : i32
      %dma_wait3A_142 = arith.constant 0 : i32
      %dma_wait3A_143 = tpu.memref_slice %arg7[%dma_wait3A_141, %dma_wait3A_142] : memref<32x264xf32, #tpu.memory_space<vmem>> -> memref<8x128xf32, #tpu.memory_space<vmem>>
      tpu.wait_dma2 semaphore(%arg9 : memref<!tpu.dma_semaphore, #tpu.memory_space<semaphore_mem>>) src(%dma_wait3A_143 : memref<8x128xf32, #tpu.memory_space<vmem>>) dst(%dma_wait3A_140 : memref<8x128xf32, #tpu.memory_space<hbm>>)
      %dma_wait3A_144 = arith.constant 0 : i32
      %dma_wait3A_145 = arith.constant 0 : i32
      %dma_wait3A_146 = tpu.memref_slice %arg7[%dma_wait3A_144, %dma_wait3A_145] : memref<32x264xf32, #tpu.memory_space<vmem>> -> memref<8x128xf32, #tpu.memory_space<vmem>>
      %dma_wait3A_147 = arith.constant 0 : i32
      %dma_wait3A_148 = arith.constant 0 : i32
      %dma_wait3A_149 = tpu.memref_slice %arg4[%mul3A_39, %dma_wait3A_147, %dma_wait3A_148] : memref<75264x8x128xf32, #tpu.memory_space<hbm>> -> memref<1x8x128xf32, #tpu.memory_space<hbm>>
      %dma_wait3A_150 = tpu.memref_squeeze %dma_wait3A_149 : memref<1x8x128xf32, #tpu.memory_space<hbm>> -> memref<8x128xf32, #tpu.memory_space<hbm>>
      %dma_wait3A_151 = arith.constant 0 : i32
      %dma_wait3A_152 = arith.constant 0 : i32
      %dma_wait3A_153 = tpu.memref_slice %arg4[%mul3A_39, %dma_wait3A_151, %dma_wait3A_152] : memref<75264x8x128xf32, #tpu.memory_space<hbm>> -> memref<1x8x128xf32, #tpu.memory_space<hbm>>
      %dma_wait3A_154 = tpu.memref_squeeze %dma_wait3A_153 : memref<1x8x128xf32, #tpu.memory_space<hbm>> -> memref<8x128xf32, #tpu.memory_space<hbm>>
      %dma_wait3A_155 = arith.constant 0 : i32
      %dma_wait3A_156 = arith.constant 0 : i32
      %dma_wait3A_157 = tpu.memref_slice %arg7[%dma_wait3A_155, %dma_wait3A_156] : memref<32x264xf32, #tpu.memory_space<vmem>> -> memref<8x128xf32, #tpu.memory_space<vmem>>
      tpu.wait_dma2 semaphore(%arg9 : memref<!tpu.dma_semaphore, #tpu.memory_space<semaphore_mem>>) src(%dma_wait3A_157 : memref<8x128xf32, #tpu.memory_space<vmem>>) dst(%dma_wait3A_154 : memref<8x128xf32, #tpu.memory_space<hbm>>)
      %dma_wait3A_158 = arith.constant 0 : i32
      %dma_wait3A_159 = arith.constant 0 : i32
      %dma_wait3A_160 = tpu.memref_slice %arg8[%dma_wait3A_158, %dma_wait3A_159] : memref<32x264xf32, #tpu.memory_space<vmem>> -> memref<8x128xf32, #tpu.memory_space<vmem>>
      %dma_wait3A_161 = arith.constant 0 : i32
      %dma_wait3A_162 = arith.constant 0 : i32
      %dma_wait3A_163 = tpu.memref_slice %arg4[%mul3A_39, %dma_wait3A_161, %dma_wait3A_162] : memref<75264x8x128xf32, #tpu.memory_space<hbm>> -> memref<1x8x128xf32, #tpu.memory_space<hbm>>
      %dma_wait3A_164 = tpu.memref_squeeze %dma_wait3A_163 : memref<1x8x128xf32, #tpu.memory_space<hbm>> -> memref<8x128xf32, #tpu.memory_space<hbm>>
      %dma_wait3A_165 = arith.constant 0 : i32
      %dma_wait3A_166 = arith.constant 0 : i32
      %dma_wait3A_167 = tpu.memref_slice %arg4[%mul3A_39, %dma_wait3A_165, %dma_wait3A_166] : memref<75264x8x128xf32, #tpu.memory_space<hbm>> -> memref<1x8x128xf32, #tpu.memory_space<hbm>>
      %dma_wait3A_168 = tpu.memref_squeeze %dma_wait3A_167 : memref<1x8x128xf32, #tpu.memory_space<hbm>> -> memref<8x128xf32, #tpu.memory_space<hbm>>
      %dma_wait3A_169 = arith.constant 0 : i32
      %dma_wait3A_170 = arith.constant 0 : i32
      %dma_wait3A_171 = tpu.memref_slice %arg8[%dma_wait3A_169, %dma_wait3A_170] : memref<32x264xf32, #tpu.memory_space<vmem>> -> memref<8x128xf32, #tpu.memory_space<vmem>>
      tpu.wait_dma2 semaphore(%arg10 : memref<!tpu.dma_semaphore, #tpu.memory_space<semaphore_mem>>) src(%dma_wait3A_171 : memref<8x128xf32, #tpu.memory_space<vmem>>) dst(%dma_wait3A_168 : memref<8x128xf32, #tpu.memory_space<hbm>>)
      %dma_wait3A_172 = arith.constant 0 : i32
      %dma_wait3A_173 = arith.constant 0 : i32
      %dma_wait3A_174 = tpu.memref_slice %arg8[%dma_wait3A_172, %dma_wait3A_173] : memref<32x264xf32, #tpu.memory_space<vmem>> -> memref<8x128xf32, #tpu.memory_space<vmem>>
      %dma_wait3A_175 = arith.constant 0 : i32
      %dma_wait3A_176 = arith.constant 0 : i32
      %dma_wait3A_177 = tpu.memref_slice %arg4[%mul3A_39, %dma_wait3A_175, %dma_wait3A_176] : memref<75264x8x128xf32, #tpu.memory_space<hbm>> -> memref<1x8x128xf32, #tpu.memory_space<hbm>>
      %dma_wait3A_178 = tpu.memref_squeeze %dma_wait3A_177 : memref<1x8x128xf32, #tpu.memory_space<hbm>> -> memref<8x128xf32, #tpu.memory_space<hbm>>
      %dma_wait3A_179 = arith.constant 0 : i32
      %dma_wait3A_180 = arith.constant 0 : i32
      %dma_wait3A_181 = tpu.memref_slice %arg4[%mul3A_39, %dma_wait3A_179, %dma_wait3A_180] : memref<75264x8x128xf32, #tpu.memory_space<hbm>> -> memref<1x8x128xf32, #tpu.memory_space<hbm>>
      %dma_wait3A_182 = tpu.memref_squeeze %dma_wait3A_181 : memref<1x8x128xf32, #tpu.memory_space<hbm>> -> memref<8x128xf32, #tpu.memory_space<hbm>>
      %dma_wait3A_183 = arith.constant 0 : i32
      %dma_wait3A_184 = arith.constant 0 : i32
      %dma_wait3A_185 = tpu.memref_slice %arg8[%dma_wait3A_183, %dma_wait3A_184] : memref<32x264xf32, #tpu.memory_space<vmem>> -> memref<8x128xf32, #tpu.memory_space<vmem>>
      tpu.wait_dma2 semaphore(%arg10 : memref<!tpu.dma_semaphore, #tpu.memory_space<semaphore_mem>>) src(%dma_wait3A_185 : memref<8x128xf32, #tpu.memory_space<vmem>>) dst(%dma_wait3A_182 : memref<8x128xf32, #tpu.memory_space<hbm>>)
      %dma_wait3A_186 = arith.constant 0 : i32
      %dma_wait3A_187 = arith.constant 0 : i32
      %dma_wait3A_188 = tpu.memref_slice %arg8[%dma_wait3A_186, %dma_wait3A_187] : memref<32x264xf32, #tpu.memory_space<vmem>> -> memref<8x128xf32, #tpu.memory_space<vmem>>
      %dma_wait3A_189 = arith.constant 0 : i32
      %dma_wait3A_190 = arith.constant 0 : i32
      %dma_wait3A_191 = tpu.memref_slice %arg4[%mul3A_39, %dma_wait3A_189, %dma_wait3A_190] : memref<75264x8x128xf32, #tpu.memory_space<hbm>> -> memref<1x8x128xf32, #tpu.memory_space<hbm>>
      %dma_wait3A_192 = tpu.memref_squeeze %dma_wait3A_191 : memref<1x8x128xf32, #tpu.memory_space<hbm>> -> memref<8x128xf32, #tpu.memory_space<hbm>>
      %dma_wait3A_193 = arith.constant 0 : i32
      %dma_wait3A_194 = arith.constant 0 : i32
      %dma_wait3A_195 = tpu.memref_slice %arg4[%mul3A_39, %dma_wait3A_193, %dma_wait3A_194] : memref<75264x8x128xf32, #tpu.memory_space<hbm>> -> memref<1x8x128xf32, #tpu.memory_space<hbm>>
      %dma_wait3A_196 = tpu.memref_squeeze %dma_wait3A_195 : memref<1x8x128xf32, #tpu.memory_space<hbm>> -> memref<8x128xf32, #tpu.memory_space<hbm>>
      %dma_wait3A_197 = arith.constant 0 : i32
      %dma_wait3A_198 = arith.constant 0 : i32
      %dma_wait3A_199 = tpu.memref_slice %arg8[%dma_wait3A_197, %dma_wait3A_198] : memref<32x264xf32, #tpu.memory_space<vmem>> -> memref<8x128xf32, #tpu.memory_space<vmem>>
      tpu.wait_dma2 semaphore(%arg10 : memref<!tpu.dma_semaphore, #tpu.memory_space<semaphore_mem>>) src(%dma_wait3A_199 : memref<8x128xf32, #tpu.memory_space<vmem>>) dst(%dma_wait3A_196 : memref<8x128xf32, #tpu.memory_space<hbm>>)
      %dma_wait3A_200 = arith.constant 0 : i32
      %dma_wait3A_201 = arith.constant 0 : i32
      %dma_wait3A_202 = tpu.memref_slice %arg8[%dma_wait3A_200, %dma_wait3A_201] : memref<32x264xf32, #tpu.memory_space<vmem>> -> memref<8x128xf32, #tpu.memory_space<vmem>>
      %dma_wait3A_203 = arith.constant 0 : i32
      %dma_wait3A_204 = arith.constant 0 : i32
      %dma_wait3A_205 = tpu.memref_slice %arg4[%mul3A_39, %dma_wait3A_203, %dma_wait3A_204] : memref<75264x8x128xf32, #tpu.memory_space<hbm>> -> memref<1x8x128xf32, #tpu.memory_space<hbm>>
      %dma_wait3A_206 = tpu.memref_squeeze %dma_wait3A_205 : memref<1x8x128xf32, #tpu.memory_space<hbm>> -> memref<8x128xf32, #tpu.memory_space<hbm>>
      %dma_wait3A_207 = arith.constant 0 : i32
      %dma_wait3A_208 = arith.constant 0 : i32
      %dma_wait3A_209 = tpu.memref_slice %arg4[%mul3A_39, %dma_wait3A_207, %dma_wait3A_208] : memref<75264x8x128xf32, #tpu.memory_space<hbm>> -> memref<1x8x128xf32, #tpu.memory_space<hbm>>
      %dma_wait3A_210 = tpu.memref_squeeze %dma_wait3A_209 : memref<1x8x128xf32, #tpu.memory_space<hbm>> -> memref<8x128xf32, #tpu.memory_space<hbm>>
      %dma_wait3A_211 = arith.constant 0 : i32
      %dma_wait3A_212 = arith.constant 0 : i32
      %dma_wait3A_213 = tpu.memref_slice %arg8[%dma_wait3A_211, %dma_wait3A_212] : memref<32x264xf32, #tpu.memory_space<vmem>> -> memref<8x128xf32, #tpu.memory_space<vmem>>
      tpu.wait_dma2 semaphore(%arg10 : memref<!tpu.dma_semaphore, #tpu.memory_space<semaphore_mem>>) src(%dma_wait3A_213 : memref<8x128xf32, #tpu.memory_space<vmem>>) dst(%dma_wait3A_210 : memref<8x128xf32, #tpu.memory_space<hbm>>)
      %dma_wait3A_214 = arith.constant 0 : i32
      %dma_wait3A_215 = arith.constant 0 : i32
      %dma_wait3A_216 = tpu.memref_slice %arg8[%dma_wait3A_214, %dma_wait3A_215] : memref<32x264xf32, #tpu.memory_space<vmem>> -> memref<8x128xf32, #tpu.memory_space<vmem>>
      %dma_wait3A_217 = arith.constant 0 : i32
      %dma_wait3A_218 = arith.constant 0 : i32
      %dma_wait3A_219 = tpu.memref_slice %arg4[%mul3A_39, %dma_wait3A_217, %dma_wait3A_218] : memref<75264x8x128xf32, #tpu.memory_space<hbm>> -> memref<1x8x128xf32, #tpu.memory_space<hbm>>
      %dma_wait3A_220 = tpu.memref_squeeze %dma_wait3A_219 : memref<1x8x128xf32, #tpu.memory_space<hbm>> -> memref<8x128xf32, #tpu.memory_space<hbm>>
      %dma_wait3A_221 = arith.constant 0 : i32
      %dma_wait3A_222 = arith.constant 0 : i32
      %dma_wait3A_223 = tpu.memref_slice %arg4[%mul3A_39, %dma_wait3A_221, %dma_wait3A_222] : memref<75264x8x128xf32, #tpu.memory_space<hbm>> -> memref<1x8x128xf32, #tpu.memory_space<hbm>>
      %dma_wait3A_224 = tpu.memref_squeeze %dma_wait3A_223 : memref<1x8x128xf32, #tpu.memory_space<hbm>> -> memref<8x128xf32, #tpu.memory_space<hbm>>
      %dma_wait3A_225 = arith.constant 0 : i32
      %dma_wait3A_226 = arith.constant 0 : i32
      %dma_wait3A_227 = tpu.memref_slice %arg8[%dma_wait3A_225, %dma_wait3A_226] : memref<32x264xf32, #tpu.memory_space<vmem>> -> memref<8x128xf32, #tpu.memory_space<vmem>>
      tpu.wait_dma2 semaphore(%arg10 : memref<!tpu.dma_semaphore, #tpu.memory_space<semaphore_mem>>) src(%dma_wait3A_227 : memref<8x128xf32, #tpu.memory_space<vmem>>) dst(%dma_wait3A_224 : memref<8x128xf32, #tpu.memory_space<hbm>>)
      %dma_wait3A_228 = arith.constant 0 : i32
      %dma_wait3A_229 = arith.constant 0 : i32
      %dma_wait3A_230 = tpu.memref_slice %arg8[%dma_wait3A_228, %dma_wait3A_229] : memref<32x264xf32, #tpu.memory_space<vmem>> -> memref<8x128xf32, #tpu.memory_space<vmem>>
      %dma_wait3A_231 = arith.constant 0 : i32
      %dma_wait3A_232 = arith.constant 0 : i32
      %dma_wait3A_233 = tpu.memref_slice %arg4[%mul3A_39, %dma_wait3A_231, %dma_wait3A_232] : memref<75264x8x128xf32, #tpu.memory_space<hbm>> -> memref<1x8x128xf32, #tpu.memory_space<hbm>>
      %dma_wait3A_234 = tpu.memref_squeeze %dma_wait3A_233 : memref<1x8x128xf32, #tpu.memory_space<hbm>> -> memref<8x128xf32, #tpu.memory_space<hbm>>
      %dma_wait3A_235 = arith.constant 0 : i32
      %dma_wait3A_236 = arith.constant 0 : i32
      %dma_wait3A_237 = tpu.memref_slice %arg4[%mul3A_39, %dma_wait3A_235, %dma_wait3A_236] : memref<75264x8x128xf32, #tpu.memory_space<hbm>> -> memref<1x8x128xf32, #tpu.memory_space<hbm>>
      %dma_wait3A_238 = tpu.memref_squeeze %dma_wait3A_237 : memref<1x8x128xf32, #tpu.memory_space<hbm>> -> memref<8x128xf32, #tpu.memory_space<hbm>>
      %dma_wait3A_239 = arith.constant 0 : i32
      %dma_wait3A_240 = arith.constant 0 : i32
      %dma_wait3A_241 = tpu.memref_slice %arg8[%dma_wait3A_239, %dma_wait3A_240] : memref<32x264xf32, #tpu.memory_space<vmem>> -> memref<8x128xf32, #tpu.memory_space<vmem>>
      tpu.wait_dma2 semaphore(%arg10 : memref<!tpu.dma_semaphore, #tpu.memory_space<semaphore_mem>>) src(%dma_wait3A_241 : memref<8x128xf32, #tpu.memory_space<vmem>>) dst(%dma_wait3A_238 : memref<8x128xf32, #tpu.memory_space<hbm>>)
      %dma_wait3A_242 = arith.constant 0 : i32
      %dma_wait3A_243 = arith.constant 0 : i32
      %dma_wait3A_244 = tpu.memref_slice %arg8[%dma_wait3A_242, %dma_wait3A_243] : memref<32x264xf32, #tpu.memory_space<vmem>> -> memref<8x128xf32, #tpu.memory_space<vmem>>
      %dma_wait3A_245 = arith.constant 0 : i32
      %dma_wait3A_246 = arith.constant 0 : i32
      %dma_wait3A_247 = tpu.memref_slice %arg4[%mul3A_39, %dma_wait3A_245, %dma_wait3A_246] : memref<75264x8x128xf32, #tpu.memory_space<hbm>> -> memref<1x8x128xf32, #tpu.memory_space<hbm>>
      %dma_wait3A_248 = tpu.memref_squeeze %dma_wait3A_247 : memref<1x8x128xf32, #tpu.memory_space<hbm>> -> memref<8x128xf32, #tpu.memory_space<hbm>>
      %dma_wait3A_249 = arith.constant 0 : i32
      %dma_wait3A_250 = arith.constant 0 : i32
      %dma_wait3A_251 = tpu.memref_slice %arg4[%mul3A_39, %dma_wait3A_249, %dma_wait3A_250] : memref<75264x8x128xf32, #tpu.memory_space<hbm>> -> memref<1x8x128xf32, #tpu.memory_space<hbm>>
      %dma_wait3A_252 = tpu.memref_squeeze %dma_wait3A_251 : memref<1x8x128xf32, #tpu.memory_space<hbm>> -> memref<8x128xf32, #tpu.memory_space<hbm>>
      %dma_wait3A_253 = arith.constant 0 : i32
      %dma_wait3A_254 = arith.constant 0 : i32
      %dma_wait3A_255 = tpu.memref_slice %arg8[%dma_wait3A_253, %dma_wait3A_254] : memref<32x264xf32, #tpu.memory_space<vmem>> -> memref<8x128xf32, #tpu.memory_space<vmem>>
      tpu.wait_dma2 semaphore(%arg10 : memref<!tpu.dma_semaphore, #tpu.memory_space<semaphore_mem>>) src(%dma_wait3A_255 : memref<8x128xf32, #tpu.memory_space<vmem>>) dst(%dma_wait3A_252 : memref<8x128xf32, #tpu.memory_space<hbm>>)
      %dma_wait3A_256 = arith.constant 0 : i32
      %dma_wait3A_257 = arith.constant 0 : i32
      %dma_wait3A_258 = tpu.memref_slice %arg8[%dma_wait3A_256, %dma_wait3A_257] : memref<32x264xf32, #tpu.memory_space<vmem>> -> memref<8x128xf32, #tpu.memory_space<vmem>>
      %dma_wait3A_259 = arith.constant 0 : i32
      %dma_wait3A_260 = arith.constant 0 : i32
      %dma_wait3A_261 = tpu.memref_slice %arg4[%mul3A_39, %dma_wait3A_259, %dma_wait3A_260] : memref<75264x8x128xf32, #tpu.memory_space<hbm>> -> memref<1x8x128xf32, #tpu.memory_space<hbm>>
      %dma_wait3A_262 = tpu.memref_squeeze %dma_wait3A_261 : memref<1x8x128xf32, #tpu.memory_space<hbm>> -> memref<8x128xf32, #tpu.memory_space<hbm>>
      %dma_wait3A_263 = arith.constant 0 : i32
      %dma_wait3A_264 = arith.constant 0 : i32
      %dma_wait3A_265 = tpu.memref_slice %arg4[%mul3A_39, %dma_wait3A_263, %dma_wait3A_264] : memref<75264x8x128xf32, #tpu.memory_space<hbm>> -> memref<1x8x128xf32, #tpu.memory_space<hbm>>
      %dma_wait3A_266 = tpu.memref_squeeze %dma_wait3A_265 : memref<1x8x128xf32, #tpu.memory_space<hbm>> -> memref<8x128xf32, #tpu.memory_space<hbm>>
      %dma_wait3A_267 = arith.constant 0 : i32
      %dma_wait3A_268 = arith.constant 0 : i32
      %dma_wait3A_269 = tpu.memref_slice %arg8[%dma_wait3A_267, %dma_wait3A_268] : memref<32x264xf32, #tpu.memory_space<vmem>> -> memref<8x128xf32, #tpu.memory_space<vmem>>
      tpu.wait_dma2 semaphore(%arg10 : memref<!tpu.dma_semaphore, #tpu.memory_space<semaphore_mem>>) src(%dma_wait3A_269 : memref<8x128xf32, #tpu.memory_space<vmem>>) dst(%dma_wait3A_266 : memref<8x128xf32, #tpu.memory_space<hbm>>)
    }
    return
  }
}

</mosaic_0001>

<sc_bundles>
// kernel: kernel.3.cloned.1.call-start
scs
__scs_entry_jumppad:
0x0: {  	(pc) =	sbr.rel $0x88, $3  }
0x1: {  	(tag) =	ssettag $0x0;
	lr =	simm.s32 $0x1  }
0x2: {  	[smem:$0x3F9F] =	sst lr;
	_ =	strace $0xD0000000  }
0x3: {  	_ = 	snop  }
0x4: {  	_ = 	snop  }
0x5: {  	_ = 	snop  }
0x6: {  	_ = 	snop  }
0x7: {  	_ = 	snop  }
__scs_overlays_trampoline_lowered:
0x8: {  	[smem:$0x3FAE] =	sst s0  }
0x9: {  	[smem:$0x3FAF] =	sst s1  }
0xa: {  	[smem:$0x3FB0] =	sst s2  }
0xb: {  	[smem:$0x3FB1] =	sst s3  }
0xc: {  	[smem:$0x3FB2] =	sst s4  }
0xd: {  	[smem:$0x3FB3] =	sst s5  }
0xe: {  	[smem:$0x3FB4] =	sst s6  }
0xf: {  	[smem:$0x3FB5] =	sst s7  }
0x10: {  	[smem:$0x3FB6] =	sst s8  }
0x11: {  	[smem:$0x3FB7] =	sst s9;
	s0 =	simm.s32 @!p0 $0x0  }
0x12: {  	s1 =	sld [smem:$0x3F9D];
	s0 =	simm.s32 @p0 $0x1  }
0x13: {  	[smem:$0x3FB8] =	sst s0;
	s0 =	simm.s32 @!p1 $0x0  }
0x14: {  	s2 =	sld [smem:$0x3F9C];
	s0 =	simm.s32 @p1 $0x1  }
0x15: {  	[smem:$0x3FB9] =	sst s0;
	s0 =	simm.s32 @!p2 $0x0  }
0x16: {  	s3 =	sld [smem:$0x3FDB];
	s0 =	simm.s32 @p2 $0x1  }
0x17: {  	s4 =	simm.s32 $0x1BF5;
	[smem:$0x3FBB] =	sst s0  }
0x18: {  	s0 =	sld [smem:$0x3F9E];
	_ =	swait.ge [sflag:s4], $0x0  }
0x19: {  	s7 =	sld [smem:$0x3F9F]  }
0x1a: {  	s8 =	sadd.s32 $0xFFFFE003, lr  }
0x1b: {  	s9 =	sadd.s32 $0xFFFFFEF7, lr;
	s5 =	simm.s32 $0xFFFFFFFF;
	p2 =	slt.u32 s8, $0xFFFFF086  }
0x1c: {  	p1 =	slt.u32 s9, $0xF7A;
	s5 =	simm.s32 @!p2 $0x0  }
0x1d: {  	s5 =	simm.s32 @p1 $0x1;
	p0 =	seq.s32 s7, s2  }
0x1e: {  	s7 =	smul.u32 @!p0 $0xF7A, s2;
	p2 =	seq.s32 @!p0 s5, $0x0  }
0x1f: {  	s9 =	smul.u32 $0xF7A, s1;
	s8 =	simm.s32 @!p0 $0x1BF5;
	p2 =	por !p2, p0  }
0x20: {  	[sflag:s8] =	ssyncset.s32 @!p0 $0xFFFFF086;
	s6 =	sadd.s32 @!p0 s3, s7;
	s7 =	simm.s32 @!p0 $0x108  }
0x21: {  	s3 =	sadd.s32 s3, s9;
	s6 =	sadd.s32 @!p0 $0x88, s6;
	s7 =	simm.s32 @p2 $0x1082  }
0x22: {  	[simem:s7], [sflag:s8] =	dma.local @!p0 [hbm:s6], $0xF7A  }
0x23: {  	s9 =	sor.u32 $0xD0000000, s2;
	s6 =	simm.s32 $0x108;
	_ =	swait.ge @!p0 [sflag:s8], $0x0  }
0x24: {  	s3 =	sadd.s32 $0x88, s3;
	s6 =	simm.s32 @!p1 $0x1082;
	[sflag:s4] =	ssyncset.s32 $0xFFFFF086  }
0x25: {  	[simem:s6], [sflag:s4] =	dma.local [hbm:s3], $0xF7A  }
0x26: {  	[smem:$0x3F9F] =	sst s1;
	(tag) =	ssettag s2;
	_ =	strace s9  }
0x27: {  	s1 =	sld [smem:$0x3FAF]  }
0x28: {  	s2 =	sld [smem:$0x3FB0]  }
0x29: {  	s4 =	sld [smem:$0x3FB2]  }
0x2a: {  	p0 =	seq.s32 s5, $0x0;
	s5 =	sld [smem:$0x3FB3]  }
0x2b: {  	s6 =	sld [smem:$0x3FB4]  }
0x2c: {  	s7 =	sld [smem:$0x3FB5]  }
0x2d: {  	s3 =	simm.s32 $0x108;
	s8 =	sld [smem:$0x3FB6]  }
0x2e: {  	s3 =	simm.s32 @!p0 $0x1082;
	s9 =	sld [smem:$0x3FB7]  }
0x2f: {  	lr =	sadd.s32 s0, s3;
	s0 =	sld [smem:$0x3FAE]  }
0x30: {  	s3 =	sld [smem:$0x3FB1]  }
0x31: {  	[smem:$0x3FBA] =	sst s10  }
0x32: {  	s10 =	sld [smem:$0x3FB8];
	_ =	sdelay $0x3  }
0x33: {  	p0 =	seq.s32 s10, $0x1;
	s10 =	sld [smem:$0x3FBA];
	_ =	sdelay $0x3  }
0x34: {  	[smem:$0x3FBA] =	sst s10  }
0x35: {  	s10 =	sld [smem:$0x3FB9];
	_ =	sdelay $0x3  }
0x36: {  	p1 =	seq.s32 s10, $0x1;
	s10 =	sld [smem:$0x3FBA];
	_ =	sdelay $0x3  }
0x37: {  	[smem:$0x3FBA] =	sst s10  }
0x38: {  	s10 =	sld [smem:$0x3FBB]  }
0x39: {  	_ = 	snop;
	(pc) =	sbr.ind lr, $3  }
0x3a: {  	_ = 	snop  }
0x3b: {  	_ = 	snop  }
0x3c: {  	p2 =	seq.s32 s10, $0x1;
	s10 =	sld [smem:$0x3FBA]  }
0x3d: {  	_ =	shalt  }
0x3e: {  	_ =	shalt  }
0x3f: {  	_ =	shalt  }
0x40: {  	_ =	shalt  }
0x41: {  	_ =	shalt  }
0x42: {  	_ =	shalt  }
0x43: {  	_ =	shalt  }
0x44: {  	_ =	shalt  }
0x45: {  	_ =	shalt  }
0x46: {  	_ =	shalt  }
0x47: {  	_ =	shalt  }
0x48: {  	_ =	shalt  }
0x49: {  	_ =	shalt  }
0x4a: {  	_ =	shalt  }
0x4b: {  	_ =	shalt  }
0x4c: {  	_ =	shalt  }
0x4d: {  	_ =	shalt  }
0x4e: {  	_ =	shalt  }
0x4f: {  	_ =	shalt  }
0x50: {  	_ =	shalt  }
0x51: {  	_ =	shalt  }
0x52: {  	_ =	shalt  }
0x53: {  	_ =	shalt  }
0x54: {  	_ =	shalt  }
0x55: {  	_ =	shalt  }
0x56: {  	_ =	shalt  }
0x57: {  	_ =	shalt  }
0x58: {  	_ =	shalt  }
0x59: {  	_ =	shalt  }
0x5a: {  	_ =	shalt  }
0x5b: {  	_ =	shalt  }
0x5c: {  	_ =	shalt  }
0x5d: {  	_ =	shalt  }
0x5e: {  	_ =	shalt  }
0x5f: {  	_ =	shalt  }
0x60: {  	_ =	shalt  }
0x61: {  	_ =	shalt  }
0x62: {  	_ =	shalt  }
0x63: {  	_ =	shalt  }
0x64: {  	_ =	shalt  }
0x65: {  	_ =	shalt  }
0x66: {  	_ =	shalt  }
0x67: {  	_ =	shalt  }
0x68: {  	_ =	shalt  }
0x69: {  	_ =	shalt  }
0x6a: {  	_ =	shalt  }
0x6b: {  	_ =	shalt  }
0x6c: {  	_ =	shalt  }
0x6d: {  	_ =	shalt  }
0x6e: {  	_ =	shalt  }
0x6f: {  	_ =	shalt  }
0x70: {  	_ =	shalt  }
0x71: {  	_ =	shalt  }
0x72: {  	_ =	shalt  }
0x73: {  	_ =	shalt  }
0x74: {  	_ =	shalt  }
0x75: {  	_ =	shalt  }
0x76: {  	_ =	shalt  }
0x77: {  	_ =	shalt  }
0x78: {  	_ =	shalt  }
0x79: {  	_ =	shalt  }
0x7a: {  	_ =	shalt  }
0x7b: {  	_ =	shalt  }
0x7c: {  	_ =	shalt  }
0x7d: {  	_ =	shalt  }
0x7e: {  	_ =	shalt  }
0x7f: {  	_ =	shalt  }
0x80: {  	_ =	shalt  }
0x81: {  	_ =	shalt  }
0x82: {  	_ =	shalt  }
0x83: {  	_ =	shalt  }
0x84: {  	_ =	shalt  }
0x85: {  	_ =	shalt  }
0x86: {  	_ =	shalt  }
0x87: {  	_ =	shalt  }
.Lfunc_end0:
.L_simem_size_0:
called_computation_lowered:
.L_overlay_start_0:
0x88: {  	s2 =	sld [smem:$0x3FD9]  }
0x89: {  	s3 =	sld [smem:$0x3FFE];
	_ =	sdelay $0x1  }
0x8a: {  	s1 =	srdreg.scid  }
0x8b: {  	s0 =	sand.u32 $0x1, s1  }
0x8c: {  	s17 =	sshll.u32 s0, $0xA;
	s2 =	sadd.s32 s3, s2  }
0x8d: {  	s2 =	sadd.s32 s2, s17  }
0x8e: {  	[smem:$0x3FC6] =	sst s2  }
0x8f: {  	_ = 	snop  }
0x90: {  	s2 =	sld [smem:$0x3FD0];
	(tm) =	ssettm $0x1  }
0x91: {  	s18 =	sld [smem:$0x3FFB];
	_ =	sdelay $0x3  }
0x92: {  	_ =	strace s18  }
0x93: {  	s3 =	sld [smem:$0x3FFC];
	_ =	sdelay $0x3  }
0x94: {  	_ =	strace s3  }
0x95: {  	s3 =	sld [smem:$0x3FFD];
	_ =	sdelay $0x3  }
0x96: {  	_ =	strace s3  }
0x97: {  	_ =	strace $0x8FFFFFFF  }
0x98: {  	s19 =	sld [smem:$0x3FDB];
	_ =	sdelay $0x1  }
0x99: {  	s4 =	simm.s32 $_scs_section_size  }
0x9a: {  	s5 =	simm.s32 $_size__tile_overlayer_lowered;
	s6 =	simm.s32 $_tile_overlayer_lowered  }
0x9b: {  	s22 =	simm.s32 $0x1BFF;
	s21 =	sshll.u32 s6, $0x1;
	s3 =	sadd.s32 s4, s19  }
0x9c: {  	s7 =	simm.s32 $0x0;
	s20 =	sshll.u32 s5, $0x1;
	s5 =	sadd.s32 s21, s3  }
0x9d: {  	[timem:s7], [sflag:s22] =	dma.local [hbm:s5], s20  }
0x9e: {  	_ =	swait.ge [sflag:s22], s20  }
0x9f: {  	s4 =	ssub.s32 $0x0, s20;
	[sflag:s22] =	ssyncset.done $0x0  }
0xa0: {  	[sflag:s22] =	ssyncadd.s32 s4;
	_ =	sdelay $0x1  }
0xa1: {  	s23 =	simm.s32 $0x1B8B  }
0xa2: {  	_ =	swait.ge [sflag:s23], $0x1  }
0xa3: {  	[sflag:s23] =	ssyncset.done $0x0  }
0xa4: {  	s25 =	simm.s32 $0x1B8E;
	s24 =	sld [smem:$0x3FFE];
	[sflag:s23] =	ssyncadd.s32 $0xFFFFFFFF  }
0xa5: {  	s26 =	simm.s32 $execute0_lowered;
	[smem:$0x3FD2] =	sst s25  }
0xa6: {  	s5 =	sshll.u32 s26, $0x1;
	_ =	strace $0x80000046;
	[dreg:$0x1] =	wrdreg $0xFFFFFFFF  }
0xa7: {  	s28 =	simm.s32 $_size_execute0_lowered;
	s3 =	sadd.s32 s3, s5;
	[dreg:$0x0] =	wrdreg $0x0  }
0xa8: {  	s5 =	sshll.u32 s28, $0x1;
	[dreg:$0x2] =	wrdreg s3  }
0xa9: {  	[dreg:$0x3] =	wrdreg s5  }
0xaa: {  	[dreg:$0x4] =	wrdreg $0xC0  }
0xab: {  	_ =	task [dreg:s7], $0x5FFFF  }
0xac: {  	[dreg:$0x1] =	wrdreg $0xFFFFFFFF  }
0xad: {  	[dreg:$0x0] =	wrdreg $0x60  }
0xae: {  	[dreg:$0x2] =	wrdreg s24  }
0xaf: {  	[dreg:$0x3] =	wrdreg s2  }
0xb0: {  	[dreg:$0x4] =	wrdreg $0x9  }
0xb1: {  	_ =	task.clear_ibuf [dreg:s7], $0x5FFFF;
	_ =	strace $0x90000046  }
0xb2: {  	s29 =	simm.s32 $0x9;
	_ =	strace $0x80000048  }
0xb3: {  	_ =	swait.ge [sflag:s29], $0x1  }
0xb4: {  	[sflag:s29] =	ssyncadd.s32 $0xFFFFFFFF  }
0xb5: {  	_ =	strace $0x90000048  }
0xb6: {  	_ =	sfence  }
0xb7: {  	s30 =	sld [smem:$0x0];
	_ =	sdelay $0x2  }
0xb8: {  	s31 =	sshll.u32 s1, $0xD;
	s1 =	sshrl.u32 s1, $0x2  }
0xb9: {  	s3 =	sand.u32 $0x4000, s31;
	s1 =	sadd.s32 s1, s30  }
0xba: {  	s0 =	sor.u32 s3, s0;
	s1 =	sshll.u32 s1, $0x11  }
0xbb: {  	s0 =	sor.u32 s1, s0  }
0xbc: {  	s0 =	sadd.s32 $0x8F2B, s0  }
0xbd: {  	[sflag:s0] =	ssyncadd.remote.s32 $0x1  }
0xbe: {  	_ =	sfence.sel $0xFFFF  }
0xbf: {  	[dreg:$0x0] =	wrdreg $0xFFFFFFFF;
	(pc) =	sbr.abs _section_cstart, $3  }
0xc0: {  	[dreg:$0x1] =	wrdreg $0xFFFFFFFF  }
0xc1: {  	_ =	task.clear_ibuf [dreg:s7], $0x2FFFF;
	_ =	strace $0x9FFFFFFF  }
0xc2: {  	(tm) =	ssettm $0x7FFFFFFF  }
0xc3: {  	_ =	shalt  }
tec
execute0_lowered:
.L_overlay_start_1:
0x0: {  	(tag) =	ssettag $0x1  }
0x1: {  	s0 =	rddreg [dreg:$0x0]  }
0x2: {  	s2 =	rddreg [dreg:$0x1];
	s3 =	simm.s32 $0x0  }
0x3: {  	s1 =	srdreg.scid;
	s6 =	stileid.u32;
	s12 =	simm.s32 $0x18700;
	v0 =	vlaneseq.u32  }
0x4: {  	s22 =	simm.s32 $0x1A800;
	s20 =	simm.s32 $0x1C3D8;
	s21 =	simm.s32 $0x1C4E0;
	v0 =	vmul.u32 $0x108, v0  }
0x5: {  	s23 =	simm.s32 $0x1C5E8;
	s28 =	simm.s32 $0x1C248;
	s29 =	simm.s32 $0x1C350  }
0x6: {  	s30 =	simm.s32 $0x1C458;
	s31 =	simm.s32 $0x1C560;
	[smem:$0x7FF] =	sst s3;
	v1 =	vadd.s32 $0x1080, v0  }
0x7: {  	s1 =	sand.u32 $0x1, s1;
	s4 =	sshll.u32 s6, $0x1;
	s5 =	sadd.s32 $0x3400, s0;
	v2 =	vor.u32 $0x1, v0;
	v3 =	vadd.s32 $0x1081, v0;
	v4 =	vor.u32 $0x2, v0  }
0x8: {  	p0 =	slt.u32 s6, $0x6;
	s6 =	simm.s32 $0x13;
	s0 =	sadd.s32 $0x400, s0;
	v5 =	vadd.s32 $0x1082, v0;
	v6 =	vor.u32 $0x3, v0;
	v7 =	vadd.s32 $0x1083, v0  }
0x9: {  	s8 =	sadd.s32 $0x80, s2;
	_ =	strace $0x80000047;
	s4 =	sor.u32 s1, s4;
	v8 =	vor.u32 $0x4, v0;
	v9 =	vadd.s32 $0x1084, v0;
	v10 =	vor.u32 $0x5, v0  }
0xa: {  	[dreg:$0x3] =	wrdreg s5;
	s1 =	ssub.s32 $0x2, s1;
	s6 =	simm.s32 @!p0 $0x12;
	v11 =	vadd.s32 $0x1085, v0;
	v12 =	vor.u32 $0x6, v0;
	v13 =	vadd.s32 $0x1086, v0  }
0xb: {  	[dreg:$0x5] =	wrdreg s0;
	s24 =	smul.u32 $0x12, s4;
	s7 =	sshrl.u32 s1, $0x1;
	v14 =	vor.u32 $0x7, v0;
	v15 =	vadd.s32 $0x1087, v0;
	v16 =	vadd.s32 $0x8, v0  }
0xc: {  	s5 =	simm.s32 $0x0;
	s4 =	smin.u32 s4, $0xC;
	v17 =	vadd.s32 $0x1088, v0;
	v18 =	vadd.s32 $0x9, v0;
	v19 =	vadd.s32 $0x1089, v0;
	s25 =	ssub.s32 s1, s7  }
0xd: {  	v20 =	vadd.s32 $0xA, v0;
	v21 =	vadd.s32 $0x108A, v0;
	v22 =	vadd.s32 $0xB, v0;
	s1 =	simm.s32 $0x1C770;
	s4 =	sadd.s32 s4, s24;
	s0 =	smax.u32 s25, $0x1  }
0xe: {  	v23 =	vadd.s32 $0x108B, v0;
	v24 =	vadd.s32 $0xC, v0;
	v25 =	vadd.s32 $0x108C, v0;
	s24 =	simm.s32 $0x1C6F0;
	s25 =	simm.s32 $0x1C7F8;
	[dreg:$0x4] =	wrdreg s4  }
0xf: {  	v26 =	vadd.s32 $0xD, v0;
	v27 =	vadd.s32 $0x108D, v0;
	v28 =	vadd.s32 $0xE, v0;
	s26 =	sadd.s32 s4, s6;
	[dreg:$0x7] =	wrdreg s0;
	s0 =	simm.s32 $0x1C668  }
0x10: {  	v29 =	vadd.s32 $0x108E, v0;
	v30 =	vadd.s32 $0xF, v0;
	v31 =	vadd.s32 $0x108F, v0;
	s6 =	simm.s32 $0x1C878;
	[dreg:$0x6] =	wrdreg s26;
	s26 =	simm.s32 $0x1C140  }
.LBB2_1:
0x11: {  	[dreg:$0x8] =	wrdreg s5  }
0x12: {  	s4 =	rddreg [dreg:$0x5];
	s19 =	simm.s32 $0x3  }
0x13: {  	[tilespmem:s3], [sflag:$0x3] =	stream.linear.gather [hbm4b:s4+s3], $0x17700, $0x38;
	[tilespmem:$0x1C900] =	vst v63  }
0x14: {  	_ =	swait.ge [sflag:s19], $0x17700  }
0x15: {  	[sflag:s19] =	ssyncset.done $0x0  }
0x16: {  	s11 =	rddreg [dreg:$0x4];
	[sflag:s19] =	ssyncadd.s32 $0xFFFE8900  }
.LBB2_2:
0x17: {  	s4 =	smulhi.u32 $0xAAAAAAAB, s11  }
0x18: {  	s5 =	sshll.u32 s11, $0x9;
	s7 =	rddreg [dreg:$0x3];
	s9 =	simm.s32 $0x0  }
0x19: {  	s18 =	simm.s32 $0x17700;
	s5 =	sand.u32 $0x1FFFFE00, s5;
	s4 =	sshrl.u32 s4, $0x1  }
0x1a: {  	s10 =	simm.s32 $0x3;
	s5 =	sadd.s32 s7, s5;
	s4 =	smul.u32 $0x3, s4  }
0x1b: {  	[tilespmem:s18], [sflag:$0x3] =	stream.linear.gather [hbm4b:s5+s9], $0x1000, $0x38;
	[tilespmem:$0x1C900] =	vst v63  }
0x1c: {  	s17 =	simm.s32 $0x17810;
	s5 =	sshll.u32 s11, $0x7;
	s4 =	ssub.s32 s11, s4  }
0x1d: {  	_ =	swait.ge [sflag:s10], $0x1000;
	[dreg:$0x9] =	wrdreg s11;
	s19 =	smul.u32 $0x3E8, s4  }
0x1e: {  	s7 =	sor.u32 $0x60, s5;
	[sflag:s10] =	ssyncset.done $0x0;
	s11 =	sor.u32 $0x20, s5  }
0x1f: {  	[sflag:s10] =	ssyncadd.s32 $0xFFFFF000;
	s4 =	sor.u32 $0x40, s5;
	s10 =	simm.s32 $0x17710;
	v32 =	vmov s19  }
.LBB2_3:
0x20: {  	p0 =	seq.s32 s9, $0x0  }
0x21: {  	s13 =	simm.s32 @!p0 $0x1  }
0x22: {  	_ =	swait.ge @!p0 [sflag:s13], $0x400  }
0x23: {  	[sflag:s13] =	ssyncset.done @!p0 $0x0  }
0x24: {  	[sflag:s13] =	ssyncadd.s32 @!p0 $0xFFFFFC00  }
0x25: {  	_ =	swait.ge @!p0 [sflag:s13], $0x400  }
0x26: {  	[sflag:s13] =	ssyncset.done @!p0 $0x0  }
0x27: {  	[sflag:s13] =	ssyncadd.s32 @!p0 $0xFFFFFC00  }
0x28: {  	_ =	swait.ge @!p0 [sflag:s13], $0x400  }
0x29: {  	[sflag:s13] =	ssyncset.done @!p0 $0x0  }
0x2a: {  	[sflag:s13] =	ssyncadd.s32 @!p0 $0xFFFFFC00  }
0x2b: {  	_ =	swait.ge @!p0 [sflag:s13], $0x400  }
0x2c: {  	[sflag:s13] =	ssyncset.done @!p0 $0x0  }
0x2d: {  	[sflag:s13] =	ssyncadd.s32 @!p0 $0xFFFFFC00  }
0x2e: {  	_ =	swait.ge @!p0 [sflag:s13], $0x400  }
0x2f: {  	[sflag:s13] =	ssyncset.done @!p0 $0x0  }
0x30: {  	[sflag:s13] =	ssyncadd.s32 @!p0 $0xFFFFFC00  }
0x31: {  	_ =	swait.ge @!p0 [sflag:s13], $0x400  }
0x32: {  	[sflag:s13] =	ssyncset.done @!p0 $0x0  }
0x33: {  	[sflag:s13] =	ssyncadd.s32 @!p0 $0xFFFFFC00  }
0x34: {  	_ =	swait.ge @!p0 [sflag:s13], $0x400  }
0x35: {  	[sflag:s13] =	ssyncset.done @!p0 $0x0  }
0x36: {  	[sflag:s13] =	ssyncadd.s32 @!p0 $0xFFFFFC00  }
0x37: {  	_ =	swait.ge @!p0 [sflag:s13], $0x400  }
0x38: {  	s14 =	simm.s32 $0xFFFFFFFE;
	[sflag:s13] =	ssyncset.done @!p0 $0x0  }
0x39: {  	s15 =	simm.s32 $0x10;
	s16 =	smov.u32 s10;
	[sflag:s13] =	ssyncadd.s32 @!p0 $0xFFFFFC00  }
.LBB2_4:
0x3a: {  	v33 =	vld [tilespmem:s16+$0xFFFFFFF0];
	_ =	sdelay $0x4  }
0x3b: {  	v33 =	vadd.s32 v32, v33  }
0x3c: {  	v33 =	vshll.u32 v33, $0x5  }
0x3d: {  	(v2sf) =	vpush v33, $0x0;
	_ =	sdelay $0x1  }
0x3e: {  	(v2sf) =	vpush v33, $0x1;
	_ =	sdelay $0x1  }
0x3f: {  	(v2sf) =	vpush v33, $0x2;
	_ =	sdelay $0x1  }
0x40: {  	(v2sf) =	vpush v33, $0x3;
	_ =	sdelay $0x1  }
0x41: {  	(v2sf) =	vpush v33, $0x4;
	_ =	sdelay $0x1  }
0x42: {  	(v2sf) =	vpush v33, $0x5;
	_ =	sdelay $0x1  }
0x43: {  	(v2sf) =	vpush v33, $0x6;
	_ =	sdelay $0x1  }
0x44: {  	(v2sf) =	vpush v33, $0x7  }
0x45: {  	s13 =	spop (v2sf)  }
0x46: {  	v34 =	vld [tilespmem:s13+$0x0]  }
0x47: {  	v35 =	vld [tilespmem:s13+$0x10];
	s19 =	spop (v2sf)  }
0x48: {  	v36 =	vld [tilespmem:s19+$0x0]  }
0x49: {  	v37 =	vld [tilespmem:s19+$0x10];
	s18 =	spop (v2sf)  }
0x4a: {  	v38 =	vld [tilespmem:s18+$0x0]  }
0x4b: {  	v39 =	vld [tilespmem:s18+$0x10];
	s19 =	spop (v2sf)  }
0x4c: {  	v40 =	vld [tilespmem:s19+$0x0]  }
0x4d: {  	v41 =	vld [tilespmem:s19+$0x10];
	s18 =	spop (v2sf)  }
0x4e: {  	v42 =	vld [tilespmem:s18+$0x0]  }
0x4f: {  	s13 =	sadd.s32 $0xFFFFFFF0, s15;
	v43 =	vld [tilespmem:s18+$0x10];
	s18 =	spop (v2sf)  }
0x50: {  	v46 =	vadd.s32 s13, v0;
	v44 =	vld [tilespmem:s18+$0x0]  }
0x51: {  	v48 =	vadd.s32 s13, v1;
	v45 =	vld [tilespmem:s18+$0x10];
	s19 =	spop (v2sf)  }
0x52: {  	v50 =	vadd.s32 s13, v2;
	v47 =	vld [tilespmem:s19+$0x0]  }
0x53: {  	v52 =	vadd.s32 s13, v3;
	v49 =	vld [tilespmem:s19+$0x10];
	s19 =	spop (v2sf)  }
0x54: {  	v54 =	vadd.s32 s13, v4;
	v51 =	vld [tilespmem:s19+$0x0]  }
0x55: {  	(v2sf) =	vpush v33, $0x8;
	v61 =	vadd.s32 s13, v5;
	v53 =	vld [tilespmem:s19+$0x10];
	[tilespmem:v46+s12+$0x0] =	vst.idx.msk $0xffff, v34  }
0x56: {  	v62 =	vadd.s32 s13, v6;
	[tilespmem:v48+s12+$0x0] =	vst.idx.msk $0xffff, v35  }
0x57: {  	(v2sf) =	vpush v33, $0x9;
	v63 =	vadd.s32 s13, v7;
	[tilespmem:v50+s12+$0x0] =	vst.idx.msk $0xffff, v36  }
0x58: {  	v46 =	vadd.s32 s13, v8;
	[tilespmem:v52+s12+$0x0] =	vst.idx.msk $0xffff, v37  }
0x59: {  	(v2sf) =	vpush v33, $0xA;
	v48 =	vadd.s32 s13, v9;
	[tilespmem:v54+s12+$0x0] =	vst.idx.msk $0xffff, v38  }
0x5a: {  	v50 =	vadd.s32 s13, v10;
	[tilespmem:v61+s12+$0x0] =	vst.idx.msk $0xffff, v39  }
0x5b: {  	(v2sf) =	vpush v33, $0xB;
	v52 =	vadd.s32 s13, v11;
	[tilespmem:v62+s12+$0x0] =	vst.idx.msk $0xffff, v40  }
0x5c: {  	v54 =	vadd.s32 s13, v12;
	[tilespmem:v63+s12+$0x0] =	vst.idx.msk $0xffff, v41  }
0x5d: {  	v55 =	vadd.s32 s13, v13;
	(v2sf) =	vpush v33, $0xC;
	[tilespmem:v46+s12+$0x0] =	vst.idx.msk $0xffff, v42  }
0x5e: {  	v56 =	vadd.s32 s13, v14;
	[tilespmem:v48+s12+$0x0] =	vst.idx.msk $0xffff, v43  }
0x5f: {  	v57 =	vadd.s32 s13, v15;
	(v2sf) =	vpush v33, $0xD;
	[tilespmem:v50+s12+$0x0] =	vst.idx.msk $0xffff, v44  }
0x60: {  	[tilespmem:v52+s12+$0x0] =	vst.idx.msk $0xffff, v45  }
0x61: {  	(v2sf) =	vpush v33, $0xE;
	[tilespmem:v54+s12+$0x0] =	vst.idx.msk $0xffff, v47  }
0x62: {  	[tilespmem:v55+s12+$0x0] =	vst.idx.msk $0xffff, v49  }
0x63: {  	(v2sf) =	vpush v33, $0xF;
	[tilespmem:v56+s12+$0x0] =	vst.idx.msk $0xffff, v51  }
0x64: {  	s19 =	spop (v2sf);
	[tilespmem:v57+s12+$0x0] =	vst.idx.msk $0xffff, v53  }
0x65: {  	v58 =	vld [tilespmem:s19+$0x0]  }
0x66: {  	v34 =	vld [tilespmem:s19+$0x10];
	s19 =	spop (v2sf)  }
0x67: {  	v35 =	vld [tilespmem:s19+$0x0]  }
0x68: {  	v36 =	vld [tilespmem:s19+$0x10];
	s19 =	spop (v2sf)  }
0x69: {  	v37 =	vld [tilespmem:s19+$0x0]  }
0x6a: {  	v38 =	vld [tilespmem:s19+$0x10];
	s19 =	spop (v2sf)  }
0x6b: {  	v39 =	vld [tilespmem:s19+$0x0]  }
0x6c: {  	v40 =	vld [tilespmem:s19+$0x10];
	s19 =	spop (v2sf)  }
0x6d: {  	v41 =	vld [tilespmem:s19+$0x0]  }
0x6e: {  	v42 =	vld [tilespmem:s19+$0x10];
	s19 =	spop (v2sf)  }
0x6f: {  	v59 =	vadd.s32 s13, v16;
	v43 =	vld [tilespmem:s19+$0x0]  }
0x70: {  	v60 =	vadd.s32 s13, v17;
	v44 =	vld [tilespmem:s19+$0x10];
	s19 =	spop (v2sf)  }
0x71: {  	v61 =	vadd.s32 s13, v18;
	v46 =	vld [tilespmem:s19+$0x0]  }
0x72: {  	v62 =	vadd.s32 s13, v19;
	v48 =	vld [tilespmem:s19+$0x10];
	s19 =	spop (v2sf)  }
0x73: {  	v63 =	vadd.s32 s13, v20;
	v50 =	vld [tilespmem:s19+$0x0]  }
0x74: {  	v45 =	vadd.s32 s13, v21;
	v52 =	vld [tilespmem:s19+$0x10];
	[tilespmem:v59+s12+$0x0] =	vst.idx.msk $0xffff, v58  }
0x75: {  	v47 =	vadd.s32 s13, v22;
	[tilespmem:v60+s12+$0x0] =	vst.idx.msk $0xffff, v34  }
0x76: {  	v54 =	vadd.s32 s13, v23;
	[tilespmem:v61+s12+$0x0] =	vst.idx.msk $0xffff, v35  }
0x77: {  	v55 =	vadd.s32 s13, v24;
	[tilespmem:v62+s12+$0x0] =	vst.idx.msk $0xffff, v36  }
0x78: {  	v56 =	vadd.s32 s13, v25;
	[tilespmem:v63+s12+$0x0] =	vst.idx.msk $0xffff, v37  }
0x79: {  	v57 =	vadd.s32 s13, v26;
	[tilespmem:v45+s12+$0x0] =	vst.idx.msk $0xffff, v38  }
0x7a: {  	v58 =	vadd.s32 s13, v27;
	[tilespmem:v47+s12+$0x0] =	vst.idx.msk $0xffff, v39  }
0x7b: {  	v59 =	vadd.s32 s13, v28;
	[tilespmem:v54+s12+$0x0] =	vst.idx.msk $0xffff, v40  }
0x7c: {  	v60 =	vadd.s32 s13, v29;
	[tilespmem:v55+s12+$0x0] =	vst.idx.msk $0xffff, v41  }
0x7d: {  	v61 =	vadd.s32 s13, v30;
	[tilespmem:v56+s12+$0x0] =	vst.idx.msk $0xffff, v42  }
0x7e: {  	v62 =	vadd.s32 s13, v31;
	[tilespmem:v57+s12+$0x0] =	vst.idx.msk $0xffff, v43  }
0x7f: {  	[tilespmem:v58+s12+$0x0] =	vst.idx.msk $0xffff, v44  }
0x80: {  	[tilespmem:v59+s12+$0x0] =	vst.idx.msk $0xffff, v46  }
0x81: {  	[tilespmem:v60+s12+$0x0] =	vst.idx.msk $0xffff, v48  }
0x82: {  	[tilespmem:v61+s12+$0x0] =	vst.idx.msk $0xffff, v50  }
0x83: {  	[tilespmem:v62+s12+$0x0] =	vst.idx.msk $0xffff, v52  }
0x84: {  	v33 =	vld [tilespmem:s16+$0x0];
	_ =	sdelay $0x4  }
0x85: {  	v33 =	vadd.s32 v32, v33  }
0x86: {  	v33 =	vshll.u32 v33, $0x5  }
0x87: {  	(v2sf) =	vpush v33, $0x0;
	_ =	sdelay $0x1  }
0x88: {  	(v2sf) =	vpush v33, $0x1;
	_ =	sdelay $0x1  }
0x89: {  	(v2sf) =	vpush v33, $0x2;
	_ =	sdelay $0x1  }
0x8a: {  	(v2sf) =	vpush v33, $0x3;
	_ =	sdelay $0x1  }
0x8b: {  	(v2sf) =	vpush v33, $0x4;
	_ =	sdelay $0x1  }
0x8c: {  	(v2sf) =	vpush v33, $0x5;
	_ =	sdelay $0x1  }
0x8d: {  	(v2sf) =	vpush v33, $0x6;
	_ =	sdelay $0x1  }
0x8e: {  	(v2sf) =	vpush v33, $0x7  }
0x8f: {  	s19 =	spop (v2sf)  }
0x90: {  	v34 =	vld [tilespmem:s19+$0x0]  }
0x91: {  	v35 =	vld [tilespmem:s19+$0x10];
	s18 =	spop (v2sf)  }
0x92: {  	v36 =	vld [tilespmem:s18+$0x0]  }
0x93: {  	v37 =	vld [tilespmem:s18+$0x10];
	s19 =	spop (v2sf)  }
0x94: {  	v38 =	vld [tilespmem:s19+$0x0]  }
0x95: {  	v39 =	vld [tilespmem:s19+$0x10];
	s18 =	spop (v2sf)  }
0x96: {  	v40 =	vld [tilespmem:s18+$0x0]  }
0x97: {  	v41 =	vld [tilespmem:s18+$0x10];
	s19 =	spop (v2sf)  }
0x98: {  	v42 =	vld [tilespmem:s19+$0x0]  }
0x99: {  	v43 =	vld [tilespmem:s19+$0x10];
	s18 =	spop (v2sf)  }
0x9a: {  	v63 =	vadd.s32 s15, v0;
	v44 =	vld [tilespmem:s18+$0x0]  }
0x9b: {  	v57 =	vadd.s32 s15, v1;
	v45 =	vld [tilespmem:s18+$0x10];
	s19 =	spop (v2sf)  }
0x9c: {  	v58 =	vadd.s32 s15, v2;
	v47 =	vld [tilespmem:s19+$0x0]  }
0x9d: {  	v59 =	vadd.s32 s15, v3;
	v49 =	vld [tilespmem:s19+$0x10];
	s18 =	spop (v2sf)  }
0x9e: {  	v60 =	vadd.s32 s15, v4;
	v51 =	vld [tilespmem:s18+$0x0]  }
0x9f: {  	v61 =	vadd.s32 s15, v5;
	(v2sf) =	vpush v33, $0x8;
	v53 =	vld [tilespmem:s18+$0x10];
	[tilespmem:v63+s12+$0x0] =	vst.idx.msk $0xffff, v34  }
0xa0: {  	v62 =	vadd.s32 s15, v6;
	[tilespmem:v57+s12+$0x0] =	vst.idx.msk $0xffff, v35  }
0xa1: {  	(v2sf) =	vpush v33, $0x9;
	v63 =	vadd.s32 s15, v7;
	[tilespmem:v58+s12+$0x0] =	vst.idx.msk $0xffff, v36  }
0xa2: {  	v46 =	vadd.s32 s15, v8;
	[tilespmem:v59+s12+$0x0] =	vst.idx.msk $0xffff, v37  }
0xa3: {  	v48 =	vadd.s32 s15, v9;
	(v2sf) =	vpush v33, $0xA;
	[tilespmem:v60+s12+$0x0] =	vst.idx.msk $0xffff, v38  }
0xa4: {  	v50 =	vadd.s32 s15, v10;
	[tilespmem:v61+s12+$0x0] =	vst.idx.msk $0xffff, v39  }
0xa5: {  	v52 =	vadd.s32 s15, v11;
	(v2sf) =	vpush v33, $0xB;
	[tilespmem:v62+s12+$0x0] =	vst.idx.msk $0xffff, v40  }
0xa6: {  	v54 =	vadd.s32 s15, v12;
	[tilespmem:v63+s12+$0x0] =	vst.idx.msk $0xffff, v41  }
0xa7: {  	v55 =	vadd.s32 s15, v13;
	(v2sf) =	vpush v33, $0xC;
	[tilespmem:v46+s12+$0x0] =	vst.idx.msk $0xffff, v42  }
0xa8: {  	v56 =	vadd.s32 s15, v14;
	[tilespmem:v48+s12+$0x0] =	vst.idx.msk $0xffff, v43  }
0xa9: {  	(v2sf) =	vpush v33, $0xD;
	v57 =	vadd.s32 s15, v15;
	[tilespmem:v50+s12+$0x0] =	vst.idx.msk $0xffff, v44  }
0xaa: {  	[tilespmem:v52+s12+$0x0] =	vst.idx.msk $0xffff, v45  }
0xab: {  	(v2sf) =	vpush v33, $0xE;
	[tilespmem:v54+s12+$0x0] =	vst.idx.msk $0xffff, v47  }
0xac: {  	[tilespmem:v55+s12+$0x0] =	vst.idx.msk $0xffff, v49  }
0xad: {  	(v2sf) =	vpush v33, $0xF;
	[tilespmem:v56+s12+$0x0] =	vst.idx.msk $0xffff, v51  }
0xae: {  	s19 =	spop (v2sf);
	[tilespmem:v57+s12+$0x0] =	vst.idx.msk $0xffff, v53  }
0xaf: {  	v58 =	vld [tilespmem:s19+$0x0]  }
0xb0: {  	s18 =	spop (v2sf);
	v34 =	vld [tilespmem:s19+$0x10]  }
0xb1: {  	v35 =	vld [tilespmem:s18+$0x0]  }
0xb2: {  	s19 =	spop (v2sf);
	v36 =	vld [tilespmem:s18+$0x10]  }
0xb3: {  	v37 =	vld [tilespmem:s19+$0x0]  }
0xb4: {  	s18 =	spop (v2sf);
	v38 =	vld [tilespmem:s19+$0x10]  }
0xb5: {  	v39 =	vld [tilespmem:s18+$0x0]  }
0xb6: {  	s19 =	spop (v2sf);
	v40 =	vld [tilespmem:s18+$0x10]  }
0xb7: {  	v41 =	vld [tilespmem:s19+$0x0]  }
0xb8: {  	s18 =	spop (v2sf);
	v42 =	vld [tilespmem:s19+$0x10]  }
0xb9: {  	v59 =	vadd.s32 s15, v16;
	v43 =	vld [tilespmem:s18+$0x0]  }
0xba: {  	v60 =	vadd.s32 s15, v17;
	s19 =	spop (v2sf);
	v44 =	vld [tilespmem:s18+$0x10]  }
0xbb: {  	v61 =	vadd.s32 s15, v18;
	v46 =	vld [tilespmem:s19+$0x0]  }
0xbc: {  	v62 =	vadd.s32 s15, v19;
	v48 =	vld [tilespmem:s19+$0x10];
	s19 =	spop (v2sf)  }
0xbd: {  	v63 =	vadd.s32 s15, v20;
	v50 =	vld [tilespmem:s19+$0x0]  }
0xbe: {  	v45 =	vadd.s32 s15, v21;
	v52 =	vld [tilespmem:s19+$0x10];
	[tilespmem:v59+s12+$0x0] =	vst.idx.msk $0xffff, v58  }
0xbf: {  	v54 =	vadd.s32 s15, v22;
	[tilespmem:v60+s12+$0x0] =	vst.idx.msk $0xffff, v34  }
0xc0: {  	v55 =	vadd.s32 s15, v23;
	[tilespmem:v61+s12+$0x0] =	vst.idx.msk $0xffff, v35  }
0xc1: {  	v56 =	vadd.s32 s15, v24;
	[tilespmem:v62+s12+$0x0] =	vst.idx.msk $0xffff, v36  }
0xc2: {  	v57 =	vadd.s32 s15, v25;
	[tilespmem:v63+s12+$0x0] =	vst.idx.msk $0xffff, v37  }
0xc3: {  	v58 =	vadd.s32 s15, v26;
	[tilespmem:v45+s12+$0x0] =	vst.idx.msk $0xffff, v38  }
0xc4: {  	v59 =	vadd.s32 s15, v27;
	[tilespmem:v54+s12+$0x0] =	vst.idx.msk $0xffff, v39  }
0xc5: {  	v60 =	vadd.s32 s15, v28;
	[tilespmem:v55+s12+$0x0] =	vst.idx.msk $0xffff, v40  }
0xc6: {  	v61 =	vadd.s32 s15, v29;
	[tilespmem:v56+s12+$0x0] =	vst.idx.msk $0xffff, v41  }
0xc7: {  	s14 =	sadd.s32 $0x2, s14;
	v62 =	vadd.s32 s15, v30;
	[tilespmem:v57+s12+$0x0] =	vst.idx.msk $0xffff, v42  }
0xc8: {  	p1 =	slt.u32 s14, $0xE;
	v63 =	vadd.s32 s15, v31;
	[tilespmem:v58+s12+$0x0] =	vst.idx.msk $0xffff, v43  }
.Ltmp0:
0xc9: {  	[tilespmem:v59+s12+$0x0] =	vst.idx.msk $0xffff, v44;
	(pc) =	sbr.rel @p1 .LBB2_4-.Ltmp0, $4  }
0xca: {  	[tilespmem:v60+s12+$0x0] =	vst.idx.msk $0xffff, v46  }
0xcb: {  	[tilespmem:v61+s12+$0x0] =	vst.idx.msk $0xffff, v48  }
0xcc: {  	[tilespmem:v62+s12+$0x0] =	vst.idx.msk $0xffff, v50  }
0xcd: {  	s16 =	sadd.s32 $0x20, s16;
	s15 =	sadd.s32 $0x20, s15;
	[tilespmem:v63+s12+$0x0] =	vst.idx.msk $0xffff, v52  }
0xce: {  	s13 =	sshll.u32 s9, $0x2  }
0xcf: {  	s14 =	sadd.s32 s5, s13  }
0xd0: {  	s14 =	sshll.u32 s14, $0x7  }
0xd1: {  	s14 =	sand.u32 $0x1FFFCE00, s14  }
0xd2: {  	s15 =	sadd.s32 s2, s14  }
0xd3: {  	[hbm4b:s15+s3] =	stream.linear.scatter [tilespmem:s12], [sflag:$0x1], $0x80, $0x38;
	[tilespmem:$0x1C900] =	vst v63  }
0xd4: {  	s18 =	simm.s32 $0x18808;
	s16 =	sadd.s32 $0x10, s15  }
0xd5: {  	[hbm4b:s16+s3] =	stream.linear.scatter [tilespmem:s18], [sflag:$0x1], $0x80, $0x38;
	[tilespmem:$0x1C900] =	vst v63  }
0xd6: {  	s19 =	simm.s32 $0x18910;
	s18 =	sadd.s32 $0x20, s15  }
0xd7: {  	[hbm4b:s18+s3] =	stream.linear.scatter [tilespmem:s19], [sflag:$0x1], $0x80, $0x38;
	[tilespmem:$0x1C900] =	vst v63  }
0xd8: {  	s18 =	sadd.s32 $0x30, s15;
	s19 =	simm.s32 $0x18A18  }
0xd9: {  	[hbm4b:s18+s3] =	stream.linear.scatter [tilespmem:s19], [sflag:$0x1], $0x80, $0x38;
	[tilespmem:$0x1C900] =	vst v63  }
0xda: {  	s18 =	sadd.s32 $0x40, s15;
	s19 =	simm.s32 $0x18B20  }
0xdb: {  	[hbm4b:s18+s3] =	stream.linear.scatter [tilespmem:s19], [sflag:$0x1], $0x80, $0x38;
	[tilespmem:$0x1C900] =	vst v63  }
0xdc: {  	s18 =	sadd.s32 $0x50, s15;
	s19 =	simm.s32 $0x18C28  }
0xdd: {  	[hbm4b:s18+s3] =	stream.linear.scatter [tilespmem:s19], [sflag:$0x1], $0x80, $0x38;
	[tilespmem:$0x1C900] =	vst v63  }
0xde: {  	s18 =	sadd.s32 $0x60, s15;
	s19 =	simm.s32 $0x18D30  }
0xdf: {  	[hbm4b:s18+s3] =	stream.linear.scatter [tilespmem:s19], [sflag:$0x1], $0x80, $0x38;
	[tilespmem:$0x1C900] =	vst v63  }
0xe0: {  	s15 =	sadd.s32 $0x70, s15;
	s19 =	simm.s32 $0x18E38  }
0xe1: {  	[hbm4b:s15+s3] =	stream.linear.scatter [tilespmem:s19], [sflag:$0x1], $0x80, $0x38;
	[tilespmem:$0x1C900] =	vst v63  }
0xe2: {  	s14 =	sadd.s32 s14, s8;
	s16 =	simm.s32 $0x18780  }
0xe3: {  	[hbm4b:s14+s3] =	stream.linear.scatter [tilespmem:s16], [sflag:$0x1], $0x80, $0x38;
	[tilespmem:$0x1C900] =	vst v63  }
0xe4: {  	s18 =	sadd.s32 $0x10, s14;
	s19 =	simm.s32 $0x18888  }
0xe5: {  	[hbm4b:s18+s3] =	stream.linear.scatter [tilespmem:s19], [sflag:$0x1], $0x80, $0x38;
	[tilespmem:$0x1C900] =	vst v63  }
0xe6: {  	s18 =	sadd.s32 $0x20, s14;
	s19 =	simm.s32 $0x18990  }
0xe7: {  	[hbm4b:s18+s3] =	stream.linear.scatter [tilespmem:s19], [sflag:$0x1], $0x80, $0x38;
	[tilespmem:$0x1C900] =	vst v63  }
0xe8: {  	s18 =	sadd.s32 $0x30, s14;
	s19 =	simm.s32 $0x18A98  }
0xe9: {  	[hbm4b:s18+s3] =	stream.linear.scatter [tilespmem:s19], [sflag:$0x1], $0x80, $0x38;
	[tilespmem:$0x1C900] =	vst v63  }
0xea: {  	s18 =	sadd.s32 $0x40, s14;
	s19 =	simm.s32 $0x18BA0  }
0xeb: {  	[hbm4b:s18+s3] =	stream.linear.scatter [tilespmem:s19], [sflag:$0x1], $0x80, $0x38;
	[tilespmem:$0x1C900] =	vst v63  }
0xec: {  	s18 =	sadd.s32 $0x50, s14;
	s19 =	simm.s32 $0x18CA8  }
0xed: {  	[hbm4b:s18+s3] =	stream.linear.scatter [tilespmem:s19], [sflag:$0x1], $0x80, $0x38;
	[tilespmem:$0x1C900] =	vst v63  }
0xee: {  	s18 =	sadd.s32 $0x60, s14;
	s19 =	simm.s32 $0x18DB0  }
0xef: {  	[hbm4b:s18+s3] =	stream.linear.scatter [tilespmem:s19], [sflag:$0x1], $0x80, $0x38;
	[tilespmem:$0x1C900] =	vst v63  }
0xf0: {  	s16 =	simm.s32 $0x18EB8;
	s14 =	sadd.s32 $0x70, s14;
	s18 =	sadd.s32 s11, s13  }
0xf1: {  	[hbm4b:s14+s3] =	stream.linear.scatter [tilespmem:s16], [sflag:$0x1], $0x80, $0x38;
	[tilespmem:$0x1C900] =	vst v63  }
0xf2: {  	s14 =	sshll.u32 s18, $0x7  }
0xf3: {  	s14 =	sand.u32 $0x1FFFDE00, s14  }
0xf4: {  	s19 =	simm.s32 $0x18F40;
	s15 =	sadd.s32 s2, s14  }
0xf5: {  	[hbm4b:s15+s3] =	stream.linear.scatter [tilespmem:s19], [sflag:$0x1], $0x80, $0x38;
	[tilespmem:$0x1C900] =	vst v63  }
0xf6: {  	s18 =	sadd.s32 $0x10, s15;
	s19 =	simm.s32 $0x19048  }
0xf7: {  	[hbm4b:s18+s3] =	stream.linear.scatter [tilespmem:s19], [sflag:$0x1], $0x80, $0x38;
	[tilespmem:$0x1C900] =	vst v63  }
0xf8: {  	s18 =	sadd.s32 $0x20, s15;
	s19 =	simm.s32 $0x19150  }
0xf9: {  	[hbm4b:s18+s3] =	stream.linear.scatter [tilespmem:s19], [sflag:$0x1], $0x80, $0x38;
	[tilespmem:$0x1C900] =	vst v63  }
0xfa: {  	s18 =	sadd.s32 $0x30, s15;
	s19 =	simm.s32 $0x19258  }
0xfb: {  	[hbm4b:s18+s3] =	stream.linear.scatter [tilespmem:s19], [sflag:$0x1], $0x80, $0x38;
	[tilespmem:$0x1C900] =	vst v63  }
0xfc: {  	s18 =	sadd.s32 $0x40, s15;
	s19 =	simm.s32 $0x19360  }
0xfd: {  	[hbm4b:s18+s3] =	stream.linear.scatter [tilespmem:s19], [sflag:$0x1], $0x80, $0x38;
	[tilespmem:$0x1C900] =	vst v63  }
0xfe: {  	s18 =	sadd.s32 $0x50, s15;
	s19 =	simm.s32 $0x19468  }
0xff: {  	[hbm4b:s18+s3] =	stream.linear.scatter [tilespmem:s19], [sflag:$0x1], $0x80, $0x38;
	[tilespmem:$0x1C900] =	vst v63  }
0x100: {  	s18 =	sadd.s32 $0x60, s15;
	s19 =	simm.s32 $0x19570  }
0x101: {  	[hbm4b:s18+s3] =	stream.linear.scatter [tilespmem:s19], [sflag:$0x1], $0x80, $0x38;
	[tilespmem:$0x1C900] =	vst v63  }
0x102: {  	s15 =	sadd.s32 $0x70, s15;
	s19 =	simm.s32 $0x19678  }
0x103: {  	[hbm4b:s15+s3] =	stream.linear.scatter [tilespmem:s19], [sflag:$0x1], $0x80, $0x38;
	[tilespmem:$0x1C900] =	vst v63  }
0x104: {  	s16 =	simm.s32 $0x18FC0;
	s14 =	sadd.s32 s14, s8  }
0x105: {  	[hbm4b:s14+s3] =	stream.linear.scatter [tilespmem:s16], [sflag:$0x1], $0x80, $0x38;
	[tilespmem:$0x1C900] =	vst v63  }
0x106: {  	s18 =	sadd.s32 $0x10, s14;
	s19 =	simm.s32 $0x190C8  }
0x107: {  	[hbm4b:s18+s3] =	stream.linear.scatter [tilespmem:s19], [sflag:$0x1], $0x80, $0x38;
	[tilespmem:$0x1C900] =	vst v63  }
0x108: {  	s18 =	sadd.s32 $0x20, s14;
	s19 =	simm.s32 $0x191D0  }
0x109: {  	[hbm4b:s18+s3] =	stream.linear.scatter [tilespmem:s19], [sflag:$0x1], $0x80, $0x38;
	[tilespmem:$0x1C900] =	vst v63  }
0x10a: {  	s18 =	sadd.s32 $0x30, s14;
	s19 =	simm.s32 $0x192D8  }
0x10b: {  	[hbm4b:s18+s3] =	stream.linear.scatter [tilespmem:s19], [sflag:$0x1], $0x80, $0x38;
	[tilespmem:$0x1C900] =	vst v63  }
0x10c: {  	s18 =	sadd.s32 $0x40, s14;
	s19 =	simm.s32 $0x193E0  }
0x10d: {  	[hbm4b:s18+s3] =	stream.linear.scatter [tilespmem:s19], [sflag:$0x1], $0x80, $0x38;
	[tilespmem:$0x1C900] =	vst v63  }
0x10e: {  	s18 =	sadd.s32 $0x50, s14;
	s19 =	simm.s32 $0x194E8  }
0x10f: {  	[hbm4b:s18+s3] =	stream.linear.scatter [tilespmem:s19], [sflag:$0x1], $0x80, $0x38;
	[tilespmem:$0x1C900] =	vst v63  }
0x110: {  	s18 =	sadd.s32 $0x60, s14;
	s19 =	simm.s32 $0x195F0  }
0x111: {  	[hbm4b:s18+s3] =	stream.linear.scatter [tilespmem:s19], [sflag:$0x1], $0x80, $0x38;
	[tilespmem:$0x1C900] =	vst v63  }
0x112: {  	s16 =	simm.s32 $0x196F8;
	s14 =	sadd.s32 $0x70, s14;
	s18 =	sadd.s32 s4, s13  }
0x113: {  	[hbm4b:s14+s3] =	stream.linear.scatter [tilespmem:s16], [sflag:$0x1], $0x80, $0x38;
	[tilespmem:$0x1C900] =	vst v63  }
0x114: {  	s14 =	sshll.u32 s18, $0x7  }
0x115: {  	s14 =	sand.u32 $0x1FFFEE00, s14  }
0x116: {  	s19 =	simm.s32 $0x19780;
	s15 =	sadd.s32 s2, s14  }
0x117: {  	[hbm4b:s15+s3] =	stream.linear.scatter [tilespmem:s19], [sflag:$0x1], $0x80, $0x38;
	[tilespmem:$0x1C900] =	vst v63  }
0x118: {  	s18 =	sadd.s32 $0x10, s15;
	s19 =	simm.s32 $0x19888  }
0x119: {  	[hbm4b:s18+s3] =	stream.linear.scatter [tilespmem:s19], [sflag:$0x1], $0x80, $0x38;
	[tilespmem:$0x1C900] =	vst v63  }
0x11a: {  	s18 =	sadd.s32 $0x20, s15;
	s19 =	simm.s32 $0x19990  }
0x11b: {  	[hbm4b:s18+s3] =	stream.linear.scatter [tilespmem:s19], [sflag:$0x1], $0x80, $0x38;
	[tilespmem:$0x1C900] =	vst v63  }
0x11c: {  	s18 =	sadd.s32 $0x30, s15;
	s19 =	simm.s32 $0x19A98  }
0x11d: {  	[hbm4b:s18+s3] =	stream.linear.scatter [tilespmem:s19], [sflag:$0x1], $0x80, $0x38;
	[tilespmem:$0x1C900] =	vst v63  }
0x11e: {  	s18 =	sadd.s32 $0x40, s15;
	s19 =	simm.s32 $0x19BA0  }
0x11f: {  	[hbm4b:s18+s3] =	stream.linear.scatter [tilespmem:s19], [sflag:$0x1], $0x80, $0x38;
	[tilespmem:$0x1C900] =	vst v63  }
0x120: {  	s18 =	sadd.s32 $0x50, s15;
	s19 =	simm.s32 $0x19CA8  }
0x121: {  	[hbm4b:s18+s3] =	stream.linear.scatter [tilespmem:s19], [sflag:$0x1], $0x80, $0x38;
	[tilespmem:$0x1C900] =	vst v63  }
0x122: {  	s18 =	sadd.s32 $0x60, s15;
	s19 =	simm.s32 $0x19DB0  }
0x123: {  	[hbm4b:s18+s3] =	stream.linear.scatter [tilespmem:s19], [sflag:$0x1], $0x80, $0x38;
	[tilespmem:$0x1C900] =	vst v63  }
0x124: {  	s15 =	sadd.s32 $0x70, s15;
	s19 =	simm.s32 $0x19EB8  }
0x125: {  	[hbm4b:s15+s3] =	stream.linear.scatter [tilespmem:s19], [sflag:$0x1], $0x80, $0x38;
	[tilespmem:$0x1C900] =	vst v63  }
0x126: {  	s16 =	simm.s32 $0x19800;
	s14 =	sadd.s32 s14, s8  }
0x127: {  	[hbm4b:s14+s3] =	stream.linear.scatter [tilespmem:s16], [sflag:$0x1], $0x80, $0x38;
	[tilespmem:$0x1C900] =	vst v63  }
0x128: {  	s18 =	sadd.s32 $0x10, s14;
	s19 =	simm.s32 $0x19908  }
0x129: {  	[hbm4b:s18+s3] =	stream.linear.scatter [tilespmem:s19], [sflag:$0x1], $0x80, $0x38;
	[tilespmem:$0x1C900] =	vst v63  }
0x12a: {  	s18 =	sadd.s32 $0x20, s14;
	s19 =	simm.s32 $0x19A10  }
0x12b: {  	[hbm4b:s18+s3] =	stream.linear.scatter [tilespmem:s19], [sflag:$0x1], $0x80, $0x38;
	[tilespmem:$0x1C900] =	vst v63  }
0x12c: {  	s18 =	sadd.s32 $0x30, s14;
	s19 =	simm.s32 $0x19B18  }
0x12d: {  	[hbm4b:s18+s3] =	stream.linear.scatter [tilespmem:s19], [sflag:$0x1], $0x80, $0x38;
	[tilespmem:$0x1C900] =	vst v63  }
0x12e: {  	s18 =	sadd.s32 $0x40, s14;
	s19 =	simm.s32 $0x19C20  }
0x12f: {  	[hbm4b:s18+s3] =	stream.linear.scatter [tilespmem:s19], [sflag:$0x1], $0x80, $0x38;
	[tilespmem:$0x1C900] =	vst v63  }
0x130: {  	s13 =	sadd.s32 s7, s13;
	s18 =	sadd.s32 $0x50, s14;
	s19 =	simm.s32 $0x19D28  }
0x131: {  	[hbm4b:s18+s3] =	stream.linear.scatter [tilespmem:s19], [sflag:$0x1], $0x80, $0x38;
	[tilespmem:$0x1C900] =	vst v63  }
0x132: {  	s13 =	sshll.u32 s13, $0x7;
	s16 =	sadd.s32 $0x60, s14;
	s18 =	simm.s32 $0x19E30  }
0x133: {  	[hbm4b:s16+s3] =	stream.linear.scatter [tilespmem:s18], [sflag:$0x1], $0x80, $0x38;
	[tilespmem:$0x1C900] =	vst v63  }
0x134: {  	s13 =	sand.u32 $0x1FFFFE00, s13;
	s14 =	sadd.s32 $0x70, s14;
	s19 =	simm.s32 $0x19F38  }
0x135: {  	[hbm4b:s14+s3] =	stream.linear.scatter [tilespmem:s19], [sflag:$0x1], $0x80, $0x38;
	[tilespmem:$0x1C900] =	vst v63  }
0x136: {  	s16 =	simm.s32 $0x19FC0;
	s14 =	sadd.s32 s2, s13  }
0x137: {  	[hbm4b:s14+s3] =	stream.linear.scatter [tilespmem:s16], [sflag:$0x1], $0x80, $0x38;
	[tilespmem:$0x1C900] =	vst v63  }
0x138: {  	s19 =	simm.s32 $0x1A0C8;
	s18 =	sadd.s32 $0x10, s14  }
0x139: {  	[hbm4b:s18+s3] =	stream.linear.scatter [tilespmem:s19], [sflag:$0x1], $0x80, $0x38;
	[tilespmem:$0x1C900] =	vst v63  }
0x13a: {  	s18 =	sadd.s32 $0x20, s14;
	s19 =	simm.s32 $0x1A1D0  }
0x13b: {  	[hbm4b:s18+s3] =	stream.linear.scatter [tilespmem:s19], [sflag:$0x1], $0x80, $0x38;
	[tilespmem:$0x1C900] =	vst v63  }
0x13c: {  	s18 =	sadd.s32 $0x30, s14;
	s19 =	simm.s32 $0x1A2D8  }
0x13d: {  	[hbm4b:s18+s3] =	stream.linear.scatter [tilespmem:s19], [sflag:$0x1], $0x80, $0x38;
	[tilespmem:$0x1C900] =	vst v63  }
0x13e: {  	s18 =	sadd.s32 $0x40, s14;
	s19 =	simm.s32 $0x1A3E0  }
0x13f: {  	[hbm4b:s18+s3] =	stream.linear.scatter [tilespmem:s19], [sflag:$0x1], $0x80, $0x38;
	[tilespmem:$0x1C900] =	vst v63  }
0x140: {  	s18 =	sadd.s32 $0x50, s14;
	s19 =	simm.s32 $0x1A4E8  }
0x141: {  	[hbm4b:s18+s3] =	stream.linear.scatter [tilespmem:s19], [sflag:$0x1], $0x80, $0x38;
	[tilespmem:$0x1C900] =	vst v63  }
0x142: {  	s16 =	sadd.s32 $0x60, s14;
	s18 =	simm.s32 $0x1A5F0  }
0x143: {  	[hbm4b:s16+s3] =	stream.linear.scatter [tilespmem:s18], [sflag:$0x1], $0x80, $0x38;
	[tilespmem:$0x1C900] =	vst v63  }
0x144: {  	s14 =	sadd.s32 $0x70, s14;
	s19 =	simm.s32 $0x1A6F8  }
0x145: {  	[hbm4b:s14+s3] =	stream.linear.scatter [tilespmem:s19], [sflag:$0x1], $0x80, $0x38;
	[tilespmem:$0x1C900] =	vst v63  }
0x146: {  	s13 =	sadd.s32 s13, s8;
	s16 =	simm.s32 $0x1A040  }
0x147: {  	[hbm4b:s13+s3] =	stream.linear.scatter [tilespmem:s16], [sflag:$0x1], $0x80, $0x38;
	[tilespmem:$0x1C900] =	vst v63  }
0x148: {  	s18 =	sadd.s32 $0x10, s13;
	s19 =	simm.s32 $0x1A148  }
0x149: {  	[hbm4b:s18+s3] =	stream.linear.scatter [tilespmem:s19], [sflag:$0x1], $0x80, $0x38;
	[tilespmem:$0x1C900] =	vst v63  }
0x14a: {  	s15 =	sadd.s32 $0x20, s13;
	s16 =	simm.s32 $0x1A250  }
0x14b: {  	[hbm4b:s15+s3] =	stream.linear.scatter [tilespmem:s16], [sflag:$0x1], $0x80, $0x38;
	[tilespmem:$0x1C900] =	vst v63  }
0x14c: {  	s18 =	sadd.s32 $0x30, s13;
	s19 =	simm.s32 $0x1A358  }
0x14d: {  	[hbm4b:s18+s3] =	stream.linear.scatter [tilespmem:s19], [sflag:$0x1], $0x80, $0x38;
	[tilespmem:$0x1C900] =	vst v63  }
0x14e: {  	s15 =	sadd.s32 $0x40, s13;
	s16 =	simm.s32 $0x1A460  }
0x14f: {  	[hbm4b:s15+s3] =	stream.linear.scatter [tilespmem:s16], [sflag:$0x1], $0x80, $0x38;
	[tilespmem:$0x1C900] =	vst v63  }
0x150: {  	s18 =	sadd.s32 $0x50, s13;
	s19 =	simm.s32 $0x1A568  }
0x151: {  	[hbm4b:s18+s3] =	stream.linear.scatter [tilespmem:s19], [sflag:$0x1], $0x80, $0x38;
	[tilespmem:$0x1C900] =	vst v63  }
0x152: {  	s16 =	sadd.s32 $0x60, s13;
	s18 =	simm.s32 $0x1A670  }
0x153: {  	[hbm4b:s16+s3] =	stream.linear.scatter [tilespmem:s18], [sflag:$0x1], $0x80, $0x38;
	[tilespmem:$0x1C900] =	vst v63  }
0x154: {  	s13 =	sadd.s32 $0x70, s13;
	s19 =	simm.s32 $0x1A778  }
0x155: {  	[hbm4b:s13+s3] =	stream.linear.scatter [tilespmem:s19], [sflag:$0x1], $0x80, $0x38;
	[tilespmem:$0x1C900] =	vst v63  }
0x156: {  	s13 =	simm.s32 @!p0 $0x2  }
0x157: {  	_ =	swait.ge @!p0 [sflag:s13], $0x400  }
0x158: {  	[sflag:s13] =	ssyncset.done @!p0 $0x0  }
0x159: {  	[sflag:s13] =	ssyncadd.s32 @!p0 $0xFFFFFC00  }
0x15a: {  	_ =	swait.ge @!p0 [sflag:s13], $0x400  }
0x15b: {  	[sflag:s13] =	ssyncset.done @!p0 $0x0  }
0x15c: {  	[sflag:s13] =	ssyncadd.s32 @!p0 $0xFFFFFC00  }
0x15d: {  	_ =	swait.ge @!p0 [sflag:s13], $0x400  }
0x15e: {  	[sflag:s13] =	ssyncset.done @!p0 $0x0  }
0x15f: {  	[sflag:s13] =	ssyncadd.s32 @!p0 $0xFFFFFC00  }
0x160: {  	_ =	swait.ge @!p0 [sflag:s13], $0x400  }
0x161: {  	[sflag:s13] =	ssyncset.done @!p0 $0x0  }
0x162: {  	[sflag:s13] =	ssyncadd.s32 @!p0 $0xFFFFFC00  }
0x163: {  	_ =	swait.ge @!p0 [sflag:s13], $0x400  }
0x164: {  	[sflag:s13] =	ssyncset.done @!p0 $0x0  }
0x165: {  	[sflag:s13] =	ssyncadd.s32 @!p0 $0xFFFFFC00  }
0x166: {  	_ =	swait.ge @!p0 [sflag:s13], $0x400  }
0x167: {  	[sflag:s13] =	ssyncset.done @!p0 $0x0  }
0x168: {  	[sflag:s13] =	ssyncadd.s32 @!p0 $0xFFFFFC00  }
0x169: {  	_ =	swait.ge @!p0 [sflag:s13], $0x400  }
0x16a: {  	[sflag:s13] =	ssyncset.done @!p0 $0x0  }
0x16b: {  	[sflag:s13] =	ssyncadd.s32 @!p0 $0xFFFFFC00  }
0x16c: {  	_ =	swait.ge @!p0 [sflag:s13], $0x400  }
0x16d: {  	s14 =	sshllo.u32 s9, $0x1;
	s15 =	simm.s32 $0xFFFFFFFE;
	[sflag:s13] =	ssyncset.done @!p0 $0x0  }
0x16e: {  	s16 =	simm.s32 $0x10;
	[sflag:s13] =	ssyncadd.s32 @!p0 $0xFFFFFC00;
	s13 =	smov.u32 s17  }
.LBB2_6:
0x16f: {  	v33 =	vld [tilespmem:s13+$0xFFFFFFF0];
	_ =	sdelay $0x4  }
0x170: {  	v33 =	vadd.s32 v32, v33  }
0x171: {  	v33 =	vshll.u32 v33, $0x5  }
0x172: {  	(v2sf) =	vpush v33, $0x0;
	_ =	sdelay $0x1  }
0x173: {  	(v2sf) =	vpush v33, $0x1;
	_ =	sdelay $0x1  }
0x174: {  	(v2sf) =	vpush v33, $0x2;
	_ =	sdelay $0x1  }
0x175: {  	(v2sf) =	vpush v33, $0x3;
	_ =	sdelay $0x1  }
0x176: {  	(v2sf) =	vpush v33, $0x4;
	_ =	sdelay $0x1  }
0x177: {  	(v2sf) =	vpush v33, $0x5;
	_ =	sdelay $0x1  }
0x178: {  	(v2sf) =	vpush v33, $0x6;
	_ =	sdelay $0x1  }
0x179: {  	(v2sf) =	vpush v33, $0x7  }
0x17a: {  	s18 =	spop (v2sf)  }
0x17b: {  	v34 =	vld [tilespmem:s18+$0x0]  }
0x17c: {  	v35 =	vld [tilespmem:s18+$0x10];
	s19 =	spop (v2sf)  }
0x17d: {  	v36 =	vld [tilespmem:s19+$0x0]  }
0x17e: {  	v37 =	vld [tilespmem:s19+$0x10];
	s19 =	spop (v2sf)  }
0x17f: {  	v38 =	vld [tilespmem:s19+$0x0]  }
0x180: {  	v39 =	vld [tilespmem:s19+$0x10];
	s19 =	spop (v2sf)  }
0x181: {  	v40 =	vld [tilespmem:s19+$0x0]  }
0x182: {  	v41 =	vld [tilespmem:s19+$0x10];
	s19 =	spop (v2sf)  }
0x183: {  	v42 =	vld [tilespmem:s19+$0x0]  }
0x184: {  	s18 =	sadd.s32 $0xFFFFFFF0, s16;
	v43 =	vld [tilespmem:s19+$0x10];
	s19 =	spop (v2sf)  }
0x185: {  	v46 =	vadd.s32 s18, v0;
	v44 =	vld [tilespmem:s19+$0x0]  }
0x186: {  	v48 =	vadd.s32 s18, v1;
	v45 =	vld [tilespmem:s19+$0x10];
	s19 =	spop (v2sf)  }
0x187: {  	v50 =	vadd.s32 s18, v2;
	v47 =	vld [tilespmem:s19+$0x0]  }
0x188: {  	v52 =	vadd.s32 s18, v3;
	v49 =	vld [tilespmem:s19+$0x10];
	s19 =	spop (v2sf)  }
0x189: {  	v54 =	vadd.s32 s18, v4;
	v51 =	vld [tilespmem:s19+$0x0]  }
0x18a: {  	(v2sf) =	vpush v33, $0x8;
	v61 =	vadd.s32 s18, v5;
	v53 =	vld [tilespmem:s19+$0x10];
	[tilespmem:v46+s22+$0x0] =	vst.idx.msk $0xffff, v34  }
0x18b: {  	v62 =	vadd.s32 s18, v6;
	[tilespmem:v48+s22+$0x0] =	vst.idx.msk $0xffff, v35  }
0x18c: {  	(v2sf) =	vpush v33, $0x9;
	v63 =	vadd.s32 s18, v7;
	[tilespmem:v50+s22+$0x0] =	vst.idx.msk $0xffff, v36  }
0x18d: {  	v46 =	vadd.s32 s18, v8;
	[tilespmem:v52+s22+$0x0] =	vst.idx.msk $0xffff, v37  }
0x18e: {  	(v2sf) =	vpush v33, $0xA;
	v48 =	vadd.s32 s18, v9;
	[tilespmem:v54+s22+$0x0] =	vst.idx.msk $0xffff, v38  }
0x18f: {  	v50 =	vadd.s32 s18, v10;
	[tilespmem:v61+s22+$0x0] =	vst.idx.msk $0xffff, v39  }
0x190: {  	(v2sf) =	vpush v33, $0xB;
	v52 =	vadd.s32 s18, v11;
	[tilespmem:v62+s22+$0x0] =	vst.idx.msk $0xffff, v40  }
0x191: {  	v54 =	vadd.s32 s18, v12;
	[tilespmem:v63+s22+$0x0] =	vst.idx.msk $0xffff, v41  }
0x192: {  	v55 =	vadd.s32 s18, v13;
	(v2sf) =	vpush v33, $0xC;
	[tilespmem:v46+s22+$0x0] =	vst.idx.msk $0xffff, v42  }
0x193: {  	v56 =	vadd.s32 s18, v14;
	[tilespmem:v48+s22+$0x0] =	vst.idx.msk $0xffff, v43  }
0x194: {  	v57 =	vadd.s32 s18, v15;
	(v2sf) =	vpush v33, $0xD;
	[tilespmem:v50+s22+$0x0] =	vst.idx.msk $0xffff, v44  }
0x195: {  	[tilespmem:v52+s22+$0x0] =	vst.idx.msk $0xffff, v45  }
0x196: {  	(v2sf) =	vpush v33, $0xE;
	[tilespmem:v54+s22+$0x0] =	vst.idx.msk $0xffff, v47  }
0x197: {  	[tilespmem:v55+s22+$0x0] =	vst.idx.msk $0xffff, v49  }
0x198: {  	(v2sf) =	vpush v33, $0xF;
	[tilespmem:v56+s22+$0x0] =	vst.idx.msk $0xffff, v51  }
0x199: {  	s19 =	spop (v2sf);
	[tilespmem:v57+s22+$0x0] =	vst.idx.msk $0xffff, v53  }
0x19a: {  	v58 =	vld [tilespmem:s19+$0x0]  }
0x19b: {  	v34 =	vld [tilespmem:s19+$0x10];
	s19 =	spop (v2sf)  }
0x19c: {  	v35 =	vld [tilespmem:s19+$0x0]  }
0x19d: {  	v36 =	vld [tilespmem:s19+$0x10];
	s19 =	spop (v2sf)  }
0x19e: {  	v37 =	vld [tilespmem:s19+$0x0]  }
0x19f: {  	v38 =	vld [tilespmem:s19+$0x10];
	s19 =	spop (v2sf)  }
0x1a0: {  	v39 =	vld [tilespmem:s19+$0x0]  }
0x1a1: {  	v40 =	vld [tilespmem:s19+$0x10];
	s19 =	spop (v2sf)  }
0x1a2: {  	v41 =	vld [tilespmem:s19+$0x0]  }
0x1a3: {  	v42 =	vld [tilespmem:s19+$0x10];
	s19 =	spop (v2sf)  }
0x1a4: {  	v59 =	vadd.s32 s18, v16;
	v43 =	vld [tilespmem:s19+$0x0]  }
0x1a5: {  	v60 =	vadd.s32 s18, v17;
	v44 =	vld [tilespmem:s19+$0x10];
	s19 =	spop (v2sf)  }
0x1a6: {  	v61 =	vadd.s32 s18, v18;
	v46 =	vld [tilespmem:s19+$0x0]  }
0x1a7: {  	v62 =	vadd.s32 s18, v19;
	v48 =	vld [tilespmem:s19+$0x10];
	s19 =	spop (v2sf)  }
0x1a8: {  	v63 =	vadd.s32 s18, v20;
	v50 =	vld [tilespmem:s19+$0x0]  }
0x1a9: {  	v45 =	vadd.s32 s18, v21;
	v52 =	vld [tilespmem:s19+$0x10];
	[tilespmem:v59+s22+$0x0] =	vst.idx.msk $0xffff, v58  }
0x1aa: {  	v47 =	vadd.s32 s18, v22;
	[tilespmem:v60+s22+$0x0] =	vst.idx.msk $0xffff, v34  }
0x1ab: {  	v54 =	vadd.s32 s18, v23;
	[tilespmem:v61+s22+$0x0] =	vst.idx.msk $0xffff, v35  }
0x1ac: {  	v55 =	vadd.s32 s18, v24;
	[tilespmem:v62+s22+$0x0] =	vst.idx.msk $0xffff, v36  }
0x1ad: {  	v56 =	vadd.s32 s18, v25;
	[tilespmem:v63+s22+$0x0] =	vst.idx.msk $0xffff, v37  }
0x1ae: {  	v57 =	vadd.s32 s18, v26;
	[tilespmem:v45+s22+$0x0] =	vst.idx.msk $0xffff, v38  }
0x1af: {  	v58 =	vadd.s32 s18, v27;
	[tilespmem:v47+s22+$0x0] =	vst.idx.msk $0xffff, v39  }
0x1b0: {  	v59 =	vadd.s32 s18, v28;
	[tilespmem:v54+s22+$0x0] =	vst.idx.msk $0xffff, v40  }
0x1b1: {  	v60 =	vadd.s32 s18, v29;
	[tilespmem:v55+s22+$0x0] =	vst.idx.msk $0xffff, v41  }
0x1b2: {  	v61 =	vadd.s32 s18, v30;
	[tilespmem:v56+s22+$0x0] =	vst.idx.msk $0xffff, v42  }
0x1b3: {  	v62 =	vadd.s32 s18, v31;
	[tilespmem:v57+s22+$0x0] =	vst.idx.msk $0xffff, v43  }
0x1b4: {  	[tilespmem:v58+s22+$0x0] =	vst.idx.msk $0xffff, v44  }
0x1b5: {  	[tilespmem:v59+s22+$0x0] =	vst.idx.msk $0xffff, v46  }
0x1b6: {  	[tilespmem:v60+s22+$0x0] =	vst.idx.msk $0xffff, v48  }
0x1b7: {  	[tilespmem:v61+s22+$0x0] =	vst.idx.msk $0xffff, v50  }
0x1b8: {  	[tilespmem:v62+s22+$0x0] =	vst.idx.msk $0xffff, v52  }
0x1b9: {  	v33 =	vld [tilespmem:s13+$0x0];
	_ =	sdelay $0x4  }
0x1ba: {  	v33 =	vadd.s32 v32, v33  }
0x1bb: {  	v33 =	vshll.u32 v33, $0x5  }
0x1bc: {  	(v2sf) =	vpush v33, $0x0;
	_ =	sdelay $0x1  }
0x1bd: {  	(v2sf) =	vpush v33, $0x1;
	_ =	sdelay $0x1  }
0x1be: {  	(v2sf) =	vpush v33, $0x2;
	_ =	sdelay $0x1  }
0x1bf: {  	(v2sf) =	vpush v33, $0x3;
	_ =	sdelay $0x1  }
0x1c0: {  	(v2sf) =	vpush v33, $0x4;
	_ =	sdelay $0x1  }
0x1c1: {  	(v2sf) =	vpush v33, $0x5;
	_ =	sdelay $0x1  }
0x1c2: {  	(v2sf) =	vpush v33, $0x6;
	_ =	sdelay $0x1  }
0x1c3: {  	(v2sf) =	vpush v33, $0x7  }
0x1c4: {  	s19 =	spop (v2sf)  }
0x1c5: {  	v34 =	vld [tilespmem:s19+$0x0]  }
0x1c6: {  	v35 =	vld [tilespmem:s19+$0x10];
	s19 =	spop (v2sf)  }
0x1c7: {  	v36 =	vld [tilespmem:s19+$0x0]  }
0x1c8: {  	v37 =	vld [tilespmem:s19+$0x10];
	s19 =	spop (v2sf)  }
0x1c9: {  	v38 =	vld [tilespmem:s19+$0x0]  }
0x1ca: {  	v39 =	vld [tilespmem:s19+$0x10];
	s19 =	spop (v2sf)  }
0x1cb: {  	v40 =	vld [tilespmem:s19+$0x0]  }
0x1cc: {  	v41 =	vld [tilespmem:s19+$0x10];
	s19 =	spop (v2sf)  }
0x1cd: {  	v42 =	vld [tilespmem:s19+$0x0]  }
0x1ce: {  	v43 =	vld [tilespmem:s19+$0x10];
	s19 =	spop (v2sf)  }
0x1cf: {  	v63 =	vadd.s32 s16, v0;
	v44 =	vld [tilespmem:s19+$0x0]  }
0x1d0: {  	v57 =	vadd.s32 s16, v1;
	v45 =	vld [tilespmem:s19+$0x10];
	s19 =	spop (v2sf)  }
0x1d1: {  	v58 =	vadd.s32 s16, v2;
	v47 =	vld [tilespmem:s19+$0x0]  }
0x1d2: {  	v59 =	vadd.s32 s16, v3;
	v49 =	vld [tilespmem:s19+$0x10];
	s19 =	spop (v2sf)  }
0x1d3: {  	v60 =	vadd.s32 s16, v4;
	v51 =	vld [tilespmem:s19+$0x0]  }
0x1d4: {  	v61 =	vadd.s32 s16, v5;
	(v2sf) =	vpush v33, $0x8;
	v53 =	vld [tilespmem:s19+$0x10];
	[tilespmem:v63+s22+$0x0] =	vst.idx.msk $0xffff, v34  }
0x1d5: {  	v62 =	vadd.s32 s16, v6;
	[tilespmem:v57+s22+$0x0] =	vst.idx.msk $0xffff, v35  }
0x1d6: {  	(v2sf) =	vpush v33, $0x9;
	v63 =	vadd.s32 s16, v7;
	[tilespmem:v58+s22+$0x0] =	vst.idx.msk $0xffff, v36  }
0x1d7: {  	v46 =	vadd.s32 s16, v8;
	[tilespmem:v59+s22+$0x0] =	vst.idx.msk $0xffff, v37  }
0x1d8: {  	v48 =	vadd.s32 s16, v9;
	(v2sf) =	vpush v33, $0xA;
	[tilespmem:v60+s22+$0x0] =	vst.idx.msk $0xffff, v38  }
0x1d9: {  	v50 =	vadd.s32 s16, v10;
	[tilespmem:v61+s22+$0x0] =	vst.idx.msk $0xffff, v39  }
0x1da: {  	v52 =	vadd.s32 s16, v11;
	(v2sf) =	vpush v33, $0xB;
	[tilespmem:v62+s22+$0x0] =	vst.idx.msk $0xffff, v40  }
0x1db: {  	v54 =	vadd.s32 s16, v12;
	[tilespmem:v63+s22+$0x0] =	vst.idx.msk $0xffff, v41  }
0x1dc: {  	v55 =	vadd.s32 s16, v13;
	(v2sf) =	vpush v33, $0xC;
	[tilespmem:v46+s22+$0x0] =	vst.idx.msk $0xffff, v42  }
0x1dd: {  	v56 =	vadd.s32 s16, v14;
	[tilespmem:v48+s22+$0x0] =	vst.idx.msk $0xffff, v43  }
0x1de: {  	(v2sf) =	vpush v33, $0xD;
	v57 =	vadd.s32 s16, v15;
	[tilespmem:v50+s22+$0x0] =	vst.idx.msk $0xffff, v44  }
0x1df: {  	[tilespmem:v52+s22+$0x0] =	vst.idx.msk $0xffff, v45  }
0x1e0: {  	(v2sf) =	vpush v33, $0xE;
	[tilespmem:v54+s22+$0x0] =	vst.idx.msk $0xffff, v47  }
0x1e1: {  	[tilespmem:v55+s22+$0x0] =	vst.idx.msk $0xffff, v49  }
0x1e2: {  	(v2sf) =	vpush v33, $0xF;
	[tilespmem:v56+s22+$0x0] =	vst.idx.msk $0xffff, v51  }
0x1e3: {  	s18 =	spop (v2sf);
	[tilespmem:v57+s22+$0x0] =	vst.idx.msk $0xffff, v53  }
0x1e4: {  	v58 =	vld [tilespmem:s18+$0x0]  }
0x1e5: {  	s19 =	spop (v2sf);
	v34 =	vld [tilespmem:s18+$0x10]  }
0x1e6: {  	v35 =	vld [tilespmem:s19+$0x0]  }
0x1e7: {  	s18 =	spop (v2sf);
	v36 =	vld [tilespmem:s19+$0x10]  }
0x1e8: {  	v37 =	vld [tilespmem:s18+$0x0]  }
0x1e9: {  	s19 =	spop (v2sf);
	v38 =	vld [tilespmem:s18+$0x10]  }
0x1ea: {  	v39 =	vld [tilespmem:s19+$0x0]  }
0x1eb: {  	s18 =	spop (v2sf);
	v40 =	vld [tilespmem:s19+$0x10]  }
0x1ec: {  	v41 =	vld [tilespmem:s18+$0x0]  }
0x1ed: {  	s19 =	spop (v2sf);
	v42 =	vld [tilespmem:s18+$0x10]  }
0x1ee: {  	v59 =	vadd.s32 s16, v16;
	v43 =	vld [tilespmem:s19+$0x0]  }
0x1ef: {  	v60 =	vadd.s32 s16, v17;
	s18 =	spop (v2sf);
	v44 =	vld [tilespmem:s19+$0x10]  }
0x1f0: {  	v61 =	vadd.s32 s16, v18;
	v46 =	vld [tilespmem:s18+$0x0]  }
0x1f1: {  	v62 =	vadd.s32 s16, v19;
	v48 =	vld [tilespmem:s18+$0x10];
	s19 =	spop (v2sf)  }
0x1f2: {  	v63 =	vadd.s32 s16, v20;
	v50 =	vld [tilespmem:s19+$0x0]  }
0x1f3: {  	v45 =	vadd.s32 s16, v21;
	v52 =	vld [tilespmem:s19+$0x10];
	[tilespmem:v59+s22+$0x0] =	vst.idx.msk $0xffff, v58  }
0x1f4: {  	v54 =	vadd.s32 s16, v22;
	[tilespmem:v60+s22+$0x0] =	vst.idx.msk $0xffff, v34  }
0x1f5: {  	v55 =	vadd.s32 s16, v23;
	[tilespmem:v61+s22+$0x0] =	vst.idx.msk $0xffff, v35  }
0x1f6: {  	v56 =	vadd.s32 s16, v24;
	[tilespmem:v62+s22+$0x0] =	vst.idx.msk $0xffff, v36  }
0x1f7: {  	v57 =	vadd.s32 s16, v25;
	[tilespmem:v63+s22+$0x0] =	vst.idx.msk $0xffff, v37  }
0x1f8: {  	v58 =	vadd.s32 s16, v26;
	[tilespmem:v45+s22+$0x0] =	vst.idx.msk $0xffff, v38  }
0x1f9: {  	v59 =	vadd.s32 s16, v27;
	[tilespmem:v54+s22+$0x0] =	vst.idx.msk $0xffff, v39  }
0x1fa: {  	v60 =	vadd.s32 s16, v28;
	[tilespmem:v55+s22+$0x0] =	vst.idx.msk $0xffff, v40  }
0x1fb: {  	v61 =	vadd.s32 s16, v29;
	[tilespmem:v56+s22+$0x0] =	vst.idx.msk $0xffff, v41  }
0x1fc: {  	s15 =	sadd.s32 $0x2, s15;
	v62 =	vadd.s32 s16, v30;
	[tilespmem:v57+s22+$0x0] =	vst.idx.msk $0xffff, v42  }
0x1fd: {  	p0 =	slt.u32 s15, $0xE;
	v63 =	vadd.s32 s16, v31;
	[tilespmem:v58+s22+$0x0] =	vst.idx.msk $0xffff, v43  }
.Ltmp1:
0x1fe: {  	[tilespmem:v59+s22+$0x0] =	vst.idx.msk $0xffff, v44;
	(pc) =	sbr.rel @p0 .LBB2_6-.Ltmp1, $4  }
0x1ff: {  	[tilespmem:v60+s22+$0x0] =	vst.idx.msk $0xffff, v46  }
0x200: {  	[tilespmem:v61+s22+$0x0] =	vst.idx.msk $0xffff, v48  }
0x201: {  	[tilespmem:v62+s22+$0x0] =	vst.idx.msk $0xffff, v50  }
0x202: {  	s13 =	sadd.s32 $0x20, s13;
	s16 =	sadd.s32 $0x20, s16;
	[tilespmem:v63+s22+$0x0] =	vst.idx.msk $0xffff, v52  }
0x203: {  	s13 =	sshll.u32 s14, $0x1  }
0x204: {  	s14 =	sadd.s32 s5, s13  }
0x205: {  	s14 =	sshll.u32 s14, $0x7  }
0x206: {  	s14 =	sand.u32 $0x1FFFFF00, s14  }
0x207: {  	s15 =	sadd.s32 s2, s14  }
0x208: {  	[hbm4b:s15+s3] =	stream.linear.scatter [tilespmem:s22], [sflag:$0x2], $0x80, $0x38;
	[tilespmem:$0x1C900] =	vst v63  }
0x209: {  	s18 =	simm.s32 $0x1A908;
	s16 =	sadd.s32 $0x10, s15  }
0x20a: {  	[hbm4b:s16+s3] =	stream.linear.scatter [tilespmem:s18], [sflag:$0x2], $0x80, $0x38;
	[tilespmem:$0x1C900] =	vst v63  }
0x20b: {  	s19 =	simm.s32 $0x1AA10;
	s18 =	sadd.s32 $0x20, s15  }
0x20c: {  	[hbm4b:s18+s3] =	stream.linear.scatter [tilespmem:s19], [sflag:$0x2], $0x80, $0x38;
	[tilespmem:$0x1C900] =	vst v63  }
0x20d: {  	s18 =	sadd.s32 $0x30, s15;
	s19 =	simm.s32 $0x1AB18  }
0x20e: {  	[hbm4b:s18+s3] =	stream.linear.scatter [tilespmem:s19], [sflag:$0x2], $0x80, $0x38;
	[tilespmem:$0x1C900] =	vst v63  }
0x20f: {  	s18 =	sadd.s32 $0x40, s15;
	s19 =	simm.s32 $0x1AC20  }
0x210: {  	[hbm4b:s18+s3] =	stream.linear.scatter [tilespmem:s19], [sflag:$0x2], $0x80, $0x38;
	[tilespmem:$0x1C900] =	vst v63  }
0x211: {  	s18 =	sadd.s32 $0x50, s15;
	s19 =	simm.s32 $0x1AD28  }
0x212: {  	[hbm4b:s18+s3] =	stream.linear.scatter [tilespmem:s19], [sflag:$0x2], $0x80, $0x38;
	[tilespmem:$0x1C900] =	vst v63  }
0x213: {  	s18 =	sadd.s32 $0x60, s15;
	s19 =	simm.s32 $0x1AE30  }
0x214: {  	[hbm4b:s18+s3] =	stream.linear.scatter [tilespmem:s19], [sflag:$0x2], $0x80, $0x38;
	[tilespmem:$0x1C900] =	vst v63  }
0x215: {  	s15 =	sadd.s32 $0x70, s15;
	s19 =	simm.s32 $0x1AF38  }
0x216: {  	[hbm4b:s15+s3] =	stream.linear.scatter [tilespmem:s19], [sflag:$0x2], $0x80, $0x38;
	[tilespmem:$0x1C900] =	vst v63  }
0x217: {  	s14 =	sadd.s32 s14, s8;
	s16 =	simm.s32 $0x1A880  }
0x218: {  	[hbm4b:s14+s3] =	stream.linear.scatter [tilespmem:s16], [sflag:$0x2], $0x80, $0x38;
	[tilespmem:$0x1C900] =	vst v63  }
0x219: {  	s18 =	sadd.s32 $0x10, s14;
	s19 =	simm.s32 $0x1A988  }
0x21a: {  	[hbm4b:s18+s3] =	stream.linear.scatter [tilespmem:s19], [sflag:$0x2], $0x80, $0x38;
	[tilespmem:$0x1C900] =	vst v63  }
0x21b: {  	s18 =	sadd.s32 $0x20, s14;
	s19 =	simm.s32 $0x1AA90  }
0x21c: {  	[hbm4b:s18+s3] =	stream.linear.scatter [tilespmem:s19], [sflag:$0x2], $0x80, $0x38;
	[tilespmem:$0x1C900] =	vst v63  }
0x21d: {  	s18 =	sadd.s32 $0x30, s14;
	s19 =	simm.s32 $0x1AB98  }
0x21e: {  	[hbm4b:s18+s3] =	stream.linear.scatter [tilespmem:s19], [sflag:$0x2], $0x80, $0x38;
	[tilespmem:$0x1C900] =	vst v63  }
0x21f: {  	s18 =	sadd.s32 $0x40, s14;
	s19 =	simm.s32 $0x1ACA0  }
0x220: {  	[hbm4b:s18+s3] =	stream.linear.scatter [tilespmem:s19], [sflag:$0x2], $0x80, $0x38;
	[tilespmem:$0x1C900] =	vst v63  }
0x221: {  	s18 =	sadd.s32 $0x50, s14;
	s19 =	simm.s32 $0x1ADA8  }
0x222: {  	[hbm4b:s18+s3] =	stream.linear.scatter [tilespmem:s19], [sflag:$0x2], $0x80, $0x38;
	[tilespmem:$0x1C900] =	vst v63  }
0x223: {  	s18 =	sadd.s32 $0x60, s14;
	s19 =	simm.s32 $0x1AEB0  }
0x224: {  	[hbm4b:s18+s3] =	stream.linear.scatter [tilespmem:s19], [sflag:$0x2], $0x80, $0x38;
	[tilespmem:$0x1C900] =	vst v63  }
0x225: {  	s16 =	simm.s32 $0x1AFB8;
	s14 =	sadd.s32 $0x70, s14;
	s18 =	sadd.s32 s11, s13  }
0x226: {  	[hbm4b:s14+s3] =	stream.linear.scatter [tilespmem:s16], [sflag:$0x2], $0x80, $0x38;
	[tilespmem:$0x1C900] =	vst v63  }
0x227: {  	s14 =	sshll.u32 s18, $0x7  }
0x228: {  	s14 =	sand.u32 $0x1FFFFF00, s14  }
0x229: {  	s19 =	simm.s32 $0x1B040;
	s15 =	sadd.s32 s2, s14  }
0x22a: {  	[hbm4b:s15+s3] =	stream.linear.scatter [tilespmem:s19], [sflag:$0x2], $0x80, $0x38;
	[tilespmem:$0x1C900] =	vst v63  }
0x22b: {  	s18 =	sadd.s32 $0x10, s15;
	s19 =	simm.s32 $0x1B148  }
0x22c: {  	[hbm4b:s18+s3] =	stream.linear.scatter [tilespmem:s19], [sflag:$0x2], $0x80, $0x38;
	[tilespmem:$0x1C900] =	vst v63  }
0x22d: {  	s18 =	sadd.s32 $0x20, s15;
	s19 =	simm.s32 $0x1B250  }
0x22e: {  	[hbm4b:s18+s3] =	stream.linear.scatter [tilespmem:s19], [sflag:$0x2], $0x80, $0x38;
	[tilespmem:$0x1C900] =	vst v63  }
0x22f: {  	s18 =	sadd.s32 $0x30, s15;
	s19 =	simm.s32 $0x1B358  }
0x230: {  	[hbm4b:s18+s3] =	stream.linear.scatter [tilespmem:s19], [sflag:$0x2], $0x80, $0x38;
	[tilespmem:$0x1C900] =	vst v63  }
0x231: {  	s18 =	sadd.s32 $0x40, s15;
	s19 =	simm.s32 $0x1B460  }
0x232: {  	[hbm4b:s18+s3] =	stream.linear.scatter [tilespmem:s19], [sflag:$0x2], $0x80, $0x38;
	[tilespmem:$0x1C900] =	vst v63  }
0x233: {  	s18 =	sadd.s32 $0x50, s15;
	s19 =	simm.s32 $0x1B568  }
0x234: {  	[hbm4b:s18+s3] =	stream.linear.scatter [tilespmem:s19], [sflag:$0x2], $0x80, $0x38;
	[tilespmem:$0x1C900] =	vst v63  }
0x235: {  	s18 =	sadd.s32 $0x60, s15;
	s19 =	simm.s32 $0x1B670  }
0x236: {  	[hbm4b:s18+s3] =	stream.linear.scatter [tilespmem:s19], [sflag:$0x2], $0x80, $0x38;
	[tilespmem:$0x1C900] =	vst v63  }
0x237: {  	s15 =	sadd.s32 $0x70, s15;
	s19 =	simm.s32 $0x1B778  }
0x238: {  	[hbm4b:s15+s3] =	stream.linear.scatter [tilespmem:s19], [sflag:$0x2], $0x80, $0x38;
	[tilespmem:$0x1C900] =	vst v63  }
0x239: {  	s16 =	simm.s32 $0x1B0C0;
	s14 =	sadd.s32 s14, s8  }
0x23a: {  	[hbm4b:s14+s3] =	stream.linear.scatter [tilespmem:s16], [sflag:$0x2], $0x80, $0x38;
	[tilespmem:$0x1C900] =	vst v63  }
0x23b: {  	s18 =	sadd.s32 $0x10, s14;
	s19 =	simm.s32 $0x1B1C8  }
0x23c: {  	[hbm4b:s18+s3] =	stream.linear.scatter [tilespmem:s19], [sflag:$0x2], $0x80, $0x38;
	[tilespmem:$0x1C900] =	vst v63  }
0x23d: {  	s18 =	sadd.s32 $0x20, s14;
	s19 =	simm.s32 $0x1B2D0  }
0x23e: {  	[hbm4b:s18+s3] =	stream.linear.scatter [tilespmem:s19], [sflag:$0x2], $0x80, $0x38;
	[tilespmem:$0x1C900] =	vst v63  }
0x23f: {  	s18 =	sadd.s32 $0x30, s14;
	s19 =	simm.s32 $0x1B3D8  }
0x240: {  	[hbm4b:s18+s3] =	stream.linear.scatter [tilespmem:s19], [sflag:$0x2], $0x80, $0x38;
	[tilespmem:$0x1C900] =	vst v63  }
0x241: {  	s18 =	sadd.s32 $0x40, s14;
	s19 =	simm.s32 $0x1B4E0  }
0x242: {  	[hbm4b:s18+s3] =	stream.linear.scatter [tilespmem:s19], [sflag:$0x2], $0x80, $0x38;
	[tilespmem:$0x1C900] =	vst v63  }
0x243: {  	s18 =	sadd.s32 $0x50, s14;
	s19 =	simm.s32 $0x1B5E8  }
0x244: {  	[hbm4b:s18+s3] =	stream.linear.scatter [tilespmem:s19], [sflag:$0x2], $0x80, $0x38;
	[tilespmem:$0x1C900] =	vst v63  }
0x245: {  	s18 =	sadd.s32 $0x60, s14;
	s19 =	simm.s32 $0x1B6F0  }
0x246: {  	[hbm4b:s18+s3] =	stream.linear.scatter [tilespmem:s19], [sflag:$0x2], $0x80, $0x38;
	[tilespmem:$0x1C900] =	vst v63  }
0x247: {  	s16 =	simm.s32 $0x1B7F8;
	s14 =	sadd.s32 $0x70, s14;
	s18 =	sadd.s32 s4, s13  }
0x248: {  	[hbm4b:s14+s3] =	stream.linear.scatter [tilespmem:s16], [sflag:$0x2], $0x80, $0x38;
	[tilespmem:$0x1C900] =	vst v63  }
0x249: {  	s14 =	sshll.u32 s18, $0x7  }
0x24a: {  	s14 =	sand.u32 $0x1FFFFF00, s14  }
0x24b: {  	s19 =	simm.s32 $0x1B880;
	s15 =	sadd.s32 s2, s14  }
0x24c: {  	[hbm4b:s15+s3] =	stream.linear.scatter [tilespmem:s19], [sflag:$0x2], $0x80, $0x38;
	[tilespmem:$0x1C900] =	vst v63  }
0x24d: {  	s18 =	sadd.s32 $0x10, s15;
	s19 =	simm.s32 $0x1B988  }
0x24e: {  	[hbm4b:s18+s3] =	stream.linear.scatter [tilespmem:s19], [sflag:$0x2], $0x80, $0x38;
	[tilespmem:$0x1C900] =	vst v63  }
0x24f: {  	s18 =	sadd.s32 $0x20, s15;
	s19 =	simm.s32 $0x1BA90  }
0x250: {  	[hbm4b:s18+s3] =	stream.linear.scatter [tilespmem:s19], [sflag:$0x2], $0x80, $0x38;
	[tilespmem:$0x1C900] =	vst v63  }
0x251: {  	s18 =	sadd.s32 $0x30, s15;
	s19 =	simm.s32 $0x1BB98  }
0x252: {  	[hbm4b:s18+s3] =	stream.linear.scatter [tilespmem:s19], [sflag:$0x2], $0x80, $0x38;
	[tilespmem:$0x1C900] =	vst v63  }
0x253: {  	s18 =	sadd.s32 $0x40, s15;
	s19 =	simm.s32 $0x1BCA0  }
0x254: {  	[hbm4b:s18+s3] =	stream.linear.scatter [tilespmem:s19], [sflag:$0x2], $0x80, $0x38;
	[tilespmem:$0x1C900] =	vst v63  }
0x255: {  	s18 =	sadd.s32 $0x50, s15;
	s19 =	simm.s32 $0x1BDA8  }
0x256: {  	[hbm4b:s18+s3] =	stream.linear.scatter [tilespmem:s19], [sflag:$0x2], $0x80, $0x38;
	[tilespmem:$0x1C900] =	vst v63  }
0x257: {  	s18 =	sadd.s32 $0x60, s15;
	s19 =	simm.s32 $0x1BEB0  }
0x258: {  	[hbm4b:s18+s3] =	stream.linear.scatter [tilespmem:s19], [sflag:$0x2], $0x80, $0x38;
	[tilespmem:$0x1C900] =	vst v63  }
0x259: {  	s15 =	sadd.s32 $0x70, s15;
	s19 =	simm.s32 $0x1BFB8  }
0x25a: {  	[hbm4b:s15+s3] =	stream.linear.scatter [tilespmem:s19], [sflag:$0x2], $0x80, $0x38;
	[tilespmem:$0x1C900] =	vst v63  }
0x25b: {  	s16 =	simm.s32 $0x1B900;
	s14 =	sadd.s32 s14, s8  }
0x25c: {  	[hbm4b:s14+s3] =	stream.linear.scatter [tilespmem:s16], [sflag:$0x2], $0x80, $0x38;
	[tilespmem:$0x1C900] =	vst v63  }
0x25d: {  	s18 =	sadd.s32 $0x10, s14;
	s19 =	simm.s32 $0x1BA08  }
0x25e: {  	[hbm4b:s18+s3] =	stream.linear.scatter [tilespmem:s19], [sflag:$0x2], $0x80, $0x38;
	[tilespmem:$0x1C900] =	vst v63  }
0x25f: {  	s18 =	sadd.s32 $0x20, s14;
	s19 =	simm.s32 $0x1BB10  }
0x260: {  	[hbm4b:s18+s3] =	stream.linear.scatter [tilespmem:s19], [sflag:$0x2], $0x80, $0x38;
	[tilespmem:$0x1C900] =	vst v63  }
0x261: {  	s18 =	sadd.s32 $0x30, s14;
	s19 =	simm.s32 $0x1BC18  }
0x262: {  	[hbm4b:s18+s3] =	stream.linear.scatter [tilespmem:s19], [sflag:$0x2], $0x80, $0x38;
	[tilespmem:$0x1C900] =	vst v63  }
0x263: {  	s18 =	sadd.s32 $0x40, s14;
	s19 =	simm.s32 $0x1BD20  }
0x264: {  	[hbm4b:s18+s3] =	stream.linear.scatter [tilespmem:s19], [sflag:$0x2], $0x80, $0x38;
	[tilespmem:$0x1C900] =	vst v63  }
0x265: {  	s13 =	sadd.s32 s7, s13;
	s18 =	sadd.s32 $0x50, s14;
	s19 =	simm.s32 $0x1BE28  }
0x266: {  	[hbm4b:s18+s3] =	stream.linear.scatter [tilespmem:s19], [sflag:$0x2], $0x80, $0x38;
	[tilespmem:$0x1C900] =	vst v63  }
0x267: {  	s13 =	sshll.u32 s13, $0x7;
	s16 =	sadd.s32 $0x60, s14;
	s18 =	simm.s32 $0x1BF30  }
0x268: {  	[hbm4b:s16+s3] =	stream.linear.scatter [tilespmem:s18], [sflag:$0x2], $0x80, $0x38;
	[tilespmem:$0x1C900] =	vst v63  }
0x269: {  	s13 =	sand.u32 $0x1FFFFF00, s13;
	s14 =	sadd.s32 $0x70, s14;
	s19 =	simm.s32 $0x1C038  }
0x26a: {  	[hbm4b:s14+s3] =	stream.linear.scatter [tilespmem:s19], [sflag:$0x2], $0x80, $0x38;
	[tilespmem:$0x1C900] =	vst v63  }
0x26b: {  	s16 =	simm.s32 $0x1C0C0;
	s14 =	sadd.s32 s2, s13  }
0x26c: {  	[hbm4b:s14+s3] =	stream.linear.scatter [tilespmem:s16], [sflag:$0x2], $0x80, $0x38;
	[tilespmem:$0x1C900] =	vst v63  }
0x26d: {  	s19 =	simm.s32 $0x1C1C8;
	s18 =	sadd.s32 $0x10, s14  }
0x26e: {  	[hbm4b:s18+s3] =	stream.linear.scatter [tilespmem:s19], [sflag:$0x2], $0x80, $0x38;
	[tilespmem:$0x1C900] =	vst v63  }
0x26f: {  	s18 =	sadd.s32 $0x20, s14;
	s19 =	simm.s32 $0x1C2D0  }
0x270: {  	[hbm4b:s18+s3] =	stream.linear.scatter [tilespmem:s19], [sflag:$0x2], $0x80, $0x38;
	[tilespmem:$0x1C900] =	vst v63  }
0x271: {  	s16 =	sadd.s32 $0x30, s14  }
0x272: {  	[hbm4b:s16+s3] =	stream.linear.scatter [tilespmem:s20], [sflag:$0x2], $0x80, $0x38;
	[tilespmem:$0x1C900] =	vst v63  }
0x273: {  	s18 =	sadd.s32 $0x40, s14  }
0x274: {  	[hbm4b:s18+s3] =	stream.linear.scatter [tilespmem:s21], [sflag:$0x2], $0x80, $0x38;
	[tilespmem:$0x1C900] =	vst v63  }
0x275: {  	s19 =	sadd.s32 $0x50, s14  }
0x276: {  	[hbm4b:s19+s3] =	stream.linear.scatter [tilespmem:s23], [sflag:$0x2], $0x80, $0x38;
	[tilespmem:$0x1C900] =	vst v63  }
0x277: {  	s16 =	sadd.s32 $0x60, s14  }
0x278: {  	[hbm4b:s16+s3] =	stream.linear.scatter [tilespmem:s24], [sflag:$0x2], $0x80, $0x38;
	[tilespmem:$0x1C900] =	vst v63  }
0x279: {  	s14 =	sadd.s32 $0x70, s14  }
0x27a: {  	[hbm4b:s14+s3] =	stream.linear.scatter [tilespmem:s25], [sflag:$0x2], $0x80, $0x38;
	[tilespmem:$0x1C900] =	vst v63  }
0x27b: {  	s13 =	sadd.s32 s13, s8  }
0x27c: {  	[hbm4b:s13+s3] =	stream.linear.scatter [tilespmem:s26], [sflag:$0x2], $0x80, $0x38;
	[tilespmem:$0x1C900] =	vst v63  }
0x27d: {  	s18 =	sadd.s32 $0x10, s13  }
0x27e: {  	[hbm4b:s18+s3] =	stream.linear.scatter [tilespmem:s28], [sflag:$0x2], $0x80, $0x38;
	[tilespmem:$0x1C900] =	vst v63  }
0x27f: {  	s19 =	sadd.s32 $0x20, s13  }
0x280: {  	[hbm4b:s19+s3] =	stream.linear.scatter [tilespmem:s29], [sflag:$0x2], $0x80, $0x38;
	[tilespmem:$0x1C900] =	vst v63  }
0x281: {  	s15 =	sadd.s32 $0x30, s13  }
0x282: {  	[hbm4b:s15+s3] =	stream.linear.scatter [tilespmem:s30], [sflag:$0x2], $0x80, $0x38;
	[tilespmem:$0x1C900] =	vst v63  }
0x283: {  	s9 =	sadd.s32 $0x1, s9;
	s16 =	sadd.s32 $0x40, s13  }
0x284: {  	[hbm4b:s16+s3] =	stream.linear.scatter [tilespmem:s31], [sflag:$0x2], $0x80, $0x38;
	[tilespmem:$0x1C900] =	vst v63  }
0x285: {  	p0 =	sne.s32 s9, $0x8;
	s18 =	sadd.s32 $0x50, s13  }
0x286: {  	[hbm4b:s18+s3] =	stream.linear.scatter [tilespmem:s0], [sflag:$0x2], $0x80, $0x38;
	[tilespmem:$0x1C900] =	vst v63  }
.Ltmp2:
0x287: {  	_ = 	snop;
	(pc) =	sbr.rel @p0 .LBB2_3-.Ltmp2, $4  }
0x288: {  	s19 =	sadd.s32 $0x60, s13  }
0x289: {  	[hbm4b:s19+s3] =	stream.linear.scatter [tilespmem:s1], [sflag:$0x2], $0x80, $0x38;
	[tilespmem:$0x1C900] =	vst v63  }
0x28a: {  	s10 =	sadd.s32 $0x200, s10;
	s17 =	sadd.s32 $0x200, s17;
	s13 =	sadd.s32 $0x70, s13  }
0x28b: {  	[hbm4b:s13+s3] =	stream.linear.scatter [tilespmem:s6], [sflag:$0x2], $0x80, $0x38;
	[tilespmem:$0x1C900] =	vst v63  }
0x28c: {  	s4 =	simm.s32 $0x1  }
0x28d: {  	_ =	swait.ge [sflag:s4], $0x400  }
0x28e: {  	[sflag:s4] =	ssyncset.done $0x0  }
0x28f: {  	[sflag:s4] =	ssyncadd.s32 $0xFFFFFC00  }
0x290: {  	_ =	swait.ge [sflag:s4], $0x400  }
0x291: {  	[sflag:s4] =	ssyncset.done $0x0  }
0x292: {  	[sflag:s4] =	ssyncadd.s32 $0xFFFFFC00  }
0x293: {  	_ =	swait.ge [sflag:s4], $0x400  }
0x294: {  	[sflag:s4] =	ssyncset.done $0x0  }
0x295: {  	[sflag:s4] =	ssyncadd.s32 $0xFFFFFC00  }
0x296: {  	_ =	swait.ge [sflag:s4], $0x400  }
0x297: {  	[sflag:s4] =	ssyncset.done $0x0  }
0x298: {  	[sflag:s4] =	ssyncadd.s32 $0xFFFFFC00  }
0x299: {  	_ =	swait.ge [sflag:s4], $0x400  }
0x29a: {  	[sflag:s4] =	ssyncset.done $0x0  }
0x29b: {  	[sflag:s4] =	ssyncadd.s32 $0xFFFFFC00  }
0x29c: {  	_ =	swait.ge [sflag:s4], $0x400  }
0x29d: {  	[sflag:s4] =	ssyncset.done $0x0  }
0x29e: {  	[sflag:s4] =	ssyncadd.s32 $0xFFFFFC00  }
0x29f: {  	_ =	swait.ge [sflag:s4], $0x400  }
0x2a0: {  	[sflag:s4] =	ssyncset.done $0x0  }
0x2a1: {  	[sflag:s4] =	ssyncadd.s32 $0xFFFFFC00  }
0x2a2: {  	_ =	swait.ge [sflag:s4], $0x400  }
0x2a3: {  	[sflag:s4] =	ssyncset.done $0x0  }
0x2a4: {  	s5 =	simm.s32 $0x2;
	[sflag:s4] =	ssyncadd.s32 $0xFFFFFC00  }
0x2a5: {  	_ =	swait.ge [sflag:s5], $0x400  }
0x2a6: {  	[sflag:s5] =	ssyncset.done $0x0  }
0x2a7: {  	[sflag:s5] =	ssyncadd.s32 $0xFFFFFC00  }
0x2a8: {  	_ =	swait.ge [sflag:s5], $0x400  }
0x2a9: {  	[sflag:s5] =	ssyncset.done $0x0  }
0x2aa: {  	[sflag:s5] =	ssyncadd.s32 $0xFFFFFC00  }
0x2ab: {  	_ =	swait.ge [sflag:s5], $0x400  }
0x2ac: {  	[sflag:s5] =	ssyncset.done $0x0  }
0x2ad: {  	[sflag:s5] =	ssyncadd.s32 $0xFFFFFC00  }
0x2ae: {  	_ =	swait.ge [sflag:s5], $0x400  }
0x2af: {  	[sflag:s5] =	ssyncset.done $0x0  }
0x2b0: {  	[sflag:s5] =	ssyncadd.s32 $0xFFFFFC00  }
0x2b1: {  	_ =	swait.ge [sflag:s5], $0x400  }
0x2b2: {  	[sflag:s5] =	ssyncset.done $0x0  }
0x2b3: {  	[sflag:s5] =	ssyncadd.s32 $0xFFFFFC00  }
0x2b4: {  	_ =	swait.ge [sflag:s5], $0x400  }
0x2b5: {  	[sflag:s5] =	ssyncset.done $0x0  }
0x2b6: {  	[sflag:s5] =	ssyncadd.s32 $0xFFFFFC00  }
0x2b7: {  	_ =	swait.ge [sflag:s5], $0x400  }
0x2b8: {  	[sflag:s5] =	ssyncset.done $0x0  }
0x2b9: {  	[sflag:s5] =	ssyncadd.s32 $0xFFFFFC00  }
0x2ba: {  	_ =	swait.ge [sflag:s5], $0x400  }
0x2bb: {  	s11 =	rddreg [dreg:$0x9]  }
0x2bc: {  	s19 =	rddreg [dreg:$0x6];
	s11 =	sadd.s32 $0x1, s11  }
0x2bd: {  	p0 =	slt.u32 s11, s19  }
.Ltmp3:
0x2be: {  	_ = 	snop;
	(pc) =	sbr.rel @p0 .LBB2_2-.Ltmp3, $3  }
0x2bf: {  	_ =	sdelay $0x1  }
0x2c0: {  	[sflag:s5] =	ssyncset.done $0x0  }
0x2c1: {  	[sflag:s5] =	ssyncadd.s32 $0xFFFFFC00  }
0x2c2: {  	s5 =	rddreg [dreg:$0x8]  }
0x2c3: {  	s4 =	rddreg [dreg:$0x7];
	s5 =	sadd.s32 $0x1, s5  }
0x2c4: {  	p0 =	sne.s32 s5, s4  }
.Ltmp4:
0x2c5: {  	_ = 	snop;
	(pc) =	sbr.rel @p0 .LBB2_1-.Ltmp4, $1  }
0x2c6: {  	_ =	sdelay $0x3  }
0x2c7: {  	_ =	sfence.sel $0x180000  }
0x2c8: {  	[bflag:$0x0] =	sbarrier.arrive $0xFFFF  }
0x2c9: {  	_ =	strace $0x90000047  }
0x2ca: {  	s0 =	stileid.u32;
	[bflag:$0x2] =	sbarrier.arrive $0xFFFF  }
0x2cb: {  	p0 =	sne.s32 s0, $0x0;
	s0 =	rddreg [dreg:$0x2]  }
0x2cc: {  	s0 =	sadd.s32 @!p0 $0x100000, s0  }
0x2cd: {  	[sflag:s0] =	ssyncadd.tile.s32 @!p0 $0x1;
	_ =	shalt  }
.Lfunc_end2:
_tile_overlayer_lowered:
.L_overlay_start_2:
0x2ce: {  	(tag) =	ssettag $0x2  }
0x2cf: {  	s0 =	rddreg [dreg:$0x0];
	s2 =	stileid.u32  }
0x2d0: {  	s1 =	rddreg [dreg:$0x1];
	p0 =	sne.s32 s2, $0x0  }
0x2d1: {  	s3 =	rddreg [dreg:$0x2];
	[bflag:$0x3] =	sbarrier.arrive $0xFFFF;
	s2 =	simm.s32 @!p0 $0x1C03  }
0x2d2: {  	[timem:s3], [sflag:s2] =	dma.local @!p0 [hbm:s0], s1  }
0x2d3: {  	s0 =	simm.s32 @!p0 $0x3  }
0x2d4: {  	_ =	swait.ge @!p0 [sflag:s0], s1  }
0x2d5: {  	s1 =	ssub.s32 @!p0 $0x0, s1;
	[sflag:s0] =	ssyncset.done @!p0 $0x0  }
0x2d6: {  	[sflag:s0] =	ssyncadd.s32 @!p0 s1  }
0x2d7: {  	[bflag:$0x3] =	sbarrier.arrive $0xFFFF  }
0x2d8: {  	_ =	shalt  }

</sc_bundles>
